<compile_context>
chip_gen: v7x
topology: tpu7x:2x2x1
jax: 0.10.2.dev20260603
libtpu: 0.0.44.dev20260713+nightly
codegen_flags: <defaults>
</compile_context>

<pallas_src>
import functools

import jax
import jax.numpy as jnp
from jax import lax
from jax.experimental import pallas as pl
from jax.experimental.pallas import tpu as pltpu
from jax.experimental.pallas import tpu_sc as plsc

_N = 10000
_E = 320000
_D_IN = 128
_D_HID = 8
_D_OUT = 16

_SC_NC = 2
_SC_NS = 16
_NW = _SC_NC * _SC_NS
_ECHUNK = 256
_KPT = 40
_E_PAD = _KPT * _NW * _ECHUNK
_RPT = 632
_ACC_N = _RPT * _SC_NS
_W = 16


_NB = 8
_G = _KPT // _NB
_ZR = 80
_RCH = [(k * _ZR, min(_ZR, _RPT - k * _ZR)) for k in range(_NB)]


def _sc_segsum_body(src_hbm, dst_hbm, tab_hbm, out_hbm,
                    src_v, dst_v, rows_v, slice_v, tab_sh, acc_sh,
                    gsem, ssem, csem):
    c = lax.axis_index("c")
    s = lax.axis_index("s")
    wid = s * _SC_NC + c

    pltpu.async_copy(src_hbm.at[wid], src_v, csem.at[0])
    pltpu.async_copy(dst_hbm.at[wid], dst_v, csem.at[1])

    pltpu.sync_copy(tab_hbm.at[pl.ds(s * _RPT, _RPT)], slice_v)
    pltpu.sync_copy(slice_v, tab_sh.at[pl.ds(s * _RPT, _RPT)])

    def _zero(i, carry):
        slice_v[i] = jnp.zeros((16,), jnp.float32)
        return carry
    lax.fori_loop(0, _ZR, _zero, 0)

    for k, (r0, nr) in enumerate(_RCH):
        pltpu.async_copy(slice_v.at[pl.ds(0, nr)],
                         acc_sh.at[pl.ds(s * _RPT + r0, nr)], ssem.at[k])
    for k, (r0, nr) in enumerate(_RCH):
        pltpu.make_async_copy(slice_v.at[pl.ds(0, nr)],
                              acc_sh.at[pl.ds(s * _RPT + r0, nr)],
                              ssem.at[k]).wait()
    plsc.subcore_barrier()

    pltpu.make_async_copy(src_hbm.at[wid], src_v, csem.at[0]).wait()
    for b in range(_NB):
        pltpu.async_copy(tab_sh.at[src_v.at[b]],
                         rows_v.at[b], gsem.at[b])
    pltpu.make_async_copy(dst_hbm.at[wid], dst_v, csem.at[1]).wait()

    def _super(gg, carry):
        j0 = gg * _NB
        for b in range(_NB):
            pltpu.make_async_copy(
                tab_sh.at[src_v.at[j0 + b]],
                rows_v.at[b], gsem.at[b]).wait()
            pltpu.async_copy(
                rows_v.at[b], acc_sh.at[dst_v.at[j0 + b]],
                ssem.at[b], add=True)
        for b in range(_NB):
            pltpu.make_async_copy(
                rows_v.at[b], acc_sh.at[dst_v.at[j0 + b]],
                ssem.at[b]).wait()

            @pl.when(gg + 1 < _G)
            def _():
                pltpu.async_copy(
                    tab_sh.at[src_v.at[j0 + _NB + b]],
                    rows_v.at[b], gsem.at[b])
        return carry
    lax.fori_loop(0, _G, _super, 0)
    plsc.subcore_barrier()

    for k, (r0, nr) in enumerate(_RCH):
        pltpu.async_copy(acc_sh.at[pl.ds(s * _RPT + r0, nr)],
                         slice_v.at[pl.ds(r0, nr)], gsem.at[k])
    for k, (r0, nr) in enumerate(_RCH):
        pltpu.make_async_copy(acc_sh.at[pl.ds(s * _RPT + r0, nr)],
                              slice_v.at[pl.ds(r0, nr)], gsem.at[k]).wait()
        pltpu.async_copy(slice_v.at[pl.ds(r0, nr)],
                         out_hbm.at[c].at[pl.ds(s * _RPT + r0, nr)],
                         ssem.at[k])
    for k, (r0, nr) in enumerate(_RCH):
        pltpu.make_async_copy(slice_v.at[pl.ds(r0, nr)],
                              out_hbm.at[c].at[pl.ds(s * _RPT + r0, nr)],
                              ssem.at[k]).wait()


@functools.cache
def _sc_segsum():
    return pl.kernel(
        _sc_segsum_body,
        out_type=jax.ShapeDtypeStruct((_SC_NC, _ACC_N, _W), jnp.float32),
        mesh=plsc.VectorSubcoreMesh(core_axis_name="c", subcore_axis_name="s",
                                    num_cores=_SC_NC, num_subcores=_SC_NS),
        scratch_types=[
            pltpu.VMEM((_KPT, _ECHUNK), jnp.int32),
            pltpu.VMEM((_KPT, _ECHUNK), jnp.int32),
            pltpu.VMEM((_NB, _ECHUNK, _W), jnp.float32),
            pltpu.VMEM((_RPT, _W), jnp.float32),
            pltpu.VMEM_SHARED((_ACC_N, _W), jnp.float32),
            pltpu.VMEM_SHARED((_ACC_N, _W), jnp.float32),
            pltpu.SemaphoreType.DMA((_NB,)),
            pltpu.SemaphoreType.DMA((_NB,)),
            pltpu.SemaphoreType.DMA((2,)),
        ],
        compiler_params=pltpu.CompilerParams(use_tc_tiling_on_sc=False),
    )


def _tc1_body(x_ref, wl_ref, wr_ref, t1_ref, y1r_ref):
    xb = x_ref[...]
    yl = lax.dot_general(xb, wl_ref[...], (((1,), (1,)), ((), ())),
                         preferred_element_type=jnp.float32)
    yr = lax.dot_general(xb, wr_ref[...], (((1,), (1,)), ((), ())),
                         preferred_element_type=jnp.float32)
    ones = jnp.ones((xb.shape[0], 1), jnp.float32)
    zeros = jnp.zeros((xb.shape[0], _W - _D_HID - 1), jnp.float32)
    t1_ref[:_N] = jnp.concatenate([yl, ones, zeros], axis=1)
    t1_ref[_N:] = jnp.zeros((_ACC_N - _N, _W), jnp.float32)
    y1r_ref[...] = yr


def _tc2_body(p_ref, y1r_ref, b1l_ref, w2l_ref, w2r_ref, t2_ref, y2r_ref):
    stot = p_ref[0, :_N] + p_ref[1, :_N]
    sums = stot[:, 0:_D_HID]
    cnt = stot[:, _D_HID:_D_HID + 1]
    inv = 1.0 / jnp.maximum(cnt, 1.0)
    h = jnp.maximum(sums * inv + b1l_ref[...] + y1r_ref[...], 0.0)
    t2_ref[:_N] = lax.dot_general(h, w2l_ref[...], (((1,), (1,)), ((), ())),
                                  preferred_element_type=jnp.float32)
    t2_ref[_N:] = jnp.zeros((_ACC_N - _N, _W), jnp.float32)
    y2r_ref[...] = lax.dot_general(h, w2r_ref[...], (((1,), (1,)), ((), ())),
                                   preferred_element_type=jnp.float32)


def _tc3_body(q_ref, p_ref, y2r_ref, b2l_ref, out_ref):
    qsum = q_ref[0, :_N] + q_ref[1, :_N]
    cnt = (p_ref[0, :_N, _D_HID:_D_HID + 1]
           + p_ref[1, :_N, _D_HID:_D_HID + 1])
    inv = 1.0 / jnp.maximum(cnt, 1.0)
    out_ref[...] = qsum * inv + b2l_ref[...] + y2r_ref[...]


def kernel(x, edge_index, W1l, b1l, W1r, W2l, b2l, W2r):
    pad = _E_PAD - _E
    src = jnp.concatenate([edge_index[0], jnp.zeros((pad,), jnp.int32)])
    dst = jnp.concatenate([edge_index[1], jnp.full((pad,), _N, jnp.int32)])
    src = src.reshape(_NW, _KPT, _ECHUNK)
    dst = dst.reshape(_NW, _KPT, _ECHUNK)

    t1, y1r = pl.pallas_call(
        _tc1_body,
        out_shape=[jax.ShapeDtypeStruct((_ACC_N, _W), jnp.float32),
                   jax.ShapeDtypeStruct((_N, _D_HID), jnp.float32)],
    )(x, W1l, W1r)

    p = _sc_segsum()(src, dst, t1)

    t2, y2r = pl.pallas_call(
        _tc2_body,
        out_shape=[jax.ShapeDtypeStruct((_ACC_N, _W), jnp.float32),
                   jax.ShapeDtypeStruct((_N, _D_OUT), jnp.float32)],
    )(p, y1r, b1l.reshape(1, _D_HID), W2l, W2r)

    q = _sc_segsum()(src, dst, t2)

    out = pl.pallas_call(
        _tc3_body,
        out_shape=jax.ShapeDtypeStruct((_N, _D_OUT), jnp.float32),
    )(q, p, y2r, b2l.reshape(1, _D_OUT))
    return out

# --- scband reference (transcript-rebuilt; emitter-appended) ---
"""Pipeline reference for scband-graph-sagetarget-model-13606456393728 (READ-ONLY COPY).

The authoritative reference and input builder live on the scoring server;
editing this copy changes nothing except your own understanding.
"""

import jax, jax.numpy as jnp
import numpy as np

N = 10000
E = 320000
D_IN = 128
D_HID = 8
D_OUT = 16


def _sage_conv(x, src, dst, Wl, bl, Wr, num_nodes):
    # PyG SAGEConv with mean aggregation:
    # out = lin_l(mean_{j in N(i)} x_j) + lin_r(x_i)
    msg = x[src]  # gather source node features over edges
    agg_sum = jax.ops.segment_sum(msg, dst, num_segments=num_nodes)
    cnt = jax.ops.segment_sum(jnp.ones((src.shape[0],), dtype=x.dtype), dst, num_segments=num_nodes)
    agg = agg_sum / jnp.maximum(cnt, 1.0)[:, None]
    return agg @ Wl.T + bl + x @ Wr.T


def setup_inputs(seed: int = 0):
    key = jax.random.key(seed)
    ks = jax.random.split(key, 8)
    x = jax.random.normal(ks[0], (N, D_IN), dtype=jnp.float32)
    edge_index = jax.random.randint(ks[1], (2, E), 0, N, dtype=jnp.int32)
    s1 = 1.0 / np.sqrt(D_IN)
    s2 = 1.0 / np.sqrt(D_HID)
    W1l = jax.random.normal(ks[2], (D_HID, D_IN), dtype=jnp.float32) * s1
    b1l = jnp.zeros((D_HID,), dtype=jnp.float32)
    W1r = jax.random.normal(ks[3], (D_HID, D_IN), dtype=jnp.float32) * s1
    W2l = jax.random.normal(ks[4], (D_OUT, D_HID), dtype=jnp.float32) * s2
    b2l = jnp.zeros((D_OUT,), dtype=jnp.float32)
    W2r = jax.random.normal(ks[5], (D_OUT, D_HID), dtype=jnp.float32) * s2
    return {"x": x, "edge_index": edge_index, "W1l": W1l, "b1l": b1l, "W1r": W1r, "W2l": W2l, "b2l": b2l, "W2r": W2r}


def reference(x, edge_index, W1l, b1l, W1r, W2l, b2l, W2r):
    src = edge_index[0]
    dst = edge_index[1]
    h = jax.nn.relu(_sage_conv(x, src, dst, W1l, b1l, W1r, N))
    out = _sage_conv(h, src, dst, W2l, b2l, W2r, N)
    return out

if __name__ == "__main__":
    import jax
    _d = setup_inputs()
    print(jax.jit(kernel)(*tuple(_d.values())))

</pallas_src>

<mosaic_0001>
#map = affine_map<(d0, d1) -> (0, 0, 0)>
#map1 = affine_map<(d0, d1) -> (0, 0)>
module attributes {stable_mosaic.version = 14 : i64} {
  func.func @_sc_segsum_body(%arg0: i32, %arg1: i32, %arg2: memref<32x40x256xi32, #tpu.memory_space<hbm>>, %arg3: memref<32x40x256xi32, #tpu.memory_space<hbm>>, %arg4: memref<10112x16xf32, #tpu.memory_space<hbm>>, %arg5: memref<2x10112x16xf32, #tpu.memory_space<hbm>>, %arg6: memref<40x256xi32, #tpu.memory_space<vmem>>, %arg7: memref<40x256xi32, #tpu.memory_space<vmem>>, %arg8: memref<8x256x16xf32, #tpu.memory_space<vmem>>, %arg9: memref<632x16xf32, #tpu.memory_space<vmem>>, %arg10: memref<10112x16xf32, #tpu.memory_space<vmem_shared>>, %arg11: memref<10112x16xf32, #tpu.memory_space<vmem_shared>>, %arg12: memref<8x!tpu.dma_semaphore, #tpu.memory_space<semaphore_mem>>, %arg13: memref<8x!tpu.dma_semaphore, #tpu.memory_space<semaphore_mem>>, %arg14: memref<2x!tpu.dma_semaphore, #tpu.memory_space<semaphore_mem>>) attributes {dimension_semantics = [#tpu.dimension_semantics<core_parallel>, #tpu.dimension_semantics<subcore_parallel>], iteration_bounds = array<i64: 2, 16>, scalar_prefetch = 0 : i64, scratch_operands = 9 : i64, tpu.core_type = #tpu.core_type<sc_vector_subcore>, window_params = [{transform_indices = #map}, {transform_indices = #map}, {transform_indices = #map1}, {transform_indices = #map}]} {
    %mul3A = arith.constant 2 : i32
    %mul3A_0 = arith.muli %arg1, %mul3A : i32
    %add3A = arith.addi %mul3A_0, %arg0 : i32
    %dma_start3A = arith.constant 0 : i32
    %dma_start3A_1 = arith.constant 0 : i32
    %dma_start3A_2 = arith.constant 0 : i32
    %dma_start3A_3 = tpu.memref_slice %arg2[%add3A, %dma_start3A_1, %dma_start3A_2] : memref<32x40x256xi32, #tpu.memory_space<hbm>> -> memref<1x40x256xi32, #tpu.memory_space<hbm>>
    %dma_start3A_4 = tpu.memref_squeeze %dma_start3A_3 : memref<1x40x256xi32, #tpu.memory_space<hbm>> -> memref<40x256xi32, #tpu.memory_space<hbm>>
    %dma_start3A_5 = tpu.memref_slice %arg14[%dma_start3A] : memref<2x!tpu.dma_semaphore, #tpu.memory_space<semaphore_mem>> -> memref<1x!tpu.dma_semaphore, #tpu.memory_space<semaphore_mem>>
    %dma_start3A_6 = tpu.memref_squeeze %dma_start3A_5 : memref<1x!tpu.dma_semaphore, #tpu.memory_space<semaphore_mem>> -> memref<!tpu.dma_semaphore, #tpu.memory_space<semaphore_mem>>
    %dma_start3A_7 = arith.constant 0 : i32
    %dma_start3A_8 = arith.constant 0 : i32
    %dma_start3A_9 = tpu.memref_slice %arg2[%add3A, %dma_start3A_7, %dma_start3A_8] : memref<32x40x256xi32, #tpu.memory_space<hbm>> -> memref<1x40x256xi32, #tpu.memory_space<hbm>>
    %dma_start3A_10 = tpu.memref_squeeze %dma_start3A_9 : memref<1x40x256xi32, #tpu.memory_space<hbm>> -> memref<40x256xi32, #tpu.memory_space<hbm>>
    tpu.enqueue_dma source(%dma_start3A_10 : memref<40x256xi32, #tpu.memory_space<hbm>>) target(%arg6 : memref<40x256xi32, #tpu.memory_space<vmem>>) target_semaphore(%dma_start3A_6 : memref<!tpu.dma_semaphore, #tpu.memory_space<semaphore_mem>>)
    %dma_start3A_11 = arith.constant 1 : i32
    %dma_start3A_12 = arith.constant 0 : i32
    %dma_start3A_13 = arith.constant 0 : i32
    %dma_start3A_14 = tpu.memref_slice %arg3[%add3A, %dma_start3A_12, %dma_start3A_13] : memref<32x40x256xi32, #tpu.memory_space<hbm>> -> memref<1x40x256xi32, #tpu.memory_space<hbm>>
    %dma_start3A_15 = tpu.memref_squeeze %dma_start3A_14 : memref<1x40x256xi32, #tpu.memory_space<hbm>> -> memref<40x256xi32, #tpu.memory_space<hbm>>
    %dma_start3A_16 = tpu.memref_slice %arg14[%dma_start3A_11] : memref<2x!tpu.dma_semaphore, #tpu.memory_space<semaphore_mem>> -> memref<1x!tpu.dma_semaphore, #tpu.memory_space<semaphore_mem>>
    %dma_start3A_17 = tpu.memref_squeeze %dma_start3A_16 : memref<1x!tpu.dma_semaphore, #tpu.memory_space<semaphore_mem>> -> memref<!tpu.dma_semaphore, #tpu.memory_space<semaphore_mem>>
    %dma_start3A_18 = arith.constant 0 : i32
    %dma_start3A_19 = arith.constant 0 : i32
    %dma_start3A_20 = tpu.memref_slice %arg3[%add3A, %dma_start3A_18, %dma_start3A_19] : memref<32x40x256xi32, #tpu.memory_space<hbm>> -> memref<1x40x256xi32, #tpu.memory_space<hbm>>
    %dma_start3A_21 = tpu.memref_squeeze %dma_start3A_20 : memref<1x40x256xi32, #tpu.memory_space<hbm>> -> memref<40x256xi32, #tpu.memory_space<hbm>>
    tpu.enqueue_dma source(%dma_start3A_21 : memref<40x256xi32, #tpu.memory_space<hbm>>) target(%arg7 : memref<40x256xi32, #tpu.memory_space<vmem>>) target_semaphore(%dma_start3A_17 : memref<!tpu.dma_semaphore, #tpu.memory_space<semaphore_mem>>)
    %mul3A_22 = arith.constant 632 : i32
    %mul3A_23 = arith.muli %arg1, %mul3A_22 : i32
    "tpu.region"() ({
      %run_scoped3A = tpu.sem_alloc : memref<!tpu.dma_semaphore, #tpu.memory_space<semaphore_mem>>
      %dma_start3A_1123 = arith.constant 0 : i32
      %dma_start3A_1124 = tpu.memref_slice %arg4[%mul3A_23, %dma_start3A_1123] : memref<10112x16xf32, #tpu.memory_space<hbm>> -> memref<632x16xf32, #tpu.memory_space<hbm>>
      %dma_start3A_1125 = arith.constant 0 : i32
      %dma_start3A_1126 = tpu.memref_slice %arg4[%mul3A_23, %dma_start3A_1125] : memref<10112x16xf32, #tpu.memory_space<hbm>> -> memref<632x16xf32, #tpu.memory_space<hbm>>
      tpu.enqueue_dma source(%dma_start3A_1126 : memref<632x16xf32, #tpu.memory_space<hbm>>) target(%arg9 : memref<632x16xf32, #tpu.memory_space<vmem>>) target_semaphore(%run_scoped3A : memref<!tpu.dma_semaphore, #tpu.memory_space<semaphore_mem>>)
      %dma_wait3A_1127 = arith.constant 0 : i32
      %dma_wait3A_1128 = tpu.memref_slice %arg4[%mul3A_23, %dma_wait3A_1127] : memref<10112x16xf32, #tpu.memory_space<hbm>> -> memref<632x16xf32, #tpu.memory_space<hbm>>
      %dma_wait3A_1129 = arith.constant 0 : i32
      %dma_wait3A_1130 = tpu.memref_slice %arg4[%mul3A_23, %dma_wait3A_1129] : memref<10112x16xf32, #tpu.memory_space<hbm>> -> memref<632x16xf32, #tpu.memory_space<hbm>>
      tpu.wait_dma2 semaphore(%run_scoped3A : memref<!tpu.dma_semaphore, #tpu.memory_space<semaphore_mem>>) src(%dma_wait3A_1130 : memref<632x16xf32, #tpu.memory_space<hbm>>) dst(%arg9 : memref<632x16xf32, #tpu.memory_space<vmem>>)
      tpu.yield
    }) : () -> ()
    %mul3A_24 = arith.constant 632 : i32
    %mul3A_25 = arith.muli %arg1, %mul3A_24 : i32
    "tpu.region"() ({
      %run_scoped3A = tpu.sem_alloc : memref<!tpu.dma_semaphore, #tpu.memory_space<semaphore_mem>>
      %dma_start3A_1123 = arith.constant 0 : i32
      %dma_start3A_1124 = tpu.memref_slice %arg10[%mul3A_25, %dma_start3A_1123] : memref<10112x16xf32, #tpu.memory_space<vmem_shared>> -> memref<632x16xf32, #tpu.memory_space<vmem_shared>>
      %dma_start3A_1125 = arith.constant 0 : i32
      %dma_start3A_1126 = tpu.memref_slice %arg10[%mul3A_25, %dma_start3A_1125] : memref<10112x16xf32, #tpu.memory_space<vmem_shared>> -> memref<632x16xf32, #tpu.memory_space<vmem_shared>>
      tpu.enqueue_dma source(%arg9 : memref<632x16xf32, #tpu.memory_space<vmem>>) target(%dma_start3A_1126 : memref<632x16xf32, #tpu.memory_space<vmem_shared>>) target_semaphore(%run_scoped3A : memref<!tpu.dma_semaphore, #tpu.memory_space<semaphore_mem>>)
      %dma_wait3A_1127 = arith.constant 0 : i32
      %dma_wait3A_1128 = tpu.memref_slice %arg10[%mul3A_25, %dma_wait3A_1127] : memref<10112x16xf32, #tpu.memory_space<vmem_shared>> -> memref<632x16xf32, #tpu.memory_space<vmem_shared>>
      %dma_wait3A_1129 = arith.constant 0 : i32
      %dma_wait3A_1130 = tpu.memref_slice %arg10[%mul3A_25, %dma_wait3A_1129] : memref<10112x16xf32, #tpu.memory_space<vmem_shared>> -> memref<632x16xf32, #tpu.memory_space<vmem_shared>>
      tpu.wait_dma2 semaphore(%run_scoped3A : memref<!tpu.dma_semaphore, #tpu.memory_space<semaphore_mem>>) src(%arg9 : memref<632x16xf32, #tpu.memory_space<vmem>>) dst(%dma_wait3A_1130 : memref<632x16xf32, #tpu.memory_space<vmem_shared>>)
      tpu.yield
    }) : () -> ()
    %scan3A = arith.constant 0 : i32
    %scan3A_26 = arith.constant 0 : i32
    %scan3A_27 = arith.constant 80 : i32
    %scan3A_28 = arith.addi %scan3A_26, %scan3A_27 : i32
    %scan3A_29 = arith.constant 1 : i32
    scf.for %scan3A_1123 = %scan3A_26 to %scan3A_28 step %scan3A_29  : i32 {
      %broadcast_in_dim3A = arith.constant 0.000000e+00 : f32
      %broadcast_in_dim3A_1124 = vector.broadcast %broadcast_in_dim3A : f32 to vector<16xf32>
      %swap3A = arith.index_cast %scan3A_1123 : i32 to index
      %swap3A_1125 = arith.constant 0 : index
      %swap3A_1126 = tpu.vector_load %arg9[%swap3A, %swap3A_1125] {strides = array<i32>} : memref<632x16xf32, #tpu.memory_space<vmem>>, vector<1x16xf32>,
      %swap3A_1127 = vector.shape_cast %swap3A_1126 : vector<1x16xf32> to vector<16xf32>
      %swap3A_1128 = vector.shape_cast %broadcast_in_dim3A_1124 : vector<16xf32> to vector<1x16xf32>
      tpu.vector_store %arg9[%swap3A, %swap3A_1125], %swap3A_1128 {strides = array<i32>} : memref<632x16xf32, #tpu.memory_space<vmem>>, vector<1x16xf32>,
    }
    %scan3A_30 = arith.constant 80 : i32
    %mul3A_31 = arith.constant 632 : i32
    %mul3A_32 = arith.muli %arg1, %mul3A_31 : i32
    %add3A_33 = arith.constant 0 : i32
    %add3A_34 = arith.addi %mul3A_32, %add3A_33 : i32
    %dma_start3A_35 = arith.constant 0 : i32
    %dma_start3A_36 = arith.constant 0 : i32
    %dma_start3A_37 = arith.constant 0 : i32
    %dma_start3A_38 = tpu.memref_slice %arg9[%dma_start3A_36, %dma_start3A_37] : memref<632x16xf32, #tpu.memory_space<vmem>> -> memref<80x16xf32, #tpu.memory_space<vmem>>
    %dma_start3A_39 = arith.constant 0 : i32
    %dma_start3A_40 = tpu.memref_slice %arg11[%add3A_34, %dma_start3A_39] : memref<10112x16xf32, #tpu.memory_space<vmem_shared>> -> memref<80x16xf32, #tpu.memory_space<vmem_shared>>
    %dma_start3A_41 = tpu.memref_slice %arg13[%dma_start3A_35] : memref<8x!tpu.dma_semaphore, #tpu.memory_space<semaphore_mem>> -> memref<1x!tpu.dma_semaphore, #tpu.memory_space<semaphore_mem>>
    %dma_start3A_42 = tpu.memref_squeeze %dma_start3A_41 : memref<1x!tpu.dma_semaphore, #tpu.memory_space<semaphore_mem>> -> memref<!tpu.dma_semaphore, #tpu.memory_space<semaphore_mem>>
    %dma_start3A_43 = arith.constant 0 : i32
    %dma_start3A_44 = tpu.memref_slice %arg11[%add3A_34, %dma_start3A_43] : memref<10112x16xf32, #tpu.memory_space<vmem_shared>> -> memref<80x16xf32, #tpu.memory_space<vmem_shared>>
    %dma_start3A_45 = arith.constant 0 : i32
    %dma_start3A_46 = arith.constant 0 : i32
    %dma_start3A_47 = tpu.memref_slice %arg9[%dma_start3A_45, %dma_start3A_46] : memref<632x16xf32, #tpu.memory_space<vmem>> -> memref<80x16xf32, #tpu.memory_space<vmem>>
    tpu.enqueue_dma source(%dma_start3A_47 : memref<80x16xf32, #tpu.memory_space<vmem>>) target(%dma_start3A_44 : memref<80x16xf32, #tpu.memory_space<vmem_shared>>) target_semaphore(%dma_start3A_42 : memref<!tpu.dma_semaphore, #tpu.memory_space<semaphore_mem>>)
    %mul3A_48 = arith.constant 632 : i32
    %mul3A_49 = arith.muli %arg1, %mul3A_48 : i32
    %add3A_50 = arith.constant 80 : i32
    %add3A_51 = arith.addi %mul3A_49, %add3A_50 : i32
    %dma_start3A_52 = arith.constant 1 : i32
    %dma_start3A_53 = arith.constant 0 : i32
    %dma_start3A_54 = arith.constant 0 : i32
    %dma_start3A_55 = tpu.memref_slice %arg9[%dma_start3A_53, %dma_start3A_54] : memref<632x16xf32, #tpu.memory_space<vmem>> -> memref<80x16xf32, #tpu.memory_space<vmem>>
    %dma_start3A_56 = arith.constant 0 : i32
    %dma_start3A_57 = tpu.memref_slice %arg11[%add3A_51, %dma_start3A_56] : memref<10112x16xf32, #tpu.memory_space<vmem_shared>> -> memref<80x16xf32, #tpu.memory_space<vmem_shared>>
    %dma_start3A_58 = tpu.memref_slice %arg13[%dma_start3A_52] : memref<8x!tpu.dma_semaphore, #tpu.memory_space<semaphore_mem>> -> memref<1x!tpu.dma_semaphore, #tpu.memory_space<semaphore_mem>>
    %dma_start3A_59 = tpu.memref_squeeze %dma_start3A_58 : memref<1x!tpu.dma_semaphore, #tpu.memory_space<semaphore_mem>> -> memref<!tpu.dma_semaphore, #tpu.memory_space<semaphore_mem>>
    %dma_start3A_60 = arith.constant 0 : i32
    %dma_start3A_61 = tpu.memref_slice %arg11[%add3A_51, %dma_start3A_60] : memref<10112x16xf32, #tpu.memory_space<vmem_shared>> -> memref<80x16xf32, #tpu.memory_space<vmem_shared>>
    %dma_start3A_62 = arith.constant 0 : i32
    %dma_start3A_63 = arith.constant 0 : i32
    %dma_start3A_64 = tpu.memref_slice %arg9[%dma_start3A_62, %dma_start3A_63] : memref<632x16xf32, #tpu.memory_space<vmem>> -> memref<80x16xf32, #tpu.memory_space<vmem>>
    tpu.enqueue_dma source(%dma_start3A_64 : memref<80x16xf32, #tpu.memory_space<vmem>>) target(%dma_start3A_61 : memref<80x16xf32, #tpu.memory_space<vmem_shared>>) target_semaphore(%dma_start3A_59 : memref<!tpu.dma_semaphore, #tpu.memory_space<semaphore_mem>>)
    %mul3A_65 = arith.constant 632 : i32
    %mul3A_66 = arith.muli %arg1, %mul3A_65 : i32
    %add3A_67 = arith.constant 160 : i32
    %add3A_68 = arith.addi %mul3A_66, %add3A_67 : i32
    %dma_start3A_69 = arith.constant 2 : i32
    %dma_start3A_70 = arith.constant 0 : i32
    %dma_start3A_71 = arith.constant 0 : i32
    %dma_start3A_72 = tpu.memref_slice %arg9[%dma_start3A_70, %dma_start3A_71] : memref<632x16xf32, #tpu.memory_space<vmem>> -> memref<80x16xf32, #tpu.memory_space<vmem>>
    %dma_start3A_73 = arith.constant 0 : i32
    %dma_start3A_74 = tpu.memref_slice %arg11[%add3A_68, %dma_start3A_73] : memref<10112x16xf32, #tpu.memory_space<vmem_shared>> -> memref<80x16xf32, #tpu.memory_space<vmem_shared>>
    %dma_start3A_75 = tpu.memref_slice %arg13[%dma_start3A_69] : memref<8x!tpu.dma_semaphore, #tpu.memory_space<semaphore_mem>> -> memref<1x!tpu.dma_semaphore, #tpu.memory_space<semaphore_mem>>
    %dma_start3A_76 = tpu.memref_squeeze %dma_start3A_75 : memref<1x!tpu.dma_semaphore, #tpu.memory_space<semaphore_mem>> -> memref<!tpu.dma_semaphore, #tpu.memory_space<semaphore_mem>>
    %dma_start3A_77 = arith.constant 0 : i32
    %dma_start3A_78 = tpu.memref_slice %arg11[%add3A_68, %dma_start3A_77] : memref<10112x16xf32, #tpu.memory_space<vmem_shared>> -> memref<80x16xf32, #tpu.memory_space<vmem_shared>>
    %dma_start3A_79 = arith.constant 0 : i32
    %dma_start3A_80 = arith.constant 0 : i32
    %dma_start3A_81 = tpu.memref_slice %arg9[%dma_start3A_79, %dma_start3A_80] : memref<632x16xf32, #tpu.memory_space<vmem>> -> memref<80x16xf32, #tpu.memory_space<vmem>>
    tpu.enqueue_dma source(%dma_start3A_81 : memref<80x16xf32, #tpu.memory_space<vmem>>) target(%dma_start3A_78 : memref<80x16xf32, #tpu.memory_space<vmem_shared>>) target_semaphore(%dma_start3A_76 : memref<!tpu.dma_semaphore, #tpu.memory_space<semaphore_mem>>)
    %mul3A_82 = arith.constant 632 : i32
    %mul3A_83 = arith.muli %arg1, %mul3A_82 : i32
    %add3A_84 = arith.constant 240 : i32
    %add3A_85 = arith.addi %mul3A_83, %add3A_84 : i32
    %dma_start3A_86 = arith.constant 3 : i32
    %dma_start3A_87 = arith.constant 0 : i32
    %dma_start3A_88 = arith.constant 0 : i32
    %dma_start3A_89 = tpu.memref_slice %arg9[%dma_start3A_87, %dma_start3A_88] : memref<632x16xf32, #tpu.memory_space<vmem>> -> memref<80x16xf32, #tpu.memory_space<vmem>>
    %dma_start3A_90 = arith.constant 0 : i32
    %dma_start3A_91 = tpu.memref_slice %arg11[%add3A_85, %dma_start3A_90] : memref<10112x16xf32, #tpu.memory_space<vmem_shared>> -> memref<80x16xf32, #tpu.memory_space<vmem_shared>>
    %dma_start3A_92 = tpu.memref_slice %arg13[%dma_start3A_86] : memref<8x!tpu.dma_semaphore, #tpu.memory_space<semaphore_mem>> -> memref<1x!tpu.dma_semaphore, #tpu.memory_space<semaphore_mem>>
    %dma_start3A_93 = tpu.memref_squeeze %dma_start3A_92 : memref<1x!tpu.dma_semaphore, #tpu.memory_space<semaphore_mem>> -> memref<!tpu.dma_semaphore, #tpu.memory_space<semaphore_mem>>
    %dma_start3A_94 = arith.constant 0 : i32
    %dma_start3A_95 = tpu.memref_slice %arg11[%add3A_85, %dma_start3A_94] : memref<10112x16xf32, #tpu.memory_space<vmem_shared>> -> memref<80x16xf32, #tpu.memory_space<vmem_shared>>
    %dma_start3A_96 = arith.constant 0 : i32
    %dma_start3A_97 = arith.constant 0 : i32
    %dma_start3A_98 = tpu.memref_slice %arg9[%dma_start3A_96, %dma_start3A_97] : memref<632x16xf32, #tpu.memory_space<vmem>> -> memref<80x16xf32, #tpu.memory_space<vmem>>
    tpu.enqueue_dma source(%dma_start3A_98 : memref<80x16xf32, #tpu.memory_space<vmem>>) target(%dma_start3A_95 : memref<80x16xf32, #tpu.memory_space<vmem_shared>>) target_semaphore(%dma_start3A_93 : memref<!tpu.dma_semaphore, #tpu.memory_space<semaphore_mem>>)
    %mul3A_99 = arith.constant 632 : i32
    %mul3A_100 = arith.muli %arg1, %mul3A_99 : i32
    %add3A_101 = arith.constant 320 : i32
    %add3A_102 = arith.addi %mul3A_100, %add3A_101 : i32
    %dma_start3A_103 = arith.constant 4 : i32
    %dma_start3A_104 = arith.constant 0 : i32
    %dma_start3A_105 = arith.constant 0 : i32
    %dma_start3A_106 = tpu.memref_slice %arg9[%dma_start3A_104, %dma_start3A_105] : memref<632x16xf32, #tpu.memory_space<vmem>> -> memref<80x16xf32, #tpu.memory_space<vmem>>
    %dma_start3A_107 = arith.constant 0 : i32
    %dma_start3A_108 = tpu.memref_slice %arg11[%add3A_102, %dma_start3A_107] : memref<10112x16xf32, #tpu.memory_space<vmem_shared>> -> memref<80x16xf32, #tpu.memory_space<vmem_shared>>
    %dma_start3A_109 = tpu.memref_slice %arg13[%dma_start3A_103] : memref<8x!tpu.dma_semaphore, #tpu.memory_space<semaphore_mem>> -> memref<1x!tpu.dma_semaphore, #tpu.memory_space<semaphore_mem>>
    %dma_start3A_110 = tpu.memref_squeeze %dma_start3A_109 : memref<1x!tpu.dma_semaphore, #tpu.memory_space<semaphore_mem>> -> memref<!tpu.dma_semaphore, #tpu.memory_space<semaphore_mem>>
    %dma_start3A_111 = arith.constant 0 : i32
    %dma_start3A_112 = tpu.memref_slice %arg11[%add3A_102, %dma_start3A_111] : memref<10112x16xf32, #tpu.memory_space<vmem_shared>> -> memref<80x16xf32, #tpu.memory_space<vmem_shared>>
    %dma_start3A_113 = arith.constant 0 : i32
    %dma_start3A_114 = arith.constant 0 : i32
    %dma_start3A_115 = tpu.memref_slice %arg9[%dma_start3A_113, %dma_start3A_114] : memref<632x16xf32, #tpu.memory_space<vmem>> -> memref<80x16xf32, #tpu.memory_space<vmem>>
    tpu.enqueue_dma source(%dma_start3A_115 : memref<80x16xf32, #tpu.memory_space<vmem>>) target(%dma_start3A_112 : memref<80x16xf32, #tpu.memory_space<vmem_shared>>) target_semaphore(%dma_start3A_110 : memref<!tpu.dma_semaphore, #tpu.memory_space<semaphore_mem>>)
    %mul3A_116 = arith.constant 632 : i32
    %mul3A_117 = arith.muli %arg1, %mul3A_116 : i32
    %add3A_118 = arith.constant 400 : i32
    %add3A_119 = arith.addi %mul3A_117, %add3A_118 : i32
    %dma_start3A_120 = arith.constant 5 : i32
    %dma_start3A_121 = arith.constant 0 : i32
    %dma_start3A_122 = arith.constant 0 : i32
    %dma_start3A_123 = tpu.memref_slice %arg9[%dma_start3A_121, %dma_start3A_122] : memref<632x16xf32, #tpu.memory_space<vmem>> -> memref<80x16xf32, #tpu.memory_space<vmem>>
    %dma_start3A_124 = arith.constant 0 : i32
    %dma_start3A_125 = tpu.memref_slice %arg11[%add3A_119, %dma_start3A_124] : memref<10112x16xf32, #tpu.memory_space<vmem_shared>> -> memref<80x16xf32, #tpu.memory_space<vmem_shared>>
    %dma_start3A_126 = tpu.memref_slice %arg13[%dma_start3A_120] : memref<8x!tpu.dma_semaphore, #tpu.memory_space<semaphore_mem>> -> memref<1x!tpu.dma_semaphore, #tpu.memory_space<semaphore_mem>>
    %dma_start3A_127 = tpu.memref_squeeze %dma_start3A_126 : memref<1x!tpu.dma_semaphore, #tpu.memory_space<semaphore_mem>> -> memref<!tpu.dma_semaphore, #tpu.memory_space<semaphore_mem>>
    %dma_start3A_128 = arith.constant 0 : i32
    %dma_start3A_129 = tpu.memref_slice %arg11[%add3A_119, %dma_start3A_128] : memref<10112x16xf32, #tpu.memory_space<vmem_shared>> -> memref<80x16xf32, #tpu.memory_space<vmem_shared>>
    %dma_start3A_130 = arith.constant 0 : i32
    %dma_start3A_131 = arith.constant 0 : i32
    %dma_start3A_132 = tpu.memref_slice %arg9[%dma_start3A_130, %dma_start3A_131] : memref<632x16xf32, #tpu.memory_space<vmem>> -> memref<80x16xf32, #tpu.memory_space<vmem>>
    tpu.enqueue_dma source(%dma_start3A_132 : memref<80x16xf32, #tpu.memory_space<vmem>>) target(%dma_start3A_129 : memref<80x16xf32, #tpu.memory_space<vmem_shared>>) target_semaphore(%dma_start3A_127 : memref<!tpu.dma_semaphore, #tpu.memory_space<semaphore_mem>>)
    %mul3A_133 = arith.constant 632 : i32
    %mul3A_134 = arith.muli %arg1, %mul3A_133 : i32
    %add3A_135 = arith.constant 480 : i32
    %add3A_136 = arith.addi %mul3A_134, %add3A_135 : i32
    %dma_start3A_137 = arith.constant 6 : i32
    %dma_start3A_138 = arith.constant 0 : i32
    %dma_start3A_139 = arith.constant 0 : i32
    %dma_start3A_140 = tpu.memref_slice %arg9[%dma_start3A_138, %dma_start3A_139] : memref<632x16xf32, #tpu.memory_space<vmem>> -> memref<80x16xf32, #tpu.memory_space<vmem>>
    %dma_start3A_141 = arith.constant 0 : i32
    %dma_start3A_142 = tpu.memref_slice %arg11[%add3A_136, %dma_start3A_141] : memref<10112x16xf32, #tpu.memory_space<vmem_shared>> -> memref<80x16xf32, #tpu.memory_space<vmem_shared>>
    %dma_start3A_143 = tpu.memref_slice %arg13[%dma_start3A_137] : memref<8x!tpu.dma_semaphore, #tpu.memory_space<semaphore_mem>> -> memref<1x!tpu.dma_semaphore, #tpu.memory_space<semaphore_mem>>
    %dma_start3A_144 = tpu.memref_squeeze %dma_start3A_143 : memref<1x!tpu.dma_semaphore, #tpu.memory_space<semaphore_mem>> -> memref<!tpu.dma_semaphore, #tpu.memory_space<semaphore_mem>>
    %dma_start3A_145 = arith.constant 0 : i32
    %dma_start3A_146 = tpu.memref_slice %arg11[%add3A_136, %dma_start3A_145] : memref<10112x16xf32, #tpu.memory_space<vmem_shared>> -> memref<80x16xf32, #tpu.memory_space<vmem_shared>>
    %dma_start3A_147 = arith.constant 0 : i32
    %dma_start3A_148 = arith.constant 0 : i32
    %dma_start3A_149 = tpu.memref_slice %arg9[%dma_start3A_147, %dma_start3A_148] : memref<632x16xf32, #tpu.memory_space<vmem>> -> memref<80x16xf32, #tpu.memory_space<vmem>>
    tpu.enqueue_dma source(%dma_start3A_149 : memref<80x16xf32, #tpu.memory_space<vmem>>) target(%dma_start3A_146 : memref<80x16xf32, #tpu.memory_space<vmem_shared>>) target_semaphore(%dma_start3A_144 : memref<!tpu.dma_semaphore, #tpu.memory_space<semaphore_mem>>)
    %mul3A_150 = arith.constant 632 : i32
    %mul3A_151 = arith.muli %arg1, %mul3A_150 : i32
    %add3A_152 = arith.constant 560 : i32
    %add3A_153 = arith.addi %mul3A_151, %add3A_152 : i32
    %dma_start3A_154 = arith.constant 7 : i32
    %dma_start3A_155 = arith.constant 0 : i32
    %dma_start3A_156 = arith.constant 0 : i32
    %dma_start3A_157 = tpu.memref_slice %arg9[%dma_start3A_155, %dma_start3A_156] : memref<632x16xf32, #tpu.memory_space<vmem>> -> memref<72x16xf32, #tpu.memory_space<vmem>>
    %dma_start3A_158 = arith.constant 0 : i32
    %dma_start3A_159 = tpu.memref_slice %arg11[%add3A_153, %dma_start3A_158] : memref<10112x16xf32, #tpu.memory_space<vmem_shared>> -> memref<72x16xf32, #tpu.memory_space<vmem_shared>>
    %dma_start3A_160 = tpu.memref_slice %arg13[%dma_start3A_154] : memref<8x!tpu.dma_semaphore, #tpu.memory_space<semaphore_mem>> -> memref<1x!tpu.dma_semaphore, #tpu.memory_space<semaphore_mem>>
    %dma_start3A_161 = tpu.memref_squeeze %dma_start3A_160 : memref<1x!tpu.dma_semaphore, #tpu.memory_space<semaphore_mem>> -> memref<!tpu.dma_semaphore, #tpu.memory_space<semaphore_mem>>
    %dma_start3A_162 = arith.constant 0 : i32
    %dma_start3A_163 = tpu.memref_slice %arg11[%add3A_153, %dma_start3A_162] : memref<10112x16xf32, #tpu.memory_space<vmem_shared>> -> memref<72x16xf32, #tpu.memory_space<vmem_shared>>
    %dma_start3A_164 = arith.constant 0 : i32
    %dma_start3A_165 = arith.constant 0 : i32
    %dma_start3A_166 = tpu.memref_slice %arg9[%dma_start3A_164, %dma_start3A_165] : memref<632x16xf32, #tpu.memory_space<vmem>> -> memref<72x16xf32, #tpu.memory_space<vmem>>
    tpu.enqueue_dma source(%dma_start3A_166 : memref<72x16xf32, #tpu.memory_space<vmem>>) target(%dma_start3A_163 : memref<72x16xf32, #tpu.memory_space<vmem_shared>>) target_semaphore(%dma_start3A_161 : memref<!tpu.dma_semaphore, #tpu.memory_space<semaphore_mem>>)
    %mul3A_167 = arith.constant 632 : i32
    %mul3A_168 = arith.muli %arg1, %mul3A_167 : i32
    %add3A_169 = arith.constant 0 : i32
    %add3A_170 = arith.addi %mul3A_168, %add3A_169 : i32
    %dma_wait3A = arith.constant 0 : i32
    %dma_wait3A_171 = arith.constant 0 : i32
    %dma_wait3A_172 = arith.constant 0 : i32
    %dma_wait3A_173 = tpu.memref_slice %arg9[%dma_wait3A_171, %dma_wait3A_172] : memref<632x16xf32, #tpu.memory_space<vmem>> -> memref<80x16xf32, #tpu.memory_space<vmem>>
    %dma_wait3A_174 = arith.constant 0 : i32
    %dma_wait3A_175 = tpu.memref_slice %arg11[%add3A_170, %dma_wait3A_174] : memref<10112x16xf32, #tpu.memory_space<vmem_shared>> -> memref<80x16xf32, #tpu.memory_space<vmem_shared>>
    %dma_wait3A_176 = tpu.memref_slice %arg13[%dma_wait3A] : memref<8x!tpu.dma_semaphore, #tpu.memory_space<semaphore_mem>> -> memref<1x!tpu.dma_semaphore, #tpu.memory_space<semaphore_mem>>
    %dma_wait3A_177 = tpu.memref_squeeze %dma_wait3A_176 : memref<1x!tpu.dma_semaphore, #tpu.memory_space<semaphore_mem>> -> memref<!tpu.dma_semaphore, #tpu.memory_space<semaphore_mem>>
    %dma_wait3A_178 = arith.constant 0 : i32
    %dma_wait3A_179 = tpu.memref_slice %arg11[%add3A_170, %dma_wait3A_178] : memref<10112x16xf32, #tpu.memory_space<vmem_shared>> -> memref<80x16xf32, #tpu.memory_space<vmem_shared>>
    %dma_wait3A_180 = arith.constant 0 : i32
    %dma_wait3A_181 = arith.constant 0 : i32
    %dma_wait3A_182 = tpu.memref_slice %arg9[%dma_wait3A_180, %dma_wait3A_181] : memref<632x16xf32, #tpu.memory_space<vmem>> -> memref<80x16xf32, #tpu.memory_space<vmem>>
    tpu.wait_dma2 semaphore(%dma_wait3A_177 : memref<!tpu.dma_semaphore, #tpu.memory_space<semaphore_mem>>) src(%dma_wait3A_182 : memref<80x16xf32, #tpu.memory_space<vmem>>) dst(%dma_wait3A_179 : memref<80x16xf32, #tpu.memory_space<vmem_shared>>)
    %mul3A_183 = arith.constant 632 : i32
    %mul3A_184 = arith.muli %arg1, %mul3A_183 : i32
    %add3A_185 = arith.constant 80 : i32
    %add3A_186 = arith.addi %mul3A_184, %add3A_185 : i32
    %dma_wait3A_187 = arith.constant 1 : i32
    %dma_wait3A_188 = arith.constant 0 : i32
    %dma_wait3A_189 = arith.constant 0 : i32
    %dma_wait3A_190 = tpu.memref_slice %arg9[%dma_wait3A_188, %dma_wait3A_189] : memref<632x16xf32, #tpu.memory_space<vmem>> -> memref<80x16xf32, #tpu.memory_space<vmem>>
    %dma_wait3A_191 = arith.constant 0 : i32
    %dma_wait3A_192 = tpu.memref_slice %arg11[%add3A_186, %dma_wait3A_191] : memref<10112x16xf32, #tpu.memory_space<vmem_shared>> -> memref<80x16xf32, #tpu.memory_space<vmem_shared>>
    %dma_wait3A_193 = tpu.memref_slice %arg13[%dma_wait3A_187] : memref<8x!tpu.dma_semaphore, #tpu.memory_space<semaphore_mem>> -> memref<1x!tpu.dma_semaphore, #tpu.memory_space<semaphore_mem>>
    %dma_wait3A_194 = tpu.memref_squeeze %dma_wait3A_193 : memref<1x!tpu.dma_semaphore, #tpu.memory_space<semaphore_mem>> -> memref<!tpu.dma_semaphore, #tpu.memory_space<semaphore_mem>>
    %dma_wait3A_195 = arith.constant 0 : i32
    %dma_wait3A_196 = tpu.memref_slice %arg11[%add3A_186, %dma_wait3A_195] : memref<10112x16xf32, #tpu.memory_space<vmem_shared>> -> memref<80x16xf32, #tpu.memory_space<vmem_shared>>
    %dma_wait3A_197 = arith.constant 0 : i32
    %dma_wait3A_198 = arith.constant 0 : i32
    %dma_wait3A_199 = tpu.memref_slice %arg9[%dma_wait3A_197, %dma_wait3A_198] : memref<632x16xf32, #tpu.memory_space<vmem>> -> memref<80x16xf32, #tpu.memory_space<vmem>>
    tpu.wait_dma2 semaphore(%dma_wait3A_194 : memref<!tpu.dma_semaphore, #tpu.memory_space<semaphore_mem>>) src(%dma_wait3A_199 : memref<80x16xf32, #tpu.memory_space<vmem>>) dst(%dma_wait3A_196 : memref<80x16xf32, #tpu.memory_space<vmem_shared>>)
    %mul3A_200 = arith.constant 632 : i32
    %mul3A_201 = arith.muli %arg1, %mul3A_200 : i32
    %add3A_202 = arith.constant 160 : i32
    %add3A_203 = arith.addi %mul3A_201, %add3A_202 : i32
    %dma_wait3A_204 = arith.constant 2 : i32
    %dma_wait3A_205 = arith.constant 0 : i32
    %dma_wait3A_206 = arith.constant 0 : i32
    %dma_wait3A_207 = tpu.memref_slice %arg9[%dma_wait3A_205, %dma_wait3A_206] : memref<632x16xf32, #tpu.memory_space<vmem>> -> memref<80x16xf32, #tpu.memory_space<vmem>>
    %dma_wait3A_208 = arith.constant 0 : i32
    %dma_wait3A_209 = tpu.memref_slice %arg11[%add3A_203, %dma_wait3A_208] : memref<10112x16xf32, #tpu.memory_space<vmem_shared>> -> memref<80x16xf32, #tpu.memory_space<vmem_shared>>
    %dma_wait3A_210 = tpu.memref_slice %arg13[%dma_wait3A_204] : memref<8x!tpu.dma_semaphore, #tpu.memory_space<semaphore_mem>> -> memref<1x!tpu.dma_semaphore, #tpu.memory_space<semaphore_mem>>
    %dma_wait3A_211 = tpu.memref_squeeze %dma_wait3A_210 : memref<1x!tpu.dma_semaphore, #tpu.memory_space<semaphore_mem>> -> memref<!tpu.dma_semaphore, #tpu.memory_space<semaphore_mem>>
    %dma_wait3A_212 = arith.constant 0 : i32
    %dma_wait3A_213 = tpu.memref_slice %arg11[%add3A_203, %dma_wait3A_212] : memref<10112x16xf32, #tpu.memory_space<vmem_shared>> -> memref<80x16xf32, #tpu.memory_space<vmem_shared>>
    %dma_wait3A_214 = arith.constant 0 : i32
    %dma_wait3A_215 = arith.constant 0 : i32
    %dma_wait3A_216 = tpu.memref_slice %arg9[%dma_wait3A_214, %dma_wait3A_215] : memref<632x16xf32, #tpu.memory_space<vmem>> -> memref<80x16xf32, #tpu.memory_space<vmem>>
    tpu.wait_dma2 semaphore(%dma_wait3A_211 : memref<!tpu.dma_semaphore, #tpu.memory_space<semaphore_mem>>) src(%dma_wait3A_216 : memref<80x16xf32, #tpu.memory_space<vmem>>) dst(%dma_wait3A_213 : memref<80x16xf32, #tpu.memory_space<vmem_shared>>)
    %mul3A_217 = arith.constant 632 : i32
    %mul3A_218 = arith.muli %arg1, %mul3A_217 : i32
    %add3A_219 = arith.constant 240 : i32
    %add3A_220 = arith.addi %mul3A_218, %add3A_219 : i32
    %dma_wait3A_221 = arith.constant 3 : i32
    %dma_wait3A_222 = arith.constant 0 : i32
    %dma_wait3A_223 = arith.constant 0 : i32
    %dma_wait3A_224 = tpu.memref_slice %arg9[%dma_wait3A_222, %dma_wait3A_223] : memref<632x16xf32, #tpu.memory_space<vmem>> -> memref<80x16xf32, #tpu.memory_space<vmem>>
    %dma_wait3A_225 = arith.constant 0 : i32
    %dma_wait3A_226 = tpu.memref_slice %arg11[%add3A_220, %dma_wait3A_225] : memref<10112x16xf32, #tpu.memory_space<vmem_shared>> -> memref<80x16xf32, #tpu.memory_space<vmem_shared>>
    %dma_wait3A_227 = tpu.memref_slice %arg13[%dma_wait3A_221] : memref<8x!tpu.dma_semaphore, #tpu.memory_space<semaphore_mem>> -> memref<1x!tpu.dma_semaphore, #tpu.memory_space<semaphore_mem>>
    %dma_wait3A_228 = tpu.memref_squeeze %dma_wait3A_227 : memref<1x!tpu.dma_semaphore, #tpu.memory_space<semaphore_mem>> -> memref<!tpu.dma_semaphore, #tpu.memory_space<semaphore_mem>>
    %dma_wait3A_229 = arith.constant 0 : i32
    %dma_wait3A_230 = tpu.memref_slice %arg11[%add3A_220, %dma_wait3A_229] : memref<10112x16xf32, #tpu.memory_space<vmem_shared>> -> memref<80x16xf32, #tpu.memory_space<vmem_shared>>
    %dma_wait3A_231 = arith.constant 0 : i32
    %dma_wait3A_232 = arith.constant 0 : i32
    %dma_wait3A_233 = tpu.memref_slice %arg9[%dma_wait3A_231, %dma_wait3A_232] : memref<632x16xf32, #tpu.memory_space<vmem>> -> memref<80x16xf32, #tpu.memory_space<vmem>>
    tpu.wait_dma2 semaphore(%dma_wait3A_228 : memref<!tpu.dma_semaphore, #tpu.memory_space<semaphore_mem>>) src(%dma_wait3A_233 : memref<80x16xf32, #tpu.memory_space<vmem>>) dst(%dma_wait3A_230 : memref<80x16xf32, #tpu.memory_space<vmem_shared>>)
    %mul3A_234 = arith.constant 632 : i32
    %mul3A_235 = arith.muli %arg1, %mul3A_234 : i32
    %add3A_236 = arith.constant 320 : i32
    %add3A_237 = arith.addi %mul3A_235, %add3A_236 : i32
    %dma_wait3A_238 = arith.constant 4 : i32
    %dma_wait3A_239 = arith.constant 0 : i32
    %dma_wait3A_240 = arith.constant 0 : i32
    %dma_wait3A_241 = tpu.memref_slice %arg9[%dma_wait3A_239, %dma_wait3A_240] : memref<632x16xf32, #tpu.memory_space<vmem>> -> memref<80x16xf32, #tpu.memory_space<vmem>>
    %dma_wait3A_242 = arith.constant 0 : i32
    %dma_wait3A_243 = tpu.memref_slice %arg11[%add3A_237, %dma_wait3A_242] : memref<10112x16xf32, #tpu.memory_space<vmem_shared>> -> memref<80x16xf32, #tpu.memory_space<vmem_shared>>
    %dma_wait3A_244 = tpu.memref_slice %arg13[%dma_wait3A_238] : memref<8x!tpu.dma_semaphore, #tpu.memory_space<semaphore_mem>> -> memref<1x!tpu.dma_semaphore, #tpu.memory_space<semaphore_mem>>
    %dma_wait3A_245 = tpu.memref_squeeze %dma_wait3A_244 : memref<1x!tpu.dma_semaphore, #tpu.memory_space<semaphore_mem>> -> memref<!tpu.dma_semaphore, #tpu.memory_space<semaphore_mem>>
    %dma_wait3A_246 = arith.constant 0 : i32
    %dma_wait3A_247 = tpu.memref_slice %arg11[%add3A_237, %dma_wait3A_246] : memref<10112x16xf32, #tpu.memory_space<vmem_shared>> -> memref<80x16xf32, #tpu.memory_space<vmem_shared>>
    %dma_wait3A_248 = arith.constant 0 : i32
    %dma_wait3A_249 = arith.constant 0 : i32
    %dma_wait3A_250 = tpu.memref_slice %arg9[%dma_wait3A_248, %dma_wait3A_249] : memref<632x16xf32, #tpu.memory_space<vmem>> -> memref<80x16xf32, #tpu.memory_space<vmem>>
    tpu.wait_dma2 semaphore(%dma_wait3A_245 : memref<!tpu.dma_semaphore, #tpu.memory_space<semaphore_mem>>) src(%dma_wait3A_250 : memref<80x16xf32, #tpu.memory_space<vmem>>) dst(%dma_wait3A_247 : memref<80x16xf32, #tpu.memory_space<vmem_shared>>)
    %mul3A_251 = arith.constant 632 : i32
    %mul3A_252 = arith.muli %arg1, %mul3A_251 : i32
    %add3A_253 = arith.constant 400 : i32
    %add3A_254 = arith.addi %mul3A_252, %add3A_253 : i32
    %dma_wait3A_255 = arith.constant 5 : i32
    %dma_wait3A_256 = arith.constant 0 : i32
    %dma_wait3A_257 = arith.constant 0 : i32
    %dma_wait3A_258 = tpu.memref_slice %arg9[%dma_wait3A_256, %dma_wait3A_257] : memref<632x16xf32, #tpu.memory_space<vmem>> -> memref<80x16xf32, #tpu.memory_space<vmem>>
    %dma_wait3A_259 = arith.constant 0 : i32
    %dma_wait3A_260 = tpu.memref_slice %arg11[%add3A_254, %dma_wait3A_259] : memref<10112x16xf32, #tpu.memory_space<vmem_shared>> -> memref<80x16xf32, #tpu.memory_space<vmem_shared>>
    %dma_wait3A_261 = tpu.memref_slice %arg13[%dma_wait3A_255] : memref<8x!tpu.dma_semaphore, #tpu.memory_space<semaphore_mem>> -> memref<1x!tpu.dma_semaphore, #tpu.memory_space<semaphore_mem>>
    %dma_wait3A_262 = tpu.memref_squeeze %dma_wait3A_261 : memref<1x!tpu.dma_semaphore, #tpu.memory_space<semaphore_mem>> -> memref<!tpu.dma_semaphore, #tpu.memory_space<semaphore_mem>>
    %dma_wait3A_263 = arith.constant 0 : i32
    %dma_wait3A_264 = tpu.memref_slice %arg11[%add3A_254, %dma_wait3A_263] : memref<10112x16xf32, #tpu.memory_space<vmem_shared>> -> memref<80x16xf32, #tpu.memory_space<vmem_shared>>
    %dma_wait3A_265 = arith.constant 0 : i32
    %dma_wait3A_266 = arith.constant 0 : i32
    %dma_wait3A_267 = tpu.memref_slice %arg9[%dma_wait3A_265, %dma_wait3A_266] : memref<632x16xf32, #tpu.memory_space<vmem>> -> memref<80x16xf32, #tpu.memory_space<vmem>>
    tpu.wait_dma2 semaphore(%dma_wait3A_262 : memref<!tpu.dma_semaphore, #tpu.memory_space<semaphore_mem>>) src(%dma_wait3A_267 : memref<80x16xf32, #tpu.memory_space<vmem>>) dst(%dma_wait3A_264 : memref<80x16xf32, #tpu.memory_space<vmem_shared>>)
    %mul3A_268 = arith.constant 632 : i32
    %mul3A_269 = arith.muli %arg1, %mul3A_268 : i32
    %add3A_270 = arith.constant 480 : i32
    %add3A_271 = arith.addi %mul3A_269, %add3A_270 : i32
    %dma_wait3A_272 = arith.constant 6 : i32
    %dma_wait3A_273 = arith.constant 0 : i32
    %dma_wait3A_274 = arith.constant 0 : i32
    %dma_wait3A_275 = tpu.memref_slice %arg9[%dma_wait3A_273, %dma_wait3A_274] : memref<632x16xf32, #tpu.memory_space<vmem>> -> memref<80x16xf32, #tpu.memory_space<vmem>>
    %dma_wait3A_276 = arith.constant 0 : i32
    %dma_wait3A_277 = tpu.memref_slice %arg11[%add3A_271, %dma_wait3A_276] : memref<10112x16xf32, #tpu.memory_space<vmem_shared>> -> memref<80x16xf32, #tpu.memory_space<vmem_shared>>
    %dma_wait3A_278 = tpu.memref_slice %arg13[%dma_wait3A_272] : memref<8x!tpu.dma_semaphore, #tpu.memory_space<semaphore_mem>> -> memref<1x!tpu.dma_semaphore, #tpu.memory_space<semaphore_mem>>
    %dma_wait3A_279 = tpu.memref_squeeze %dma_wait3A_278 : memref<1x!tpu.dma_semaphore, #tpu.memory_space<semaphore_mem>> -> memref<!tpu.dma_semaphore, #tpu.memory_space<semaphore_mem>>
    %dma_wait3A_280 = arith.constant 0 : i32
    %dma_wait3A_281 = tpu.memref_slice %arg11[%add3A_271, %dma_wait3A_280] : memref<10112x16xf32, #tpu.memory_space<vmem_shared>> -> memref<80x16xf32, #tpu.memory_space<vmem_shared>>
    %dma_wait3A_282 = arith.constant 0 : i32
    %dma_wait3A_283 = arith.constant 0 : i32
    %dma_wait3A_284 = tpu.memref_slice %arg9[%dma_wait3A_282, %dma_wait3A_283] : memref<632x16xf32, #tpu.memory_space<vmem>> -> memref<80x16xf32, #tpu.memory_space<vmem>>
    tpu.wait_dma2 semaphore(%dma_wait3A_279 : memref<!tpu.dma_semaphore, #tpu.memory_space<semaphore_mem>>) src(%dma_wait3A_284 : memref<80x16xf32, #tpu.memory_space<vmem>>) dst(%dma_wait3A_281 : memref<80x16xf32, #tpu.memory_space<vmem_shared>>)
    %mul3A_285 = arith.constant 632 : i32
    %mul3A_286 = arith.muli %arg1, %mul3A_285 : i32
    %add3A_287 = arith.constant 560 : i32
    %add3A_288 = arith.addi %mul3A_286, %add3A_287 : i32
    %dma_wait3A_289 = arith.constant 7 : i32
    %dma_wait3A_290 = arith.constant 0 : i32
    %dma_wait3A_291 = arith.constant 0 : i32
    %dma_wait3A_292 = tpu.memref_slice %arg9[%dma_wait3A_290, %dma_wait3A_291] : memref<632x16xf32, #tpu.memory_space<vmem>> -> memref<72x16xf32, #tpu.memory_space<vmem>>
    %dma_wait3A_293 = arith.constant 0 : i32
    %dma_wait3A_294 = tpu.memref_slice %arg11[%add3A_288, %dma_wait3A_293] : memref<10112x16xf32, #tpu.memory_space<vmem_shared>> -> memref<72x16xf32, #tpu.memory_space<vmem_shared>>
    %dma_wait3A_295 = tpu.memref_slice %arg13[%dma_wait3A_289] : memref<8x!tpu.dma_semaphore, #tpu.memory_space<semaphore_mem>> -> memref<1x!tpu.dma_semaphore, #tpu.memory_space<semaphore_mem>>
    %dma_wait3A_296 = tpu.memref_squeeze %dma_wait3A_295 : memref<1x!tpu.dma_semaphore, #tpu.memory_space<semaphore_mem>> -> memref<!tpu.dma_semaphore, #tpu.memory_space<semaphore_mem>>
    %dma_wait3A_297 = arith.constant 0 : i32
    %dma_wait3A_298 = tpu.memref_slice %arg11[%add3A_288, %dma_wait3A_297] : memref<10112x16xf32, #tpu.memory_space<vmem_shared>> -> memref<72x16xf32, #tpu.memory_space<vmem_shared>>
    %dma_wait3A_299 = arith.constant 0 : i32
    %dma_wait3A_300 = arith.constant 0 : i32
    %dma_wait3A_301 = tpu.memref_slice %arg9[%dma_wait3A_299, %dma_wait3A_300] : memref<632x16xf32, #tpu.memory_space<vmem>> -> memref<72x16xf32, #tpu.memory_space<vmem>>
    tpu.wait_dma2 semaphore(%dma_wait3A_296 : memref<!tpu.dma_semaphore, #tpu.memory_space<semaphore_mem>>) src(%dma_wait3A_301 : memref<72x16xf32, #tpu.memory_space<vmem>>) dst(%dma_wait3A_298 : memref<72x16xf32, #tpu.memory_space<vmem_shared>>)
    %barrier3A = arith.constant 0 : index
    tpu.barrier barrier_id(%barrier3A)
    %dma_wait3A_302 = arith.constant 0 : i32
    %dma_wait3A_303 = arith.constant 0 : i32
    %dma_wait3A_304 = arith.constant 0 : i32
    %dma_wait3A_305 = tpu.memref_slice %arg2[%add3A, %dma_wait3A_303, %dma_wait3A_304] : memref<32x40x256xi32, #tpu.memory_space<hbm>> -> memref<1x40x256xi32, #tpu.memory_space<hbm>>
    %dma_wait3A_306 = tpu.memref_squeeze %dma_wait3A_305 : memref<1x40x256xi32, #tpu.memory_space<hbm>> -> memref<40x256xi32, #tpu.memory_space<hbm>>
    %dma_wait3A_307 = tpu.memref_slice %arg14[%dma_wait3A_302] : memref<2x!tpu.dma_semaphore, #tpu.memory_space<semaphore_mem>> -> memref<1x!tpu.dma_semaphore, #tpu.memory_space<semaphore_mem>>
    %dma_wait3A_308 = tpu.memref_squeeze %dma_wait3A_307 : memref<1x!tpu.dma_semaphore, #tpu.memory_space<semaphore_mem>> -> memref<!tpu.dma_semaphore, #tpu.memory_space<semaphore_mem>>
    %dma_wait3A_309 = arith.constant 0 : i32
    %dma_wait3A_310 = arith.constant 0 : i32
    %dma_wait3A_311 = tpu.memref_slice %arg2[%add3A, %dma_wait3A_309, %dma_wait3A_310] : memref<32x40x256xi32, #tpu.memory_space<hbm>> -> memref<1x40x256xi32, #tpu.memory_space<hbm>>
    %dma_wait3A_312 = tpu.memref_squeeze %dma_wait3A_311 : memref<1x40x256xi32, #tpu.memory_space<hbm>> -> memref<40x256xi32, #tpu.memory_space<hbm>>
    tpu.wait_dma2 semaphore(%dma_wait3A_308 : memref<!tpu.dma_semaphore, #tpu.memory_space<semaphore_mem>>) src(%dma_wait3A_312 : memref<40x256xi32, #tpu.memory_space<hbm>>) dst(%arg6 : memref<40x256xi32, #tpu.memory_space<vmem>>)
    %dma_start3A_313 = arith.constant 0 : i32
    %dma_start3A_314 = arith.constant 0 : i32
    %dma_start3A_315 = arith.constant 0 : i32
    %dma_start3A_316 = arith.constant 0 : i32
    %dma_start3A_317 = arith.constant 0 : i32
    %dma_start3A_318 = tpu.memref_slice %arg8[%dma_start3A_314, %dma_start3A_316, %dma_start3A_317] : memref<8x256x16xf32, #tpu.memory_space<vmem>> -> memref<1x256x16xf32, #tpu.memory_space<vmem>>
    %dma_start3A_319 = tpu.memref_squeeze %dma_start3A_318 : memref<1x256x16xf32, #tpu.memory_space<vmem>> -> memref<256x16xf32, #tpu.memory_space<vmem>>
    %dma_start3A_320 = arith.constant 0 : i32
    %dma_start3A_321 = tpu.memref_slice %arg6[%dma_start3A_313, %dma_start3A_320] : memref<40x256xi32, #tpu.memory_space<vmem>> -> memref<1x256xi32, #tpu.memory_space<vmem>>
    %dma_start3A_322 = tpu.memref_squeeze %dma_start3A_321 : memref<1x256xi32, #tpu.memory_space<vmem>> -> memref<256xi32, #tpu.memory_space<vmem>>
    %dma_start3A_323 = arith.constant 0 : i32
    %dma_start3A_324 = arith.constant 0 : i32
    %dma_start3A_325 = tpu.memref_slice %arg10[%dma_start3A_323, %dma_start3A_324] : memref<10112x16xf32, #tpu.memory_space<vmem_shared>> -> memref<10112x16xf32, #tpu.memory_space<vmem_shared>>
    %dma_start3A_326 = tpu.memref_slice %arg12[%dma_start3A_315] : memref<8x!tpu.dma_semaphore, #tpu.memory_space<semaphore_mem>> -> memref<1x!tpu.dma_semaphore, #tpu.memory_space<semaphore_mem>>
    %dma_start3A_327 = tpu.memref_squeeze %dma_start3A_326 : memref<1x!tpu.dma_semaphore, #tpu.memory_space<semaphore_mem>> -> memref<!tpu.dma_semaphore, #tpu.memory_space<semaphore_mem>>
    tpu.enqueue_indirect_dma source(%dma_start3A_325 : memref<10112x16xf32, #tpu.memory_space<vmem_shared>>) target(%dma_start3A_319 : memref<256x16xf32, #tpu.memory_space<vmem>>) offsets(%dma_start3A_322 : memref<256xi32, #tpu.memory_space<vmem>>) semaphore(%dma_start3A_327 : memref<!tpu.dma_semaphore, #tpu.memory_space<semaphore_mem>>)
    %dma_start3A_328 = arith.constant 1 : i32
    %dma_start3A_329 = arith.constant 1 : i32
    %dma_start3A_330 = arith.constant 1 : i32
    %dma_start3A_331 = arith.constant 0 : i32
    %dma_start3A_332 = arith.constant 0 : i32
    %dma_start3A_333 = tpu.memref_slice %arg8[%dma_start3A_329, %dma_start3A_331, %dma_start3A_332] : memref<8x256x16xf32, #tpu.memory_space<vmem>> -> memref<1x256x16xf32, #tpu.memory_space<vmem>>
    %dma_start3A_334 = tpu.memref_squeeze %dma_start3A_333 : memref<1x256x16xf32, #tpu.memory_space<vmem>> -> memref<256x16xf32, #tpu.memory_space<vmem>>
    %dma_start3A_335 = arith.constant 0 : i32
    %dma_start3A_336 = tpu.memref_slice %arg6[%dma_start3A_328, %dma_start3A_335] : memref<40x256xi32, #tpu.memory_space<vmem>> -> memref<1x256xi32, #tpu.memory_space<vmem>>
    %dma_start3A_337 = tpu.memref_squeeze %dma_start3A_336 : memref<1x256xi32, #tpu.memory_space<vmem>> -> memref<256xi32, #tpu.memory_space<vmem>>
    %dma_start3A_338 = arith.constant 0 : i32
    %dma_start3A_339 = arith.constant 0 : i32
    %dma_start3A_340 = tpu.memref_slice %arg10[%dma_start3A_338, %dma_start3A_339] : memref<10112x16xf32, #tpu.memory_space<vmem_shared>> -> memref<10112x16xf32, #tpu.memory_space<vmem_shared>>
    %dma_start3A_341 = tpu.memref_slice %arg12[%dma_start3A_330] : memref<8x!tpu.dma_semaphore, #tpu.memory_space<semaphore_mem>> -> memref<1x!tpu.dma_semaphore, #tpu.memory_space<semaphore_mem>>
    %dma_start3A_342 = tpu.memref_squeeze %dma_start3A_341 : memref<1x!tpu.dma_semaphore, #tpu.memory_space<semaphore_mem>> -> memref<!tpu.dma_semaphore, #tpu.memory_space<semaphore_mem>>
    tpu.enqueue_indirect_dma source(%dma_start3A_340 : memref<10112x16xf32, #tpu.memory_space<vmem_shared>>) target(%dma_start3A_334 : memref<256x16xf32, #tpu.memory_space<vmem>>) offsets(%dma_start3A_337 : memref<256xi32, #tpu.memory_space<vmem>>) semaphore(%dma_start3A_342 : memref<!tpu.dma_semaphore, #tpu.memory_space<semaphore_mem>>)
    %dma_start3A_343 = arith.constant 2 : i32
    %dma_start3A_344 = arith.constant 2 : i32
    %dma_start3A_345 = arith.constant 2 : i32
    %dma_start3A_346 = arith.constant 0 : i32
    %dma_start3A_347 = arith.constant 0 : i32
    %dma_start3A_348 = tpu.memref_slice %arg8[%dma_start3A_344, %dma_start3A_346, %dma_start3A_347] : memref<8x256x16xf32, #tpu.memory_space<vmem>> -> memref<1x256x16xf32, #tpu.memory_space<vmem>>
    %dma_start3A_349 = tpu.memref_squeeze %dma_start3A_348 : memref<1x256x16xf32, #tpu.memory_space<vmem>> -> memref<256x16xf32, #tpu.memory_space<vmem>>
    %dma_start3A_350 = arith.constant 0 : i32
    %dma_start3A_351 = tpu.memref_slice %arg6[%dma_start3A_343, %dma_start3A_350] : memref<40x256xi32, #tpu.memory_space<vmem>> -> memref<1x256xi32, #tpu.memory_space<vmem>>
    %dma_start3A_352 = tpu.memref_squeeze %dma_start3A_351 : memref<1x256xi32, #tpu.memory_space<vmem>> -> memref<256xi32, #tpu.memory_space<vmem>>
    %dma_start3A_353 = arith.constant 0 : i32
    %dma_start3A_354 = arith.constant 0 : i32
    %dma_start3A_355 = tpu.memref_slice %arg10[%dma_start3A_353, %dma_start3A_354] : memref<10112x16xf32, #tpu.memory_space<vmem_shared>> -> memref<10112x16xf32, #tpu.memory_space<vmem_shared>>
    %dma_start3A_356 = tpu.memref_slice %arg12[%dma_start3A_345] : memref<8x!tpu.dma_semaphore, #tpu.memory_space<semaphore_mem>> -> memref<1x!tpu.dma_semaphore, #tpu.memory_space<semaphore_mem>>
    %dma_start3A_357 = tpu.memref_squeeze %dma_start3A_356 : memref<1x!tpu.dma_semaphore, #tpu.memory_space<semaphore_mem>> -> memref<!tpu.dma_semaphore, #tpu.memory_space<semaphore_mem>>
    tpu.enqueue_indirect_dma source(%dma_start3A_355 : memref<10112x16xf32, #tpu.memory_space<vmem_shared>>) target(%dma_start3A_349 : memref<256x16xf32, #tpu.memory_space<vmem>>) offsets(%dma_start3A_352 : memref<256xi32, #tpu.memory_space<vmem>>) semaphore(%dma_start3A_357 : memref<!tpu.dma_semaphore, #tpu.memory_space<semaphore_mem>>)
    %dma_start3A_358 = arith.constant 3 : i32
    %dma_start3A_359 = arith.constant 3 : i32
    %dma_start3A_360 = arith.constant 3 : i32
    %dma_start3A_361 = arith.constant 0 : i32
    %dma_start3A_362 = arith.constant 0 : i32
    %dma_start3A_363 = tpu.memref_slice %arg8[%dma_start3A_359, %dma_start3A_361, %dma_start3A_362] : memref<8x256x16xf32, #tpu.memory_space<vmem>> -> memref<1x256x16xf32, #tpu.memory_space<vmem>>
    %dma_start3A_364 = tpu.memref_squeeze %dma_start3A_363 : memref<1x256x16xf32, #tpu.memory_space<vmem>> -> memref<256x16xf32, #tpu.memory_space<vmem>>
    %dma_start3A_365 = arith.constant 0 : i32
    %dma_start3A_366 = tpu.memref_slice %arg6[%dma_start3A_358, %dma_start3A_365] : memref<40x256xi32, #tpu.memory_space<vmem>> -> memref<1x256xi32, #tpu.memory_space<vmem>>
    %dma_start3A_367 = tpu.memref_squeeze %dma_start3A_366 : memref<1x256xi32, #tpu.memory_space<vmem>> -> memref<256xi32, #tpu.memory_space<vmem>>
    %dma_start3A_368 = arith.constant 0 : i32
    %dma_start3A_369 = arith.constant 0 : i32
    %dma_start3A_370 = tpu.memref_slice %arg10[%dma_start3A_368, %dma_start3A_369] : memref<10112x16xf32, #tpu.memory_space<vmem_shared>> -> memref<10112x16xf32, #tpu.memory_space<vmem_shared>>
    %dma_start3A_371 = tpu.memref_slice %arg12[%dma_start3A_360] : memref<8x!tpu.dma_semaphore, #tpu.memory_space<semaphore_mem>> -> memref<1x!tpu.dma_semaphore, #tpu.memory_space<semaphore_mem>>
    %dma_start3A_372 = tpu.memref_squeeze %dma_start3A_371 : memref<1x!tpu.dma_semaphore, #tpu.memory_space<semaphore_mem>> -> memref<!tpu.dma_semaphore, #tpu.memory_space<semaphore_mem>>
    tpu.enqueue_indirect_dma source(%dma_start3A_370 : memref<10112x16xf32, #tpu.memory_space<vmem_shared>>) target(%dma_start3A_364 : memref<256x16xf32, #tpu.memory_space<vmem>>) offsets(%dma_start3A_367 : memref<256xi32, #tpu.memory_space<vmem>>) semaphore(%dma_start3A_372 : memref<!tpu.dma_semaphore, #tpu.memory_space<semaphore_mem>>)
    %dma_start3A_373 = arith.constant 4 : i32
    %dma_start3A_374 = arith.constant 4 : i32
    %dma_start3A_375 = arith.constant 4 : i32
    %dma_start3A_376 = arith.constant 0 : i32
    %dma_start3A_377 = arith.constant 0 : i32
    %dma_start3A_378 = tpu.memref_slice %arg8[%dma_start3A_374, %dma_start3A_376, %dma_start3A_377] : memref<8x256x16xf32, #tpu.memory_space<vmem>> -> memref<1x256x16xf32, #tpu.memory_space<vmem>>
    %dma_start3A_379 = tpu.memref_squeeze %dma_start3A_378 : memref<1x256x16xf32, #tpu.memory_space<vmem>> -> memref<256x16xf32, #tpu.memory_space<vmem>>
    %dma_start3A_380 = arith.constant 0 : i32
    %dma_start3A_381 = tpu.memref_slice %arg6[%dma_start3A_373, %dma_start3A_380] : memref<40x256xi32, #tpu.memory_space<vmem>> -> memref<1x256xi32, #tpu.memory_space<vmem>>
    %dma_start3A_382 = tpu.memref_squeeze %dma_start3A_381 : memref<1x256xi32, #tpu.memory_space<vmem>> -> memref<256xi32, #tpu.memory_space<vmem>>
    %dma_start3A_383 = arith.constant 0 : i32
    %dma_start3A_384 = arith.constant 0 : i32
    %dma_start3A_385 = tpu.memref_slice %arg10[%dma_start3A_383, %dma_start3A_384] : memref<10112x16xf32, #tpu.memory_space<vmem_shared>> -> memref<10112x16xf32, #tpu.memory_space<vmem_shared>>
    %dma_start3A_386 = tpu.memref_slice %arg12[%dma_start3A_375] : memref<8x!tpu.dma_semaphore, #tpu.memory_space<semaphore_mem>> -> memref<1x!tpu.dma_semaphore, #tpu.memory_space<semaphore_mem>>
    %dma_start3A_387 = tpu.memref_squeeze %dma_start3A_386 : memref<1x!tpu.dma_semaphore, #tpu.memory_space<semaphore_mem>> -> memref<!tpu.dma_semaphore, #tpu.memory_space<semaphore_mem>>
    tpu.enqueue_indirect_dma source(%dma_start3A_385 : memref<10112x16xf32, #tpu.memory_space<vmem_shared>>) target(%dma_start3A_379 : memref<256x16xf32, #tpu.memory_space<vmem>>) offsets(%dma_start3A_382 : memref<256xi32, #tpu.memory_space<vmem>>) semaphore(%dma_start3A_387 : memref<!tpu.dma_semaphore, #tpu.memory_space<semaphore_mem>>)
    %dma_start3A_388 = arith.constant 5 : i32
    %dma_start3A_389 = arith.constant 5 : i32
    %dma_start3A_390 = arith.constant 5 : i32
    %dma_start3A_391 = arith.constant 0 : i32
    %dma_start3A_392 = arith.constant 0 : i32
    %dma_start3A_393 = tpu.memref_slice %arg8[%dma_start3A_389, %dma_start3A_391, %dma_start3A_392] : memref<8x256x16xf32, #tpu.memory_space<vmem>> -> memref<1x256x16xf32, #tpu.memory_space<vmem>>
    %dma_start3A_394 = tpu.memref_squeeze %dma_start3A_393 : memref<1x256x16xf32, #tpu.memory_space<vmem>> -> memref<256x16xf32, #tpu.memory_space<vmem>>
    %dma_start3A_395 = arith.constant 0 : i32
    %dma_start3A_396 = tpu.memref_slice %arg6[%dma_start3A_388, %dma_start3A_395] : memref<40x256xi32, #tpu.memory_space<vmem>> -> memref<1x256xi32, #tpu.memory_space<vmem>>
    %dma_start3A_397 = tpu.memref_squeeze %dma_start3A_396 : memref<1x256xi32, #tpu.memory_space<vmem>> -> memref<256xi32, #tpu.memory_space<vmem>>
    %dma_start3A_398 = arith.constant 0 : i32
    %dma_start3A_399 = arith.constant 0 : i32
    %dma_start3A_400 = tpu.memref_slice %arg10[%dma_start3A_398, %dma_start3A_399] : memref<10112x16xf32, #tpu.memory_space<vmem_shared>> -> memref<10112x16xf32, #tpu.memory_space<vmem_shared>>
    %dma_start3A_401 = tpu.memref_slice %arg12[%dma_start3A_390] : memref<8x!tpu.dma_semaphore, #tpu.memory_space<semaphore_mem>> -> memref<1x!tpu.dma_semaphore, #tpu.memory_space<semaphore_mem>>
    %dma_start3A_402 = tpu.memref_squeeze %dma_start3A_401 : memref<1x!tpu.dma_semaphore, #tpu.memory_space<semaphore_mem>> -> memref<!tpu.dma_semaphore, #tpu.memory_space<semaphore_mem>>
    tpu.enqueue_indirect_dma source(%dma_start3A_400 : memref<10112x16xf32, #tpu.memory_space<vmem_shared>>) target(%dma_start3A_394 : memref<256x16xf32, #tpu.memory_space<vmem>>) offsets(%dma_start3A_397 : memref<256xi32, #tpu.memory_space<vmem>>) semaphore(%dma_start3A_402 : memref<!tpu.dma_semaphore, #tpu.memory_space<semaphore_mem>>)
    %dma_start3A_403 = arith.constant 6 : i32
    %dma_start3A_404 = arith.constant 6 : i32
    %dma_start3A_405 = arith.constant 6 : i32
    %dma_start3A_406 = arith.constant 0 : i32
    %dma_start3A_407 = arith.constant 0 : i32
    %dma_start3A_408 = tpu.memref_slice %arg8[%dma_start3A_404, %dma_start3A_406, %dma_start3A_407] : memref<8x256x16xf32, #tpu.memory_space<vmem>> -> memref<1x256x16xf32, #tpu.memory_space<vmem>>
    %dma_start3A_409 = tpu.memref_squeeze %dma_start3A_408 : memref<1x256x16xf32, #tpu.memory_space<vmem>> -> memref<256x16xf32, #tpu.memory_space<vmem>>
    %dma_start3A_410 = arith.constant 0 : i32
    %dma_start3A_411 = tpu.memref_slice %arg6[%dma_start3A_403, %dma_start3A_410] : memref<40x256xi32, #tpu.memory_space<vmem>> -> memref<1x256xi32, #tpu.memory_space<vmem>>
    %dma_start3A_412 = tpu.memref_squeeze %dma_start3A_411 : memref<1x256xi32, #tpu.memory_space<vmem>> -> memref<256xi32, #tpu.memory_space<vmem>>
    %dma_start3A_413 = arith.constant 0 : i32
    %dma_start3A_414 = arith.constant 0 : i32
    %dma_start3A_415 = tpu.memref_slice %arg10[%dma_start3A_413, %dma_start3A_414] : memref<10112x16xf32, #tpu.memory_space<vmem_shared>> -> memref<10112x16xf32, #tpu.memory_space<vmem_shared>>
    %dma_start3A_416 = tpu.memref_slice %arg12[%dma_start3A_405] : memref<8x!tpu.dma_semaphore, #tpu.memory_space<semaphore_mem>> -> memref<1x!tpu.dma_semaphore, #tpu.memory_space<semaphore_mem>>
    %dma_start3A_417 = tpu.memref_squeeze %dma_start3A_416 : memref<1x!tpu.dma_semaphore, #tpu.memory_space<semaphore_mem>> -> memref<!tpu.dma_semaphore, #tpu.memory_space<semaphore_mem>>
    tpu.enqueue_indirect_dma source(%dma_start3A_415 : memref<10112x16xf32, #tpu.memory_space<vmem_shared>>) target(%dma_start3A_409 : memref<256x16xf32, #tpu.memory_space<vmem>>) offsets(%dma_start3A_412 : memref<256xi32, #tpu.memory_space<vmem>>) semaphore(%dma_start3A_417 : memref<!tpu.dma_semaphore, #tpu.memory_space<semaphore_mem>>)
    %dma_start3A_418 = arith.constant 7 : i32
    %dma_start3A_419 = arith.constant 7 : i32
    %dma_start3A_420 = arith.constant 7 : i32
    %dma_start3A_421 = arith.constant 0 : i32
    %dma_start3A_422 = arith.constant 0 : i32
    %dma_start3A_423 = tpu.memref_slice %arg8[%dma_start3A_419, %dma_start3A_421, %dma_start3A_422] : memref<8x256x16xf32, #tpu.memory_space<vmem>> -> memref<1x256x16xf32, #tpu.memory_space<vmem>>
    %dma_start3A_424 = tpu.memref_squeeze %dma_start3A_423 : memref<1x256x16xf32, #tpu.memory_space<vmem>> -> memref<256x16xf32, #tpu.memory_space<vmem>>
    %dma_start3A_425 = arith.constant 0 : i32
    %dma_start3A_426 = tpu.memref_slice %arg6[%dma_start3A_418, %dma_start3A_425] : memref<40x256xi32, #tpu.memory_space<vmem>> -> memref<1x256xi32, #tpu.memory_space<vmem>>
    %dma_start3A_427 = tpu.memref_squeeze %dma_start3A_426 : memref<1x256xi32, #tpu.memory_space<vmem>> -> memref<256xi32, #tpu.memory_space<vmem>>
    %dma_start3A_428 = arith.constant 0 : i32
    %dma_start3A_429 = arith.constant 0 : i32
    %dma_start3A_430 = tpu.memref_slice %arg10[%dma_start3A_428, %dma_start3A_429] : memref<10112x16xf32, #tpu.memory_space<vmem_shared>> -> memref<10112x16xf32, #tpu.memory_space<vmem_shared>>
    %dma_start3A_431 = tpu.memref_slice %arg12[%dma_start3A_420] : memref<8x!tpu.dma_semaphore, #tpu.memory_space<semaphore_mem>> -> memref<1x!tpu.dma_semaphore, #tpu.memory_space<semaphore_mem>>
    %dma_start3A_432 = tpu.memref_squeeze %dma_start3A_431 : memref<1x!tpu.dma_semaphore, #tpu.memory_space<semaphore_mem>> -> memref<!tpu.dma_semaphore, #tpu.memory_space<semaphore_mem>>
    tpu.enqueue_indirect_dma source(%dma_start3A_430 : memref<10112x16xf32, #tpu.memory_space<vmem_shared>>) target(%dma_start3A_424 : memref<256x16xf32, #tpu.memory_space<vmem>>) offsets(%dma_start3A_427 : memref<256xi32, #tpu.memory_space<vmem>>) semaphore(%dma_start3A_432 : memref<!tpu.dma_semaphore, #tpu.memory_space<semaphore_mem>>)
    %dma_wait3A_433 = arith.constant 1 : i32
    %dma_wait3A_434 = arith.constant 0 : i32
    %dma_wait3A_435 = arith.constant 0 : i32
    %dma_wait3A_436 = tpu.memref_slice %arg3[%add3A, %dma_wait3A_434, %dma_wait3A_435] : memref<32x40x256xi32, #tpu.memory_space<hbm>> -> memref<1x40x256xi32, #tpu.memory_space<hbm>>
    %dma_wait3A_437 = tpu.memref_squeeze %dma_wait3A_436 : memref<1x40x256xi32, #tpu.memory_space<hbm>> -> memref<40x256xi32, #tpu.memory_space<hbm>>
    %dma_wait3A_438 = tpu.memref_slice %arg14[%dma_wait3A_433] : memref<2x!tpu.dma_semaphore, #tpu.memory_space<semaphore_mem>> -> memref<1x!tpu.dma_semaphore, #tpu.memory_space<semaphore_mem>>
    %dma_wait3A_439 = tpu.memref_squeeze %dma_wait3A_438 : memref<1x!tpu.dma_semaphore, #tpu.memory_space<semaphore_mem>> -> memref<!tpu.dma_semaphore, #tpu.memory_space<semaphore_mem>>
    %dma_wait3A_440 = arith.constant 0 : i32
    %dma_wait3A_441 = arith.constant 0 : i32
    %dma_wait3A_442 = tpu.memref_slice %arg3[%add3A, %dma_wait3A_440, %dma_wait3A_441] : memref<32x40x256xi32, #tpu.memory_space<hbm>> -> memref<1x40x256xi32, #tpu.memory_space<hbm>>
    %dma_wait3A_443 = tpu.memref_squeeze %dma_wait3A_442 : memref<1x40x256xi32, #tpu.memory_space<hbm>> -> memref<40x256xi32, #tpu.memory_space<hbm>>
    tpu.wait_dma2 semaphore(%dma_wait3A_439 : memref<!tpu.dma_semaphore, #tpu.memory_space<semaphore_mem>>) src(%dma_wait3A_443 : memref<40x256xi32, #tpu.memory_space<hbm>>) dst(%arg7 : memref<40x256xi32, #tpu.memory_space<vmem>>)
    %scan3A_444 = arith.constant 0 : i32
    %scan3A_445 = arith.constant 0 : i32
    %scan3A_446 = arith.constant 5 : i32
    %scan3A_447 = arith.addi %scan3A_445, %scan3A_446 : i32
    %scan3A_448 = arith.constant 1 : i32
    scf.for %scan3A_1123 = %scan3A_445 to %scan3A_447 step %scan3A_448  : i32 {
      %mul3A_1124 = arith.constant 8 : i32
      %mul3A_1125 = arith.muli %scan3A_1123, %mul3A_1124 : i32
      %add3A_1126 = arith.constant 0 : i32
      %add3A_1127 = arith.addi %mul3A_1125, %add3A_1126 : i32
      %dma_wait3A_1128 = arith.constant 0 : i32
      %dma_wait3A_1129 = arith.constant 0 : i32
      %dma_wait3A_1130 = arith.constant 0 : i32
      %dma_wait3A_1131 = arith.constant 0 : i32
      %dma_wait3A_1132 = tpu.memref_slice %arg8[%dma_wait3A_1128, %dma_wait3A_1130, %dma_wait3A_1131] : memref<8x256x16xf32, #tpu.memory_space<vmem>> -> memref<1x256x16xf32, #tpu.memory_space<vmem>>
      %dma_wait3A_1133 = tpu.memref_squeeze %dma_wait3A_1132 : memref<1x256x16xf32, #tpu.memory_space<vmem>> -> memref<256x16xf32, #tpu.memory_space<vmem>>
      %dma_wait3A_1134 = arith.constant 0 : i32
      %dma_wait3A_1135 = tpu.memref_slice %arg6[%add3A_1127, %dma_wait3A_1134] : memref<40x256xi32, #tpu.memory_space<vmem>> -> memref<1x256xi32, #tpu.memory_space<vmem>>
      %dma_wait3A_1136 = tpu.memref_squeeze %dma_wait3A_1135 : memref<1x256xi32, #tpu.memory_space<vmem>> -> memref<256xi32, #tpu.memory_space<vmem>>
      %dma_wait3A_1137 = arith.constant 0 : i32
      %dma_wait3A_1138 = arith.constant 0 : i32
      %dma_wait3A_1139 = tpu.memref_slice %arg10[%dma_wait3A_1137, %dma_wait3A_1138] : memref<10112x16xf32, #tpu.memory_space<vmem_shared>> -> memref<10112x16xf32, #tpu.memory_space<vmem_shared>>
      %dma_wait3A_1140 = tpu.memref_slice %arg12[%dma_wait3A_1129] : memref<8x!tpu.dma_semaphore, #tpu.memory_space<semaphore_mem>> -> memref<1x!tpu.dma_semaphore, #tpu.memory_space<semaphore_mem>>
      %dma_wait3A_1141 = tpu.memref_squeeze %dma_wait3A_1140 : memref<1x!tpu.dma_semaphore, #tpu.memory_space<semaphore_mem>> -> memref<!tpu.dma_semaphore, #tpu.memory_space<semaphore_mem>>
      tpu.wait_indirect_dma semaphore(%dma_wait3A_1141 : memref<!tpu.dma_semaphore, #tpu.memory_space<semaphore_mem>>) src(%dma_wait3A_1139 : memref<10112x16xf32, #tpu.memory_space<vmem_shared>>) dst(%dma_wait3A_1133 : memref<256x16xf32, #tpu.memory_space<vmem>>)
      %add3A_1142 = arith.constant 0 : i32
      %add3A_1143 = arith.addi %mul3A_1125, %add3A_1142 : i32
      %dma_start3A_1144 = arith.constant 0 : i32
      %dma_start3A_1145 = arith.constant 0 : i32
      %dma_start3A_1146 = arith.constant 0 : i32
      %dma_start3A_1147 = arith.constant 0 : i32
      %dma_start3A_1148 = tpu.memref_slice %arg8[%dma_start3A_1144, %dma_start3A_1146, %dma_start3A_1147] : memref<8x256x16xf32, #tpu.memory_space<vmem>> -> memref<1x256x16xf32, #tpu.memory_space<vmem>>
      %dma_start3A_1149 = tpu.memref_squeeze %dma_start3A_1148 : memref<1x256x16xf32, #tpu.memory_space<vmem>> -> memref<256x16xf32, #tpu.memory_space<vmem>>
      %dma_start3A_1150 = arith.constant 0 : i32
      %dma_start3A_1151 = tpu.memref_slice %arg7[%add3A_1143, %dma_start3A_1150] : memref<40x256xi32, #tpu.memory_space<vmem>> -> memref<1x256xi32, #tpu.memory_space<vmem>>
      %dma_start3A_1152 = tpu.memref_squeeze %dma_start3A_1151 : memref<1x256xi32, #tpu.memory_space<vmem>> -> memref<256xi32, #tpu.memory_space<vmem>>
      %dma_start3A_1153 = arith.constant 0 : i32
      %dma_start3A_1154 = arith.constant 0 : i32
      %dma_start3A_1155 = tpu.memref_slice %arg11[%dma_start3A_1153, %dma_start3A_1154] : memref<10112x16xf32, #tpu.memory_space<vmem_shared>> -> memref<10112x16xf32, #tpu.memory_space<vmem_shared>>
      %dma_start3A_1156 = tpu.memref_slice %arg13[%dma_start3A_1145] : memref<8x!tpu.dma_semaphore, #tpu.memory_space<semaphore_mem>> -> memref<1x!tpu.dma_semaphore, #tpu.memory_space<semaphore_mem>>
      %dma_start3A_1157 = tpu.memref_squeeze %dma_start3A_1156 : memref<1x!tpu.dma_semaphore, #tpu.memory_space<semaphore_mem>> -> memref<!tpu.dma_semaphore, #tpu.memory_space<semaphore_mem>>
      tpu.enqueue_indirect_dma source(%dma_start3A_1149 : memref<256x16xf32, #tpu.memory_space<vmem>>) target(%dma_start3A_1155 : memref<10112x16xf32, #tpu.memory_space<vmem_shared>>) offsets(%dma_start3A_1152 : memref<256xi32, #tpu.memory_space<vmem>>) semaphore(%dma_start3A_1157 : memref<!tpu.dma_semaphore, #tpu.memory_space<semaphore_mem>>) {add = true}
      %add3A_1158 = arith.constant 1 : i32
      %add3A_1159 = arith.addi %mul3A_1125, %add3A_1158 : i32
      %dma_wait3A_1160 = arith.constant 1 : i32
      %dma_wait3A_1161 = arith.constant 1 : i32
      %dma_wait3A_1162 = arith.constant 0 : i32
      %dma_wait3A_1163 = arith.constant 0 : i32
      %dma_wait3A_1164 = tpu.memref_slice %arg8[%dma_wait3A_1160, %dma_wait3A_1162, %dma_wait3A_1163] : memref<8x256x16xf32, #tpu.memory_space<vmem>> -> memref<1x256x16xf32, #tpu.memory_space<vmem>>
      %dma_wait3A_1165 = tpu.memref_squeeze %dma_wait3A_1164 : memref<1x256x16xf32, #tpu.memory_space<vmem>> -> memref<256x16xf32, #tpu.memory_space<vmem>>
      %dma_wait3A_1166 = arith.constant 0 : i32
      %dma_wait3A_1167 = tpu.memref_slice %arg6[%add3A_1159, %dma_wait3A_1166] : memref<40x256xi32, #tpu.memory_space<vmem>> -> memref<1x256xi32, #tpu.memory_space<vmem>>
      %dma_wait3A_1168 = tpu.memref_squeeze %dma_wait3A_1167 : memref<1x256xi32, #tpu.memory_space<vmem>> -> memref<256xi32, #tpu.memory_space<vmem>>
      %dma_wait3A_1169 = arith.constant 0 : i32
      %dma_wait3A_1170 = arith.constant 0 : i32
      %dma_wait3A_1171 = tpu.memref_slice %arg10[%dma_wait3A_1169, %dma_wait3A_1170] : memref<10112x16xf32, #tpu.memory_space<vmem_shared>> -> memref<10112x16xf32, #tpu.memory_space<vmem_shared>>
      %dma_wait3A_1172 = tpu.memref_slice %arg12[%dma_wait3A_1161] : memref<8x!tpu.dma_semaphore, #tpu.memory_space<semaphore_mem>> -> memref<1x!tpu.dma_semaphore, #tpu.memory_space<semaphore_mem>>
      %dma_wait3A_1173 = tpu.memref_squeeze %dma_wait3A_1172 : memref<1x!tpu.dma_semaphore, #tpu.memory_space<semaphore_mem>> -> memref<!tpu.dma_semaphore, #tpu.memory_space<semaphore_mem>>
      tpu.wait_indirect_dma semaphore(%dma_wait3A_1173 : memref<!tpu.dma_semaphore, #tpu.memory_space<semaphore_mem>>) src(%dma_wait3A_1171 : memref<10112x16xf32, #tpu.memory_space<vmem_shared>>) dst(%dma_wait3A_1165 : memref<256x16xf32, #tpu.memory_space<vmem>>)
      %add3A_1174 = arith.constant 1 : i32
      %add3A_1175 = arith.addi %mul3A_1125, %add3A_1174 : i32
      %dma_start3A_1176 = arith.constant 1 : i32
      %dma_start3A_1177 = arith.constant 1 : i32
      %dma_start3A_1178 = arith.constant 0 : i32
      %dma_start3A_1179 = arith.constant 0 : i32
      %dma_start3A_1180 = tpu.memref_slice %arg8[%dma_start3A_1176, %dma_start3A_1178, %dma_start3A_1179] : memref<8x256x16xf32, #tpu.memory_space<vmem>> -> memref<1x256x16xf32, #tpu.memory_space<vmem>>
      %dma_start3A_1181 = tpu.memref_squeeze %dma_start3A_1180 : memref<1x256x16xf32, #tpu.memory_space<vmem>> -> memref<256x16xf32, #tpu.memory_space<vmem>>
      %dma_start3A_1182 = arith.constant 0 : i32
      %dma_start3A_1183 = tpu.memref_slice %arg7[%add3A_1175, %dma_start3A_1182] : memref<40x256xi32, #tpu.memory_space<vmem>> -> memref<1x256xi32, #tpu.memory_space<vmem>>
      %dma_start3A_1184 = tpu.memref_squeeze %dma_start3A_1183 : memref<1x256xi32, #tpu.memory_space<vmem>> -> memref<256xi32, #tpu.memory_space<vmem>>
      %dma_start3A_1185 = arith.constant 0 : i32
      %dma_start3A_1186 = arith.constant 0 : i32
      %dma_start3A_1187 = tpu.memref_slice %arg11[%dma_start3A_1185, %dma_start3A_1186] : memref<10112x16xf32, #tpu.memory_space<vmem_shared>> -> memref<10112x16xf32, #tpu.memory_space<vmem_shared>>
      %dma_start3A_1188 = tpu.memref_slice %arg13[%dma_start3A_1177] : memref<8x!tpu.dma_semaphore, #tpu.memory_space<semaphore_mem>> -> memref<1x!tpu.dma_semaphore, #tpu.memory_space<semaphore_mem>>
      %dma_start3A_1189 = tpu.memref_squeeze %dma_start3A_1188 : memref<1x!tpu.dma_semaphore, #tpu.memory_space<semaphore_mem>> -> memref<!tpu.dma_semaphore, #tpu.memory_space<semaphore_mem>>
      tpu.enqueue_indirect_dma source(%dma_start3A_1181 : memref<256x16xf32, #tpu.memory_space<vmem>>) target(%dma_start3A_1187 : memref<10112x16xf32, #tpu.memory_space<vmem_shared>>) offsets(%dma_start3A_1184 : memref<256xi32, #tpu.memory_space<vmem>>) semaphore(%dma_start3A_1189 : memref<!tpu.dma_semaphore, #tpu.memory_space<semaphore_mem>>) {add = true}
      %add3A_1190 = arith.constant 2 : i32
      %add3A_1191 = arith.addi %mul3A_1125, %add3A_1190 : i32
      %dma_wait3A_1192 = arith.constant 2 : i32
      %dma_wait3A_1193 = arith.constant 2 : i32
      %dma_wait3A_1194 = arith.constant 0 : i32
      %dma_wait3A_1195 = arith.constant 0 : i32
      %dma_wait3A_1196 = tpu.memref_slice %arg8[%dma_wait3A_1192, %dma_wait3A_1194, %dma_wait3A_1195] : memref<8x256x16xf32, #tpu.memory_space<vmem>> -> memref<1x256x16xf32, #tpu.memory_space<vmem>>
      %dma_wait3A_1197 = tpu.memref_squeeze %dma_wait3A_1196 : memref<1x256x16xf32, #tpu.memory_space<vmem>> -> memref<256x16xf32, #tpu.memory_space<vmem>>
      %dma_wait3A_1198 = arith.constant 0 : i32
      %dma_wait3A_1199 = tpu.memref_slice %arg6[%add3A_1191, %dma_wait3A_1198] : memref<40x256xi32, #tpu.memory_space<vmem>> -> memref<1x256xi32, #tpu.memory_space<vmem>>
      %dma_wait3A_1200 = tpu.memref_squeeze %dma_wait3A_1199 : memref<1x256xi32, #tpu.memory_space<vmem>> -> memref<256xi32, #tpu.memory_space<vmem>>
      %dma_wait3A_1201 = arith.constant 0 : i32
      %dma_wait3A_1202 = arith.constant 0 : i32
      %dma_wait3A_1203 = tpu.memref_slice %arg10[%dma_wait3A_1201, %dma_wait3A_1202] : memref<10112x16xf32, #tpu.memory_space<vmem_shared>> -> memref<10112x16xf32, #tpu.memory_space<vmem_shared>>
      %dma_wait3A_1204 = tpu.memref_slice %arg12[%dma_wait3A_1193] : memref<8x!tpu.dma_semaphore, #tpu.memory_space<semaphore_mem>> -> memref<1x!tpu.dma_semaphore, #tpu.memory_space<semaphore_mem>>
      %dma_wait3A_1205 = tpu.memref_squeeze %dma_wait3A_1204 : memref<1x!tpu.dma_semaphore, #tpu.memory_space<semaphore_mem>> -> memref<!tpu.dma_semaphore, #tpu.memory_space<semaphore_mem>>
      tpu.wait_indirect_dma semaphore(%dma_wait3A_1205 : memref<!tpu.dma_semaphore, #tpu.memory_space<semaphore_mem>>) src(%dma_wait3A_1203 : memref<10112x16xf32, #tpu.memory_space<vmem_shared>>) dst(%dma_wait3A_1197 : memref<256x16xf32, #tpu.memory_space<vmem>>)
      %add3A_1206 = arith.constant 2 : i32
      %add3A_1207 = arith.addi %mul3A_1125, %add3A_1206 : i32
      %dma_start3A_1208 = arith.constant 2 : i32
      %dma_start3A_1209 = arith.constant 2 : i32
      %dma_start3A_1210 = arith.constant 0 : i32
      %dma_start3A_1211 = arith.constant 0 : i32
      %dma_start3A_1212 = tpu.memref_slice %arg8[%dma_start3A_1208, %dma_start3A_1210, %dma_start3A_1211] : memref<8x256x16xf32, #tpu.memory_space<vmem>> -> memref<1x256x16xf32, #tpu.memory_space<vmem>>
      %dma_start3A_1213 = tpu.memref_squeeze %dma_start3A_1212 : memref<1x256x16xf32, #tpu.memory_space<vmem>> -> memref<256x16xf32, #tpu.memory_space<vmem>>
      %dma_start3A_1214 = arith.constant 0 : i32
      %dma_start3A_1215 = tpu.memref_slice %arg7[%add3A_1207, %dma_start3A_1214] : memref<40x256xi32, #tpu.memory_space<vmem>> -> memref<1x256xi32, #tpu.memory_space<vmem>>
      %dma_start3A_1216 = tpu.memref_squeeze %dma_start3A_1215 : memref<1x256xi32, #tpu.memory_space<vmem>> -> memref<256xi32, #tpu.memory_space<vmem>>
      %dma_start3A_1217 = arith.constant 0 : i32
      %dma_start3A_1218 = arith.constant 0 : i32
      %dma_start3A_1219 = tpu.memref_slice %arg11[%dma_start3A_1217, %dma_start3A_1218] : memref<10112x16xf32, #tpu.memory_space<vmem_shared>> -> memref<10112x16xf32, #tpu.memory_space<vmem_shared>>
      %dma_start3A_1220 = tpu.memref_slice %arg13[%dma_start3A_1209] : memref<8x!tpu.dma_semaphore, #tpu.memory_space<semaphore_mem>> -> memref<1x!tpu.dma_semaphore, #tpu.memory_space<semaphore_mem>>
      %dma_start3A_1221 = tpu.memref_squeeze %dma_start3A_1220 : memref<1x!tpu.dma_semaphore, #tpu.memory_space<semaphore_mem>> -> memref<!tpu.dma_semaphore, #tpu.memory_space<semaphore_mem>>
      tpu.enqueue_indirect_dma source(%dma_start3A_1213 : memref<256x16xf32, #tpu.memory_space<vmem>>) target(%dma_start3A_1219 : memref<10112x16xf32, #tpu.memory_space<vmem_shared>>) offsets(%dma_start3A_1216 : memref<256xi32, #tpu.memory_space<vmem>>) semaphore(%dma_start3A_1221 : memref<!tpu.dma_semaphore, #tpu.memory_space<semaphore_mem>>) {add = true}
      %add3A_1222 = arith.constant 3 : i32
      %add3A_1223 = arith.addi %mul3A_1125, %add3A_1222 : i32
      %dma_wait3A_1224 = arith.constant 3 : i32
      %dma_wait3A_1225 = arith.constant 3 : i32
      %dma_wait3A_1226 = arith.constant 0 : i32
      %dma_wait3A_1227 = arith.constant 0 : i32
      %dma_wait3A_1228 = tpu.memref_slice %arg8[%dma_wait3A_1224, %dma_wait3A_1226, %dma_wait3A_1227] : memref<8x256x16xf32, #tpu.memory_space<vmem>> -> memref<1x256x16xf32, #tpu.memory_space<vmem>>
      %dma_wait3A_1229 = tpu.memref_squeeze %dma_wait3A_1228 : memref<1x256x16xf32, #tpu.memory_space<vmem>> -> memref<256x16xf32, #tpu.memory_space<vmem>>
      %dma_wait3A_1230 = arith.constant 0 : i32
      %dma_wait3A_1231 = tpu.memref_slice %arg6[%add3A_1223, %dma_wait3A_1230] : memref<40x256xi32, #tpu.memory_space<vmem>> -> memref<1x256xi32, #tpu.memory_space<vmem>>
      %dma_wait3A_1232 = tpu.memref_squeeze %dma_wait3A_1231 : memref<1x256xi32, #tpu.memory_space<vmem>> -> memref<256xi32, #tpu.memory_space<vmem>>
      %dma_wait3A_1233 = arith.constant 0 : i32
      %dma_wait3A_1234 = arith.constant 0 : i32
      %dma_wait3A_1235 = tpu.memref_slice %arg10[%dma_wait3A_1233, %dma_wait3A_1234] : memref<10112x16xf32, #tpu.memory_space<vmem_shared>> -> memref<10112x16xf32, #tpu.memory_space<vmem_shared>>
      %dma_wait3A_1236 = tpu.memref_slice %arg12[%dma_wait3A_1225] : memref<8x!tpu.dma_semaphore, #tpu.memory_space<semaphore_mem>> -> memref<1x!tpu.dma_semaphore, #tpu.memory_space<semaphore_mem>>
      %dma_wait3A_1237 = tpu.memref_squeeze %dma_wait3A_1236 : memref<1x!tpu.dma_semaphore, #tpu.memory_space<semaphore_mem>> -> memref<!tpu.dma_semaphore, #tpu.memory_space<semaphore_mem>>
      tpu.wait_indirect_dma semaphore(%dma_wait3A_1237 : memref<!tpu.dma_semaphore, #tpu.memory_space<semaphore_mem>>) src(%dma_wait3A_1235 : memref<10112x16xf32, #tpu.memory_space<vmem_shared>>) dst(%dma_wait3A_1229 : memref<256x16xf32, #tpu.memory_space<vmem>>)
      %add3A_1238 = arith.constant 3 : i32
      %add3A_1239 = arith.addi %mul3A_1125, %add3A_1238 : i32
      %dma_start3A_1240 = arith.constant 3 : i32
      %dma_start3A_1241 = arith.constant 3 : i32
      %dma_start3A_1242 = arith.constant 0 : i32
      %dma_start3A_1243 = arith.constant 0 : i32
      %dma_start3A_1244 = tpu.memref_slice %arg8[%dma_start3A_1240, %dma_start3A_1242, %dma_start3A_1243] : memref<8x256x16xf32, #tpu.memory_space<vmem>> -> memref<1x256x16xf32, #tpu.memory_space<vmem>>
      %dma_start3A_1245 = tpu.memref_squeeze %dma_start3A_1244 : memref<1x256x16xf32, #tpu.memory_space<vmem>> -> memref<256x16xf32, #tpu.memory_space<vmem>>
      %dma_start3A_1246 = arith.constant 0 : i32
      %dma_start3A_1247 = tpu.memref_slice %arg7[%add3A_1239, %dma_start3A_1246] : memref<40x256xi32, #tpu.memory_space<vmem>> -> memref<1x256xi32, #tpu.memory_space<vmem>>
      %dma_start3A_1248 = tpu.memref_squeeze %dma_start3A_1247 : memref<1x256xi32, #tpu.memory_space<vmem>> -> memref<256xi32, #tpu.memory_space<vmem>>
      %dma_start3A_1249 = arith.constant 0 : i32
      %dma_start3A_1250 = arith.constant 0 : i32
      %dma_start3A_1251 = tpu.memref_slice %arg11[%dma_start3A_1249, %dma_start3A_1250] : memref<10112x16xf32, #tpu.memory_space<vmem_shared>> -> memref<10112x16xf32, #tpu.memory_space<vmem_shared>>
      %dma_start3A_1252 = tpu.memref_slice %arg13[%dma_start3A_1241] : memref<8x!tpu.dma_semaphore, #tpu.memory_space<semaphore_mem>> -> memref<1x!tpu.dma_semaphore, #tpu.memory_space<semaphore_mem>>
      %dma_start3A_1253 = tpu.memref_squeeze %dma_start3A_1252 : memref<1x!tpu.dma_semaphore, #tpu.memory_space<semaphore_mem>> -> memref<!tpu.dma_semaphore, #tpu.memory_space<semaphore_mem>>
      tpu.enqueue_indirect_dma source(%dma_start3A_1245 : memref<256x16xf32, #tpu.memory_space<vmem>>) target(%dma_start3A_1251 : memref<10112x16xf32, #tpu.memory_space<vmem_shared>>) offsets(%dma_start3A_1248 : memref<256xi32, #tpu.memory_space<vmem>>) semaphore(%dma_start3A_1253 : memref<!tpu.dma_semaphore, #tpu.memory_space<semaphore_mem>>) {add = true}
      %add3A_1254 = arith.constant 4 : i32
      %add3A_1255 = arith.addi %mul3A_1125, %add3A_1254 : i32
      %dma_wait3A_1256 = arith.constant 4 : i32
      %dma_wait3A_1257 = arith.constant 4 : i32
      %dma_wait3A_1258 = arith.constant 0 : i32
      %dma_wait3A_1259 = arith.constant 0 : i32
      %dma_wait3A_1260 = tpu.memref_slice %arg8[%dma_wait3A_1256, %dma_wait3A_1258, %dma_wait3A_1259] : memref<8x256x16xf32, #tpu.memory_space<vmem>> -> memref<1x256x16xf32, #tpu.memory_space<vmem>>
      %dma_wait3A_1261 = tpu.memref_squeeze %dma_wait3A_1260 : memref<1x256x16xf32, #tpu.memory_space<vmem>> -> memref<256x16xf32, #tpu.memory_space<vmem>>
      %dma_wait3A_1262 = arith.constant 0 : i32
      %dma_wait3A_1263 = tpu.memref_slice %arg6[%add3A_1255, %dma_wait3A_1262] : memref<40x256xi32, #tpu.memory_space<vmem>> -> memref<1x256xi32, #tpu.memory_space<vmem>>
      %dma_wait3A_1264 = tpu.memref_squeeze %dma_wait3A_1263 : memref<1x256xi32, #tpu.memory_space<vmem>> -> memref<256xi32, #tpu.memory_space<vmem>>
      %dma_wait3A_1265 = arith.constant 0 : i32
      %dma_wait3A_1266 = arith.constant 0 : i32
      %dma_wait3A_1267 = tpu.memref_slice %arg10[%dma_wait3A_1265, %dma_wait3A_1266] : memref<10112x16xf32, #tpu.memory_space<vmem_shared>> -> memref<10112x16xf32, #tpu.memory_space<vmem_shared>>
      %dma_wait3A_1268 = tpu.memref_slice %arg12[%dma_wait3A_1257] : memref<8x!tpu.dma_semaphore, #tpu.memory_space<semaphore_mem>> -> memref<1x!tpu.dma_semaphore, #tpu.memory_space<semaphore_mem>>
      %dma_wait3A_1269 = tpu.memref_squeeze %dma_wait3A_1268 : memref<1x!tpu.dma_semaphore, #tpu.memory_space<semaphore_mem>> -> memref<!tpu.dma_semaphore, #tpu.memory_space<semaphore_mem>>
      tpu.wait_indirect_dma semaphore(%dma_wait3A_1269 : memref<!tpu.dma_semaphore, #tpu.memory_space<semaphore_mem>>) src(%dma_wait3A_1267 : memref<10112x16xf32, #tpu.memory_space<vmem_shared>>) dst(%dma_wait3A_1261 : memref<256x16xf32, #tpu.memory_space<vmem>>)
      %add3A_1270 = arith.constant 4 : i32
      %add3A_1271 = arith.addi %mul3A_1125, %add3A_1270 : i32
      %dma_start3A_1272 = arith.constant 4 : i32
      %dma_start3A_1273 = arith.constant 4 : i32
      %dma_start3A_1274 = arith.constant 0 : i32
      %dma_start3A_1275 = arith.constant 0 : i32
      %dma_start3A_1276 = tpu.memref_slice %arg8[%dma_start3A_1272, %dma_start3A_1274, %dma_start3A_1275] : memref<8x256x16xf32, #tpu.memory_space<vmem>> -> memref<1x256x16xf32, #tpu.memory_space<vmem>>
      %dma_start3A_1277 = tpu.memref_squeeze %dma_start3A_1276 : memref<1x256x16xf32, #tpu.memory_space<vmem>> -> memref<256x16xf32, #tpu.memory_space<vmem>>
      %dma_start3A_1278 = arith.constant 0 : i32
      %dma_start3A_1279 = tpu.memref_slice %arg7[%add3A_1271, %dma_start3A_1278] : memref<40x256xi32, #tpu.memory_space<vmem>> -> memref<1x256xi32, #tpu.memory_space<vmem>>
      %dma_start3A_1280 = tpu.memref_squeeze %dma_start3A_1279 : memref<1x256xi32, #tpu.memory_space<vmem>> -> memref<256xi32, #tpu.memory_space<vmem>>
      %dma_start3A_1281 = arith.constant 0 : i32
      %dma_start3A_1282 = arith.constant 0 : i32
      %dma_start3A_1283 = tpu.memref_slice %arg11[%dma_start3A_1281, %dma_start3A_1282] : memref<10112x16xf32, #tpu.memory_space<vmem_shared>> -> memref<10112x16xf32, #tpu.memory_space<vmem_shared>>
      %dma_start3A_1284 = tpu.memref_slice %arg13[%dma_start3A_1273] : memref<8x!tpu.dma_semaphore, #tpu.memory_space<semaphore_mem>> -> memref<1x!tpu.dma_semaphore, #tpu.memory_space<semaphore_mem>>
      %dma_start3A_1285 = tpu.memref_squeeze %dma_start3A_1284 : memref<1x!tpu.dma_semaphore, #tpu.memory_space<semaphore_mem>> -> memref<!tpu.dma_semaphore, #tpu.memory_space<semaphore_mem>>
      tpu.enqueue_indirect_dma source(%dma_start3A_1277 : memref<256x16xf32, #tpu.memory_space<vmem>>) target(%dma_start3A_1283 : memref<10112x16xf32, #tpu.memory_space<vmem_shared>>) offsets(%dma_start3A_1280 : memref<256xi32, #tpu.memory_space<vmem>>) semaphore(%dma_start3A_1285 : memref<!tpu.dma_semaphore, #tpu.memory_space<semaphore_mem>>) {add = true}
      %add3A_1286 = arith.constant 5 : i32
      %add3A_1287 = arith.addi %mul3A_1125, %add3A_1286 : i32
      %dma_wait3A_1288 = arith.constant 5 : i32
      %dma_wait3A_1289 = arith.constant 5 : i32
      %dma_wait3A_1290 = arith.constant 0 : i32
      %dma_wait3A_1291 = arith.constant 0 : i32
      %dma_wait3A_1292 = tpu.memref_slice %arg8[%dma_wait3A_1288, %dma_wait3A_1290, %dma_wait3A_1291] : memref<8x256x16xf32, #tpu.memory_space<vmem>> -> memref<1x256x16xf32, #tpu.memory_space<vmem>>
      %dma_wait3A_1293 = tpu.memref_squeeze %dma_wait3A_1292 : memref<1x256x16xf32, #tpu.memory_space<vmem>> -> memref<256x16xf32, #tpu.memory_space<vmem>>
      %dma_wait3A_1294 = arith.constant 0 : i32
      %dma_wait3A_1295 = tpu.memref_slice %arg6[%add3A_1287, %dma_wait3A_1294] : memref<40x256xi32, #tpu.memory_space<vmem>> -> memref<1x256xi32, #tpu.memory_space<vmem>>
      %dma_wait3A_1296 = tpu.memref_squeeze %dma_wait3A_1295 : memref<1x256xi32, #tpu.memory_space<vmem>> -> memref<256xi32, #tpu.memory_space<vmem>>
      %dma_wait3A_1297 = arith.constant 0 : i32
      %dma_wait3A_1298 = arith.constant 0 : i32
      %dma_wait3A_1299 = tpu.memref_slice %arg10[%dma_wait3A_1297, %dma_wait3A_1298] : memref<10112x16xf32, #tpu.memory_space<vmem_shared>> -> memref<10112x16xf32, #tpu.memory_space<vmem_shared>>
      %dma_wait3A_1300 = tpu.memref_slice %arg12[%dma_wait3A_1289] : memref<8x!tpu.dma_semaphore, #tpu.memory_space<semaphore_mem>> -> memref<1x!tpu.dma_semaphore, #tpu.memory_space<semaphore_mem>>
      %dma_wait3A_1301 = tpu.memref_squeeze %dma_wait3A_1300 : memref<1x!tpu.dma_semaphore, #tpu.memory_space<semaphore_mem>> -> memref<!tpu.dma_semaphore, #tpu.memory_space<semaphore_mem>>
      tpu.wait_indirect_dma semaphore(%dma_wait3A_1301 : memref<!tpu.dma_semaphore, #tpu.memory_space<semaphore_mem>>) src(%dma_wait3A_1299 : memref<10112x16xf32, #tpu.memory_space<vmem_shared>>) dst(%dma_wait3A_1293 : memref<256x16xf32, #tpu.memory_space<vmem>>)
      %add3A_1302 = arith.constant 5 : i32
      %add3A_1303 = arith.addi %mul3A_1125, %add3A_1302 : i32
      %dma_start3A_1304 = arith.constant 5 : i32
      %dma_start3A_1305 = arith.constant 5 : i32
      %dma_start3A_1306 = arith.constant 0 : i32
      %dma_start3A_1307 = arith.constant 0 : i32
      %dma_start3A_1308 = tpu.memref_slice %arg8[%dma_start3A_1304, %dma_start3A_1306, %dma_start3A_1307] : memref<8x256x16xf32, #tpu.memory_space<vmem>> -> memref<1x256x16xf32, #tpu.memory_space<vmem>>
      %dma_start3A_1309 = tpu.memref_squeeze %dma_start3A_1308 : memref<1x256x16xf32, #tpu.memory_space<vmem>> -> memref<256x16xf32, #tpu.memory_space<vmem>>
      %dma_start3A_1310 = arith.constant 0 : i32
      %dma_start3A_1311 = tpu.memref_slice %arg7[%add3A_1303, %dma_start3A_1310] : memref<40x256xi32, #tpu.memory_space<vmem>> -> memref<1x256xi32, #tpu.memory_space<vmem>>
      %dma_start3A_1312 = tpu.memref_squeeze %dma_start3A_1311 : memref<1x256xi32, #tpu.memory_space<vmem>> -> memref<256xi32, #tpu.memory_space<vmem>>
      %dma_start3A_1313 = arith.constant 0 : i32
      %dma_start3A_1314 = arith.constant 0 : i32
      %dma_start3A_1315 = tpu.memref_slice %arg11[%dma_start3A_1313, %dma_start3A_1314] : memref<10112x16xf32, #tpu.memory_space<vmem_shared>> -> memref<10112x16xf32, #tpu.memory_space<vmem_shared>>
      %dma_start3A_1316 = tpu.memref_slice %arg13[%dma_start3A_1305] : memref<8x!tpu.dma_semaphore, #tpu.memory_space<semaphore_mem>> -> memref<1x!tpu.dma_semaphore, #tpu.memory_space<semaphore_mem>>
      %dma_start3A_1317 = tpu.memref_squeeze %dma_start3A_1316 : memref<1x!tpu.dma_semaphore, #tpu.memory_space<semaphore_mem>> -> memref<!tpu.dma_semaphore, #tpu.memory_space<semaphore_mem>>
      tpu.enqueue_indirect_dma source(%dma_start3A_1309 : memref<256x16xf32, #tpu.memory_space<vmem>>) target(%dma_start3A_1315 : memref<10112x16xf32, #tpu.memory_space<vmem_shared>>) offsets(%dma_start3A_1312 : memref<256xi32, #tpu.memory_space<vmem>>) semaphore(%dma_start3A_1317 : memref<!tpu.dma_semaphore, #tpu.memory_space<semaphore_mem>>) {add = true}
      %add3A_1318 = arith.constant 6 : i32
      %add3A_1319 = arith.addi %mul3A_1125, %add3A_1318 : i32
      %dma_wait3A_1320 = arith.constant 6 : i32
      %dma_wait3A_1321 = arith.constant 6 : i32
      %dma_wait3A_1322 = arith.constant 0 : i32
      %dma_wait3A_1323 = arith.constant 0 : i32
      %dma_wait3A_1324 = tpu.memref_slice %arg8[%dma_wait3A_1320, %dma_wait3A_1322, %dma_wait3A_1323] : memref<8x256x16xf32, #tpu.memory_space<vmem>> -> memref<1x256x16xf32, #tpu.memory_space<vmem>>
      %dma_wait3A_1325 = tpu.memref_squeeze %dma_wait3A_1324 : memref<1x256x16xf32, #tpu.memory_space<vmem>> -> memref<256x16xf32, #tpu.memory_space<vmem>>
      %dma_wait3A_1326 = arith.constant 0 : i32
      %dma_wait3A_1327 = tpu.memref_slice %arg6[%add3A_1319, %dma_wait3A_1326] : memref<40x256xi32, #tpu.memory_space<vmem>> -> memref<1x256xi32, #tpu.memory_space<vmem>>
      %dma_wait3A_1328 = tpu.memref_squeeze %dma_wait3A_1327 : memref<1x256xi32, #tpu.memory_space<vmem>> -> memref<256xi32, #tpu.memory_space<vmem>>
      %dma_wait3A_1329 = arith.constant 0 : i32
      %dma_wait3A_1330 = arith.constant 0 : i32
      %dma_wait3A_1331 = tpu.memref_slice %arg10[%dma_wait3A_1329, %dma_wait3A_1330] : memref<10112x16xf32, #tpu.memory_space<vmem_shared>> -> memref<10112x16xf32, #tpu.memory_space<vmem_shared>>
      %dma_wait3A_1332 = tpu.memref_slice %arg12[%dma_wait3A_1321] : memref<8x!tpu.dma_semaphore, #tpu.memory_space<semaphore_mem>> -> memref<1x!tpu.dma_semaphore, #tpu.memory_space<semaphore_mem>>
      %dma_wait3A_1333 = tpu.memref_squeeze %dma_wait3A_1332 : memref<1x!tpu.dma_semaphore, #tpu.memory_space<semaphore_mem>> -> memref<!tpu.dma_semaphore, #tpu.memory_space<semaphore_mem>>
      tpu.wait_indirect_dma semaphore(%dma_wait3A_1333 : memref<!tpu.dma_semaphore, #tpu.memory_space<semaphore_mem>>) src(%dma_wait3A_1331 : memref<10112x16xf32, #tpu.memory_space<vmem_shared>>) dst(%dma_wait3A_1325 : memref<256x16xf32, #tpu.memory_space<vmem>>)
      %add3A_1334 = arith.constant 6 : i32
      %add3A_1335 = arith.addi %mul3A_1125, %add3A_1334 : i32
      %dma_start3A_1336 = arith.constant 6 : i32
      %dma_start3A_1337 = arith.constant 6 : i32
      %dma_start3A_1338 = arith.constant 0 : i32
      %dma_start3A_1339 = arith.constant 0 : i32
      %dma_start3A_1340 = tpu.memref_slice %arg8[%dma_start3A_1336, %dma_start3A_1338, %dma_start3A_1339] : memref<8x256x16xf32, #tpu.memory_space<vmem>> -> memref<1x256x16xf32, #tpu.memory_space<vmem>>
      %dma_start3A_1341 = tpu.memref_squeeze %dma_start3A_1340 : memref<1x256x16xf32, #tpu.memory_space<vmem>> -> memref<256x16xf32, #tpu.memory_space<vmem>>
      %dma_start3A_1342 = arith.constant 0 : i32
      %dma_start3A_1343 = tpu.memref_slice %arg7[%add3A_1335, %dma_start3A_1342] : memref<40x256xi32, #tpu.memory_space<vmem>> -> memref<1x256xi32, #tpu.memory_space<vmem>>
      %dma_start3A_1344 = tpu.memref_squeeze %dma_start3A_1343 : memref<1x256xi32, #tpu.memory_space<vmem>> -> memref<256xi32, #tpu.memory_space<vmem>>
      %dma_start3A_1345 = arith.constant 0 : i32
      %dma_start3A_1346 = arith.constant 0 : i32
      %dma_start3A_1347 = tpu.memref_slice %arg11[%dma_start3A_1345, %dma_start3A_1346] : memref<10112x16xf32, #tpu.memory_space<vmem_shared>> -> memref<10112x16xf32, #tpu.memory_space<vmem_shared>>
      %dma_start3A_1348 = tpu.memref_slice %arg13[%dma_start3A_1337] : memref<8x!tpu.dma_semaphore, #tpu.memory_space<semaphore_mem>> -> memref<1x!tpu.dma_semaphore, #tpu.memory_space<semaphore_mem>>
      %dma_start3A_1349 = tpu.memref_squeeze %dma_start3A_1348 : memref<1x!tpu.dma_semaphore, #tpu.memory_space<semaphore_mem>> -> memref<!tpu.dma_semaphore, #tpu.memory_space<semaphore_mem>>
      tpu.enqueue_indirect_dma source(%dma_start3A_1341 : memref<256x16xf32, #tpu.memory_space<vmem>>) target(%dma_start3A_1347 : memref<10112x16xf32, #tpu.memory_space<vmem_shared>>) offsets(%dma_start3A_1344 : memref<256xi32, #tpu.memory_space<vmem>>) semaphore(%dma_start3A_1349 : memref<!tpu.dma_semaphore, #tpu.memory_space<semaphore_mem>>) {add = true}
      %add3A_1350 = arith.constant 7 : i32
      %add3A_1351 = arith.addi %mul3A_1125, %add3A_1350 : i32
      %dma_wait3A_1352 = arith.constant 7 : i32
      %dma_wait3A_1353 = arith.constant 7 : i32
      %dma_wait3A_1354 = arith.constant 0 : i32
      %dma_wait3A_1355 = arith.constant 0 : i32
      %dma_wait3A_1356 = tpu.memref_slice %arg8[%dma_wait3A_1352, %dma_wait3A_1354, %dma_wait3A_1355] : memref<8x256x16xf32, #tpu.memory_space<vmem>> -> memref<1x256x16xf32, #tpu.memory_space<vmem>>
      %dma_wait3A_1357 = tpu.memref_squeeze %dma_wait3A_1356 : memref<1x256x16xf32, #tpu.memory_space<vmem>> -> memref<256x16xf32, #tpu.memory_space<vmem>>
      %dma_wait3A_1358 = arith.constant 0 : i32
      %dma_wait3A_1359 = tpu.memref_slice %arg6[%add3A_1351, %dma_wait3A_1358] : memref<40x256xi32, #tpu.memory_space<vmem>> -> memref<1x256xi32, #tpu.memory_space<vmem>>
      %dma_wait3A_1360 = tpu.memref_squeeze %dma_wait3A_1359 : memref<1x256xi32, #tpu.memory_space<vmem>> -> memref<256xi32, #tpu.memory_space<vmem>>
      %dma_wait3A_1361 = arith.constant 0 : i32
      %dma_wait3A_1362 = arith.constant 0 : i32
      %dma_wait3A_1363 = tpu.memref_slice %arg10[%dma_wait3A_1361, %dma_wait3A_1362] : memref<10112x16xf32, #tpu.memory_space<vmem_shared>> -> memref<10112x16xf32, #tpu.memory_space<vmem_shared>>
      %dma_wait3A_1364 = tpu.memref_slice %arg12[%dma_wait3A_1353] : memref<8x!tpu.dma_semaphore, #tpu.memory_space<semaphore_mem>> -> memref<1x!tpu.dma_semaphore, #tpu.memory_space<semaphore_mem>>
      %dma_wait3A_1365 = tpu.memref_squeeze %dma_wait3A_1364 : memref<1x!tpu.dma_semaphore, #tpu.memory_space<semaphore_mem>> -> memref<!tpu.dma_semaphore, #tpu.memory_space<semaphore_mem>>
      tpu.wait_indirect_dma semaphore(%dma_wait3A_1365 : memref<!tpu.dma_semaphore, #tpu.memory_space<semaphore_mem>>) src(%dma_wait3A_1363 : memref<10112x16xf32, #tpu.memory_space<vmem_shared>>) dst(%dma_wait3A_1357 : memref<256x16xf32, #tpu.memory_space<vmem>>)
      %add3A_1366 = arith.constant 7 : i32
      %add3A_1367 = arith.addi %mul3A_1125, %add3A_1366 : i32
      %dma_start3A_1368 = arith.constant 7 : i32
      %dma_start3A_1369 = arith.constant 7 : i32
      %dma_start3A_1370 = arith.constant 0 : i32
      %dma_start3A_1371 = arith.constant 0 : i32
      %dma_start3A_1372 = tpu.memref_slice %arg8[%dma_start3A_1368, %dma_start3A_1370, %dma_start3A_1371] : memref<8x256x16xf32, #tpu.memory_space<vmem>> -> memref<1x256x16xf32, #tpu.memory_space<vmem>>
      %dma_start3A_1373 = tpu.memref_squeeze %dma_start3A_1372 : memref<1x256x16xf32, #tpu.memory_space<vmem>> -> memref<256x16xf32, #tpu.memory_space<vmem>>
      %dma_start3A_1374 = arith.constant 0 : i32
      %dma_start3A_1375 = tpu.memref_slice %arg7[%add3A_1367, %dma_start3A_1374] : memref<40x256xi32, #tpu.memory_space<vmem>> -> memref<1x256xi32, #tpu.memory_space<vmem>>
      %dma_start3A_1376 = tpu.memref_squeeze %dma_start3A_1375 : memref<1x256xi32, #tpu.memory_space<vmem>> -> memref<256xi32, #tpu.memory_space<vmem>>
      %dma_start3A_1377 = arith.constant 0 : i32
      %dma_start3A_1378 = arith.constant 0 : i32
      %dma_start3A_1379 = tpu.memref_slice %arg11[%dma_start3A_1377, %dma_start3A_1378] : memref<10112x16xf32, #tpu.memory_space<vmem_shared>> -> memref<10112x16xf32, #tpu.memory_space<vmem_shared>>
      %dma_start3A_1380 = tpu.memref_slice %arg13[%dma_start3A_1369] : memref<8x!tpu.dma_semaphore, #tpu.memory_space<semaphore_mem>> -> memref<1x!tpu.dma_semaphore, #tpu.memory_space<semaphore_mem>>
      %dma_start3A_1381 = tpu.memref_squeeze %dma_start3A_1380 : memref<1x!tpu.dma_semaphore, #tpu.memory_space<semaphore_mem>> -> memref<!tpu.dma_semaphore, #tpu.memory_space<semaphore_mem>>
      tpu.enqueue_indirect_dma source(%dma_start3A_1373 : memref<256x16xf32, #tpu.memory_space<vmem>>) target(%dma_start3A_1379 : memref<10112x16xf32, #tpu.memory_space<vmem_shared>>) offsets(%dma_start3A_1376 : memref<256xi32, #tpu.memory_space<vmem>>) semaphore(%dma_start3A_1381 : memref<!tpu.dma_semaphore, #tpu.memory_space<semaphore_mem>>) {add = true}
      %add3A_1382 = arith.constant 0 : i32
      %add3A_1383 = arith.addi %mul3A_1125, %add3A_1382 : i32
      %dma_wait3A_1384 = arith.constant 0 : i32
      %dma_wait3A_1385 = arith.constant 0 : i32
      %dma_wait3A_1386 = arith.constant 0 : i32
      %dma_wait3A_1387 = arith.constant 0 : i32
      %dma_wait3A_1388 = tpu.memref_slice %arg8[%dma_wait3A_1384, %dma_wait3A_1386, %dma_wait3A_1387] : memref<8x256x16xf32, #tpu.memory_space<vmem>> -> memref<1x256x16xf32, #tpu.memory_space<vmem>>
      %dma_wait3A_1389 = tpu.memref_squeeze %dma_wait3A_1388 : memref<1x256x16xf32, #tpu.memory_space<vmem>> -> memref<256x16xf32, #tpu.memory_space<vmem>>
      %dma_wait3A_1390 = arith.constant 0 : i32
      %dma_wait3A_1391 = tpu.memref_slice %arg7[%add3A_1383, %dma_wait3A_1390] : memref<40x256xi32, #tpu.memory_space<vmem>> -> memref<1x256xi32, #tpu.memory_space<vmem>>
      %dma_wait3A_1392 = tpu.memref_squeeze %dma_wait3A_1391 : memref<1x256xi32, #tpu.memory_space<vmem>> -> memref<256xi32, #tpu.memory_space<vmem>>
      %dma_wait3A_1393 = arith.constant 0 : i32
      %dma_wait3A_1394 = arith.constant 0 : i32
      %dma_wait3A_1395 = tpu.memref_slice %arg11[%dma_wait3A_1393, %dma_wait3A_1394] : memref<10112x16xf32, #tpu.memory_space<vmem_shared>> -> memref<10112x16xf32, #tpu.memory_space<vmem_shared>>
      %dma_wait3A_1396 = tpu.memref_slice %arg13[%dma_wait3A_1385] : memref<8x!tpu.dma_semaphore, #tpu.memory_space<semaphore_mem>> -> memref<1x!tpu.dma_semaphore, #tpu.memory_space<semaphore_mem>>
      %dma_wait3A_1397 = tpu.memref_squeeze %dma_wait3A_1396 : memref<1x!tpu.dma_semaphore, #tpu.memory_space<semaphore_mem>> -> memref<!tpu.dma_semaphore, #tpu.memory_space<semaphore_mem>>
      tpu.wait_indirect_dma semaphore(%dma_wait3A_1397 : memref<!tpu.dma_semaphore, #tpu.memory_space<semaphore_mem>>) src(%dma_wait3A_1389 : memref<256x16xf32, #tpu.memory_space<vmem>>) dst(%dma_wait3A_1395 : memref<10112x16xf32, #tpu.memory_space<vmem_shared>>)
      %add3A_1398 = arith.constant 1 : i32
      %add3A_1399 = arith.addi %scan3A_1123, %add3A_1398 : i32
      %lt3A = arith.constant 5 : i32
      %lt3A_1400 = arith.cmpi slt, %add3A_1399, %lt3A : i32
      %convert_element_type3A = arith.extui %lt3A_1400 : i1 to i32
      %cond3A = arith.constant 0 : i32
      %cond3A_1401 = arith.cmpi ne, %convert_element_type3A, %cond3A : i32
      scf.if %cond3A_1401 {
        %add3A_1563 = arith.constant 8 : i32
        %add3A_1564 = arith.addi %mul3A_1125, %add3A_1563 : i32
        %add3A_1565 = arith.constant 0 : i32
        %add3A_1566 = arith.addi %add3A_1564, %add3A_1565 : i32
        %dma_start3A_1567 = arith.constant 0 : i32
        %dma_start3A_1568 = arith.constant 0 : i32
        %dma_start3A_1569 = arith.constant 0 : i32
        %dma_start3A_1570 = arith.constant 0 : i32
        %dma_start3A_1571 = tpu.memref_slice %arg8[%dma_start3A_1567, %dma_start3A_1569, %dma_start3A_1570] : memref<8x256x16xf32, #tpu.memory_space<vmem>> -> memref<1x256x16xf32, #tpu.memory_space<vmem>>
        %dma_start3A_1572 = tpu.memref_squeeze %dma_start3A_1571 : memref<1x256x16xf32, #tpu.memory_space<vmem>> -> memref<256x16xf32, #tpu.memory_space<vmem>>
        %dma_start3A_1573 = arith.constant 0 : i32
        %dma_start3A_1574 = tpu.memref_slice %arg6[%add3A_1566, %dma_start3A_1573] : memref<40x256xi32, #tpu.memory_space<vmem>> -> memref<1x256xi32, #tpu.memory_space<vmem>>
        %dma_start3A_1575 = tpu.memref_squeeze %dma_start3A_1574 : memref<1x256xi32, #tpu.memory_space<vmem>> -> memref<256xi32, #tpu.memory_space<vmem>>
        %dma_start3A_1576 = arith.constant 0 : i32
        %dma_start3A_1577 = arith.constant 0 : i32
        %dma_start3A_1578 = tpu.memref_slice %arg10[%dma_start3A_1576, %dma_start3A_1577] : memref<10112x16xf32, #tpu.memory_space<vmem_shared>> -> memref<10112x16xf32, #tpu.memory_space<vmem_shared>>
        %dma_start3A_1579 = tpu.memref_slice %arg12[%dma_start3A_1568] : memref<8x!tpu.dma_semaphore, #tpu.memory_space<semaphore_mem>> -> memref<1x!tpu.dma_semaphore, #tpu.memory_space<semaphore_mem>>
        %dma_start3A_1580 = tpu.memref_squeeze %dma_start3A_1579 : memref<1x!tpu.dma_semaphore, #tpu.memory_space<semaphore_mem>> -> memref<!tpu.dma_semaphore, #tpu.memory_space<semaphore_mem>>
        tpu.enqueue_indirect_dma source(%dma_start3A_1578 : memref<10112x16xf32, #tpu.memory_space<vmem_shared>>) target(%dma_start3A_1572 : memref<256x16xf32, #tpu.memory_space<vmem>>) offsets(%dma_start3A_1575 : memref<256xi32, #tpu.memory_space<vmem>>) semaphore(%dma_start3A_1580 : memref<!tpu.dma_semaphore, #tpu.memory_space<semaphore_mem>>)
      } else {
      }
      %add3A_1402 = arith.constant 1 : i32
      %add3A_1403 = arith.addi %mul3A_1125, %add3A_1402 : i32
      %dma_wait3A_1404 = arith.constant 1 : i32
      %dma_wait3A_1405 = arith.constant 1 : i32
      %dma_wait3A_1406 = arith.constant 0 : i32
      %dma_wait3A_1407 = arith.constant 0 : i32
      %dma_wait3A_1408 = tpu.memref_slice %arg8[%dma_wait3A_1404, %dma_wait3A_1406, %dma_wait3A_1407] : memref<8x256x16xf32, #tpu.memory_space<vmem>> -> memref<1x256x16xf32, #tpu.memory_space<vmem>>
      %dma_wait3A_1409 = tpu.memref_squeeze %dma_wait3A_1408 : memref<1x256x16xf32, #tpu.memory_space<vmem>> -> memref<256x16xf32, #tpu.memory_space<vmem>>
      %dma_wait3A_1410 = arith.constant 0 : i32
      %dma_wait3A_1411 = tpu.memref_slice %arg7[%add3A_1403, %dma_wait3A_1410] : memref<40x256xi32, #tpu.memory_space<vmem>> -> memref<1x256xi32, #tpu.memory_space<vmem>>
      %dma_wait3A_1412 = tpu.memref_squeeze %dma_wait3A_1411 : memref<1x256xi32, #tpu.memory_space<vmem>> -> memref<256xi32, #tpu.memory_space<vmem>>
      %dma_wait3A_1413 = arith.constant 0 : i32
      %dma_wait3A_1414 = arith.constant 0 : i32
      %dma_wait3A_1415 = tpu.memref_slice %arg11[%dma_wait3A_1413, %dma_wait3A_1414] : memref<10112x16xf32, #tpu.memory_space<vmem_shared>> -> memref<10112x16xf32, #tpu.memory_space<vmem_shared>>
      %dma_wait3A_1416 = tpu.memref_slice %arg13[%dma_wait3A_1405] : memref<8x!tpu.dma_semaphore, #tpu.memory_space<semaphore_mem>> -> memref<1x!tpu.dma_semaphore, #tpu.memory_space<semaphore_mem>>
      %dma_wait3A_1417 = tpu.memref_squeeze %dma_wait3A_1416 : memref<1x!tpu.dma_semaphore, #tpu.memory_space<semaphore_mem>> -> memref<!tpu.dma_semaphore, #tpu.memory_space<semaphore_mem>>
      tpu.wait_indirect_dma semaphore(%dma_wait3A_1417 : memref<!tpu.dma_semaphore, #tpu.memory_space<semaphore_mem>>) src(%dma_wait3A_1409 : memref<256x16xf32, #tpu.memory_space<vmem>>) dst(%dma_wait3A_1415 : memref<10112x16xf32, #tpu.memory_space<vmem_shared>>)
      %add3A_1418 = arith.constant 1 : i32
      %add3A_1419 = arith.addi %scan3A_1123, %add3A_1418 : i32
      %lt3A_1420 = arith.constant 5 : i32
      %lt3A_1421 = arith.cmpi slt, %add3A_1419, %lt3A_1420 : i32
      %convert_element_type3A_1422 = arith.extui %lt3A_1421 : i1 to i32
      %cond3A_1423 = arith.constant 0 : i32
      %cond3A_1424 = arith.cmpi ne, %convert_element_type3A_1422, %cond3A_1423 : i32
      scf.if %cond3A_1424 {
        %add3A_1563 = arith.constant 8 : i32
        %add3A_1564 = arith.addi %mul3A_1125, %add3A_1563 : i32
        %add3A_1565 = arith.constant 1 : i32
        %add3A_1566 = arith.addi %add3A_1564, %add3A_1565 : i32
        %dma_start3A_1567 = arith.constant 1 : i32
        %dma_start3A_1568 = arith.constant 1 : i32
        %dma_start3A_1569 = arith.constant 0 : i32
        %dma_start3A_1570 = arith.constant 0 : i32
        %dma_start3A_1571 = tpu.memref_slice %arg8[%dma_start3A_1567, %dma_start3A_1569, %dma_start3A_1570] : memref<8x256x16xf32, #tpu.memory_space<vmem>> -> memref<1x256x16xf32, #tpu.memory_space<vmem>>
        %dma_start3A_1572 = tpu.memref_squeeze %dma_start3A_1571 : memref<1x256x16xf32, #tpu.memory_space<vmem>> -> memref<256x16xf32, #tpu.memory_space<vmem>>
        %dma_start3A_1573 = arith.constant 0 : i32
        %dma_start3A_1574 = tpu.memref_slice %arg6[%add3A_1566, %dma_start3A_1573] : memref<40x256xi32, #tpu.memory_space<vmem>> -> memref<1x256xi32, #tpu.memory_space<vmem>>
        %dma_start3A_1575 = tpu.memref_squeeze %dma_start3A_1574 : memref<1x256xi32, #tpu.memory_space<vmem>> -> memref<256xi32, #tpu.memory_space<vmem>>
        %dma_start3A_1576 = arith.constant 0 : i32
        %dma_start3A_1577 = arith.constant 0 : i32
        %dma_start3A_1578 = tpu.memref_slice %arg10[%dma_start3A_1576, %dma_start3A_1577] : memref<10112x16xf32, #tpu.memory_space<vmem_shared>> -> memref<10112x16xf32, #tpu.memory_space<vmem_shared>>
        %dma_start3A_1579 = tpu.memref_slice %arg12[%dma_start3A_1568] : memref<8x!tpu.dma_semaphore, #tpu.memory_space<semaphore_mem>> -> memref<1x!tpu.dma_semaphore, #tpu.memory_space<semaphore_mem>>
        %dma_start3A_1580 = tpu.memref_squeeze %dma_start3A_1579 : memref<1x!tpu.dma_semaphore, #tpu.memory_space<semaphore_mem>> -> memref<!tpu.dma_semaphore, #tpu.memory_space<semaphore_mem>>
        tpu.enqueue_indirect_dma source(%dma_start3A_1578 : memref<10112x16xf32, #tpu.memory_space<vmem_shared>>) target(%dma_start3A_1572 : memref<256x16xf32, #tpu.memory_space<vmem>>) offsets(%dma_start3A_1575 : memref<256xi32, #tpu.memory_space<vmem>>) semaphore(%dma_start3A_1580 : memref<!tpu.dma_semaphore, #tpu.memory_space<semaphore_mem>>)
      } else {
      }
      %add3A_1425 = arith.constant 2 : i32
      %add3A_1426 = arith.addi %mul3A_1125, %add3A_1425 : i32
      %dma_wait3A_1427 = arith.constant 2 : i32
      %dma_wait3A_1428 = arith.constant 2 : i32
      %dma_wait3A_1429 = arith.constant 0 : i32
      %dma_wait3A_1430 = arith.constant 0 : i32
      %dma_wait3A_1431 = tpu.memref_slice %arg8[%dma_wait3A_1427, %dma_wait3A_1429, %dma_wait3A_1430] : memref<8x256x16xf32, #tpu.memory_space<vmem>> -> memref<1x256x16xf32, #tpu.memory_space<vmem>>
      %dma_wait3A_1432 = tpu.memref_squeeze %dma_wait3A_1431 : memref<1x256x16xf32, #tpu.memory_space<vmem>> -> memref<256x16xf32, #tpu.memory_space<vmem>>
      %dma_wait3A_1433 = arith.constant 0 : i32
      %dma_wait3A_1434 = tpu.memref_slice %arg7[%add3A_1426, %dma_wait3A_1433] : memref<40x256xi32, #tpu.memory_space<vmem>> -> memref<1x256xi32, #tpu.memory_space<vmem>>
      %dma_wait3A_1435 = tpu.memref_squeeze %dma_wait3A_1434 : memref<1x256xi32, #tpu.memory_space<vmem>> -> memref<256xi32, #tpu.memory_space<vmem>>
      %dma_wait3A_1436 = arith.constant 0 : i32
      %dma_wait3A_1437 = arith.constant 0 : i32
      %dma_wait3A_1438 = tpu.memref_slice %arg11[%dma_wait3A_1436, %dma_wait3A_1437] : memref<10112x16xf32, #tpu.memory_space<vmem_shared>> -> memref<10112x16xf32, #tpu.memory_space<vmem_shared>>
      %dma_wait3A_1439 = tpu.memref_slice %arg13[%dma_wait3A_1428] : memref<8x!tpu.dma_semaphore, #tpu.memory_space<semaphore_mem>> -> memref<1x!tpu.dma_semaphore, #tpu.memory_space<semaphore_mem>>
      %dma_wait3A_1440 = tpu.memref_squeeze %dma_wait3A_1439 : memref<1x!tpu.dma_semaphore, #tpu.memory_space<semaphore_mem>> -> memref<!tpu.dma_semaphore, #tpu.memory_space<semaphore_mem>>
      tpu.wait_indirect_dma semaphore(%dma_wait3A_1440 : memref<!tpu.dma_semaphore, #tpu.memory_space<semaphore_mem>>) src(%dma_wait3A_1432 : memref<256x16xf32, #tpu.memory_space<vmem>>) dst(%dma_wait3A_1438 : memref<10112x16xf32, #tpu.memory_space<vmem_shared>>)
      %add3A_1441 = arith.constant 1 : i32
      %add3A_1442 = arith.addi %scan3A_1123, %add3A_1441 : i32
      %lt3A_1443 = arith.constant 5 : i32
      %lt3A_1444 = arith.cmpi slt, %add3A_1442, %lt3A_1443 : i32
      %convert_element_type3A_1445 = arith.extui %lt3A_1444 : i1 to i32
      %cond3A_1446 = arith.constant 0 : i32
      %cond3A_1447 = arith.cmpi ne, %convert_element_type3A_1445, %cond3A_1446 : i32
      scf.if %cond3A_1447 {
        %add3A_1563 = arith.constant 8 : i32
        %add3A_1564 = arith.addi %mul3A_1125, %add3A_1563 : i32
        %add3A_1565 = arith.constant 2 : i32
        %add3A_1566 = arith.addi %add3A_1564, %add3A_1565 : i32
        %dma_start3A_1567 = arith.constant 2 : i32
        %dma_start3A_1568 = arith.constant 2 : i32
        %dma_start3A_1569 = arith.constant 0 : i32
        %dma_start3A_1570 = arith.constant 0 : i32
        %dma_start3A_1571 = tpu.memref_slice %arg8[%dma_start3A_1567, %dma_start3A_1569, %dma_start3A_1570] : memref<8x256x16xf32, #tpu.memory_space<vmem>> -> memref<1x256x16xf32, #tpu.memory_space<vmem>>
        %dma_start3A_1572 = tpu.memref_squeeze %dma_start3A_1571 : memref<1x256x16xf32, #tpu.memory_space<vmem>> -> memref<256x16xf32, #tpu.memory_space<vmem>>
        %dma_start3A_1573 = arith.constant 0 : i32
        %dma_start3A_1574 = tpu.memref_slice %arg6[%add3A_1566, %dma_start3A_1573] : memref<40x256xi32, #tpu.memory_space<vmem>> -> memref<1x256xi32, #tpu.memory_space<vmem>>
        %dma_start3A_1575 = tpu.memref_squeeze %dma_start3A_1574 : memref<1x256xi32, #tpu.memory_space<vmem>> -> memref<256xi32, #tpu.memory_space<vmem>>
        %dma_start3A_1576 = arith.constant 0 : i32
        %dma_start3A_1577 = arith.constant 0 : i32
        %dma_start3A_1578 = tpu.memref_slice %arg10[%dma_start3A_1576, %dma_start3A_1577] : memref<10112x16xf32, #tpu.memory_space<vmem_shared>> -> memref<10112x16xf32, #tpu.memory_space<vmem_shared>>
        %dma_start3A_1579 = tpu.memref_slice %arg12[%dma_start3A_1568] : memref<8x!tpu.dma_semaphore, #tpu.memory_space<semaphore_mem>> -> memref<1x!tpu.dma_semaphore, #tpu.memory_space<semaphore_mem>>
        %dma_start3A_1580 = tpu.memref_squeeze %dma_start3A_1579 : memref<1x!tpu.dma_semaphore, #tpu.memory_space<semaphore_mem>> -> memref<!tpu.dma_semaphore, #tpu.memory_space<semaphore_mem>>
        tpu.enqueue_indirect_dma source(%dma_start3A_1578 : memref<10112x16xf32, #tpu.memory_space<vmem_shared>>) target(%dma_start3A_1572 : memref<256x16xf32, #tpu.memory_space<vmem>>) offsets(%dma_start3A_1575 : memref<256xi32, #tpu.memory_space<vmem>>) semaphore(%dma_start3A_1580 : memref<!tpu.dma_semaphore, #tpu.memory_space<semaphore_mem>>)
      } else {
      }
      %add3A_1448 = arith.constant 3 : i32
      %add3A_1449 = arith.addi %mul3A_1125, %add3A_1448 : i32
      %dma_wait3A_1450 = arith.constant 3 : i32
      %dma_wait3A_1451 = arith.constant 3 : i32
      %dma_wait3A_1452 = arith.constant 0 : i32
      %dma_wait3A_1453 = arith.constant 0 : i32
      %dma_wait3A_1454 = tpu.memref_slice %arg8[%dma_wait3A_1450, %dma_wait3A_1452, %dma_wait3A_1453] : memref<8x256x16xf32, #tpu.memory_space<vmem>> -> memref<1x256x16xf32, #tpu.memory_space<vmem>>
      %dma_wait3A_1455 = tpu.memref_squeeze %dma_wait3A_1454 : memref<1x256x16xf32, #tpu.memory_space<vmem>> -> memref<256x16xf32, #tpu.memory_space<vmem>>
      %dma_wait3A_1456 = arith.constant 0 : i32
      %dma_wait3A_1457 = tpu.memref_slice %arg7[%add3A_1449, %dma_wait3A_1456] : memref<40x256xi32, #tpu.memory_space<vmem>> -> memref<1x256xi32, #tpu.memory_space<vmem>>
      %dma_wait3A_1458 = tpu.memref_squeeze %dma_wait3A_1457 : memref<1x256xi32, #tpu.memory_space<vmem>> -> memref<256xi32, #tpu.memory_space<vmem>>
      %dma_wait3A_1459 = arith.constant 0 : i32
      %dma_wait3A_1460 = arith.constant 0 : i32
      %dma_wait3A_1461 = tpu.memref_slice %arg11[%dma_wait3A_1459, %dma_wait3A_1460] : memref<10112x16xf32, #tpu.memory_space<vmem_shared>> -> memref<10112x16xf32, #tpu.memory_space<vmem_shared>>
      %dma_wait3A_1462 = tpu.memref_slice %arg13[%dma_wait3A_1451] : memref<8x!tpu.dma_semaphore, #tpu.memory_space<semaphore_mem>> -> memref<1x!tpu.dma_semaphore, #tpu.memory_space<semaphore_mem>>
      %dma_wait3A_1463 = tpu.memref_squeeze %dma_wait3A_1462 : memref<1x!tpu.dma_semaphore, #tpu.memory_space<semaphore_mem>> -> memref<!tpu.dma_semaphore, #tpu.memory_space<semaphore_mem>>
      tpu.wait_indirect_dma semaphore(%dma_wait3A_1463 : memref<!tpu.dma_semaphore, #tpu.memory_space<semaphore_mem>>) src(%dma_wait3A_1455 : memref<256x16xf32, #tpu.memory_space<vmem>>) dst(%dma_wait3A_1461 : memref<10112x16xf32, #tpu.memory_space<vmem_shared>>)
      %add3A_1464 = arith.constant 1 : i32
      %add3A_1465 = arith.addi %scan3A_1123, %add3A_1464 : i32
      %lt3A_1466 = arith.constant 5 : i32
      %lt3A_1467 = arith.cmpi slt, %add3A_1465, %lt3A_1466 : i32
      %convert_element_type3A_1468 = arith.extui %lt3A_1467 : i1 to i32
      %cond3A_1469 = arith.constant 0 : i32
      %cond3A_1470 = arith.cmpi ne, %convert_element_type3A_1468, %cond3A_1469 : i32
      scf.if %cond3A_1470 {
        %add3A_1563 = arith.constant 8 : i32
        %add3A_1564 = arith.addi %mul3A_1125, %add3A_1563 : i32
        %add3A_1565 = arith.constant 3 : i32
        %add3A_1566 = arith.addi %add3A_1564, %add3A_1565 : i32
        %dma_start3A_1567 = arith.constant 3 : i32
        %dma_start3A_1568 = arith.constant 3 : i32
        %dma_start3A_1569 = arith.constant 0 : i32
        %dma_start3A_1570 = arith.constant 0 : i32
        %dma_start3A_1571 = tpu.memref_slice %arg8[%dma_start3A_1567, %dma_start3A_1569, %dma_start3A_1570] : memref<8x256x16xf32, #tpu.memory_space<vmem>> -> memref<1x256x16xf32, #tpu.memory_space<vmem>>
        %dma_start3A_1572 = tpu.memref_squeeze %dma_start3A_1571 : memref<1x256x16xf32, #tpu.memory_space<vmem>> -> memref<256x16xf32, #tpu.memory_space<vmem>>
        %dma_start3A_1573 = arith.constant 0 : i32
        %dma_start3A_1574 = tpu.memref_slice %arg6[%add3A_1566, %dma_start3A_1573] : memref<40x256xi32, #tpu.memory_space<vmem>> -> memref<1x256xi32, #tpu.memory_space<vmem>>
        %dma_start3A_1575 = tpu.memref_squeeze %dma_start3A_1574 : memref<1x256xi32, #tpu.memory_space<vmem>> -> memref<256xi32, #tpu.memory_space<vmem>>
        %dma_start3A_1576 = arith.constant 0 : i32
        %dma_start3A_1577 = arith.constant 0 : i32
        %dma_start3A_1578 = tpu.memref_slice %arg10[%dma_start3A_1576, %dma_start3A_1577] : memref<10112x16xf32, #tpu.memory_space<vmem_shared>> -> memref<10112x16xf32, #tpu.memory_space<vmem_shared>>
        %dma_start3A_1579 = tpu.memref_slice %arg12[%dma_start3A_1568] : memref<8x!tpu.dma_semaphore, #tpu.memory_space<semaphore_mem>> -> memref<1x!tpu.dma_semaphore, #tpu.memory_space<semaphore_mem>>
        %dma_start3A_1580 = tpu.memref_squeeze %dma_start3A_1579 : memref<1x!tpu.dma_semaphore, #tpu.memory_space<semaphore_mem>> -> memref<!tpu.dma_semaphore, #tpu.memory_space<semaphore_mem>>
        tpu.enqueue_indirect_dma source(%dma_start3A_1578 : memref<10112x16xf32, #tpu.memory_space<vmem_shared>>) target(%dma_start3A_1572 : memref<256x16xf32, #tpu.memory_space<vmem>>) offsets(%dma_start3A_1575 : memref<256xi32, #tpu.memory_space<vmem>>) semaphore(%dma_start3A_1580 : memref<!tpu.dma_semaphore, #tpu.memory_space<semaphore_mem>>)
      } else {
      }
      %add3A_1471 = arith.constant 4 : i32
      %add3A_1472 = arith.addi %mul3A_1125, %add3A_1471 : i32
      %dma_wait3A_1473 = arith.constant 4 : i32
      %dma_wait3A_1474 = arith.constant 4 : i32
      %dma_wait3A_1475 = arith.constant 0 : i32
      %dma_wait3A_1476 = arith.constant 0 : i32
      %dma_wait3A_1477 = tpu.memref_slice %arg8[%dma_wait3A_1473, %dma_wait3A_1475, %dma_wait3A_1476] : memref<8x256x16xf32, #tpu.memory_space<vmem>> -> memref<1x256x16xf32, #tpu.memory_space<vmem>>
      %dma_wait3A_1478 = tpu.memref_squeeze %dma_wait3A_1477 : memref<1x256x16xf32, #tpu.memory_space<vmem>> -> memref<256x16xf32, #tpu.memory_space<vmem>>
      %dma_wait3A_1479 = arith.constant 0 : i32
      %dma_wait3A_1480 = tpu.memref_slice %arg7[%add3A_1472, %dma_wait3A_1479] : memref<40x256xi32, #tpu.memory_space<vmem>> -> memref<1x256xi32, #tpu.memory_space<vmem>>
      %dma_wait3A_1481 = tpu.memref_squeeze %dma_wait3A_1480 : memref<1x256xi32, #tpu.memory_space<vmem>> -> memref<256xi32, #tpu.memory_space<vmem>>
      %dma_wait3A_1482 = arith.constant 0 : i32
      %dma_wait3A_1483 = arith.constant 0 : i32
      %dma_wait3A_1484 = tpu.memref_slice %arg11[%dma_wait3A_1482, %dma_wait3A_1483] : memref<10112x16xf32, #tpu.memory_space<vmem_shared>> -> memref<10112x16xf32, #tpu.memory_space<vmem_shared>>
      %dma_wait3A_1485 = tpu.memref_slice %arg13[%dma_wait3A_1474] : memref<8x!tpu.dma_semaphore, #tpu.memory_space<semaphore_mem>> -> memref<1x!tpu.dma_semaphore, #tpu.memory_space<semaphore_mem>>
      %dma_wait3A_1486 = tpu.memref_squeeze %dma_wait3A_1485 : memref<1x!tpu.dma_semaphore, #tpu.memory_space<semaphore_mem>> -> memref<!tpu.dma_semaphore, #tpu.memory_space<semaphore_mem>>
      tpu.wait_indirect_dma semaphore(%dma_wait3A_1486 : memref<!tpu.dma_semaphore, #tpu.memory_space<semaphore_mem>>) src(%dma_wait3A_1478 : memref<256x16xf32, #tpu.memory_space<vmem>>) dst(%dma_wait3A_1484 : memref<10112x16xf32, #tpu.memory_space<vmem_shared>>)
      %add3A_1487 = arith.constant 1 : i32
      %add3A_1488 = arith.addi %scan3A_1123, %add3A_1487 : i32
      %lt3A_1489 = arith.constant 5 : i32
      %lt3A_1490 = arith.cmpi slt, %add3A_1488, %lt3A_1489 : i32
      %convert_element_type3A_1491 = arith.extui %lt3A_1490 : i1 to i32
      %cond3A_1492 = arith.constant 0 : i32
      %cond3A_1493 = arith.cmpi ne, %convert_element_type3A_1491, %cond3A_1492 : i32
      scf.if %cond3A_1493 {
        %add3A_1563 = arith.constant 8 : i32
        %add3A_1564 = arith.addi %mul3A_1125, %add3A_1563 : i32
        %add3A_1565 = arith.constant 4 : i32
        %add3A_1566 = arith.addi %add3A_1564, %add3A_1565 : i32
        %dma_start3A_1567 = arith.constant 4 : i32
        %dma_start3A_1568 = arith.constant 4 : i32
        %dma_start3A_1569 = arith.constant 0 : i32
        %dma_start3A_1570 = arith.constant 0 : i32
        %dma_start3A_1571 = tpu.memref_slice %arg8[%dma_start3A_1567, %dma_start3A_1569, %dma_start3A_1570] : memref<8x256x16xf32, #tpu.memory_space<vmem>> -> memref<1x256x16xf32, #tpu.memory_space<vmem>>
        %dma_start3A_1572 = tpu.memref_squeeze %dma_start3A_1571 : memref<1x256x16xf32, #tpu.memory_space<vmem>> -> memref<256x16xf32, #tpu.memory_space<vmem>>
        %dma_start3A_1573 = arith.constant 0 : i32
        %dma_start3A_1574 = tpu.memref_slice %arg6[%add3A_1566, %dma_start3A_1573] : memref<40x256xi32, #tpu.memory_space<vmem>> -> memref<1x256xi32, #tpu.memory_space<vmem>>
        %dma_start3A_1575 = tpu.memref_squeeze %dma_start3A_1574 : memref<1x256xi32, #tpu.memory_space<vmem>> -> memref<256xi32, #tpu.memory_space<vmem>>
        %dma_start3A_1576 = arith.constant 0 : i32
        %dma_start3A_1577 = arith.constant 0 : i32
        %dma_start3A_1578 = tpu.memref_slice %arg10[%dma_start3A_1576, %dma_start3A_1577] : memref<10112x16xf32, #tpu.memory_space<vmem_shared>> -> memref<10112x16xf32, #tpu.memory_space<vmem_shared>>
        %dma_start3A_1579 = tpu.memref_slice %arg12[%dma_start3A_1568] : memref<8x!tpu.dma_semaphore, #tpu.memory_space<semaphore_mem>> -> memref<1x!tpu.dma_semaphore, #tpu.memory_space<semaphore_mem>>
        %dma_start3A_1580 = tpu.memref_squeeze %dma_start3A_1579 : memref<1x!tpu.dma_semaphore, #tpu.memory_space<semaphore_mem>> -> memref<!tpu.dma_semaphore, #tpu.memory_space<semaphore_mem>>
        tpu.enqueue_indirect_dma source(%dma_start3A_1578 : memref<10112x16xf32, #tpu.memory_space<vmem_shared>>) target(%dma_start3A_1572 : memref<256x16xf32, #tpu.memory_space<vmem>>) offsets(%dma_start3A_1575 : memref<256xi32, #tpu.memory_space<vmem>>) semaphore(%dma_start3A_1580 : memref<!tpu.dma_semaphore, #tpu.memory_space<semaphore_mem>>)
      } else {
      }
      %add3A_1494 = arith.constant 5 : i32
      %add3A_1495 = arith.addi %mul3A_1125, %add3A_1494 : i32
      %dma_wait3A_1496 = arith.constant 5 : i32
      %dma_wait3A_1497 = arith.constant 5 : i32
      %dma_wait3A_1498 = arith.constant 0 : i32
      %dma_wait3A_1499 = arith.constant 0 : i32
      %dma_wait3A_1500 = tpu.memref_slice %arg8[%dma_wait3A_1496, %dma_wait3A_1498, %dma_wait3A_1499] : memref<8x256x16xf32, #tpu.memory_space<vmem>> -> memref<1x256x16xf32, #tpu.memory_space<vmem>>
      %dma_wait3A_1501 = tpu.memref_squeeze %dma_wait3A_1500 : memref<1x256x16xf32, #tpu.memory_space<vmem>> -> memref<256x16xf32, #tpu.memory_space<vmem>>
      %dma_wait3A_1502 = arith.constant 0 : i32
      %dma_wait3A_1503 = tpu.memref_slice %arg7[%add3A_1495, %dma_wait3A_1502] : memref<40x256xi32, #tpu.memory_space<vmem>> -> memref<1x256xi32, #tpu.memory_space<vmem>>
      %dma_wait3A_1504 = tpu.memref_squeeze %dma_wait3A_1503 : memref<1x256xi32, #tpu.memory_space<vmem>> -> memref<256xi32, #tpu.memory_space<vmem>>
      %dma_wait3A_1505 = arith.constant 0 : i32
      %dma_wait3A_1506 = arith.constant 0 : i32
      %dma_wait3A_1507 = tpu.memref_slice %arg11[%dma_wait3A_1505, %dma_wait3A_1506] : memref<10112x16xf32, #tpu.memory_space<vmem_shared>> -> memref<10112x16xf32, #tpu.memory_space<vmem_shared>>
      %dma_wait3A_1508 = tpu.memref_slice %arg13[%dma_wait3A_1497] : memref<8x!tpu.dma_semaphore, #tpu.memory_space<semaphore_mem>> -> memref<1x!tpu.dma_semaphore, #tpu.memory_space<semaphore_mem>>
      %dma_wait3A_1509 = tpu.memref_squeeze %dma_wait3A_1508 : memref<1x!tpu.dma_semaphore, #tpu.memory_space<semaphore_mem>> -> memref<!tpu.dma_semaphore, #tpu.memory_space<semaphore_mem>>
      tpu.wait_indirect_dma semaphore(%dma_wait3A_1509 : memref<!tpu.dma_semaphore, #tpu.memory_space<semaphore_mem>>) src(%dma_wait3A_1501 : memref<256x16xf32, #tpu.memory_space<vmem>>) dst(%dma_wait3A_1507 : memref<10112x16xf32, #tpu.memory_space<vmem_shared>>)
      %add3A_1510 = arith.constant 1 : i32
      %add3A_1511 = arith.addi %scan3A_1123, %add3A_1510 : i32
      %lt3A_1512 = arith.constant 5 : i32
      %lt3A_1513 = arith.cmpi slt, %add3A_1511, %lt3A_1512 : i32
      %convert_element_type3A_1514 = arith.extui %lt3A_1513 : i1 to i32
      %cond3A_1515 = arith.constant 0 : i32
      %cond3A_1516 = arith.cmpi ne, %convert_element_type3A_1514, %cond3A_1515 : i32
      scf.if %cond3A_1516 {
        %add3A_1563 = arith.constant 8 : i32
        %add3A_1564 = arith.addi %mul3A_1125, %add3A_1563 : i32
        %add3A_1565 = arith.constant 5 : i32
        %add3A_1566 = arith.addi %add3A_1564, %add3A_1565 : i32
        %dma_start3A_1567 = arith.constant 5 : i32
        %dma_start3A_1568 = arith.constant 5 : i32
        %dma_start3A_1569 = arith.constant 0 : i32
        %dma_start3A_1570 = arith.constant 0 : i32
        %dma_start3A_1571 = tpu.memref_slice %arg8[%dma_start3A_1567, %dma_start3A_1569, %dma_start3A_1570] : memref<8x256x16xf32, #tpu.memory_space<vmem>> -> memref<1x256x16xf32, #tpu.memory_space<vmem>>
        %dma_start3A_1572 = tpu.memref_squeeze %dma_start3A_1571 : memref<1x256x16xf32, #tpu.memory_space<vmem>> -> memref<256x16xf32, #tpu.memory_space<vmem>>
        %dma_start3A_1573 = arith.constant 0 : i32
        %dma_start3A_1574 = tpu.memref_slice %arg6[%add3A_1566, %dma_start3A_1573] : memref<40x256xi32, #tpu.memory_space<vmem>> -> memref<1x256xi32, #tpu.memory_space<vmem>>
        %dma_start3A_1575 = tpu.memref_squeeze %dma_start3A_1574 : memref<1x256xi32, #tpu.memory_space<vmem>> -> memref<256xi32, #tpu.memory_space<vmem>>
        %dma_start3A_1576 = arith.constant 0 : i32
        %dma_start3A_1577 = arith.constant 0 : i32
        %dma_start3A_1578 = tpu.memref_slice %arg10[%dma_start3A_1576, %dma_start3A_1577] : memref<10112x16xf32, #tpu.memory_space<vmem_shared>> -> memref<10112x16xf32, #tpu.memory_space<vmem_shared>>
        %dma_start3A_1579 = tpu.memref_slice %arg12[%dma_start3A_1568] : memref<8x!tpu.dma_semaphore, #tpu.memory_space<semaphore_mem>> -> memref<1x!tpu.dma_semaphore, #tpu.memory_space<semaphore_mem>>
        %dma_start3A_1580 = tpu.memref_squeeze %dma_start3A_1579 : memref<1x!tpu.dma_semaphore, #tpu.memory_space<semaphore_mem>> -> memref<!tpu.dma_semaphore, #tpu.memory_space<semaphore_mem>>
        tpu.enqueue_indirect_dma source(%dma_start3A_1578 : memref<10112x16xf32, #tpu.memory_space<vmem_shared>>) target(%dma_start3A_1572 : memref<256x16xf32, #tpu.memory_space<vmem>>) offsets(%dma_start3A_1575 : memref<256xi32, #tpu.memory_space<vmem>>) semaphore(%dma_start3A_1580 : memref<!tpu.dma_semaphore, #tpu.memory_space<semaphore_mem>>)
      } else {
      }
      %add3A_1517 = arith.constant 6 : i32
      %add3A_1518 = arith.addi %mul3A_1125, %add3A_1517 : i32
      %dma_wait3A_1519 = arith.constant 6 : i32
      %dma_wait3A_1520 = arith.constant 6 : i32
      %dma_wait3A_1521 = arith.constant 0 : i32
      %dma_wait3A_1522 = arith.constant 0 : i32
      %dma_wait3A_1523 = tpu.memref_slice %arg8[%dma_wait3A_1519, %dma_wait3A_1521, %dma_wait3A_1522] : memref<8x256x16xf32, #tpu.memory_space<vmem>> -> memref<1x256x16xf32, #tpu.memory_space<vmem>>
      %dma_wait3A_1524 = tpu.memref_squeeze %dma_wait3A_1523 : memref<1x256x16xf32, #tpu.memory_space<vmem>> -> memref<256x16xf32, #tpu.memory_space<vmem>>
      %dma_wait3A_1525 = arith.constant 0 : i32
      %dma_wait3A_1526 = tpu.memref_slice %arg7[%add3A_1518, %dma_wait3A_1525] : memref<40x256xi32, #tpu.memory_space<vmem>> -> memref<1x256xi32, #tpu.memory_space<vmem>>
      %dma_wait3A_1527 = tpu.memref_squeeze %dma_wait3A_1526 : memref<1x256xi32, #tpu.memory_space<vmem>> -> memref<256xi32, #tpu.memory_space<vmem>>
      %dma_wait3A_1528 = arith.constant 0 : i32
      %dma_wait3A_1529 = arith.constant 0 : i32
      %dma_wait3A_1530 = tpu.memref_slice %arg11[%dma_wait3A_1528, %dma_wait3A_1529] : memref<10112x16xf32, #tpu.memory_space<vmem_shared>> -> memref<10112x16xf32, #tpu.memory_space<vmem_shared>>
      %dma_wait3A_1531 = tpu.memref_slice %arg13[%dma_wait3A_1520] : memref<8x!tpu.dma_semaphore, #tpu.memory_space<semaphore_mem>> -> memref<1x!tpu.dma_semaphore, #tpu.memory_space<semaphore_mem>>
      %dma_wait3A_1532 = tpu.memref_squeeze %dma_wait3A_1531 : memref<1x!tpu.dma_semaphore, #tpu.memory_space<semaphore_mem>> -> memref<!tpu.dma_semaphore, #tpu.memory_space<semaphore_mem>>
      tpu.wait_indirect_dma semaphore(%dma_wait3A_1532 : memref<!tpu.dma_semaphore, #tpu.memory_space<semaphore_mem>>) src(%dma_wait3A_1524 : memref<256x16xf32, #tpu.memory_space<vmem>>) dst(%dma_wait3A_1530 : memref<10112x16xf32, #tpu.memory_space<vmem_shared>>)
      %add3A_1533 = arith.constant 1 : i32
      %add3A_1534 = arith.addi %scan3A_1123, %add3A_1533 : i32
      %lt3A_1535 = arith.constant 5 : i32
      %lt3A_1536 = arith.cmpi slt, %add3A_1534, %lt3A_1535 : i32
      %convert_element_type3A_1537 = arith.extui %lt3A_1536 : i1 to i32
      %cond3A_1538 = arith.constant 0 : i32
      %cond3A_1539 = arith.cmpi ne, %convert_element_type3A_1537, %cond3A_1538 : i32
      scf.if %cond3A_1539 {
        %add3A_1563 = arith.constant 8 : i32
        %add3A_1564 = arith.addi %mul3A_1125, %add3A_1563 : i32
        %add3A_1565 = arith.constant 6 : i32
        %add3A_1566 = arith.addi %add3A_1564, %add3A_1565 : i32
        %dma_start3A_1567 = arith.constant 6 : i32
        %dma_start3A_1568 = arith.constant 6 : i32
        %dma_start3A_1569 = arith.constant 0 : i32
        %dma_start3A_1570 = arith.constant 0 : i32
        %dma_start3A_1571 = tpu.memref_slice %arg8[%dma_start3A_1567, %dma_start3A_1569, %dma_start3A_1570] : memref<8x256x16xf32, #tpu.memory_space<vmem>> -> memref<1x256x16xf32, #tpu.memory_space<vmem>>
        %dma_start3A_1572 = tpu.memref_squeeze %dma_start3A_1571 : memref<1x256x16xf32, #tpu.memory_space<vmem>> -> memref<256x16xf32, #tpu.memory_space<vmem>>
        %dma_start3A_1573 = arith.constant 0 : i32
        %dma_start3A_1574 = tpu.memref_slice %arg6[%add3A_1566, %dma_start3A_1573] : memref<40x256xi32, #tpu.memory_space<vmem>> -> memref<1x256xi32, #tpu.memory_space<vmem>>
        %dma_start3A_1575 = tpu.memref_squeeze %dma_start3A_1574 : memref<1x256xi32, #tpu.memory_space<vmem>> -> memref<256xi32, #tpu.memory_space<vmem>>
        %dma_start3A_1576 = arith.constant 0 : i32
        %dma_start3A_1577 = arith.constant 0 : i32
        %dma_start3A_1578 = tpu.memref_slice %arg10[%dma_start3A_1576, %dma_start3A_1577] : memref<10112x16xf32, #tpu.memory_space<vmem_shared>> -> memref<10112x16xf32, #tpu.memory_space<vmem_shared>>
        %dma_start3A_1579 = tpu.memref_slice %arg12[%dma_start3A_1568] : memref<8x!tpu.dma_semaphore, #tpu.memory_space<semaphore_mem>> -> memref<1x!tpu.dma_semaphore, #tpu.memory_space<semaphore_mem>>
        %dma_start3A_1580 = tpu.memref_squeeze %dma_start3A_1579 : memref<1x!tpu.dma_semaphore, #tpu.memory_space<semaphore_mem>> -> memref<!tpu.dma_semaphore, #tpu.memory_space<semaphore_mem>>
        tpu.enqueue_indirect_dma source(%dma_start3A_1578 : memref<10112x16xf32, #tpu.memory_space<vmem_shared>>) target(%dma_start3A_1572 : memref<256x16xf32, #tpu.memory_space<vmem>>) offsets(%dma_start3A_1575 : memref<256xi32, #tpu.memory_space<vmem>>) semaphore(%dma_start3A_1580 : memref<!tpu.dma_semaphore, #tpu.memory_space<semaphore_mem>>)
      } else {
      }
      %add3A_1540 = arith.constant 7 : i32
      %add3A_1541 = arith.addi %mul3A_1125, %add3A_1540 : i32
      %dma_wait3A_1542 = arith.constant 7 : i32
      %dma_wait3A_1543 = arith.constant 7 : i32
      %dma_wait3A_1544 = arith.constant 0 : i32
      %dma_wait3A_1545 = arith.constant 0 : i32
      %dma_wait3A_1546 = tpu.memref_slice %arg8[%dma_wait3A_1542, %dma_wait3A_1544, %dma_wait3A_1545] : memref<8x256x16xf32, #tpu.memory_space<vmem>> -> memref<1x256x16xf32, #tpu.memory_space<vmem>>
      %dma_wait3A_1547 = tpu.memref_squeeze %dma_wait3A_1546 : memref<1x256x16xf32, #tpu.memory_space<vmem>> -> memref<256x16xf32, #tpu.memory_space<vmem>>
      %dma_wait3A_1548 = arith.constant 0 : i32
      %dma_wait3A_1549 = tpu.memref_slice %arg7[%add3A_1541, %dma_wait3A_1548] : memref<40x256xi32, #tpu.memory_space<vmem>> -> memref<1x256xi32, #tpu.memory_space<vmem>>
      %dma_wait3A_1550 = tpu.memref_squeeze %dma_wait3A_1549 : memref<1x256xi32, #tpu.memory_space<vmem>> -> memref<256xi32, #tpu.memory_space<vmem>>
      %dma_wait3A_1551 = arith.constant 0 : i32
      %dma_wait3A_1552 = arith.constant 0 : i32
      %dma_wait3A_1553 = tpu.memref_slice %arg11[%dma_wait3A_1551, %dma_wait3A_1552] : memref<10112x16xf32, #tpu.memory_space<vmem_shared>> -> memref<10112x16xf32, #tpu.memory_space<vmem_shared>>
      %dma_wait3A_1554 = tpu.memref_slice %arg13[%dma_wait3A_1543] : memref<8x!tpu.dma_semaphore, #tpu.memory_space<semaphore_mem>> -> memref<1x!tpu.dma_semaphore, #tpu.memory_space<semaphore_mem>>
      %dma_wait3A_1555 = tpu.memref_squeeze %dma_wait3A_1554 : memref<1x!tpu.dma_semaphore, #tpu.memory_space<semaphore_mem>> -> memref<!tpu.dma_semaphore, #tpu.memory_space<semaphore_mem>>
      tpu.wait_indirect_dma semaphore(%dma_wait3A_1555 : memref<!tpu.dma_semaphore, #tpu.memory_space<semaphore_mem>>) src(%dma_wait3A_1547 : memref<256x16xf32, #tpu.memory_space<vmem>>) dst(%dma_wait3A_1553 : memref<10112x16xf32, #tpu.memory_space<vmem_shared>>)
      %add3A_1556 = arith.constant 1 : i32
      %add3A_1557 = arith.addi %scan3A_1123, %add3A_1556 : i32
      %lt3A_1558 = arith.constant 5 : i32
      %lt3A_1559 = arith.cmpi slt, %add3A_1557, %lt3A_1558 : i32
      %convert_element_type3A_1560 = arith.extui %lt3A_1559 : i1 to i32
      %cond3A_1561 = arith.constant 0 : i32
      %cond3A_1562 = arith.cmpi ne, %convert_element_type3A_1560, %cond3A_1561 : i32
      scf.if %cond3A_1562 {
        %add3A_1563 = arith.constant 8 : i32
        %add3A_1564 = arith.addi %mul3A_1125, %add3A_1563 : i32
        %add3A_1565 = arith.constant 7 : i32
        %add3A_1566 = arith.addi %add3A_1564, %add3A_1565 : i32
        %dma_start3A_1567 = arith.constant 7 : i32
        %dma_start3A_1568 = arith.constant 7 : i32
        %dma_start3A_1569 = arith.constant 0 : i32
        %dma_start3A_1570 = arith.constant 0 : i32
        %dma_start3A_1571 = tpu.memref_slice %arg8[%dma_start3A_1567, %dma_start3A_1569, %dma_start3A_1570] : memref<8x256x16xf32, #tpu.memory_space<vmem>> -> memref<1x256x16xf32, #tpu.memory_space<vmem>>
        %dma_start3A_1572 = tpu.memref_squeeze %dma_start3A_1571 : memref<1x256x16xf32, #tpu.memory_space<vmem>> -> memref<256x16xf32, #tpu.memory_space<vmem>>
        %dma_start3A_1573 = arith.constant 0 : i32
        %dma_start3A_1574 = tpu.memref_slice %arg6[%add3A_1566, %dma_start3A_1573] : memref<40x256xi32, #tpu.memory_space<vmem>> -> memref<1x256xi32, #tpu.memory_space<vmem>>
        %dma_start3A_1575 = tpu.memref_squeeze %dma_start3A_1574 : memref<1x256xi32, #tpu.memory_space<vmem>> -> memref<256xi32, #tpu.memory_space<vmem>>
        %dma_start3A_1576 = arith.constant 0 : i32
        %dma_start3A_1577 = arith.constant 0 : i32
        %dma_start3A_1578 = tpu.memref_slice %arg10[%dma_start3A_1576, %dma_start3A_1577] : memref<10112x16xf32, #tpu.memory_space<vmem_shared>> -> memref<10112x16xf32, #tpu.memory_space<vmem_shared>>
        %dma_start3A_1579 = tpu.memref_slice %arg12[%dma_start3A_1568] : memref<8x!tpu.dma_semaphore, #tpu.memory_space<semaphore_mem>> -> memref<1x!tpu.dma_semaphore, #tpu.memory_space<semaphore_mem>>
        %dma_start3A_1580 = tpu.memref_squeeze %dma_start3A_1579 : memref<1x!tpu.dma_semaphore, #tpu.memory_space<semaphore_mem>> -> memref<!tpu.dma_semaphore, #tpu.memory_space<semaphore_mem>>
        tpu.enqueue_indirect_dma source(%dma_start3A_1578 : memref<10112x16xf32, #tpu.memory_space<vmem_shared>>) target(%dma_start3A_1572 : memref<256x16xf32, #tpu.memory_space<vmem>>) offsets(%dma_start3A_1575 : memref<256xi32, #tpu.memory_space<vmem>>) semaphore(%dma_start3A_1580 : memref<!tpu.dma_semaphore, #tpu.memory_space<semaphore_mem>>)
      } else {
      }
    }
    %scan3A_449 = arith.constant 5 : i32
    %barrier3A_450 = arith.constant 0 : index
    tpu.barrier barrier_id(%barrier3A_450)
    %mul3A_451 = arith.constant 632 : i32
    %mul3A_452 = arith.muli %arg1, %mul3A_451 : i32
    %add3A_453 = arith.constant 0 : i32
    %add3A_454 = arith.addi %mul3A_452, %add3A_453 : i32
    %dma_start3A_455 = arith.constant 0 : i32
    %dma_start3A_456 = arith.constant 0 : i32
    %dma_start3A_457 = arith.constant 0 : i32
    %dma_start3A_458 = tpu.memref_slice %arg9[%dma_start3A_456, %dma_start3A_457] : memref<632x16xf32, #tpu.memory_space<vmem>> -> memref<80x16xf32, #tpu.memory_space<vmem>>
    %dma_start3A_459 = arith.constant 0 : i32
    %dma_start3A_460 = tpu.memref_slice %arg11[%add3A_454, %dma_start3A_459] : memref<10112x16xf32, #tpu.memory_space<vmem_shared>> -> memref<80x16xf32, #tpu.memory_space<vmem_shared>>
    %dma_start3A_461 = tpu.memref_slice %arg12[%dma_start3A_455] : memref<8x!tpu.dma_semaphore, #tpu.memory_space<semaphore_mem>> -> memref<1x!tpu.dma_semaphore, #tpu.memory_space<semaphore_mem>>
    %dma_start3A_462 = tpu.memref_squeeze %dma_start3A_461 : memref<1x!tpu.dma_semaphore, #tpu.memory_space<semaphore_mem>> -> memref<!tpu.dma_semaphore, #tpu.memory_space<semaphore_mem>>
    %dma_start3A_463 = arith.constant 0 : i32
    %dma_start3A_464 = arith.constant 0 : i32
    %dma_start3A_465 = tpu.memref_slice %arg9[%dma_start3A_463, %dma_start3A_464] : memref<632x16xf32, #tpu.memory_space<vmem>> -> memref<80x16xf32, #tpu.memory_space<vmem>>
    %dma_start3A_466 = arith.constant 0 : i32
    %dma_start3A_467 = tpu.memref_slice %arg11[%add3A_454, %dma_start3A_466] : memref<10112x16xf32, #tpu.memory_space<vmem_shared>> -> memref<80x16xf32, #tpu.memory_space<vmem_shared>>
    tpu.enqueue_dma source(%dma_start3A_467 : memref<80x16xf32, #tpu.memory_space<vmem_shared>>) target(%dma_start3A_465 : memref<80x16xf32, #tpu.memory_space<vmem>>) target_semaphore(%dma_start3A_462 : memref<!tpu.dma_semaphore, #tpu.memory_space<semaphore_mem>>)
    %mul3A_468 = arith.constant 632 : i32
    %mul3A_469 = arith.muli %arg1, %mul3A_468 : i32
    %add3A_470 = arith.constant 80 : i32
    %add3A_471 = arith.addi %mul3A_469, %add3A_470 : i32
    %dma_start3A_472 = arith.constant 1 : i32
    %dma_start3A_473 = arith.constant 80 : i32
    %dma_start3A_474 = arith.constant 0 : i32
    %dma_start3A_475 = tpu.memref_slice %arg9[%dma_start3A_473, %dma_start3A_474] : memref<632x16xf32, #tpu.memory_space<vmem>> -> memref<80x16xf32, #tpu.memory_space<vmem>>
    %dma_start3A_476 = arith.constant 0 : i32
    %dma_start3A_477 = tpu.memref_slice %arg11[%add3A_471, %dma_start3A_476] : memref<10112x16xf32, #tpu.memory_space<vmem_shared>> -> memref<80x16xf32, #tpu.memory_space<vmem_shared>>
    %dma_start3A_478 = tpu.memref_slice %arg12[%dma_start3A_472] : memref<8x!tpu.dma_semaphore, #tpu.memory_space<semaphore_mem>> -> memref<1x!tpu.dma_semaphore, #tpu.memory_space<semaphore_mem>>
    %dma_start3A_479 = tpu.memref_squeeze %dma_start3A_478 : memref<1x!tpu.dma_semaphore, #tpu.memory_space<semaphore_mem>> -> memref<!tpu.dma_semaphore, #tpu.memory_space<semaphore_mem>>
    %dma_start3A_480 = arith.constant 80 : i32
    %dma_start3A_481 = arith.constant 0 : i32
    %dma_start3A_482 = tpu.memref_slice %arg9[%dma_start3A_480, %dma_start3A_481] : memref<632x16xf32, #tpu.memory_space<vmem>> -> memref<80x16xf32, #tpu.memory_space<vmem>>
    %dma_start3A_483 = arith.constant 0 : i32
    %dma_start3A_484 = tpu.memref_slice %arg11[%add3A_471, %dma_start3A_483] : memref<10112x16xf32, #tpu.memory_space<vmem_shared>> -> memref<80x16xf32, #tpu.memory_space<vmem_shared>>
    tpu.enqueue_dma source(%dma_start3A_484 : memref<80x16xf32, #tpu.memory_space<vmem_shared>>) target(%dma_start3A_482 : memref<80x16xf32, #tpu.memory_space<vmem>>) target_semaphore(%dma_start3A_479 : memref<!tpu.dma_semaphore, #tpu.memory_space<semaphore_mem>>)
    %mul3A_485 = arith.constant 632 : i32
    %mul3A_486 = arith.muli %arg1, %mul3A_485 : i32
    %add3A_487 = arith.constant 160 : i32
    %add3A_488 = arith.addi %mul3A_486, %add3A_487 : i32
    %dma_start3A_489 = arith.constant 2 : i32
    %dma_start3A_490 = arith.constant 160 : i32
    %dma_start3A_491 = arith.constant 0 : i32
    %dma_start3A_492 = tpu.memref_slice %arg9[%dma_start3A_490, %dma_start3A_491] : memref<632x16xf32, #tpu.memory_space<vmem>> -> memref<80x16xf32, #tpu.memory_space<vmem>>
    %dma_start3A_493 = arith.constant 0 : i32
    %dma_start3A_494 = tpu.memref_slice %arg11[%add3A_488, %dma_start3A_493] : memref<10112x16xf32, #tpu.memory_space<vmem_shared>> -> memref<80x16xf32, #tpu.memory_space<vmem_shared>>
    %dma_start3A_495 = tpu.memref_slice %arg12[%dma_start3A_489] : memref<8x!tpu.dma_semaphore, #tpu.memory_space<semaphore_mem>> -> memref<1x!tpu.dma_semaphore, #tpu.memory_space<semaphore_mem>>
    %dma_start3A_496 = tpu.memref_squeeze %dma_start3A_495 : memref<1x!tpu.dma_semaphore, #tpu.memory_space<semaphore_mem>> -> memref<!tpu.dma_semaphore, #tpu.memory_space<semaphore_mem>>
    %dma_start3A_497 = arith.constant 160 : i32
    %dma_start3A_498 = arith.constant 0 : i32
    %dma_start3A_499 = tpu.memref_slice %arg9[%dma_start3A_497, %dma_start3A_498] : memref<632x16xf32, #tpu.memory_space<vmem>> -> memref<80x16xf32, #tpu.memory_space<vmem>>
    %dma_start3A_500 = arith.constant 0 : i32
    %dma_start3A_501 = tpu.memref_slice %arg11[%add3A_488, %dma_start3A_500] : memref<10112x16xf32, #tpu.memory_space<vmem_shared>> -> memref<80x16xf32, #tpu.memory_space<vmem_shared>>
    tpu.enqueue_dma source(%dma_start3A_501 : memref<80x16xf32, #tpu.memory_space<vmem_shared>>) target(%dma_start3A_499 : memref<80x16xf32, #tpu.memory_space<vmem>>) target_semaphore(%dma_start3A_496 : memref<!tpu.dma_semaphore, #tpu.memory_space<semaphore_mem>>)
    %mul3A_502 = arith.constant 632 : i32
    %mul3A_503 = arith.muli %arg1, %mul3A_502 : i32
    %add3A_504 = arith.constant 240 : i32
    %add3A_505 = arith.addi %mul3A_503, %add3A_504 : i32
    %dma_start3A_506 = arith.constant 3 : i32
    %dma_start3A_507 = arith.constant 240 : i32
    %dma_start3A_508 = arith.constant 0 : i32
    %dma_start3A_509 = tpu.memref_slice %arg9[%dma_start3A_507, %dma_start3A_508] : memref<632x16xf32, #tpu.memory_space<vmem>> -> memref<80x16xf32, #tpu.memory_space<vmem>>
    %dma_start3A_510 = arith.constant 0 : i32
    %dma_start3A_511 = tpu.memref_slice %arg11[%add3A_505, %dma_start3A_510] : memref<10112x16xf32, #tpu.memory_space<vmem_shared>> -> memref<80x16xf32, #tpu.memory_space<vmem_shared>>
    %dma_start3A_512 = tpu.memref_slice %arg12[%dma_start3A_506] : memref<8x!tpu.dma_semaphore, #tpu.memory_space<semaphore_mem>> -> memref<1x!tpu.dma_semaphore, #tpu.memory_space<semaphore_mem>>
    %dma_start3A_513 = tpu.memref_squeeze %dma_start3A_512 : memref<1x!tpu.dma_semaphore, #tpu.memory_space<semaphore_mem>> -> memref<!tpu.dma_semaphore, #tpu.memory_space<semaphore_mem>>
    %dma_start3A_514 = arith.constant 240 : i32
    %dma_start3A_515 = arith.constant 0 : i32
    %dma_start3A_516 = tpu.memref_slice %arg9[%dma_start3A_514, %dma_start3A_515] : memref<632x16xf32, #tpu.memory_space<vmem>> -> memref<80x16xf32, #tpu.memory_space<vmem>>
    %dma_start3A_517 = arith.constant 0 : i32
    %dma_start3A_518 = tpu.memref_slice %arg11[%add3A_505, %dma_start3A_517] : memref<10112x16xf32, #tpu.memory_space<vmem_shared>> -> memref<80x16xf32, #tpu.memory_space<vmem_shared>>
    tpu.enqueue_dma source(%dma_start3A_518 : memref<80x16xf32, #tpu.memory_space<vmem_shared>>) target(%dma_start3A_516 : memref<80x16xf32, #tpu.memory_space<vmem>>) target_semaphore(%dma_start3A_513 : memref<!tpu.dma_semaphore, #tpu.memory_space<semaphore_mem>>)
    %mul3A_519 = arith.constant 632 : i32
    %mul3A_520 = arith.muli %arg1, %mul3A_519 : i32
    %add3A_521 = arith.constant 320 : i32
    %add3A_522 = arith.addi %mul3A_520, %add3A_521 : i32
    %dma_start3A_523 = arith.constant 4 : i32
    %dma_start3A_524 = arith.constant 320 : i32
    %dma_start3A_525 = arith.constant 0 : i32
    %dma_start3A_526 = tpu.memref_slice %arg9[%dma_start3A_524, %dma_start3A_525] : memref<632x16xf32, #tpu.memory_space<vmem>> -> memref<80x16xf32, #tpu.memory_space<vmem>>
    %dma_start3A_527 = arith.constant 0 : i32
    %dma_start3A_528 = tpu.memref_slice %arg11[%add3A_522, %dma_start3A_527] : memref<10112x16xf32, #tpu.memory_space<vmem_shared>> -> memref<80x16xf32, #tpu.memory_space<vmem_shared>>
    %dma_start3A_529 = tpu.memref_slice %arg12[%dma_start3A_523] : memref<8x!tpu.dma_semaphore, #tpu.memory_space<semaphore_mem>> -> memref<1x!tpu.dma_semaphore, #tpu.memory_space<semaphore_mem>>
    %dma_start3A_530 = tpu.memref_squeeze %dma_start3A_529 : memref<1x!tpu.dma_semaphore, #tpu.memory_space<semaphore_mem>> -> memref<!tpu.dma_semaphore, #tpu.memory_space<semaphore_mem>>
    %dma_start3A_531 = arith.constant 320 : i32
    %dma_start3A_532 = arith.constant 0 : i32
    %dma_start3A_533 = tpu.memref_slice %arg9[%dma_start3A_531, %dma_start3A_532] : memref<632x16xf32, #tpu.memory_space<vmem>> -> memref<80x16xf32, #tpu.memory_space<vmem>>
    %dma_start3A_534 = arith.constant 0 : i32
    %dma_start3A_535 = tpu.memref_slice %arg11[%add3A_522, %dma_start3A_534] : memref<10112x16xf32, #tpu.memory_space<vmem_shared>> -> memref<80x16xf32, #tpu.memory_space<vmem_shared>>
    tpu.enqueue_dma source(%dma_start3A_535 : memref<80x16xf32, #tpu.memory_space<vmem_shared>>) target(%dma_start3A_533 : memref<80x16xf32, #tpu.memory_space<vmem>>) target_semaphore(%dma_start3A_530 : memref<!tpu.dma_semaphore, #tpu.memory_space<semaphore_mem>>)
    %mul3A_536 = arith.constant 632 : i32
    %mul3A_537 = arith.muli %arg1, %mul3A_536 : i32
    %add3A_538 = arith.constant 400 : i32
    %add3A_539 = arith.addi %mul3A_537, %add3A_538 : i32
    %dma_start3A_540 = arith.constant 5 : i32
    %dma_start3A_541 = arith.constant 400 : i32
    %dma_start3A_542 = arith.constant 0 : i32
    %dma_start3A_543 = tpu.memref_slice %arg9[%dma_start3A_541, %dma_start3A_542] : memref<632x16xf32, #tpu.memory_space<vmem>> -> memref<80x16xf32, #tpu.memory_space<vmem>>
    %dma_start3A_544 = arith.constant 0 : i32
    %dma_start3A_545 = tpu.memref_slice %arg11[%add3A_539, %dma_start3A_544] : memref<10112x16xf32, #tpu.memory_space<vmem_shared>> -> memref<80x16xf32, #tpu.memory_space<vmem_shared>>
    %dma_start3A_546 = tpu.memref_slice %arg12[%dma_start3A_540] : memref<8x!tpu.dma_semaphore, #tpu.memory_space<semaphore_mem>> -> memref<1x!tpu.dma_semaphore, #tpu.memory_space<semaphore_mem>>
    %dma_start3A_547 = tpu.memref_squeeze %dma_start3A_546 : memref<1x!tpu.dma_semaphore, #tpu.memory_space<semaphore_mem>> -> memref<!tpu.dma_semaphore, #tpu.memory_space<semaphore_mem>>
    %dma_start3A_548 = arith.constant 400 : i32
    %dma_start3A_549 = arith.constant 0 : i32
    %dma_start3A_550 = tpu.memref_slice %arg9[%dma_start3A_548, %dma_start3A_549] : memref<632x16xf32, #tpu.memory_space<vmem>> -> memref<80x16xf32, #tpu.memory_space<vmem>>
    %dma_start3A_551 = arith.constant 0 : i32
    %dma_start3A_552 = tpu.memref_slice %arg11[%add3A_539, %dma_start3A_551] : memref<10112x16xf32, #tpu.memory_space<vmem_shared>> -> memref<80x16xf32, #tpu.memory_space<vmem_shared>>
    tpu.enqueue_dma source(%dma_start3A_552 : memref<80x16xf32, #tpu.memory_space<vmem_shared>>) target(%dma_start3A_550 : memref<80x16xf32, #tpu.memory_space<vmem>>) target_semaphore(%dma_start3A_547 : memref<!tpu.dma_semaphore, #tpu.memory_space<semaphore_mem>>)
    %mul3A_553 = arith.constant 632 : i32
    %mul3A_554 = arith.muli %arg1, %mul3A_553 : i32
    %add3A_555 = arith.constant 480 : i32
    %add3A_556 = arith.addi %mul3A_554, %add3A_555 : i32
    %dma_start3A_557 = arith.constant 6 : i32
    %dma_start3A_558 = arith.constant 480 : i32
    %dma_start3A_559 = arith.constant 0 : i32
    %dma_start3A_560 = tpu.memref_slice %arg9[%dma_start3A_558, %dma_start3A_559] : memref<632x16xf32, #tpu.memory_space<vmem>> -> memref<80x16xf32, #tpu.memory_space<vmem>>
    %dma_start3A_561 = arith.constant 0 : i32
    %dma_start3A_562 = tpu.memref_slice %arg11[%add3A_556, %dma_start3A_561] : memref<10112x16xf32, #tpu.memory_space<vmem_shared>> -> memref<80x16xf32, #tpu.memory_space<vmem_shared>>
    %dma_start3A_563 = tpu.memref_slice %arg12[%dma_start3A_557] : memref<8x!tpu.dma_semaphore, #tpu.memory_space<semaphore_mem>> -> memref<1x!tpu.dma_semaphore, #tpu.memory_space<semaphore_mem>>
    %dma_start3A_564 = tpu.memref_squeeze %dma_start3A_563 : memref<1x!tpu.dma_semaphore, #tpu.memory_space<semaphore_mem>> -> memref<!tpu.dma_semaphore, #tpu.memory_space<semaphore_mem>>
    %dma_start3A_565 = arith.constant 480 : i32
    %dma_start3A_566 = arith.constant 0 : i32
    %dma_start3A_567 = tpu.memref_slice %arg9[%dma_start3A_565, %dma_start3A_566] : memref<632x16xf32, #tpu.memory_space<vmem>> -> memref<80x16xf32, #tpu.memory_space<vmem>>
    %dma_start3A_568 = arith.constant 0 : i32
    %dma_start3A_569 = tpu.memref_slice %arg11[%add3A_556, %dma_start3A_568] : memref<10112x16xf32, #tpu.memory_space<vmem_shared>> -> memref<80x16xf32, #tpu.memory_space<vmem_shared>>
    tpu.enqueue_dma source(%dma_start3A_569 : memref<80x16xf32, #tpu.memory_space<vmem_shared>>) target(%dma_start3A_567 : memref<80x16xf32, #tpu.memory_space<vmem>>) target_semaphore(%dma_start3A_564 : memref<!tpu.dma_semaphore, #tpu.memory_space<semaphore_mem>>)
    %mul3A_570 = arith.constant 632 : i32
    %mul3A_571 = arith.muli %arg1, %mul3A_570 : i32
    %add3A_572 = arith.constant 560 : i32
    %add3A_573 = arith.addi %mul3A_571, %add3A_572 : i32
    %dma_start3A_574 = arith.constant 7 : i32
    %dma_start3A_575 = arith.constant 560 : i32
    %dma_start3A_576 = arith.constant 0 : i32
    %dma_start3A_577 = tpu.memref_slice %arg9[%dma_start3A_575, %dma_start3A_576] : memref<632x16xf32, #tpu.memory_space<vmem>> -> memref<72x16xf32, #tpu.memory_space<vmem>>
    %dma_start3A_578 = arith.constant 0 : i32
    %dma_start3A_579 = tpu.memref_slice %arg11[%add3A_573, %dma_start3A_578] : memref<10112x16xf32, #tpu.memory_space<vmem_shared>> -> memref<72x16xf32, #tpu.memory_space<vmem_shared>>
    %dma_start3A_580 = tpu.memref_slice %arg12[%dma_start3A_574] : memref<8x!tpu.dma_semaphore, #tpu.memory_space<semaphore_mem>> -> memref<1x!tpu.dma_semaphore, #tpu.memory_space<semaphore_mem>>
    %dma_start3A_581 = tpu.memref_squeeze %dma_start3A_580 : memref<1x!tpu.dma_semaphore, #tpu.memory_space<semaphore_mem>> -> memref<!tpu.dma_semaphore, #tpu.memory_space<semaphore_mem>>
    %dma_start3A_582 = arith.constant 560 : i32
    %dma_start3A_583 = arith.constant 0 : i32
    %dma_start3A_584 = tpu.memref_slice %arg9[%dma_start3A_582, %dma_start3A_583] : memref<632x16xf32, #tpu.memory_space<vmem>> -> memref<72x16xf32, #tpu.memory_space<vmem>>
    %dma_start3A_585 = arith.constant 0 : i32
    %dma_start3A_586 = tpu.memref_slice %arg11[%add3A_573, %dma_start3A_585] : memref<10112x16xf32, #tpu.memory_space<vmem_shared>> -> memref<72x16xf32, #tpu.memory_space<vmem_shared>>
    tpu.enqueue_dma source(%dma_start3A_586 : memref<72x16xf32, #tpu.memory_space<vmem_shared>>) target(%dma_start3A_584 : memref<72x16xf32, #tpu.memory_space<vmem>>) target_semaphore(%dma_start3A_581 : memref<!tpu.dma_semaphore, #tpu.memory_space<semaphore_mem>>)
    %mul3A_587 = arith.constant 632 : i32
    %mul3A_588 = arith.muli %arg1, %mul3A_587 : i32
    %add3A_589 = arith.constant 0 : i32
    %add3A_590 = arith.addi %mul3A_588, %add3A_589 : i32
    %dma_wait3A_591 = arith.constant 0 : i32
    %dma_wait3A_592 = arith.constant 0 : i32
    %dma_wait3A_593 = arith.constant 0 : i32
    %dma_wait3A_594 = tpu.memref_slice %arg9[%dma_wait3A_592, %dma_wait3A_593] : memref<632x16xf32, #tpu.memory_space<vmem>> -> memref<80x16xf32, #tpu.memory_space<vmem>>
    %dma_wait3A_595 = arith.constant 0 : i32
    %dma_wait3A_596 = tpu.memref_slice %arg11[%add3A_590, %dma_wait3A_595] : memref<10112x16xf32, #tpu.memory_space<vmem_shared>> -> memref<80x16xf32, #tpu.memory_space<vmem_shared>>
    %dma_wait3A_597 = tpu.memref_slice %arg12[%dma_wait3A_591] : memref<8x!tpu.dma_semaphore, #tpu.memory_space<semaphore_mem>> -> memref<1x!tpu.dma_semaphore, #tpu.memory_space<semaphore_mem>>
    %dma_wait3A_598 = tpu.memref_squeeze %dma_wait3A_597 : memref<1x!tpu.dma_semaphore, #tpu.memory_space<semaphore_mem>> -> memref<!tpu.dma_semaphore, #tpu.memory_space<semaphore_mem>>
    %dma_wait3A_599 = arith.constant 0 : i32
    %dma_wait3A_600 = arith.constant 0 : i32
    %dma_wait3A_601 = tpu.memref_slice %arg9[%dma_wait3A_599, %dma_wait3A_600] : memref<632x16xf32, #tpu.memory_space<vmem>> -> memref<80x16xf32, #tpu.memory_space<vmem>>
    %dma_wait3A_602 = arith.constant 0 : i32
    %dma_wait3A_603 = tpu.memref_slice %arg11[%add3A_590, %dma_wait3A_602] : memref<10112x16xf32, #tpu.memory_space<vmem_shared>> -> memref<80x16xf32, #tpu.memory_space<vmem_shared>>
    tpu.wait_dma2 semaphore(%dma_wait3A_598 : memref<!tpu.dma_semaphore, #tpu.memory_space<semaphore_mem>>) src(%dma_wait3A_603 : memref<80x16xf32, #tpu.memory_space<vmem_shared>>) dst(%dma_wait3A_601 : memref<80x16xf32, #tpu.memory_space<vmem>>)
    %mul3A_604 = arith.constant 632 : i32
    %mul3A_605 = arith.muli %arg1, %mul3A_604 : i32
    %add3A_606 = arith.constant 0 : i32
    %add3A_607 = arith.addi %mul3A_605, %add3A_606 : i32
    %dma_start3A_608 = arith.constant 0 : i32
    %dma_start3A_609 = arith.constant 0 : i32
    %dma_start3A_610 = arith.constant 0 : i32
    %dma_start3A_611 = tpu.memref_slice %arg9[%dma_start3A_609, %dma_start3A_610] : memref<632x16xf32, #tpu.memory_space<vmem>> -> memref<80x16xf32, #tpu.memory_space<vmem>>
    %dma_start3A_612 = arith.constant 0 : i32
    %dma_start3A_613 = arith.constant 0 : i32
    %dma_start3A_614 = tpu.memref_slice %arg5[%arg0, %dma_start3A_612, %dma_start3A_613] : memref<2x10112x16xf32, #tpu.memory_space<hbm>> -> memref<1x10112x16xf32, #tpu.memory_space<hbm>>
    %dma_start3A_615 = tpu.memref_squeeze %dma_start3A_614 : memref<1x10112x16xf32, #tpu.memory_space<hbm>> -> memref<10112x16xf32, #tpu.memory_space<hbm>>
    %dma_start3A_616 = arith.constant 0 : i32
    %dma_start3A_617 = tpu.memref_slice %dma_start3A_615[%add3A_607, %dma_start3A_616] : memref<10112x16xf32, #tpu.memory_space<hbm>> -> memref<80x16xf32, #tpu.memory_space<hbm>>
    %dma_start3A_618 = tpu.memref_slice %arg13[%dma_start3A_608] : memref<8x!tpu.dma_semaphore, #tpu.memory_space<semaphore_mem>> -> memref<1x!tpu.dma_semaphore, #tpu.memory_space<semaphore_mem>>
    %dma_start3A_619 = tpu.memref_squeeze %dma_start3A_618 : memref<1x!tpu.dma_semaphore, #tpu.memory_space<semaphore_mem>> -> memref<!tpu.dma_semaphore, #tpu.memory_space<semaphore_mem>>
    %dma_start3A_620 = arith.constant 0 : i32
    %dma_start3A_621 = arith.constant 0 : i32
    %dma_start3A_622 = tpu.memref_slice %arg5[%arg0, %dma_start3A_620, %dma_start3A_621] : memref<2x10112x16xf32, #tpu.memory_space<hbm>> -> memref<1x10112x16xf32, #tpu.memory_space<hbm>>
    %dma_start3A_623 = tpu.memref_squeeze %dma_start3A_622 : memref<1x10112x16xf32, #tpu.memory_space<hbm>> -> memref<10112x16xf32, #tpu.memory_space<hbm>>
    %dma_start3A_624 = arith.constant 0 : i32
    %dma_start3A_625 = tpu.memref_slice %dma_start3A_623[%add3A_607, %dma_start3A_624] : memref<10112x16xf32, #tpu.memory_space<hbm>> -> memref<80x16xf32, #tpu.memory_space<hbm>>
    %dma_start3A_626 = arith.constant 0 : i32
    %dma_start3A_627 = arith.constant 0 : i32
    %dma_start3A_628 = tpu.memref_slice %arg9[%dma_start3A_626, %dma_start3A_627] : memref<632x16xf32, #tpu.memory_space<vmem>> -> memref<80x16xf32, #tpu.memory_space<vmem>>
    tpu.enqueue_dma source(%dma_start3A_628 : memref<80x16xf32, #tpu.memory_space<vmem>>) target(%dma_start3A_625 : memref<80x16xf32, #tpu.memory_space<hbm>>) target_semaphore(%dma_start3A_619 : memref<!tpu.dma_semaphore, #tpu.memory_space<semaphore_mem>>)
    %mul3A_629 = arith.constant 632 : i32
    %mul3A_630 = arith.muli %arg1, %mul3A_629 : i32
    %add3A_631 = arith.constant 80 : i32
    %add3A_632 = arith.addi %mul3A_630, %add3A_631 : i32
    %dma_wait3A_633 = arith.constant 1 : i32
    %dma_wait3A_634 = arith.constant 80 : i32
    %dma_wait3A_635 = arith.constant 0 : i32
    %dma_wait3A_636 = tpu.memref_slice %arg9[%dma_wait3A_634, %dma_wait3A_635] : memref<632x16xf32, #tpu.memory_space<vmem>> -> memref<80x16xf32, #tpu.memory_space<vmem>>
    %dma_wait3A_637 = arith.constant 0 : i32
    %dma_wait3A_638 = tpu.memref_slice %arg11[%add3A_632, %dma_wait3A_637] : memref<10112x16xf32, #tpu.memory_space<vmem_shared>> -> memref<80x16xf32, #tpu.memory_space<vmem_shared>>
    %dma_wait3A_639 = tpu.memref_slice %arg12[%dma_wait3A_633] : memref<8x!tpu.dma_semaphore, #tpu.memory_space<semaphore_mem>> -> memref<1x!tpu.dma_semaphore, #tpu.memory_space<semaphore_mem>>
    %dma_wait3A_640 = tpu.memref_squeeze %dma_wait3A_639 : memref<1x!tpu.dma_semaphore, #tpu.memory_space<semaphore_mem>> -> memref<!tpu.dma_semaphore, #tpu.memory_space<semaphore_mem>>
    %dma_wait3A_641 = arith.constant 80 : i32
    %dma_wait3A_642 = arith.constant 0 : i32
    %dma_wait3A_643 = tpu.memref_slice %arg9[%dma_wait3A_641, %dma_wait3A_642] : memref<632x16xf32, #tpu.memory_space<vmem>> -> memref<80x16xf32, #tpu.memory_space<vmem>>
    %dma_wait3A_644 = arith.constant 0 : i32
    %dma_wait3A_645 = tpu.memref_slice %arg11[%add3A_632, %dma_wait3A_644] : memref<10112x16xf32, #tpu.memory_space<vmem_shared>> -> memref<80x16xf32, #tpu.memory_space<vmem_shared>>
    tpu.wait_dma2 semaphore(%dma_wait3A_640 : memref<!tpu.dma_semaphore, #tpu.memory_space<semaphore_mem>>) src(%dma_wait3A_645 : memref<80x16xf32, #tpu.memory_space<vmem_shared>>) dst(%dma_wait3A_643 : memref<80x16xf32, #tpu.memory_space<vmem>>)
    %mul3A_646 = arith.constant 632 : i32
    %mul3A_647 = arith.muli %arg1, %mul3A_646 : i32
    %add3A_648 = arith.constant 80 : i32
    %add3A_649 = arith.addi %mul3A_647, %add3A_648 : i32
    %dma_start3A_650 = arith.constant 1 : i32
    %dma_start3A_651 = arith.constant 80 : i32
    %dma_start3A_652 = arith.constant 0 : i32
    %dma_start3A_653 = tpu.memref_slice %arg9[%dma_start3A_651, %dma_start3A_652] : memref<632x16xf32, #tpu.memory_space<vmem>> -> memref<80x16xf32, #tpu.memory_space<vmem>>
    %dma_start3A_654 = arith.constant 0 : i32
    %dma_start3A_655 = arith.constant 0 : i32
    %dma_start3A_656 = tpu.memref_slice %arg5[%arg0, %dma_start3A_654, %dma_start3A_655] : memref<2x10112x16xf32, #tpu.memory_space<hbm>> -> memref<1x10112x16xf32, #tpu.memory_space<hbm>>
    %dma_start3A_657 = tpu.memref_squeeze %dma_start3A_656 : memref<1x10112x16xf32, #tpu.memory_space<hbm>> -> memref<10112x16xf32, #tpu.memory_space<hbm>>
    %dma_start3A_658 = arith.constant 0 : i32
    %dma_start3A_659 = tpu.memref_slice %dma_start3A_657[%add3A_649, %dma_start3A_658] : memref<10112x16xf32, #tpu.memory_space<hbm>> -> memref<80x16xf32, #tpu.memory_space<hbm>>
    %dma_start3A_660 = tpu.memref_slice %arg13[%dma_start3A_650] : memref<8x!tpu.dma_semaphore, #tpu.memory_space<semaphore_mem>> -> memref<1x!tpu.dma_semaphore, #tpu.memory_space<semaphore_mem>>
    %dma_start3A_661 = tpu.memref_squeeze %dma_start3A_660 : memref<1x!tpu.dma_semaphore, #tpu.memory_space<semaphore_mem>> -> memref<!tpu.dma_semaphore, #tpu.memory_space<semaphore_mem>>
    %dma_start3A_662 = arith.constant 0 : i32
    %dma_start3A_663 = arith.constant 0 : i32
    %dma_start3A_664 = tpu.memref_slice %arg5[%arg0, %dma_start3A_662, %dma_start3A_663] : memref<2x10112x16xf32, #tpu.memory_space<hbm>> -> memref<1x10112x16xf32, #tpu.memory_space<hbm>>
    %dma_start3A_665 = tpu.memref_squeeze %dma_start3A_664 : memref<1x10112x16xf32, #tpu.memory_space<hbm>> -> memref<10112x16xf32, #tpu.memory_space<hbm>>
    %dma_start3A_666 = arith.constant 0 : i32
    %dma_start3A_667 = tpu.memref_slice %dma_start3A_665[%add3A_649, %dma_start3A_666] : memref<10112x16xf32, #tpu.memory_space<hbm>> -> memref<80x16xf32, #tpu.memory_space<hbm>>
    %dma_start3A_668 = arith.constant 80 : i32
    %dma_start3A_669 = arith.constant 0 : i32
    %dma_start3A_670 = tpu.memref_slice %arg9[%dma_start3A_668, %dma_start3A_669] : memref<632x16xf32, #tpu.memory_space<vmem>> -> memref<80x16xf32, #tpu.memory_space<vmem>>
    tpu.enqueue_dma source(%dma_start3A_670 : memref<80x16xf32, #tpu.memory_space<vmem>>) target(%dma_start3A_667 : memref<80x16xf32, #tpu.memory_space<hbm>>) target_semaphore(%dma_start3A_661 : memref<!tpu.dma_semaphore, #tpu.memory_space<semaphore_mem>>)
    %mul3A_671 = arith.constant 632 : i32
    %mul3A_672 = arith.muli %arg1, %mul3A_671 : i32
    %add3A_673 = arith.constant 160 : i32
    %add3A_674 = arith.addi %mul3A_672, %add3A_673 : i32
    %dma_wait3A_675 = arith.constant 2 : i32
    %dma_wait3A_676 = arith.constant 160 : i32
    %dma_wait3A_677 = arith.constant 0 : i32
    %dma_wait3A_678 = tpu.memref_slice %arg9[%dma_wait3A_676, %dma_wait3A_677] : memref<632x16xf32, #tpu.memory_space<vmem>> -> memref<80x16xf32, #tpu.memory_space<vmem>>
    %dma_wait3A_679 = arith.constant 0 : i32
    %dma_wait3A_680 = tpu.memref_slice %arg11[%add3A_674, %dma_wait3A_679] : memref<10112x16xf32, #tpu.memory_space<vmem_shared>> -> memref<80x16xf32, #tpu.memory_space<vmem_shared>>
    %dma_wait3A_681 = tpu.memref_slice %arg12[%dma_wait3A_675] : memref<8x!tpu.dma_semaphore, #tpu.memory_space<semaphore_mem>> -> memref<1x!tpu.dma_semaphore, #tpu.memory_space<semaphore_mem>>
    %dma_wait3A_682 = tpu.memref_squeeze %dma_wait3A_681 : memref<1x!tpu.dma_semaphore, #tpu.memory_space<semaphore_mem>> -> memref<!tpu.dma_semaphore, #tpu.memory_space<semaphore_mem>>
    %dma_wait3A_683 = arith.constant 160 : i32
    %dma_wait3A_684 = arith.constant 0 : i32
    %dma_wait3A_685 = tpu.memref_slice %arg9[%dma_wait3A_683, %dma_wait3A_684] : memref<632x16xf32, #tpu.memory_space<vmem>> -> memref<80x16xf32, #tpu.memory_space<vmem>>
    %dma_wait3A_686 = arith.constant 0 : i32
    %dma_wait3A_687 = tpu.memref_slice %arg11[%add3A_674, %dma_wait3A_686] : memref<10112x16xf32, #tpu.memory_space<vmem_shared>> -> memref<80x16xf32, #tpu.memory_space<vmem_shared>>
    tpu.wait_dma2 semaphore(%dma_wait3A_682 : memref<!tpu.dma_semaphore, #tpu.memory_space<semaphore_mem>>) src(%dma_wait3A_687 : memref<80x16xf32, #tpu.memory_space<vmem_shared>>) dst(%dma_wait3A_685 : memref<80x16xf32, #tpu.memory_space<vmem>>)
    %mul3A_688 = arith.constant 632 : i32
    %mul3A_689 = arith.muli %arg1, %mul3A_688 : i32
    %add3A_690 = arith.constant 160 : i32
    %add3A_691 = arith.addi %mul3A_689, %add3A_690 : i32
    %dma_start3A_692 = arith.constant 2 : i32
    %dma_start3A_693 = arith.constant 160 : i32
    %dma_start3A_694 = arith.constant 0 : i32
    %dma_start3A_695 = tpu.memref_slice %arg9[%dma_start3A_693, %dma_start3A_694] : memref<632x16xf32, #tpu.memory_space<vmem>> -> memref<80x16xf32, #tpu.memory_space<vmem>>
    %dma_start3A_696 = arith.constant 0 : i32
    %dma_start3A_697 = arith.constant 0 : i32
    %dma_start3A_698 = tpu.memref_slice %arg5[%arg0, %dma_start3A_696, %dma_start3A_697] : memref<2x10112x16xf32, #tpu.memory_space<hbm>> -> memref<1x10112x16xf32, #tpu.memory_space<hbm>>
    %dma_start3A_699 = tpu.memref_squeeze %dma_start3A_698 : memref<1x10112x16xf32, #tpu.memory_space<hbm>> -> memref<10112x16xf32, #tpu.memory_space<hbm>>
    %dma_start3A_700 = arith.constant 0 : i32
    %dma_start3A_701 = tpu.memref_slice %dma_start3A_699[%add3A_691, %dma_start3A_700] : memref<10112x16xf32, #tpu.memory_space<hbm>> -> memref<80x16xf32, #tpu.memory_space<hbm>>
    %dma_start3A_702 = tpu.memref_slice %arg13[%dma_start3A_692] : memref<8x!tpu.dma_semaphore, #tpu.memory_space<semaphore_mem>> -> memref<1x!tpu.dma_semaphore, #tpu.memory_space<semaphore_mem>>
    %dma_start3A_703 = tpu.memref_squeeze %dma_start3A_702 : memref<1x!tpu.dma_semaphore, #tpu.memory_space<semaphore_mem>> -> memref<!tpu.dma_semaphore, #tpu.memory_space<semaphore_mem>>
    %dma_start3A_704 = arith.constant 0 : i32
    %dma_start3A_705 = arith.constant 0 : i32
    %dma_start3A_706 = tpu.memref_slice %arg5[%arg0, %dma_start3A_704, %dma_start3A_705] : memref<2x10112x16xf32, #tpu.memory_space<hbm>> -> memref<1x10112x16xf32, #tpu.memory_space<hbm>>
    %dma_start3A_707 = tpu.memref_squeeze %dma_start3A_706 : memref<1x10112x16xf32, #tpu.memory_space<hbm>> -> memref<10112x16xf32, #tpu.memory_space<hbm>>
    %dma_start3A_708 = arith.constant 0 : i32
    %dma_start3A_709 = tpu.memref_slice %dma_start3A_707[%add3A_691, %dma_start3A_708] : memref<10112x16xf32, #tpu.memory_space<hbm>> -> memref<80x16xf32, #tpu.memory_space<hbm>>
    %dma_start3A_710 = arith.constant 160 : i32
    %dma_start3A_711 = arith.constant 0 : i32
    %dma_start3A_712 = tpu.memref_slice %arg9[%dma_start3A_710, %dma_start3A_711] : memref<632x16xf32, #tpu.memory_space<vmem>> -> memref<80x16xf32, #tpu.memory_space<vmem>>
    tpu.enqueue_dma source(%dma_start3A_712 : memref<80x16xf32, #tpu.memory_space<vmem>>) target(%dma_start3A_709 : memref<80x16xf32, #tpu.memory_space<hbm>>) target_semaphore(%dma_start3A_703 : memref<!tpu.dma_semaphore, #tpu.memory_space<semaphore_mem>>)
    %mul3A_713 = arith.constant 632 : i32
    %mul3A_714 = arith.muli %arg1, %mul3A_713 : i32
    %add3A_715 = arith.constant 240 : i32
    %add3A_716 = arith.addi %mul3A_714, %add3A_715 : i32
    %dma_wait3A_717 = arith.constant 3 : i32
    %dma_wait3A_718 = arith.constant 240 : i32
    %dma_wait3A_719 = arith.constant 0 : i32
    %dma_wait3A_720 = tpu.memref_slice %arg9[%dma_wait3A_718, %dma_wait3A_719] : memref<632x16xf32, #tpu.memory_space<vmem>> -> memref<80x16xf32, #tpu.memory_space<vmem>>
    %dma_wait3A_721 = arith.constant 0 : i32
    %dma_wait3A_722 = tpu.memref_slice %arg11[%add3A_716, %dma_wait3A_721] : memref<10112x16xf32, #tpu.memory_space<vmem_shared>> -> memref<80x16xf32, #tpu.memory_space<vmem_shared>>
    %dma_wait3A_723 = tpu.memref_slice %arg12[%dma_wait3A_717] : memref<8x!tpu.dma_semaphore, #tpu.memory_space<semaphore_mem>> -> memref<1x!tpu.dma_semaphore, #tpu.memory_space<semaphore_mem>>
    %dma_wait3A_724 = tpu.memref_squeeze %dma_wait3A_723 : memref<1x!tpu.dma_semaphore, #tpu.memory_space<semaphore_mem>> -> memref<!tpu.dma_semaphore, #tpu.memory_space<semaphore_mem>>
    %dma_wait3A_725 = arith.constant 240 : i32
    %dma_wait3A_726 = arith.constant 0 : i32
    %dma_wait3A_727 = tpu.memref_slice %arg9[%dma_wait3A_725, %dma_wait3A_726] : memref<632x16xf32, #tpu.memory_space<vmem>> -> memref<80x16xf32, #tpu.memory_space<vmem>>
    %dma_wait3A_728 = arith.constant 0 : i32
    %dma_wait3A_729 = tpu.memref_slice %arg11[%add3A_716, %dma_wait3A_728] : memref<10112x16xf32, #tpu.memory_space<vmem_shared>> -> memref<80x16xf32, #tpu.memory_space<vmem_shared>>
    tpu.wait_dma2 semaphore(%dma_wait3A_724 : memref<!tpu.dma_semaphore, #tpu.memory_space<semaphore_mem>>) src(%dma_wait3A_729 : memref<80x16xf32, #tpu.memory_space<vmem_shared>>) dst(%dma_wait3A_727 : memref<80x16xf32, #tpu.memory_space<vmem>>)
    %mul3A_730 = arith.constant 632 : i32
    %mul3A_731 = arith.muli %arg1, %mul3A_730 : i32
    %add3A_732 = arith.constant 240 : i32
    %add3A_733 = arith.addi %mul3A_731, %add3A_732 : i32
    %dma_start3A_734 = arith.constant 3 : i32
    %dma_start3A_735 = arith.constant 240 : i32
    %dma_start3A_736 = arith.constant 0 : i32
    %dma_start3A_737 = tpu.memref_slice %arg9[%dma_start3A_735, %dma_start3A_736] : memref<632x16xf32, #tpu.memory_space<vmem>> -> memref<80x16xf32, #tpu.memory_space<vmem>>
    %dma_start3A_738 = arith.constant 0 : i32
    %dma_start3A_739 = arith.constant 0 : i32
    %dma_start3A_740 = tpu.memref_slice %arg5[%arg0, %dma_start3A_738, %dma_start3A_739] : memref<2x10112x16xf32, #tpu.memory_space<hbm>> -> memref<1x10112x16xf32, #tpu.memory_space<hbm>>
    %dma_start3A_741 = tpu.memref_squeeze %dma_start3A_740 : memref<1x10112x16xf32, #tpu.memory_space<hbm>> -> memref<10112x16xf32, #tpu.memory_space<hbm>>
    %dma_start3A_742 = arith.constant 0 : i32
    %dma_start3A_743 = tpu.memref_slice %dma_start3A_741[%add3A_733, %dma_start3A_742] : memref<10112x16xf32, #tpu.memory_space<hbm>> -> memref<80x16xf32, #tpu.memory_space<hbm>>
    %dma_start3A_744 = tpu.memref_slice %arg13[%dma_start3A_734] : memref<8x!tpu.dma_semaphore, #tpu.memory_space<semaphore_mem>> -> memref<1x!tpu.dma_semaphore, #tpu.memory_space<semaphore_mem>>
    %dma_start3A_745 = tpu.memref_squeeze %dma_start3A_744 : memref<1x!tpu.dma_semaphore, #tpu.memory_space<semaphore_mem>> -> memref<!tpu.dma_semaphore, #tpu.memory_space<semaphore_mem>>
    %dma_start3A_746 = arith.constant 0 : i32
    %dma_start3A_747 = arith.constant 0 : i32
    %dma_start3A_748 = tpu.memref_slice %arg5[%arg0, %dma_start3A_746, %dma_start3A_747] : memref<2x10112x16xf32, #tpu.memory_space<hbm>> -> memref<1x10112x16xf32, #tpu.memory_space<hbm>>
    %dma_start3A_749 = tpu.memref_squeeze %dma_start3A_748 : memref<1x10112x16xf32, #tpu.memory_space<hbm>> -> memref<10112x16xf32, #tpu.memory_space<hbm>>
    %dma_start3A_750 = arith.constant 0 : i32
    %dma_start3A_751 = tpu.memref_slice %dma_start3A_749[%add3A_733, %dma_start3A_750] : memref<10112x16xf32, #tpu.memory_space<hbm>> -> memref<80x16xf32, #tpu.memory_space<hbm>>
    %dma_start3A_752 = arith.constant 240 : i32
    %dma_start3A_753 = arith.constant 0 : i32
    %dma_start3A_754 = tpu.memref_slice %arg9[%dma_start3A_752, %dma_start3A_753] : memref<632x16xf32, #tpu.memory_space<vmem>> -> memref<80x16xf32, #tpu.memory_space<vmem>>
    tpu.enqueue_dma source(%dma_start3A_754 : memref<80x16xf32, #tpu.memory_space<vmem>>) target(%dma_start3A_751 : memref<80x16xf32, #tpu.memory_space<hbm>>) target_semaphore(%dma_start3A_745 : memref<!tpu.dma_semaphore, #tpu.memory_space<semaphore_mem>>)
    %mul3A_755 = arith.constant 632 : i32
    %mul3A_756 = arith.muli %arg1, %mul3A_755 : i32
    %add3A_757 = arith.constant 320 : i32
    %add3A_758 = arith.addi %mul3A_756, %add3A_757 : i32
    %dma_wait3A_759 = arith.constant 4 : i32
    %dma_wait3A_760 = arith.constant 320 : i32
    %dma_wait3A_761 = arith.constant 0 : i32
    %dma_wait3A_762 = tpu.memref_slice %arg9[%dma_wait3A_760, %dma_wait3A_761] : memref<632x16xf32, #tpu.memory_space<vmem>> -> memref<80x16xf32, #tpu.memory_space<vmem>>
    %dma_wait3A_763 = arith.constant 0 : i32
    %dma_wait3A_764 = tpu.memref_slice %arg11[%add3A_758, %dma_wait3A_763] : memref<10112x16xf32, #tpu.memory_space<vmem_shared>> -> memref<80x16xf32, #tpu.memory_space<vmem_shared>>
    %dma_wait3A_765 = tpu.memref_slice %arg12[%dma_wait3A_759] : memref<8x!tpu.dma_semaphore, #tpu.memory_space<semaphore_mem>> -> memref<1x!tpu.dma_semaphore, #tpu.memory_space<semaphore_mem>>
    %dma_wait3A_766 = tpu.memref_squeeze %dma_wait3A_765 : memref<1x!tpu.dma_semaphore, #tpu.memory_space<semaphore_mem>> -> memref<!tpu.dma_semaphore, #tpu.memory_space<semaphore_mem>>
    %dma_wait3A_767 = arith.constant 320 : i32
    %dma_wait3A_768 = arith.constant 0 : i32
    %dma_wait3A_769 = tpu.memref_slice %arg9[%dma_wait3A_767, %dma_wait3A_768] : memref<632x16xf32, #tpu.memory_space<vmem>> -> memref<80x16xf32, #tpu.memory_space<vmem>>
    %dma_wait3A_770 = arith.constant 0 : i32
    %dma_wait3A_771 = tpu.memref_slice %arg11[%add3A_758, %dma_wait3A_770] : memref<10112x16xf32, #tpu.memory_space<vmem_shared>> -> memref<80x16xf32, #tpu.memory_space<vmem_shared>>
    tpu.wait_dma2 semaphore(%dma_wait3A_766 : memref<!tpu.dma_semaphore, #tpu.memory_space<semaphore_mem>>) src(%dma_wait3A_771 : memref<80x16xf32, #tpu.memory_space<vmem_shared>>) dst(%dma_wait3A_769 : memref<80x16xf32, #tpu.memory_space<vmem>>)
    %mul3A_772 = arith.constant 632 : i32
    %mul3A_773 = arith.muli %arg1, %mul3A_772 : i32
    %add3A_774 = arith.constant 320 : i32
    %add3A_775 = arith.addi %mul3A_773, %add3A_774 : i32
    %dma_start3A_776 = arith.constant 4 : i32
    %dma_start3A_777 = arith.constant 320 : i32
    %dma_start3A_778 = arith.constant 0 : i32
    %dma_start3A_779 = tpu.memref_slice %arg9[%dma_start3A_777, %dma_start3A_778] : memref<632x16xf32, #tpu.memory_space<vmem>> -> memref<80x16xf32, #tpu.memory_space<vmem>>
    %dma_start3A_780 = arith.constant 0 : i32
    %dma_start3A_781 = arith.constant 0 : i32
    %dma_start3A_782 = tpu.memref_slice %arg5[%arg0, %dma_start3A_780, %dma_start3A_781] : memref<2x10112x16xf32, #tpu.memory_space<hbm>> -> memref<1x10112x16xf32, #tpu.memory_space<hbm>>
    %dma_start3A_783 = tpu.memref_squeeze %dma_start3A_782 : memref<1x10112x16xf32, #tpu.memory_space<hbm>> -> memref<10112x16xf32, #tpu.memory_space<hbm>>
    %dma_start3A_784 = arith.constant 0 : i32
    %dma_start3A_785 = tpu.memref_slice %dma_start3A_783[%add3A_775, %dma_start3A_784] : memref<10112x16xf32, #tpu.memory_space<hbm>> -> memref<80x16xf32, #tpu.memory_space<hbm>>
    %dma_start3A_786 = tpu.memref_slice %arg13[%dma_start3A_776] : memref<8x!tpu.dma_semaphore, #tpu.memory_space<semaphore_mem>> -> memref<1x!tpu.dma_semaphore, #tpu.memory_space<semaphore_mem>>
    %dma_start3A_787 = tpu.memref_squeeze %dma_start3A_786 : memref<1x!tpu.dma_semaphore, #tpu.memory_space<semaphore_mem>> -> memref<!tpu.dma_semaphore, #tpu.memory_space<semaphore_mem>>
    %dma_start3A_788 = arith.constant 0 : i32
    %dma_start3A_789 = arith.constant 0 : i32
    %dma_start3A_790 = tpu.memref_slice %arg5[%arg0, %dma_start3A_788, %dma_start3A_789] : memref<2x10112x16xf32, #tpu.memory_space<hbm>> -> memref<1x10112x16xf32, #tpu.memory_space<hbm>>
    %dma_start3A_791 = tpu.memref_squeeze %dma_start3A_790 : memref<1x10112x16xf32, #tpu.memory_space<hbm>> -> memref<10112x16xf32, #tpu.memory_space<hbm>>
    %dma_start3A_792 = arith.constant 0 : i32
    %dma_start3A_793 = tpu.memref_slice %dma_start3A_791[%add3A_775, %dma_start3A_792] : memref<10112x16xf32, #tpu.memory_space<hbm>> -> memref<80x16xf32, #tpu.memory_space<hbm>>
    %dma_start3A_794 = arith.constant 320 : i32
    %dma_start3A_795 = arith.constant 0 : i32
    %dma_start3A_796 = tpu.memref_slice %arg9[%dma_start3A_794, %dma_start3A_795] : memref<632x16xf32, #tpu.memory_space<vmem>> -> memref<80x16xf32, #tpu.memory_space<vmem>>
    tpu.enqueue_dma source(%dma_start3A_796 : memref<80x16xf32, #tpu.memory_space<vmem>>) target(%dma_start3A_793 : memref<80x16xf32, #tpu.memory_space<hbm>>) target_semaphore(%dma_start3A_787 : memref<!tpu.dma_semaphore, #tpu.memory_space<semaphore_mem>>)
    %mul3A_797 = arith.constant 632 : i32
    %mul3A_798 = arith.muli %arg1, %mul3A_797 : i32
    %add3A_799 = arith.constant 400 : i32
    %add3A_800 = arith.addi %mul3A_798, %add3A_799 : i32
    %dma_wait3A_801 = arith.constant 5 : i32
    %dma_wait3A_802 = arith.constant 400 : i32
    %dma_wait3A_803 = arith.constant 0 : i32
    %dma_wait3A_804 = tpu.memref_slice %arg9[%dma_wait3A_802, %dma_wait3A_803] : memref<632x16xf32, #tpu.memory_space<vmem>> -> memref<80x16xf32, #tpu.memory_space<vmem>>
    %dma_wait3A_805 = arith.constant 0 : i32
    %dma_wait3A_806 = tpu.memref_slice %arg11[%add3A_800, %dma_wait3A_805] : memref<10112x16xf32, #tpu.memory_space<vmem_shared>> -> memref<80x16xf32, #tpu.memory_space<vmem_shared>>
    %dma_wait3A_807 = tpu.memref_slice %arg12[%dma_wait3A_801] : memref<8x!tpu.dma_semaphore, #tpu.memory_space<semaphore_mem>> -> memref<1x!tpu.dma_semaphore, #tpu.memory_space<semaphore_mem>>
    %dma_wait3A_808 = tpu.memref_squeeze %dma_wait3A_807 : memref<1x!tpu.dma_semaphore, #tpu.memory_space<semaphore_mem>> -> memref<!tpu.dma_semaphore, #tpu.memory_space<semaphore_mem>>
    %dma_wait3A_809 = arith.constant 400 : i32
    %dma_wait3A_810 = arith.constant 0 : i32
    %dma_wait3A_811 = tpu.memref_slice %arg9[%dma_wait3A_809, %dma_wait3A_810] : memref<632x16xf32, #tpu.memory_space<vmem>> -> memref<80x16xf32, #tpu.memory_space<vmem>>
    %dma_wait3A_812 = arith.constant 0 : i32
    %dma_wait3A_813 = tpu.memref_slice %arg11[%add3A_800, %dma_wait3A_812] : memref<10112x16xf32, #tpu.memory_space<vmem_shared>> -> memref<80x16xf32, #tpu.memory_space<vmem_shared>>
    tpu.wait_dma2 semaphore(%dma_wait3A_808 : memref<!tpu.dma_semaphore, #tpu.memory_space<semaphore_mem>>) src(%dma_wait3A_813 : memref<80x16xf32, #tpu.memory_space<vmem_shared>>) dst(%dma_wait3A_811 : memref<80x16xf32, #tpu.memory_space<vmem>>)
    %mul3A_814 = arith.constant 632 : i32
    %mul3A_815 = arith.muli %arg1, %mul3A_814 : i32
    %add3A_816 = arith.constant 400 : i32
    %add3A_817 = arith.addi %mul3A_815, %add3A_816 : i32
    %dma_start3A_818 = arith.constant 5 : i32
    %dma_start3A_819 = arith.constant 400 : i32
    %dma_start3A_820 = arith.constant 0 : i32
    %dma_start3A_821 = tpu.memref_slice %arg9[%dma_start3A_819, %dma_start3A_820] : memref<632x16xf32, #tpu.memory_space<vmem>> -> memref<80x16xf32, #tpu.memory_space<vmem>>
    %dma_start3A_822 = arith.constant 0 : i32
    %dma_start3A_823 = arith.constant 0 : i32
    %dma_start3A_824 = tpu.memref_slice %arg5[%arg0, %dma_start3A_822, %dma_start3A_823] : memref<2x10112x16xf32, #tpu.memory_space<hbm>> -> memref<1x10112x16xf32, #tpu.memory_space<hbm>>
    %dma_start3A_825 = tpu.memref_squeeze %dma_start3A_824 : memref<1x10112x16xf32, #tpu.memory_space<hbm>> -> memref<10112x16xf32, #tpu.memory_space<hbm>>
    %dma_start3A_826 = arith.constant 0 : i32
    %dma_start3A_827 = tpu.memref_slice %dma_start3A_825[%add3A_817, %dma_start3A_826] : memref<10112x16xf32, #tpu.memory_space<hbm>> -> memref<80x16xf32, #tpu.memory_space<hbm>>
    %dma_start3A_828 = tpu.memref_slice %arg13[%dma_start3A_818] : memref<8x!tpu.dma_semaphore, #tpu.memory_space<semaphore_mem>> -> memref<1x!tpu.dma_semaphore, #tpu.memory_space<semaphore_mem>>
    %dma_start3A_829 = tpu.memref_squeeze %dma_start3A_828 : memref<1x!tpu.dma_semaphore, #tpu.memory_space<semaphore_mem>> -> memref<!tpu.dma_semaphore, #tpu.memory_space<semaphore_mem>>
    %dma_start3A_830 = arith.constant 0 : i32
    %dma_start3A_831 = arith.constant 0 : i32
    %dma_start3A_832 = tpu.memref_slice %arg5[%arg0, %dma_start3A_830, %dma_start3A_831] : memref<2x10112x16xf32, #tpu.memory_space<hbm>> -> memref<1x10112x16xf32, #tpu.memory_space<hbm>>
    %dma_start3A_833 = tpu.memref_squeeze %dma_start3A_832 : memref<1x10112x16xf32, #tpu.memory_space<hbm>> -> memref<10112x16xf32, #tpu.memory_space<hbm>>
    %dma_start3A_834 = arith.constant 0 : i32
    %dma_start3A_835 = tpu.memref_slice %dma_start3A_833[%add3A_817, %dma_start3A_834] : memref<10112x16xf32, #tpu.memory_space<hbm>> -> memref<80x16xf32, #tpu.memory_space<hbm>>
    %dma_start3A_836 = arith.constant 400 : i32
    %dma_start3A_837 = arith.constant 0 : i32
    %dma_start3A_838 = tpu.memref_slice %arg9[%dma_start3A_836, %dma_start3A_837] : memref<632x16xf32, #tpu.memory_space<vmem>> -> memref<80x16xf32, #tpu.memory_space<vmem>>
    tpu.enqueue_dma source(%dma_start3A_838 : memref<80x16xf32, #tpu.memory_space<vmem>>) target(%dma_start3A_835 : memref<80x16xf32, #tpu.memory_space<hbm>>) target_semaphore(%dma_start3A_829 : memref<!tpu.dma_semaphore, #tpu.memory_space<semaphore_mem>>)
    %mul3A_839 = arith.constant 632 : i32
    %mul3A_840 = arith.muli %arg1, %mul3A_839 : i32
    %add3A_841 = arith.constant 480 : i32
    %add3A_842 = arith.addi %mul3A_840, %add3A_841 : i32
    %dma_wait3A_843 = arith.constant 6 : i32
    %dma_wait3A_844 = arith.constant 480 : i32
    %dma_wait3A_845 = arith.constant 0 : i32
    %dma_wait3A_846 = tpu.memref_slice %arg9[%dma_wait3A_844, %dma_wait3A_845] : memref<632x16xf32, #tpu.memory_space<vmem>> -> memref<80x16xf32, #tpu.memory_space<vmem>>
    %dma_wait3A_847 = arith.constant 0 : i32
    %dma_wait3A_848 = tpu.memref_slice %arg11[%add3A_842, %dma_wait3A_847] : memref<10112x16xf32, #tpu.memory_space<vmem_shared>> -> memref<80x16xf32, #tpu.memory_space<vmem_shared>>
    %dma_wait3A_849 = tpu.memref_slice %arg12[%dma_wait3A_843] : memref<8x!tpu.dma_semaphore, #tpu.memory_space<semaphore_mem>> -> memref<1x!tpu.dma_semaphore, #tpu.memory_space<semaphore_mem>>
    %dma_wait3A_850 = tpu.memref_squeeze %dma_wait3A_849 : memref<1x!tpu.dma_semaphore, #tpu.memory_space<semaphore_mem>> -> memref<!tpu.dma_semaphore, #tpu.memory_space<semaphore_mem>>
    %dma_wait3A_851 = arith.constant 480 : i32
    %dma_wait3A_852 = arith.constant 0 : i32
    %dma_wait3A_853 = tpu.memref_slice %arg9[%dma_wait3A_851, %dma_wait3A_852] : memref<632x16xf32, #tpu.memory_space<vmem>> -> memref<80x16xf32, #tpu.memory_space<vmem>>
    %dma_wait3A_854 = arith.constant 0 : i32
    %dma_wait3A_855 = tpu.memref_slice %arg11[%add3A_842, %dma_wait3A_854] : memref<10112x16xf32, #tpu.memory_space<vmem_shared>> -> memref<80x16xf32, #tpu.memory_space<vmem_shared>>
    tpu.wait_dma2 semaphore(%dma_wait3A_850 : memref<!tpu.dma_semaphore, #tpu.memory_space<semaphore_mem>>) src(%dma_wait3A_855 : memref<80x16xf32, #tpu.memory_space<vmem_shared>>) dst(%dma_wait3A_853 : memref<80x16xf32, #tpu.memory_space<vmem>>)
    %mul3A_856 = arith.constant 632 : i32
    %mul3A_857 = arith.muli %arg1, %mul3A_856 : i32
    %add3A_858 = arith.constant 480 : i32
    %add3A_859 = arith.addi %mul3A_857, %add3A_858 : i32
    %dma_start3A_860 = arith.constant 6 : i32
    %dma_start3A_861 = arith.constant 480 : i32
    %dma_start3A_862 = arith.constant 0 : i32
    %dma_start3A_863 = tpu.memref_slice %arg9[%dma_start3A_861, %dma_start3A_862] : memref<632x16xf32, #tpu.memory_space<vmem>> -> memref<80x16xf32, #tpu.memory_space<vmem>>
    %dma_start3A_864 = arith.constant 0 : i32
    %dma_start3A_865 = arith.constant 0 : i32
    %dma_start3A_866 = tpu.memref_slice %arg5[%arg0, %dma_start3A_864, %dma_start3A_865] : memref<2x10112x16xf32, #tpu.memory_space<hbm>> -> memref<1x10112x16xf32, #tpu.memory_space<hbm>>
    %dma_start3A_867 = tpu.memref_squeeze %dma_start3A_866 : memref<1x10112x16xf32, #tpu.memory_space<hbm>> -> memref<10112x16xf32, #tpu.memory_space<hbm>>
    %dma_start3A_868 = arith.constant 0 : i32
    %dma_start3A_869 = tpu.memref_slice %dma_start3A_867[%add3A_859, %dma_start3A_868] : memref<10112x16xf32, #tpu.memory_space<hbm>> -> memref<80x16xf32, #tpu.memory_space<hbm>>
    %dma_start3A_870 = tpu.memref_slice %arg13[%dma_start3A_860] : memref<8x!tpu.dma_semaphore, #tpu.memory_space<semaphore_mem>> -> memref<1x!tpu.dma_semaphore, #tpu.memory_space<semaphore_mem>>
    %dma_start3A_871 = tpu.memref_squeeze %dma_start3A_870 : memref<1x!tpu.dma_semaphore, #tpu.memory_space<semaphore_mem>> -> memref<!tpu.dma_semaphore, #tpu.memory_space<semaphore_mem>>
    %dma_start3A_872 = arith.constant 0 : i32
    %dma_start3A_873 = arith.constant 0 : i32
    %dma_start3A_874 = tpu.memref_slice %arg5[%arg0, %dma_start3A_872, %dma_start3A_873] : memref<2x10112x16xf32, #tpu.memory_space<hbm>> -> memref<1x10112x16xf32, #tpu.memory_space<hbm>>
    %dma_start3A_875 = tpu.memref_squeeze %dma_start3A_874 : memref<1x10112x16xf32, #tpu.memory_space<hbm>> -> memref<10112x16xf32, #tpu.memory_space<hbm>>
    %dma_start3A_876 = arith.constant 0 : i32
    %dma_start3A_877 = tpu.memref_slice %dma_start3A_875[%add3A_859, %dma_start3A_876] : memref<10112x16xf32, #tpu.memory_space<hbm>> -> memref<80x16xf32, #tpu.memory_space<hbm>>
    %dma_start3A_878 = arith.constant 480 : i32
    %dma_start3A_879 = arith.constant 0 : i32
    %dma_start3A_880 = tpu.memref_slice %arg9[%dma_start3A_878, %dma_start3A_879] : memref<632x16xf32, #tpu.memory_space<vmem>> -> memref<80x16xf32, #tpu.memory_space<vmem>>
    tpu.enqueue_dma source(%dma_start3A_880 : memref<80x16xf32, #tpu.memory_space<vmem>>) target(%dma_start3A_877 : memref<80x16xf32, #tpu.memory_space<hbm>>) target_semaphore(%dma_start3A_871 : memref<!tpu.dma_semaphore, #tpu.memory_space<semaphore_mem>>)
    %mul3A_881 = arith.constant 632 : i32
    %mul3A_882 = arith.muli %arg1, %mul3A_881 : i32
    %add3A_883 = arith.constant 560 : i32
    %add3A_884 = arith.addi %mul3A_882, %add3A_883 : i32
    %dma_wait3A_885 = arith.constant 7 : i32
    %dma_wait3A_886 = arith.constant 560 : i32
    %dma_wait3A_887 = arith.constant 0 : i32
    %dma_wait3A_888 = tpu.memref_slice %arg9[%dma_wait3A_886, %dma_wait3A_887] : memref<632x16xf32, #tpu.memory_space<vmem>> -> memref<72x16xf32, #tpu.memory_space<vmem>>
    %dma_wait3A_889 = arith.constant 0 : i32
    %dma_wait3A_890 = tpu.memref_slice %arg11[%add3A_884, %dma_wait3A_889] : memref<10112x16xf32, #tpu.memory_space<vmem_shared>> -> memref<72x16xf32, #tpu.memory_space<vmem_shared>>
    %dma_wait3A_891 = tpu.memref_slice %arg12[%dma_wait3A_885] : memref<8x!tpu.dma_semaphore, #tpu.memory_space<semaphore_mem>> -> memref<1x!tpu.dma_semaphore, #tpu.memory_space<semaphore_mem>>
    %dma_wait3A_892 = tpu.memref_squeeze %dma_wait3A_891 : memref<1x!tpu.dma_semaphore, #tpu.memory_space<semaphore_mem>> -> memref<!tpu.dma_semaphore, #tpu.memory_space<semaphore_mem>>
    %dma_wait3A_893 = arith.constant 560 : i32
    %dma_wait3A_894 = arith.constant 0 : i32
    %dma_wait3A_895 = tpu.memref_slice %arg9[%dma_wait3A_893, %dma_wait3A_894] : memref<632x16xf32, #tpu.memory_space<vmem>> -> memref<72x16xf32, #tpu.memory_space<vmem>>
    %dma_wait3A_896 = arith.constant 0 : i32
    %dma_wait3A_897 = tpu.memref_slice %arg11[%add3A_884, %dma_wait3A_896] : memref<10112x16xf32, #tpu.memory_space<vmem_shared>> -> memref<72x16xf32, #tpu.memory_space<vmem_shared>>
    tpu.wait_dma2 semaphore(%dma_wait3A_892 : memref<!tpu.dma_semaphore, #tpu.memory_space<semaphore_mem>>) src(%dma_wait3A_897 : memref<72x16xf32, #tpu.memory_space<vmem_shared>>) dst(%dma_wait3A_895 : memref<72x16xf32, #tpu.memory_space<vmem>>)
    %mul3A_898 = arith.constant 632 : i32
    %mul3A_899 = arith.muli %arg1, %mul3A_898 : i32
    %add3A_900 = arith.constant 560 : i32
    %add3A_901 = arith.addi %mul3A_899, %add3A_900 : i32
    %dma_start3A_902 = arith.constant 7 : i32
    %dma_start3A_903 = arith.constant 560 : i32
    %dma_start3A_904 = arith.constant 0 : i32
    %dma_start3A_905 = tpu.memref_slice %arg9[%dma_start3A_903, %dma_start3A_904] : memref<632x16xf32, #tpu.memory_space<vmem>> -> memref<72x16xf32, #tpu.memory_space<vmem>>
    %dma_start3A_906 = arith.constant 0 : i32
    %dma_start3A_907 = arith.constant 0 : i32
    %dma_start3A_908 = tpu.memref_slice %arg5[%arg0, %dma_start3A_906, %dma_start3A_907] : memref<2x10112x16xf32, #tpu.memory_space<hbm>> -> memref<1x10112x16xf32, #tpu.memory_space<hbm>>
    %dma_start3A_909 = tpu.memref_squeeze %dma_start3A_908 : memref<1x10112x16xf32, #tpu.memory_space<hbm>> -> memref<10112x16xf32, #tpu.memory_space<hbm>>
    %dma_start3A_910 = arith.constant 0 : i32
    %dma_start3A_911 = tpu.memref_slice %dma_start3A_909[%add3A_901, %dma_start3A_910] : memref<10112x16xf32, #tpu.memory_space<hbm>> -> memref<72x16xf32, #tpu.memory_space<hbm>>
    %dma_start3A_912 = tpu.memref_slice %arg13[%dma_start3A_902] : memref<8x!tpu.dma_semaphore, #tpu.memory_space<semaphore_mem>> -> memref<1x!tpu.dma_semaphore, #tpu.memory_space<semaphore_mem>>
    %dma_start3A_913 = tpu.memref_squeeze %dma_start3A_912 : memref<1x!tpu.dma_semaphore, #tpu.memory_space<semaphore_mem>> -> memref<!tpu.dma_semaphore, #tpu.memory_space<semaphore_mem>>
    %dma_start3A_914 = arith.constant 0 : i32
    %dma_start3A_915 = arith.constant 0 : i32
    %dma_start3A_916 = tpu.memref_slice %arg5[%arg0, %dma_start3A_914, %dma_start3A_915] : memref<2x10112x16xf32, #tpu.memory_space<hbm>> -> memref<1x10112x16xf32, #tpu.memory_space<hbm>>
    %dma_start3A_917 = tpu.memref_squeeze %dma_start3A_916 : memref<1x10112x16xf32, #tpu.memory_space<hbm>> -> memref<10112x16xf32, #tpu.memory_space<hbm>>
    %dma_start3A_918 = arith.constant 0 : i32
    %dma_start3A_919 = tpu.memref_slice %dma_start3A_917[%add3A_901, %dma_start3A_918] : memref<10112x16xf32, #tpu.memory_space<hbm>> -> memref<72x16xf32, #tpu.memory_space<hbm>>
    %dma_start3A_920 = arith.constant 560 : i32
    %dma_start3A_921 = arith.constant 0 : i32
    %dma_start3A_922 = tpu.memref_slice %arg9[%dma_start3A_920, %dma_start3A_921] : memref<632x16xf32, #tpu.memory_space<vmem>> -> memref<72x16xf32, #tpu.memory_space<vmem>>
    tpu.enqueue_dma source(%dma_start3A_922 : memref<72x16xf32, #tpu.memory_space<vmem>>) target(%dma_start3A_919 : memref<72x16xf32, #tpu.memory_space<hbm>>) target_semaphore(%dma_start3A_913 : memref<!tpu.dma_semaphore, #tpu.memory_space<semaphore_mem>>)
    %mul3A_923 = arith.constant 632 : i32
    %mul3A_924 = arith.muli %arg1, %mul3A_923 : i32
    %add3A_925 = arith.constant 0 : i32
    %add3A_926 = arith.addi %mul3A_924, %add3A_925 : i32
    %dma_wait3A_927 = arith.constant 0 : i32
    %dma_wait3A_928 = arith.constant 0 : i32
    %dma_wait3A_929 = arith.constant 0 : i32
    %dma_wait3A_930 = tpu.memref_slice %arg9[%dma_wait3A_928, %dma_wait3A_929] : memref<632x16xf32, #tpu.memory_space<vmem>> -> memref<80x16xf32, #tpu.memory_space<vmem>>
    %dma_wait3A_931 = arith.constant 0 : i32
    %dma_wait3A_932 = arith.constant 0 : i32
    %dma_wait3A_933 = tpu.memref_slice %arg5[%arg0, %dma_wait3A_931, %dma_wait3A_932] : memref<2x10112x16xf32, #tpu.memory_space<hbm>> -> memref<1x10112x16xf32, #tpu.memory_space<hbm>>
    %dma_wait3A_934 = tpu.memref_squeeze %dma_wait3A_933 : memref<1x10112x16xf32, #tpu.memory_space<hbm>> -> memref<10112x16xf32, #tpu.memory_space<hbm>>
    %dma_wait3A_935 = arith.constant 0 : i32
    %dma_wait3A_936 = tpu.memref_slice %dma_wait3A_934[%add3A_926, %dma_wait3A_935] : memref<10112x16xf32, #tpu.memory_space<hbm>> -> memref<80x16xf32, #tpu.memory_space<hbm>>
    %dma_wait3A_937 = tpu.memref_slice %arg13[%dma_wait3A_927] : memref<8x!tpu.dma_semaphore, #tpu.memory_space<semaphore_mem>> -> memref<1x!tpu.dma_semaphore, #tpu.memory_space<semaphore_mem>>
    %dma_wait3A_938 = tpu.memref_squeeze %dma_wait3A_937 : memref<1x!tpu.dma_semaphore, #tpu.memory_space<semaphore_mem>> -> memref<!tpu.dma_semaphore, #tpu.memory_space<semaphore_mem>>
    %dma_wait3A_939 = arith.constant 0 : i32
    %dma_wait3A_940 = arith.constant 0 : i32
    %dma_wait3A_941 = tpu.memref_slice %arg5[%arg0, %dma_wait3A_939, %dma_wait3A_940] : memref<2x10112x16xf32, #tpu.memory_space<hbm>> -> memref<1x10112x16xf32, #tpu.memory_space<hbm>>
    %dma_wait3A_942 = tpu.memref_squeeze %dma_wait3A_941 : memref<1x10112x16xf32, #tpu.memory_space<hbm>> -> memref<10112x16xf32, #tpu.memory_space<hbm>>
    %dma_wait3A_943 = arith.constant 0 : i32
    %dma_wait3A_944 = tpu.memref_slice %dma_wait3A_942[%add3A_926, %dma_wait3A_943] : memref<10112x16xf32, #tpu.memory_space<hbm>> -> memref<80x16xf32, #tpu.memory_space<hbm>>
    %dma_wait3A_945 = arith.constant 0 : i32
    %dma_wait3A_946 = arith.constant 0 : i32
    %dma_wait3A_947 = tpu.memref_slice %arg9[%dma_wait3A_945, %dma_wait3A_946] : memref<632x16xf32, #tpu.memory_space<vmem>> -> memref<80x16xf32, #tpu.memory_space<vmem>>
    tpu.wait_dma2 semaphore(%dma_wait3A_938 : memref<!tpu.dma_semaphore, #tpu.memory_space<semaphore_mem>>) src(%dma_wait3A_947 : memref<80x16xf32, #tpu.memory_space<vmem>>) dst(%dma_wait3A_944 : memref<80x16xf32, #tpu.memory_space<hbm>>)
    %mul3A_948 = arith.constant 632 : i32
    %mul3A_949 = arith.muli %arg1, %mul3A_948 : i32
    %add3A_950 = arith.constant 80 : i32
    %add3A_951 = arith.addi %mul3A_949, %add3A_950 : i32
    %dma_wait3A_952 = arith.constant 1 : i32
    %dma_wait3A_953 = arith.constant 80 : i32
    %dma_wait3A_954 = arith.constant 0 : i32
    %dma_wait3A_955 = tpu.memref_slice %arg9[%dma_wait3A_953, %dma_wait3A_954] : memref<632x16xf32, #tpu.memory_space<vmem>> -> memref<80x16xf32, #tpu.memory_space<vmem>>
    %dma_wait3A_956 = arith.constant 0 : i32
    %dma_wait3A_957 = arith.constant 0 : i32
    %dma_wait3A_958 = tpu.memref_slice %arg5[%arg0, %dma_wait3A_956, %dma_wait3A_957] : memref<2x10112x16xf32, #tpu.memory_space<hbm>> -> memref<1x10112x16xf32, #tpu.memory_space<hbm>>
    %dma_wait3A_959 = tpu.memref_squeeze %dma_wait3A_958 : memref<1x10112x16xf32, #tpu.memory_space<hbm>> -> memref<10112x16xf32, #tpu.memory_space<hbm>>
    %dma_wait3A_960 = arith.constant 0 : i32
    %dma_wait3A_961 = tpu.memref_slice %dma_wait3A_959[%add3A_951, %dma_wait3A_960] : memref<10112x16xf32, #tpu.memory_space<hbm>> -> memref<80x16xf32, #tpu.memory_space<hbm>>
    %dma_wait3A_962 = tpu.memref_slice %arg13[%dma_wait3A_952] : memref<8x!tpu.dma_semaphore, #tpu.memory_space<semaphore_mem>> -> memref<1x!tpu.dma_semaphore, #tpu.memory_space<semaphore_mem>>
    %dma_wait3A_963 = tpu.memref_squeeze %dma_wait3A_962 : memref<1x!tpu.dma_semaphore, #tpu.memory_space<semaphore_mem>> -> memref<!tpu.dma_semaphore, #tpu.memory_space<semaphore_mem>>
    %dma_wait3A_964 = arith.constant 0 : i32
    %dma_wait3A_965 = arith.constant 0 : i32
    %dma_wait3A_966 = tpu.memref_slice %arg5[%arg0, %dma_wait3A_964, %dma_wait3A_965] : memref<2x10112x16xf32, #tpu.memory_space<hbm>> -> memref<1x10112x16xf32, #tpu.memory_space<hbm>>
    %dma_wait3A_967 = tpu.memref_squeeze %dma_wait3A_966 : memref<1x10112x16xf32, #tpu.memory_space<hbm>> -> memref<10112x16xf32, #tpu.memory_space<hbm>>
    %dma_wait3A_968 = arith.constant 0 : i32
    %dma_wait3A_969 = tpu.memref_slice %dma_wait3A_967[%add3A_951, %dma_wait3A_968] : memref<10112x16xf32, #tpu.memory_space<hbm>> -> memref<80x16xf32, #tpu.memory_space<hbm>>
    %dma_wait3A_970 = arith.constant 80 : i32
    %dma_wait3A_971 = arith.constant 0 : i32
    %dma_wait3A_972 = tpu.memref_slice %arg9[%dma_wait3A_970, %dma_wait3A_971] : memref<632x16xf32, #tpu.memory_space<vmem>> -> memref<80x16xf32, #tpu.memory_space<vmem>>
    tpu.wait_dma2 semaphore(%dma_wait3A_963 : memref<!tpu.dma_semaphore, #tpu.memory_space<semaphore_mem>>) src(%dma_wait3A_972 : memref<80x16xf32, #tpu.memory_space<vmem>>) dst(%dma_wait3A_969 : memref<80x16xf32, #tpu.memory_space<hbm>>)
    %mul3A_973 = arith.constant 632 : i32
    %mul3A_974 = arith.muli %arg1, %mul3A_973 : i32
    %add3A_975 = arith.constant 160 : i32
    %add3A_976 = arith.addi %mul3A_974, %add3A_975 : i32
    %dma_wait3A_977 = arith.constant 2 : i32
    %dma_wait3A_978 = arith.constant 160 : i32
    %dma_wait3A_979 = arith.constant 0 : i32
    %dma_wait3A_980 = tpu.memref_slice %arg9[%dma_wait3A_978, %dma_wait3A_979] : memref<632x16xf32, #tpu.memory_space<vmem>> -> memref<80x16xf32, #tpu.memory_space<vmem>>
    %dma_wait3A_981 = arith.constant 0 : i32
    %dma_wait3A_982 = arith.constant 0 : i32
    %dma_wait3A_983 = tpu.memref_slice %arg5[%arg0, %dma_wait3A_981, %dma_wait3A_982] : memref<2x10112x16xf32, #tpu.memory_space<hbm>> -> memref<1x10112x16xf32, #tpu.memory_space<hbm>>
    %dma_wait3A_984 = tpu.memref_squeeze %dma_wait3A_983 : memref<1x10112x16xf32, #tpu.memory_space<hbm>> -> memref<10112x16xf32, #tpu.memory_space<hbm>>
    %dma_wait3A_985 = arith.constant 0 : i32
    %dma_wait3A_986 = tpu.memref_slice %dma_wait3A_984[%add3A_976, %dma_wait3A_985] : memref<10112x16xf32, #tpu.memory_space<hbm>> -> memref<80x16xf32, #tpu.memory_space<hbm>>
    %dma_wait3A_987 = tpu.memref_slice %arg13[%dma_wait3A_977] : memref<8x!tpu.dma_semaphore, #tpu.memory_space<semaphore_mem>> -> memref<1x!tpu.dma_semaphore, #tpu.memory_space<semaphore_mem>>
    %dma_wait3A_988 = tpu.memref_squeeze %dma_wait3A_987 : memref<1x!tpu.dma_semaphore, #tpu.memory_space<semaphore_mem>> -> memref<!tpu.dma_semaphore, #tpu.memory_space<semaphore_mem>>
    %dma_wait3A_989 = arith.constant 0 : i32
    %dma_wait3A_990 = arith.constant 0 : i32
    %dma_wait3A_991 = tpu.memref_slice %arg5[%arg0, %dma_wait3A_989, %dma_wait3A_990] : memref<2x10112x16xf32, #tpu.memory_space<hbm>> -> memref<1x10112x16xf32, #tpu.memory_space<hbm>>
    %dma_wait3A_992 = tpu.memref_squeeze %dma_wait3A_991 : memref<1x10112x16xf32, #tpu.memory_space<hbm>> -> memref<10112x16xf32, #tpu.memory_space<hbm>>
    %dma_wait3A_993 = arith.constant 0 : i32
    %dma_wait3A_994 = tpu.memref_slice %dma_wait3A_992[%add3A_976, %dma_wait3A_993] : memref<10112x16xf32, #tpu.memory_space<hbm>> -> memref<80x16xf32, #tpu.memory_space<hbm>>
    %dma_wait3A_995 = arith.constant 160 : i32
    %dma_wait3A_996 = arith.constant 0 : i32
    %dma_wait3A_997 = tpu.memref_slice %arg9[%dma_wait3A_995, %dma_wait3A_996] : memref<632x16xf32, #tpu.memory_space<vmem>> -> memref<80x16xf32, #tpu.memory_space<vmem>>
    tpu.wait_dma2 semaphore(%dma_wait3A_988 : memref<!tpu.dma_semaphore, #tpu.memory_space<semaphore_mem>>) src(%dma_wait3A_997 : memref<80x16xf32, #tpu.memory_space<vmem>>) dst(%dma_wait3A_994 : memref<80x16xf32, #tpu.memory_space<hbm>>)
    %mul3A_998 = arith.constant 632 : i32
    %mul3A_999 = arith.muli %arg1, %mul3A_998 : i32
    %add3A_1000 = arith.constant 240 : i32
    %add3A_1001 = arith.addi %mul3A_999, %add3A_1000 : i32
    %dma_wait3A_1002 = arith.constant 3 : i32
    %dma_wait3A_1003 = arith.constant 240 : i32
    %dma_wait3A_1004 = arith.constant 0 : i32
    %dma_wait3A_1005 = tpu.memref_slice %arg9[%dma_wait3A_1003, %dma_wait3A_1004] : memref<632x16xf32, #tpu.memory_space<vmem>> -> memref<80x16xf32, #tpu.memory_space<vmem>>
    %dma_wait3A_1006 = arith.constant 0 : i32
    %dma_wait3A_1007 = arith.constant 0 : i32
    %dma_wait3A_1008 = tpu.memref_slice %arg5[%arg0, %dma_wait3A_1006, %dma_wait3A_1007] : memref<2x10112x16xf32, #tpu.memory_space<hbm>> -> memref<1x10112x16xf32, #tpu.memory_space<hbm>>
    %dma_wait3A_1009 = tpu.memref_squeeze %dma_wait3A_1008 : memref<1x10112x16xf32, #tpu.memory_space<hbm>> -> memref<10112x16xf32, #tpu.memory_space<hbm>>
    %dma_wait3A_1010 = arith.constant 0 : i32
    %dma_wait3A_1011 = tpu.memref_slice %dma_wait3A_1009[%add3A_1001, %dma_wait3A_1010] : memref<10112x16xf32, #tpu.memory_space<hbm>> -> memref<80x16xf32, #tpu.memory_space<hbm>>
    %dma_wait3A_1012 = tpu.memref_slice %arg13[%dma_wait3A_1002] : memref<8x!tpu.dma_semaphore, #tpu.memory_space<semaphore_mem>> -> memref<1x!tpu.dma_semaphore, #tpu.memory_space<semaphore_mem>>
    %dma_wait3A_1013 = tpu.memref_squeeze %dma_wait3A_1012 : memref<1x!tpu.dma_semaphore, #tpu.memory_space<semaphore_mem>> -> memref<!tpu.dma_semaphore, #tpu.memory_space<semaphore_mem>>
    %dma_wait3A_1014 = arith.constant 0 : i32
    %dma_wait3A_1015 = arith.constant 0 : i32
    %dma_wait3A_1016 = tpu.memref_slice %arg5[%arg0, %dma_wait3A_1014, %dma_wait3A_1015] : memref<2x10112x16xf32, #tpu.memory_space<hbm>> -> memref<1x10112x16xf32, #tpu.memory_space<hbm>>
    %dma_wait3A_1017 = tpu.memref_squeeze %dma_wait3A_1016 : memref<1x10112x16xf32, #tpu.memory_space<hbm>> -> memref<10112x16xf32, #tpu.memory_space<hbm>>
    %dma_wait3A_1018 = arith.constant 0 : i32
    %dma_wait3A_1019 = tpu.memref_slice %dma_wait3A_1017[%add3A_1001, %dma_wait3A_1018] : memref<10112x16xf32, #tpu.memory_space<hbm>> -> memref<80x16xf32, #tpu.memory_space<hbm>>
    %dma_wait3A_1020 = arith.constant 240 : i32
    %dma_wait3A_1021 = arith.constant 0 : i32
    %dma_wait3A_1022 = tpu.memref_slice %arg9[%dma_wait3A_1020, %dma_wait3A_1021] : memref<632x16xf32, #tpu.memory_space<vmem>> -> memref<80x16xf32, #tpu.memory_space<vmem>>
    tpu.wait_dma2 semaphore(%dma_wait3A_1013 : memref<!tpu.dma_semaphore, #tpu.memory_space<semaphore_mem>>) src(%dma_wait3A_1022 : memref<80x16xf32, #tpu.memory_space<vmem>>) dst(%dma_wait3A_1019 : memref<80x16xf32, #tpu.memory_space<hbm>>)
    %mul3A_1023 = arith.constant 632 : i32
    %mul3A_1024 = arith.muli %arg1, %mul3A_1023 : i32
    %add3A_1025 = arith.constant 320 : i32
    %add3A_1026 = arith.addi %mul3A_1024, %add3A_1025 : i32
    %dma_wait3A_1027 = arith.constant 4 : i32
    %dma_wait3A_1028 = arith.constant 320 : i32
    %dma_wait3A_1029 = arith.constant 0 : i32
    %dma_wait3A_1030 = tpu.memref_slice %arg9[%dma_wait3A_1028, %dma_wait3A_1029] : memref<632x16xf32, #tpu.memory_space<vmem>> -> memref<80x16xf32, #tpu.memory_space<vmem>>
    %dma_wait3A_1031 = arith.constant 0 : i32
    %dma_wait3A_1032 = arith.constant 0 : i32
    %dma_wait3A_1033 = tpu.memref_slice %arg5[%arg0, %dma_wait3A_1031, %dma_wait3A_1032] : memref<2x10112x16xf32, #tpu.memory_space<hbm>> -> memref<1x10112x16xf32, #tpu.memory_space<hbm>>
    %dma_wait3A_1034 = tpu.memref_squeeze %dma_wait3A_1033 : memref<1x10112x16xf32, #tpu.memory_space<hbm>> -> memref<10112x16xf32, #tpu.memory_space<hbm>>
    %dma_wait3A_1035 = arith.constant 0 : i32
    %dma_wait3A_1036 = tpu.memref_slice %dma_wait3A_1034[%add3A_1026, %dma_wait3A_1035] : memref<10112x16xf32, #tpu.memory_space<hbm>> -> memref<80x16xf32, #tpu.memory_space<hbm>>
    %dma_wait3A_1037 = tpu.memref_slice %arg13[%dma_wait3A_1027] : memref<8x!tpu.dma_semaphore, #tpu.memory_space<semaphore_mem>> -> memref<1x!tpu.dma_semaphore, #tpu.memory_space<semaphore_mem>>
    %dma_wait3A_1038 = tpu.memref_squeeze %dma_wait3A_1037 : memref<1x!tpu.dma_semaphore, #tpu.memory_space<semaphore_mem>> -> memref<!tpu.dma_semaphore, #tpu.memory_space<semaphore_mem>>
    %dma_wait3A_1039 = arith.constant 0 : i32
    %dma_wait3A_1040 = arith.constant 0 : i32
    %dma_wait3A_1041 = tpu.memref_slice %arg5[%arg0, %dma_wait3A_1039, %dma_wait3A_1040] : memref<2x10112x16xf32, #tpu.memory_space<hbm>> -> memref<1x10112x16xf32, #tpu.memory_space<hbm>>
    %dma_wait3A_1042 = tpu.memref_squeeze %dma_wait3A_1041 : memref<1x10112x16xf32, #tpu.memory_space<hbm>> -> memref<10112x16xf32, #tpu.memory_space<hbm>>
    %dma_wait3A_1043 = arith.constant 0 : i32
    %dma_wait3A_1044 = tpu.memref_slice %dma_wait3A_1042[%add3A_1026, %dma_wait3A_1043] : memref<10112x16xf32, #tpu.memory_space<hbm>> -> memref<80x16xf32, #tpu.memory_space<hbm>>
    %dma_wait3A_1045 = arith.constant 320 : i32
    %dma_wait3A_1046 = arith.constant 0 : i32
    %dma_wait3A_1047 = tpu.memref_slice %arg9[%dma_wait3A_1045, %dma_wait3A_1046] : memref<632x16xf32, #tpu.memory_space<vmem>> -> memref<80x16xf32, #tpu.memory_space<vmem>>
    tpu.wait_dma2 semaphore(%dma_wait3A_1038 : memref<!tpu.dma_semaphore, #tpu.memory_space<semaphore_mem>>) src(%dma_wait3A_1047 : memref<80x16xf32, #tpu.memory_space<vmem>>) dst(%dma_wait3A_1044 : memref<80x16xf32, #tpu.memory_space<hbm>>)
    %mul3A_1048 = arith.constant 632 : i32
    %mul3A_1049 = arith.muli %arg1, %mul3A_1048 : i32
    %add3A_1050 = arith.constant 400 : i32
    %add3A_1051 = arith.addi %mul3A_1049, %add3A_1050 : i32
    %dma_wait3A_1052 = arith.constant 5 : i32
    %dma_wait3A_1053 = arith.constant 400 : i32
    %dma_wait3A_1054 = arith.constant 0 : i32
    %dma_wait3A_1055 = tpu.memref_slice %arg9[%dma_wait3A_1053, %dma_wait3A_1054] : memref<632x16xf32, #tpu.memory_space<vmem>> -> memref<80x16xf32, #tpu.memory_space<vmem>>
    %dma_wait3A_1056 = arith.constant 0 : i32
    %dma_wait3A_1057 = arith.constant 0 : i32
    %dma_wait3A_1058 = tpu.memref_slice %arg5[%arg0, %dma_wait3A_1056, %dma_wait3A_1057] : memref<2x10112x16xf32, #tpu.memory_space<hbm>> -> memref<1x10112x16xf32, #tpu.memory_space<hbm>>
    %dma_wait3A_1059 = tpu.memref_squeeze %dma_wait3A_1058 : memref<1x10112x16xf32, #tpu.memory_space<hbm>> -> memref<10112x16xf32, #tpu.memory_space<hbm>>
    %dma_wait3A_1060 = arith.constant 0 : i32
    %dma_wait3A_1061 = tpu.memref_slice %dma_wait3A_1059[%add3A_1051, %dma_wait3A_1060] : memref<10112x16xf32, #tpu.memory_space<hbm>> -> memref<80x16xf32, #tpu.memory_space<hbm>>
    %dma_wait3A_1062 = tpu.memref_slice %arg13[%dma_wait3A_1052] : memref<8x!tpu.dma_semaphore, #tpu.memory_space<semaphore_mem>> -> memref<1x!tpu.dma_semaphore, #tpu.memory_space<semaphore_mem>>
    %dma_wait3A_1063 = tpu.memref_squeeze %dma_wait3A_1062 : memref<1x!tpu.dma_semaphore, #tpu.memory_space<semaphore_mem>> -> memref<!tpu.dma_semaphore, #tpu.memory_space<semaphore_mem>>
    %dma_wait3A_1064 = arith.constant 0 : i32
    %dma_wait3A_1065 = arith.constant 0 : i32
    %dma_wait3A_1066 = tpu.memref_slice %arg5[%arg0, %dma_wait3A_1064, %dma_wait3A_1065] : memref<2x10112x16xf32, #tpu.memory_space<hbm>> -> memref<1x10112x16xf32, #tpu.memory_space<hbm>>
    %dma_wait3A_1067 = tpu.memref_squeeze %dma_wait3A_1066 : memref<1x10112x16xf32, #tpu.memory_space<hbm>> -> memref<10112x16xf32, #tpu.memory_space<hbm>>
    %dma_wait3A_1068 = arith.constant 0 : i32
    %dma_wait3A_1069 = tpu.memref_slice %dma_wait3A_1067[%add3A_1051, %dma_wait3A_1068] : memref<10112x16xf32, #tpu.memory_space<hbm>> -> memref<80x16xf32, #tpu.memory_space<hbm>>
    %dma_wait3A_1070 = arith.constant 400 : i32
    %dma_wait3A_1071 = arith.constant 0 : i32
    %dma_wait3A_1072 = tpu.memref_slice %arg9[%dma_wait3A_1070, %dma_wait3A_1071] : memref<632x16xf32, #tpu.memory_space<vmem>> -> memref<80x16xf32, #tpu.memory_space<vmem>>
    tpu.wait_dma2 semaphore(%dma_wait3A_1063 : memref<!tpu.dma_semaphore, #tpu.memory_space<semaphore_mem>>) src(%dma_wait3A_1072 : memref<80x16xf32, #tpu.memory_space<vmem>>) dst(%dma_wait3A_1069 : memref<80x16xf32, #tpu.memory_space<hbm>>)
    %mul3A_1073 = arith.constant 632 : i32
    %mul3A_1074 = arith.muli %arg1, %mul3A_1073 : i32
    %add3A_1075 = arith.constant 480 : i32
    %add3A_1076 = arith.addi %mul3A_1074, %add3A_1075 : i32
    %dma_wait3A_1077 = arith.constant 6 : i32
    %dma_wait3A_1078 = arith.constant 480 : i32
    %dma_wait3A_1079 = arith.constant 0 : i32
    %dma_wait3A_1080 = tpu.memref_slice %arg9[%dma_wait3A_1078, %dma_wait3A_1079] : memref<632x16xf32, #tpu.memory_space<vmem>> -> memref<80x16xf32, #tpu.memory_space<vmem>>
    %dma_wait3A_1081 = arith.constant 0 : i32
    %dma_wait3A_1082 = arith.constant 0 : i32
    %dma_wait3A_1083 = tpu.memref_slice %arg5[%arg0, %dma_wait3A_1081, %dma_wait3A_1082] : memref<2x10112x16xf32, #tpu.memory_space<hbm>> -> memref<1x10112x16xf32, #tpu.memory_space<hbm>>
    %dma_wait3A_1084 = tpu.memref_squeeze %dma_wait3A_1083 : memref<1x10112x16xf32, #tpu.memory_space<hbm>> -> memref<10112x16xf32, #tpu.memory_space<hbm>>
    %dma_wait3A_1085 = arith.constant 0 : i32
    %dma_wait3A_1086 = tpu.memref_slice %dma_wait3A_1084[%add3A_1076, %dma_wait3A_1085] : memref<10112x16xf32, #tpu.memory_space<hbm>> -> memref<80x16xf32, #tpu.memory_space<hbm>>
    %dma_wait3A_1087 = tpu.memref_slice %arg13[%dma_wait3A_1077] : memref<8x!tpu.dma_semaphore, #tpu.memory_space<semaphore_mem>> -> memref<1x!tpu.dma_semaphore, #tpu.memory_space<semaphore_mem>>
    %dma_wait3A_1088 = tpu.memref_squeeze %dma_wait3A_1087 : memref<1x!tpu.dma_semaphore, #tpu.memory_space<semaphore_mem>> -> memref<!tpu.dma_semaphore, #tpu.memory_space<semaphore_mem>>
    %dma_wait3A_1089 = arith.constant 0 : i32
    %dma_wait3A_1090 = arith.constant 0 : i32
    %dma_wait3A_1091 = tpu.memref_slice %arg5[%arg0, %dma_wait3A_1089, %dma_wait3A_1090] : memref<2x10112x16xf32, #tpu.memory_space<hbm>> -> memref<1x10112x16xf32, #tpu.memory_space<hbm>>
    %dma_wait3A_1092 = tpu.memref_squeeze %dma_wait3A_1091 : memref<1x10112x16xf32, #tpu.memory_space<hbm>> -> memref<10112x16xf32, #tpu.memory_space<hbm>>
    %dma_wait3A_1093 = arith.constant 0 : i32
    %dma_wait3A_1094 = tpu.memref_slice %dma_wait3A_1092[%add3A_1076, %dma_wait3A_1093] : memref<10112x16xf32, #tpu.memory_space<hbm>> -> memref<80x16xf32, #tpu.memory_space<hbm>>
    %dma_wait3A_1095 = arith.constant 480 : i32
    %dma_wait3A_1096 = arith.constant 0 : i32
    %dma_wait3A_1097 = tpu.memref_slice %arg9[%dma_wait3A_1095, %dma_wait3A_1096] : memref<632x16xf32, #tpu.memory_space<vmem>> -> memref<80x16xf32, #tpu.memory_space<vmem>>
    tpu.wait_dma2 semaphore(%dma_wait3A_1088 : memref<!tpu.dma_semaphore, #tpu.memory_space<semaphore_mem>>) src(%dma_wait3A_1097 : memref<80x16xf32, #tpu.memory_space<vmem>>) dst(%dma_wait3A_1094 : memref<80x16xf32, #tpu.memory_space<hbm>>)
    %mul3A_1098 = arith.constant 632 : i32
    %mul3A_1099 = arith.muli %arg1, %mul3A_1098 : i32
    %add3A_1100 = arith.constant 560 : i32
    %add3A_1101 = arith.addi %mul3A_1099, %add3A_1100 : i32
    %dma_wait3A_1102 = arith.constant 7 : i32
    %dma_wait3A_1103 = arith.constant 560 : i32
    %dma_wait3A_1104 = arith.constant 0 : i32
    %dma_wait3A_1105 = tpu.memref_slice %arg9[%dma_wait3A_1103, %dma_wait3A_1104] : memref<632x16xf32, #tpu.memory_space<vmem>> -> memref<72x16xf32, #tpu.memory_space<vmem>>
    %dma_wait3A_1106 = arith.constant 0 : i32
    %dma_wait3A_1107 = arith.constant 0 : i32
    %dma_wait3A_1108 = tpu.memref_slice %arg5[%arg0, %dma_wait3A_1106, %dma_wait3A_1107] : memref<2x10112x16xf32, #tpu.memory_space<hbm>> -> memref<1x10112x16xf32, #tpu.memory_space<hbm>>
    %dma_wait3A_1109 = tpu.memref_squeeze %dma_wait3A_1108 : memref<1x10112x16xf32, #tpu.memory_space<hbm>> -> memref<10112x16xf32, #tpu.memory_space<hbm>>
    %dma_wait3A_1110 = arith.constant 0 : i32
    %dma_wait3A_1111 = tpu.memref_slice %dma_wait3A_1109[%add3A_1101, %dma_wait3A_1110] : memref<10112x16xf32, #tpu.memory_space<hbm>> -> memref<72x16xf32, #tpu.memory_space<hbm>>
    %dma_wait3A_1112 = tpu.memref_slice %arg13[%dma_wait3A_1102] : memref<8x!tpu.dma_semaphore, #tpu.memory_space<semaphore_mem>> -> memref<1x!tpu.dma_semaphore, #tpu.memory_space<semaphore_mem>>
    %dma_wait3A_1113 = tpu.memref_squeeze %dma_wait3A_1112 : memref<1x!tpu.dma_semaphore, #tpu.memory_space<semaphore_mem>> -> memref<!tpu.dma_semaphore, #tpu.memory_space<semaphore_mem>>
    %dma_wait3A_1114 = arith.constant 0 : i32
    %dma_wait3A_1115 = arith.constant 0 : i32
    %dma_wait3A_1116 = tpu.memref_slice %arg5[%arg0, %dma_wait3A_1114, %dma_wait3A_1115] : memref<2x10112x16xf32, #tpu.memory_space<hbm>> -> memref<1x10112x16xf32, #tpu.memory_space<hbm>>
    %dma_wait3A_1117 = tpu.memref_squeeze %dma_wait3A_1116 : memref<1x10112x16xf32, #tpu.memory_space<hbm>> -> memref<10112x16xf32, #tpu.memory_space<hbm>>
    %dma_wait3A_1118 = arith.constant 0 : i32
    %dma_wait3A_1119 = tpu.memref_slice %dma_wait3A_1117[%add3A_1101, %dma_wait3A_1118] : memref<10112x16xf32, #tpu.memory_space<hbm>> -> memref<72x16xf32, #tpu.memory_space<hbm>>
    %dma_wait3A_1120 = arith.constant 560 : i32
    %dma_wait3A_1121 = arith.constant 0 : i32
    %dma_wait3A_1122 = tpu.memref_slice %arg9[%dma_wait3A_1120, %dma_wait3A_1121] : memref<632x16xf32, #tpu.memory_space<vmem>> -> memref<72x16xf32, #tpu.memory_space<vmem>>
    tpu.wait_dma2 semaphore(%dma_wait3A_1113 : memref<!tpu.dma_semaphore, #tpu.memory_space<semaphore_mem>>) src(%dma_wait3A_1122 : memref<72x16xf32, #tpu.memory_space<vmem>>) dst(%dma_wait3A_1119 : memref<72x16xf32, #tpu.memory_space<hbm>>)
    return
  }
}

#map = affine_map<(d0, d1) -> (0, 0, 0)>
#map1 = affine_map<(d0, d1) -> (0, 0)>
module attributes {stable_mosaic.version = 14 : i64} {
  func.func @_sc_segsum_body(%arg0: i32, %arg1: i32, %arg2: memref<32x40x256xi32, #tpu.memory_space<hbm>>, %arg3: memref<32x40x256xi32, #tpu.memory_space<hbm>>, %arg4: memref<10112x16xf32, #tpu.memory_space<hbm>>, %arg5: memref<2x10112x16xf32, #tpu.memory_space<hbm>>, %arg6: memref<40x256xi32, #tpu.memory_space<vmem>>, %arg7: memref<40x256xi32, #tpu.memory_space<vmem>>, %arg8: memref<8x256x16xf32, #tpu.memory_space<vmem>>, %arg9: memref<632x16xf32, #tpu.memory_space<vmem>>, %arg10: memref<10112x16xf32, #tpu.memory_space<vmem_shared>>, %arg11: memref<10112x16xf32, #tpu.memory_space<vmem_shared>>, %arg12: memref<8x!tpu.dma_semaphore, #tpu.memory_space<semaphore_mem>>, %arg13: memref<8x!tpu.dma_semaphore, #tpu.memory_space<semaphore_mem>>, %arg14: memref<2x!tpu.dma_semaphore, #tpu.memory_space<semaphore_mem>>) attributes {dimension_semantics = [#tpu.dimension_semantics<core_parallel>, #tpu.dimension_semantics<subcore_parallel>], iteration_bounds = array<i64: 2, 16>, scalar_prefetch = 0 : i64, scratch_operands = 9 : i64, tpu.core_type = #tpu.core_type<sc_vector_subcore>, window_params = [{transform_indices = #map}, {transform_indices = #map}, {transform_indices = #map1}, {transform_indices = #map}]} {
    %mul3A = arith.constant 2 : i32
    %mul3A_0 = arith.muli %arg1, %mul3A : i32
    %add3A = arith.addi %mul3A_0, %arg0 : i32
    %dma_start3A = arith.constant 0 : i32
    %dma_start3A_1 = arith.constant 0 : i32
    %dma_start3A_2 = arith.constant 0 : i32
    %dma_start3A_3 = tpu.memref_slice %arg2[%add3A, %dma_start3A_1, %dma_start3A_2] : memref<32x40x256xi32, #tpu.memory_space<hbm>> -> memref<1x40x256xi32, #tpu.memory_space<hbm>>
    %dma_start3A_4 = tpu.memref_squeeze %dma_start3A_3 : memref<1x40x256xi32, #tpu.memory_space<hbm>> -> memref<40x256xi32, #tpu.memory_space<hbm>>
    %dma_start3A_5 = tpu.memref_slice %arg14[%dma_start3A] : memref<2x!tpu.dma_semaphore, #tpu.memory_space<semaphore_mem>> -> memref<1x!tpu.dma_semaphore, #tpu.memory_space<semaphore_mem>>
    %dma_start3A_6 = tpu.memref_squeeze %dma_start3A_5 : memref<1x!tpu.dma_semaphore, #tpu.memory_space<semaphore_mem>> -> memref<!tpu.dma_semaphore, #tpu.memory_space<semaphore_mem>>
    %dma_start3A_7 = arith.constant 0 : i32
    %dma_start3A_8 = arith.constant 0 : i32
    %dma_start3A_9 = tpu.memref_slice %arg2[%add3A, %dma_start3A_7, %dma_start3A_8] : memref<32x40x256xi32, #tpu.memory_space<hbm>> -> memref<1x40x256xi32, #tpu.memory_space<hbm>>
    %dma_start3A_10 = tpu.memref_squeeze %dma_start3A_9 : memref<1x40x256xi32, #tpu.memory_space<hbm>> -> memref<40x256xi32, #tpu.memory_space<hbm>>
    tpu.enqueue_dma source(%dma_start3A_10 : memref<40x256xi32, #tpu.memory_space<hbm>>) target(%arg6 : memref<40x256xi32, #tpu.memory_space<vmem>>) target_semaphore(%dma_start3A_6 : memref<!tpu.dma_semaphore, #tpu.memory_space<semaphore_mem>>)
    %dma_start3A_11 = arith.constant 1 : i32
    %dma_start3A_12 = arith.constant 0 : i32
    %dma_start3A_13 = arith.constant 0 : i32
    %dma_start3A_14 = tpu.memref_slice %arg3[%add3A, %dma_start3A_12, %dma_start3A_13] : memref<32x40x256xi32, #tpu.memory_space<hbm>> -> memref<1x40x256xi32, #tpu.memory_space<hbm>>
    %dma_start3A_15 = tpu.memref_squeeze %dma_start3A_14 : memref<1x40x256xi32, #tpu.memory_space<hbm>> -> memref<40x256xi32, #tpu.memory_space<hbm>>
    %dma_start3A_16 = tpu.memref_slice %arg14[%dma_start3A_11] : memref<2x!tpu.dma_semaphore, #tpu.memory_space<semaphore_mem>> -> memref<1x!tpu.dma_semaphore, #tpu.memory_space<semaphore_mem>>
    %dma_start3A_17 = tpu.memref_squeeze %dma_start3A_16 : memref<1x!tpu.dma_semaphore, #tpu.memory_space<semaphore_mem>> -> memref<!tpu.dma_semaphore, #tpu.memory_space<semaphore_mem>>
    %dma_start3A_18 = arith.constant 0 : i32
    %dma_start3A_19 = arith.constant 0 : i32
    %dma_start3A_20 = tpu.memref_slice %arg3[%add3A, %dma_start3A_18, %dma_start3A_19] : memref<32x40x256xi32, #tpu.memory_space<hbm>> -> memref<1x40x256xi32, #tpu.memory_space<hbm>>
    %dma_start3A_21 = tpu.memref_squeeze %dma_start3A_20 : memref<1x40x256xi32, #tpu.memory_space<hbm>> -> memref<40x256xi32, #tpu.memory_space<hbm>>
    tpu.enqueue_dma source(%dma_start3A_21 : memref<40x256xi32, #tpu.memory_space<hbm>>) target(%arg7 : memref<40x256xi32, #tpu.memory_space<vmem>>) target_semaphore(%dma_start3A_17 : memref<!tpu.dma_semaphore, #tpu.memory_space<semaphore_mem>>)
    %mul3A_22 = arith.constant 632 : i32
    %mul3A_23 = arith.muli %arg1, %mul3A_22 : i32
    "tpu.region"() ({
      %run_scoped3A = tpu.sem_alloc : memref<!tpu.dma_semaphore, #tpu.memory_space<semaphore_mem>>
      %dma_start3A_1123 = arith.constant 0 : i32
      %dma_start3A_1124 = tpu.memref_slice %arg4[%mul3A_23, %dma_start3A_1123] : memref<10112x16xf32, #tpu.memory_space<hbm>> -> memref<632x16xf32, #tpu.memory_space<hbm>>
      %dma_start3A_1125 = arith.constant 0 : i32
      %dma_start3A_1126 = tpu.memref_slice %arg4[%mul3A_23, %dma_start3A_1125] : memref<10112x16xf32, #tpu.memory_space<hbm>> -> memref<632x16xf32, #tpu.memory_space<hbm>>
      tpu.enqueue_dma source(%dma_start3A_1126 : memref<632x16xf32, #tpu.memory_space<hbm>>) target(%arg9 : memref<632x16xf32, #tpu.memory_space<vmem>>) target_semaphore(%run_scoped3A : memref<!tpu.dma_semaphore, #tpu.memory_space<semaphore_mem>>)
      %dma_wait3A_1127 = arith.constant 0 : i32
      %dma_wait3A_1128 = tpu.memref_slice %arg4[%mul3A_23, %dma_wait3A_1127] : memref<10112x16xf32, #tpu.memory_space<hbm>> -> memref<632x16xf32, #tpu.memory_space<hbm>>
      %dma_wait3A_1129 = arith.constant 0 : i32
      %dma_wait3A_1130 = tpu.memref_slice %arg4[%mul3A_23, %dma_wait3A_1129] : memref<10112x16xf32, #tpu.memory_space<hbm>> -> memref<632x16xf32, #tpu.memory_space<hbm>>
      tpu.wait_dma2 semaphore(%run_scoped3A : memref<!tpu.dma_semaphore, #tpu.memory_space<semaphore_mem>>) src(%dma_wait3A_1130 : memref<632x16xf32, #tpu.memory_space<hbm>>) dst(%arg9 : memref<632x16xf32, #tpu.memory_space<vmem>>)
      tpu.yield
    }) : () -> ()
    %mul3A_24 = arith.constant 632 : i32
    %mul3A_25 = arith.muli %arg1, %mul3A_24 : i32
    "tpu.region"() ({
      %run_scoped3A = tpu.sem_alloc : memref<!tpu.dma_semaphore, #tpu.memory_space<semaphore_mem>>
      %dma_start3A_1123 = arith.constant 0 : i32
      %dma_start3A_1124 = tpu.memref_slice %arg10[%mul3A_25, %dma_start3A_1123] : memref<10112x16xf32, #tpu.memory_space<vmem_shared>> -> memref<632x16xf32, #tpu.memory_space<vmem_shared>>
      %dma_start3A_1125 = arith.constant 0 : i32
      %dma_start3A_1126 = tpu.memref_slice %arg10[%mul3A_25, %dma_start3A_1125] : memref<10112x16xf32, #tpu.memory_space<vmem_shared>> -> memref<632x16xf32, #tpu.memory_space<vmem_shared>>
      tpu.enqueue_dma source(%arg9 : memref<632x16xf32, #tpu.memory_space<vmem>>) target(%dma_start3A_1126 : memref<632x16xf32, #tpu.memory_space<vmem_shared>>) target_semaphore(%run_scoped3A : memref<!tpu.dma_semaphore, #tpu.memory_space<semaphore_mem>>)
      %dma_wait3A_1127 = arith.constant 0 : i32
      %dma_wait3A_1128 = tpu.memref_slice %arg10[%mul3A_25, %dma_wait3A_1127] : memref<10112x16xf32, #tpu.memory_space<vmem_shared>> -> memref<632x16xf32, #tpu.memory_space<vmem_shared>>
      %dma_wait3A_1129 = arith.constant 0 : i32
      %dma_wait3A_1130 = tpu.memref_slice %arg10[%mul3A_25, %dma_wait3A_1129] : memref<10112x16xf32, #tpu.memory_space<vmem_shared>> -> memref<632x16xf32, #tpu.memory_space<vmem_shared>>
      tpu.wait_dma2 semaphore(%run_scoped3A : memref<!tpu.dma_semaphore, #tpu.memory_space<semaphore_mem>>) src(%arg9 : memref<632x16xf32, #tpu.memory_space<vmem>>) dst(%dma_wait3A_1130 : memref<632x16xf32, #tpu.memory_space<vmem_shared>>)
      tpu.yield
    }) : () -> ()
    %scan3A = arith.constant 0 : i32
    %scan3A_26 = arith.constant 0 : i32
    %scan3A_27 = arith.constant 80 : i32
    %scan3A_28 = arith.addi %scan3A_26, %scan3A_27 : i32
    %scan3A_29 = arith.constant 1 : i32
    scf.for %scan3A_1123 = %scan3A_26 to %scan3A_28 step %scan3A_29  : i32 {
      %broadcast_in_dim3A = arith.constant 0.000000e+00 : f32
      %broadcast_in_dim3A_1124 = vector.broadcast %broadcast_in_dim3A : f32 to vector<16xf32>
      %swap3A = arith.index_cast %scan3A_1123 : i32 to index
      %swap3A_1125 = arith.constant 0 : index
      %swap3A_1126 = tpu.vector_load %arg9[%swap3A, %swap3A_1125] {strides = array<i32>} : memref<632x16xf32, #tpu.memory_space<vmem>>, vector<1x16xf32>,
      %swap3A_1127 = vector.shape_cast %swap3A_1126 : vector<1x16xf32> to vector<16xf32>
      %swap3A_1128 = vector.shape_cast %broadcast_in_dim3A_1124 : vector<16xf32> to vector<1x16xf32>
      tpu.vector_store %arg9[%swap3A, %swap3A_1125], %swap3A_1128 {strides = array<i32>} : memref<632x16xf32, #tpu.memory_space<vmem>>, vector<1x16xf32>,
    }
    %scan3A_30 = arith.constant 80 : i32
    %mul3A_31 = arith.constant 632 : i32
    %mul3A_32 = arith.muli %arg1, %mul3A_31 : i32
    %add3A_33 = arith.constant 0 : i32
    %add3A_34 = arith.addi %mul3A_32, %add3A_33 : i32
    %dma_start3A_35 = arith.constant 0 : i32
    %dma_start3A_36 = arith.constant 0 : i32
    %dma_start3A_37 = arith.constant 0 : i32
    %dma_start3A_38 = tpu.memref_slice %arg9[%dma_start3A_36, %dma_start3A_37] : memref<632x16xf32, #tpu.memory_space<vmem>> -> memref<80x16xf32, #tpu.memory_space<vmem>>
    %dma_start3A_39 = arith.constant 0 : i32
    %dma_start3A_40 = tpu.memref_slice %arg11[%add3A_34, %dma_start3A_39] : memref<10112x16xf32, #tpu.memory_space<vmem_shared>> -> memref<80x16xf32, #tpu.memory_space<vmem_shared>>
    %dma_start3A_41 = tpu.memref_slice %arg13[%dma_start3A_35] : memref<8x!tpu.dma_semaphore, #tpu.memory_space<semaphore_mem>> -> memref<1x!tpu.dma_semaphore, #tpu.memory_space<semaphore_mem>>
    %dma_start3A_42 = tpu.memref_squeeze %dma_start3A_41 : memref<1x!tpu.dma_semaphore, #tpu.memory_space<semaphore_mem>> -> memref<!tpu.dma_semaphore, #tpu.memory_space<semaphore_mem>>
    %dma_start3A_43 = arith.constant 0 : i32
    %dma_start3A_44 = tpu.memref_slice %arg11[%add3A_34, %dma_start3A_43] : memref<10112x16xf32, #tpu.memory_space<vmem_shared>> -> memref<80x16xf32, #tpu.memory_space<vmem_shared>>
    %dma_start3A_45 = arith.constant 0 : i32
    %dma_start3A_46 = arith.constant 0 : i32
    %dma_start3A_47 = tpu.memref_slice %arg9[%dma_start3A_45, %dma_start3A_46] : memref<632x16xf32, #tpu.memory_space<vmem>> -> memref<80x16xf32, #tpu.memory_space<vmem>>
    tpu.enqueue_dma source(%dma_start3A_47 : memref<80x16xf32, #tpu.memory_space<vmem>>) target(%dma_start3A_44 : memref<80x16xf32, #tpu.memory_space<vmem_shared>>) target_semaphore(%dma_start3A_42 : memref<!tpu.dma_semaphore, #tpu.memory_space<semaphore_mem>>)
    %mul3A_48 = arith.constant 632 : i32
    %mul3A_49 = arith.muli %arg1, %mul3A_48 : i32
    %add3A_50 = arith.constant 80 : i32
    %add3A_51 = arith.addi %mul3A_49, %add3A_50 : i32
    %dma_start3A_52 = arith.constant 1 : i32
    %dma_start3A_53 = arith.constant 0 : i32
    %dma_start3A_54 = arith.constant 0 : i32
    %dma_start3A_55 = tpu.memref_slice %arg9[%dma_start3A_53, %dma_start3A_54] : memref<632x16xf32, #tpu.memory_space<vmem>> -> memref<80x16xf32, #tpu.memory_space<vmem>>
    %dma_start3A_56 = arith.constant 0 : i32
    %dma_start3A_57 = tpu.memref_slice %arg11[%add3A_51, %dma_start3A_56] : memref<10112x16xf32, #tpu.memory_space<vmem_shared>> -> memref<80x16xf32, #tpu.memory_space<vmem_shared>>
    %dma_start3A_58 = tpu.memref_slice %arg13[%dma_start3A_52] : memref<8x!tpu.dma_semaphore, #tpu.memory_space<semaphore_mem>> -> memref<1x!tpu.dma_semaphore, #tpu.memory_space<semaphore_mem>>
    %dma_start3A_59 = tpu.memref_squeeze %dma_start3A_58 : memref<1x!tpu.dma_semaphore, #tpu.memory_space<semaphore_mem>> -> memref<!tpu.dma_semaphore, #tpu.memory_space<semaphore_mem>>
    %dma_start3A_60 = arith.constant 0 : i32
    %dma_start3A_61 = tpu.memref_slice %arg11[%add3A_51, %dma_start3A_60] : memref<10112x16xf32, #tpu.memory_space<vmem_shared>> -> memref<80x16xf32, #tpu.memory_space<vmem_shared>>
    %dma_start3A_62 = arith.constant 0 : i32
    %dma_start3A_63 = arith.constant 0 : i32
    %dma_start3A_64 = tpu.memref_slice %arg9[%dma_start3A_62, %dma_start3A_63] : memref<632x16xf32, #tpu.memory_space<vmem>> -> memref<80x16xf32, #tpu.memory_space<vmem>>
    tpu.enqueue_dma source(%dma_start3A_64 : memref<80x16xf32, #tpu.memory_space<vmem>>) target(%dma_start3A_61 : memref<80x16xf32, #tpu.memory_space<vmem_shared>>) target_semaphore(%dma_start3A_59 : memref<!tpu.dma_semaphore, #tpu.memory_space<semaphore_mem>>)
    %mul3A_65 = arith.constant 632 : i32
    %mul3A_66 = arith.muli %arg1, %mul3A_65 : i32
    %add3A_67 = arith.constant 160 : i32
    %add3A_68 = arith.addi %mul3A_66, %add3A_67 : i32
    %dma_start3A_69 = arith.constant 2 : i32
    %dma_start3A_70 = arith.constant 0 : i32
    %dma_start3A_71 = arith.constant 0 : i32
    %dma_start3A_72 = tpu.memref_slice %arg9[%dma_start3A_70, %dma_start3A_71] : memref<632x16xf32, #tpu.memory_space<vmem>> -> memref<80x16xf32, #tpu.memory_space<vmem>>
    %dma_start3A_73 = arith.constant 0 : i32
    %dma_start3A_74 = tpu.memref_slice %arg11[%add3A_68, %dma_start3A_73] : memref<10112x16xf32, #tpu.memory_space<vmem_shared>> -> memref<80x16xf32, #tpu.memory_space<vmem_shared>>
    %dma_start3A_75 = tpu.memref_slice %arg13[%dma_start3A_69] : memref<8x!tpu.dma_semaphore, #tpu.memory_space<semaphore_mem>> -> memref<1x!tpu.dma_semaphore, #tpu.memory_space<semaphore_mem>>
    %dma_start3A_76 = tpu.memref_squeeze %dma_start3A_75 : memref<1x!tpu.dma_semaphore, #tpu.memory_space<semaphore_mem>> -> memref<!tpu.dma_semaphore, #tpu.memory_space<semaphore_mem>>
    %dma_start3A_77 = arith.constant 0 : i32
    %dma_start3A_78 = tpu.memref_slice %arg11[%add3A_68, %dma_start3A_77] : memref<10112x16xf32, #tpu.memory_space<vmem_shared>> -> memref<80x16xf32, #tpu.memory_space<vmem_shared>>
    %dma_start3A_79 = arith.constant 0 : i32
    %dma_start3A_80 = arith.constant 0 : i32
    %dma_start3A_81 = tpu.memref_slice %arg9[%dma_start3A_79, %dma_start3A_80] : memref<632x16xf32, #tpu.memory_space<vmem>> -> memref<80x16xf32, #tpu.memory_space<vmem>>
    tpu.enqueue_dma source(%dma_start3A_81 : memref<80x16xf32, #tpu.memory_space<vmem>>) target(%dma_start3A_78 : memref<80x16xf32, #tpu.memory_space<vmem_shared>>) target_semaphore(%dma_start3A_76 : memref<!tpu.dma_semaphore, #tpu.memory_space<semaphore_mem>>)
    %mul3A_82 = arith.constant 632 : i32
    %mul3A_83 = arith.muli %arg1, %mul3A_82 : i32
    %add3A_84 = arith.constant 240 : i32
    %add3A_85 = arith.addi %mul3A_83, %add3A_84 : i32
    %dma_start3A_86 = arith.constant 3 : i32
    %dma_start3A_87 = arith.constant 0 : i32
    %dma_start3A_88 = arith.constant 0 : i32
    %dma_start3A_89 = tpu.memref_slice %arg9[%dma_start3A_87, %dma_start3A_88] : memref<632x16xf32, #tpu.memory_space<vmem>> -> memref<80x16xf32, #tpu.memory_space<vmem>>
    %dma_start3A_90 = arith.constant 0 : i32
    %dma_start3A_91 = tpu.memref_slice %arg11[%add3A_85, %dma_start3A_90] : memref<10112x16xf32, #tpu.memory_space<vmem_shared>> -> memref<80x16xf32, #tpu.memory_space<vmem_shared>>
    %dma_start3A_92 = tpu.memref_slice %arg13[%dma_start3A_86] : memref<8x!tpu.dma_semaphore, #tpu.memory_space<semaphore_mem>> -> memref<1x!tpu.dma_semaphore, #tpu.memory_space<semaphore_mem>>
    %dma_start3A_93 = tpu.memref_squeeze %dma_start3A_92 : memref<1x!tpu.dma_semaphore, #tpu.memory_space<semaphore_mem>> -> memref<!tpu.dma_semaphore, #tpu.memory_space<semaphore_mem>>
    %dma_start3A_94 = arith.constant 0 : i32
    %dma_start3A_95 = tpu.memref_slice %arg11[%add3A_85, %dma_start3A_94] : memref<10112x16xf32, #tpu.memory_space<vmem_shared>> -> memref<80x16xf32, #tpu.memory_space<vmem_shared>>
    %dma_start3A_96 = arith.constant 0 : i32
    %dma_start3A_97 = arith.constant 0 : i32
    %dma_start3A_98 = tpu.memref_slice %arg9[%dma_start3A_96, %dma_start3A_97] : memref<632x16xf32, #tpu.memory_space<vmem>> -> memref<80x16xf32, #tpu.memory_space<vmem>>
    tpu.enqueue_dma source(%dma_start3A_98 : memref<80x16xf32, #tpu.memory_space<vmem>>) target(%dma_start3A_95 : memref<80x16xf32, #tpu.memory_space<vmem_shared>>) target_semaphore(%dma_start3A_93 : memref<!tpu.dma_semaphore, #tpu.memory_space<semaphore_mem>>)
    %mul3A_99 = arith.constant 632 : i32
    %mul3A_100 = arith.muli %arg1, %mul3A_99 : i32
    %add3A_101 = arith.constant 320 : i32
    %add3A_102 = arith.addi %mul3A_100, %add3A_101 : i32
    %dma_start3A_103 = arith.constant 4 : i32
    %dma_start3A_104 = arith.constant 0 : i32
    %dma_start3A_105 = arith.constant 0 : i32
    %dma_start3A_106 = tpu.memref_slice %arg9[%dma_start3A_104, %dma_start3A_105] : memref<632x16xf32, #tpu.memory_space<vmem>> -> memref<80x16xf32, #tpu.memory_space<vmem>>
    %dma_start3A_107 = arith.constant 0 : i32
    %dma_start3A_108 = tpu.memref_slice %arg11[%add3A_102, %dma_start3A_107] : memref<10112x16xf32, #tpu.memory_space<vmem_shared>> -> memref<80x16xf32, #tpu.memory_space<vmem_shared>>
    %dma_start3A_109 = tpu.memref_slice %arg13[%dma_start3A_103] : memref<8x!tpu.dma_semaphore, #tpu.memory_space<semaphore_mem>> -> memref<1x!tpu.dma_semaphore, #tpu.memory_space<semaphore_mem>>
    %dma_start3A_110 = tpu.memref_squeeze %dma_start3A_109 : memref<1x!tpu.dma_semaphore, #tpu.memory_space<semaphore_mem>> -> memref<!tpu.dma_semaphore, #tpu.memory_space<semaphore_mem>>
    %dma_start3A_111 = arith.constant 0 : i32
    %dma_start3A_112 = tpu.memref_slice %arg11[%add3A_102, %dma_start3A_111] : memref<10112x16xf32, #tpu.memory_space<vmem_shared>> -> memref<80x16xf32, #tpu.memory_space<vmem_shared>>
    %dma_start3A_113 = arith.constant 0 : i32
    %dma_start3A_114 = arith.constant 0 : i32
    %dma_start3A_115 = tpu.memref_slice %arg9[%dma_start3A_113, %dma_start3A_114] : memref<632x16xf32, #tpu.memory_space<vmem>> -> memref<80x16xf32, #tpu.memory_space<vmem>>
    tpu.enqueue_dma source(%dma_start3A_115 : memref<80x16xf32, #tpu.memory_space<vmem>>) target(%dma_start3A_112 : memref<80x16xf32, #tpu.memory_space<vmem_shared>>) target_semaphore(%dma_start3A_110 : memref<!tpu.dma_semaphore, #tpu.memory_space<semaphore_mem>>)
    %mul3A_116 = arith.constant 632 : i32
    %mul3A_117 = arith.muli %arg1, %mul3A_116 : i32
    %add3A_118 = arith.constant 400 : i32
    %add3A_119 = arith.addi %mul3A_117, %add3A_118 : i32
    %dma_start3A_120 = arith.constant 5 : i32
    %dma_start3A_121 = arith.constant 0 : i32
    %dma_start3A_122 = arith.constant 0 : i32
    %dma_start3A_123 = tpu.memref_slice %arg9[%dma_start3A_121, %dma_start3A_122] : memref<632x16xf32, #tpu.memory_space<vmem>> -> memref<80x16xf32, #tpu.memory_space<vmem>>
    %dma_start3A_124 = arith.constant 0 : i32
    %dma_start3A_125 = tpu.memref_slice %arg11[%add3A_119, %dma_start3A_124] : memref<10112x16xf32, #tpu.memory_space<vmem_shared>> -> memref<80x16xf32, #tpu.memory_space<vmem_shared>>
    %dma_start3A_126 = tpu.memref_slice %arg13[%dma_start3A_120] : memref<8x!tpu.dma_semaphore, #tpu.memory_space<semaphore_mem>> -> memref<1x!tpu.dma_semaphore, #tpu.memory_space<semaphore_mem>>
    %dma_start3A_127 = tpu.memref_squeeze %dma_start3A_126 : memref<1x!tpu.dma_semaphore, #tpu.memory_space<semaphore_mem>> -> memref<!tpu.dma_semaphore, #tpu.memory_space<semaphore_mem>>
    %dma_start3A_128 = arith.constant 0 : i32
    %dma_start3A_129 = tpu.memref_slice %arg11[%add3A_119, %dma_start3A_128] : memref<10112x16xf32, #tpu.memory_space<vmem_shared>> -> memref<80x16xf32, #tpu.memory_space<vmem_shared>>
    %dma_start3A_130 = arith.constant 0 : i32
    %dma_start3A_131 = arith.constant 0 : i32
    %dma_start3A_132 = tpu.memref_slice %arg9[%dma_start3A_130, %dma_start3A_131] : memref<632x16xf32, #tpu.memory_space<vmem>> -> memref<80x16xf32, #tpu.memory_space<vmem>>
    tpu.enqueue_dma source(%dma_start3A_132 : memref<80x16xf32, #tpu.memory_space<vmem>>) target(%dma_start3A_129 : memref<80x16xf32, #tpu.memory_space<vmem_shared>>) target_semaphore(%dma_start3A_127 : memref<!tpu.dma_semaphore, #tpu.memory_space<semaphore_mem>>)
    %mul3A_133 = arith.constant 632 : i32
    %mul3A_134 = arith.muli %arg1, %mul3A_133 : i32
    %add3A_135 = arith.constant 480 : i32
    %add3A_136 = arith.addi %mul3A_134, %add3A_135 : i32
    %dma_start3A_137 = arith.constant 6 : i32
    %dma_start3A_138 = arith.constant 0 : i32
    %dma_start3A_139 = arith.constant 0 : i32
    %dma_start3A_140 = tpu.memref_slice %arg9[%dma_start3A_138, %dma_start3A_139] : memref<632x16xf32, #tpu.memory_space<vmem>> -> memref<80x16xf32, #tpu.memory_space<vmem>>
    %dma_start3A_141 = arith.constant 0 : i32
    %dma_start3A_142 = tpu.memref_slice %arg11[%add3A_136, %dma_start3A_141] : memref<10112x16xf32, #tpu.memory_space<vmem_shared>> -> memref<80x16xf32, #tpu.memory_space<vmem_shared>>
    %dma_start3A_143 = tpu.memref_slice %arg13[%dma_start3A_137] : memref<8x!tpu.dma_semaphore, #tpu.memory_space<semaphore_mem>> -> memref<1x!tpu.dma_semaphore, #tpu.memory_space<semaphore_mem>>
    %dma_start3A_144 = tpu.memref_squeeze %dma_start3A_143 : memref<1x!tpu.dma_semaphore, #tpu.memory_space<semaphore_mem>> -> memref<!tpu.dma_semaphore, #tpu.memory_space<semaphore_mem>>
    %dma_start3A_145 = arith.constant 0 : i32
    %dma_start3A_146 = tpu.memref_slice %arg11[%add3A_136, %dma_start3A_145] : memref<10112x16xf32, #tpu.memory_space<vmem_shared>> -> memref<80x16xf32, #tpu.memory_space<vmem_shared>>
    %dma_start3A_147 = arith.constant 0 : i32
    %dma_start3A_148 = arith.constant 0 : i32
    %dma_start3A_149 = tpu.memref_slice %arg9[%dma_start3A_147, %dma_start3A_148] : memref<632x16xf32, #tpu.memory_space<vmem>> -> memref<80x16xf32, #tpu.memory_space<vmem>>
    tpu.enqueue_dma source(%dma_start3A_149 : memref<80x16xf32, #tpu.memory_space<vmem>>) target(%dma_start3A_146 : memref<80x16xf32, #tpu.memory_space<vmem_shared>>) target_semaphore(%dma_start3A_144 : memref<!tpu.dma_semaphore, #tpu.memory_space<semaphore_mem>>)
    %mul3A_150 = arith.constant 632 : i32
    %mul3A_151 = arith.muli %arg1, %mul3A_150 : i32
    %add3A_152 = arith.constant 560 : i32
    %add3A_153 = arith.addi %mul3A_151, %add3A_152 : i32
    %dma_start3A_154 = arith.constant 7 : i32
    %dma_start3A_155 = arith.constant 0 : i32
    %dma_start3A_156 = arith.constant 0 : i32
    %dma_start3A_157 = tpu.memref_slice %arg9[%dma_start3A_155, %dma_start3A_156] : memref<632x16xf32, #tpu.memory_space<vmem>> -> memref<72x16xf32, #tpu.memory_space<vmem>>
    %dma_start3A_158 = arith.constant 0 : i32
    %dma_start3A_159 = tpu.memref_slice %arg11[%add3A_153, %dma_start3A_158] : memref<10112x16xf32, #tpu.memory_space<vmem_shared>> -> memref<72x16xf32, #tpu.memory_space<vmem_shared>>
    %dma_start3A_160 = tpu.memref_slice %arg13[%dma_start3A_154] : memref<8x!tpu.dma_semaphore, #tpu.memory_space<semaphore_mem>> -> memref<1x!tpu.dma_semaphore, #tpu.memory_space<semaphore_mem>>
    %dma_start3A_161 = tpu.memref_squeeze %dma_start3A_160 : memref<1x!tpu.dma_semaphore, #tpu.memory_space<semaphore_mem>> -> memref<!tpu.dma_semaphore, #tpu.memory_space<semaphore_mem>>
    %dma_start3A_162 = arith.constant 0 : i32
    %dma_start3A_163 = tpu.memref_slice %arg11[%add3A_153, %dma_start3A_162] : memref<10112x16xf32, #tpu.memory_space<vmem_shared>> -> memref<72x16xf32, #tpu.memory_space<vmem_shared>>
    %dma_start3A_164 = arith.constant 0 : i32
    %dma_start3A_165 = arith.constant 0 : i32
    %dma_start3A_166 = tpu.memref_slice %arg9[%dma_start3A_164, %dma_start3A_165] : memref<632x16xf32, #tpu.memory_space<vmem>> -> memref<72x16xf32, #tpu.memory_space<vmem>>
    tpu.enqueue_dma source(%dma_start3A_166 : memref<72x16xf32, #tpu.memory_space<vmem>>) target(%dma_start3A_163 : memref<72x16xf32, #tpu.memory_space<vmem_shared>>) target_semaphore(%dma_start3A_161 : memref<!tpu.dma_semaphore, #tpu.memory_space<semaphore_mem>>)
    %mul3A_167 = arith.constant 632 : i32
    %mul3A_168 = arith.muli %arg1, %mul3A_167 : i32
    %add3A_169 = arith.constant 0 : i32
    %add3A_170 = arith.addi %mul3A_168, %add3A_169 : i32
    %dma_wait3A = arith.constant 0 : i32
    %dma_wait3A_171 = arith.constant 0 : i32
    %dma_wait3A_172 = arith.constant 0 : i32
    %dma_wait3A_173 = tpu.memref_slice %arg9[%dma_wait3A_171, %dma_wait3A_172] : memref<632x16xf32, #tpu.memory_space<vmem>> -> memref<80x16xf32, #tpu.memory_space<vmem>>
    %dma_wait3A_174 = arith.constant 0 : i32
    %dma_wait3A_175 = tpu.memref_slice %arg11[%add3A_170, %dma_wait3A_174] : memref<10112x16xf32, #tpu.memory_space<vmem_shared>> -> memref<80x16xf32, #tpu.memory_space<vmem_shared>>
    %dma_wait3A_176 = tpu.memref_slice %arg13[%dma_wait3A] : memref<8x!tpu.dma_semaphore, #tpu.memory_space<semaphore_mem>> -> memref<1x!tpu.dma_semaphore, #tpu.memory_space<semaphore_mem>>
    %dma_wait3A_177 = tpu.memref_squeeze %dma_wait3A_176 : memref<1x!tpu.dma_semaphore, #tpu.memory_space<semaphore_mem>> -> memref<!tpu.dma_semaphore, #tpu.memory_space<semaphore_mem>>
    %dma_wait3A_178 = arith.constant 0 : i32
    %dma_wait3A_179 = tpu.memref_slice %arg11[%add3A_170, %dma_wait3A_178] : memref<10112x16xf32, #tpu.memory_space<vmem_shared>> -> memref<80x16xf32, #tpu.memory_space<vmem_shared>>
    %dma_wait3A_180 = arith.constant 0 : i32
    %dma_wait3A_181 = arith.constant 0 : i32
    %dma_wait3A_182 = tpu.memref_slice %arg9[%dma_wait3A_180, %dma_wait3A_181] : memref<632x16xf32, #tpu.memory_space<vmem>> -> memref<80x16xf32, #tpu.memory_space<vmem>>
    tpu.wait_dma2 semaphore(%dma_wait3A_177 : memref<!tpu.dma_semaphore, #tpu.memory_space<semaphore_mem>>) src(%dma_wait3A_182 : memref<80x16xf32, #tpu.memory_space<vmem>>) dst(%dma_wait3A_179 : memref<80x16xf32, #tpu.memory_space<vmem_shared>>)
    %mul3A_183 = arith.constant 632 : i32
    %mul3A_184 = arith.muli %arg1, %mul3A_183 : i32
    %add3A_185 = arith.constant 80 : i32
    %add3A_186 = arith.addi %mul3A_184, %add3A_185 : i32
    %dma_wait3A_187 = arith.constant 1 : i32
    %dma_wait3A_188 = arith.constant 0 : i32
    %dma_wait3A_189 = arith.constant 0 : i32
    %dma_wait3A_190 = tpu.memref_slice %arg9[%dma_wait3A_188, %dma_wait3A_189] : memref<632x16xf32, #tpu.memory_space<vmem>> -> memref<80x16xf32, #tpu.memory_space<vmem>>
    %dma_wait3A_191 = arith.constant 0 : i32
    %dma_wait3A_192 = tpu.memref_slice %arg11[%add3A_186, %dma_wait3A_191] : memref<10112x16xf32, #tpu.memory_space<vmem_shared>> -> memref<80x16xf32, #tpu.memory_space<vmem_shared>>
    %dma_wait3A_193 = tpu.memref_slice %arg13[%dma_wait3A_187] : memref<8x!tpu.dma_semaphore, #tpu.memory_space<semaphore_mem>> -> memref<1x!tpu.dma_semaphore, #tpu.memory_space<semaphore_mem>>
    %dma_wait3A_194 = tpu.memref_squeeze %dma_wait3A_193 : memref<1x!tpu.dma_semaphore, #tpu.memory_space<semaphore_mem>> -> memref<!tpu.dma_semaphore, #tpu.memory_space<semaphore_mem>>
    %dma_wait3A_195 = arith.constant 0 : i32
    %dma_wait3A_196 = tpu.memref_slice %arg11[%add3A_186, %dma_wait3A_195] : memref<10112x16xf32, #tpu.memory_space<vmem_shared>> -> memref<80x16xf32, #tpu.memory_space<vmem_shared>>
    %dma_wait3A_197 = arith.constant 0 : i32
    %dma_wait3A_198 = arith.constant 0 : i32
    %dma_wait3A_199 = tpu.memref_slice %arg9[%dma_wait3A_197, %dma_wait3A_198] : memref<632x16xf32, #tpu.memory_space<vmem>> -> memref<80x16xf32, #tpu.memory_space<vmem>>
    tpu.wait_dma2 semaphore(%dma_wait3A_194 : memref<!tpu.dma_semaphore, #tpu.memory_space<semaphore_mem>>) src(%dma_wait3A_199 : memref<80x16xf32, #tpu.memory_space<vmem>>) dst(%dma_wait3A_196 : memref<80x16xf32, #tpu.memory_space<vmem_shared>>)
    %mul3A_200 = arith.constant 632 : i32
    %mul3A_201 = arith.muli %arg1, %mul3A_200 : i32
    %add3A_202 = arith.constant 160 : i32
    %add3A_203 = arith.addi %mul3A_201, %add3A_202 : i32
    %dma_wait3A_204 = arith.constant 2 : i32
    %dma_wait3A_205 = arith.constant 0 : i32
    %dma_wait3A_206 = arith.constant 0 : i32
    %dma_wait3A_207 = tpu.memref_slice %arg9[%dma_wait3A_205, %dma_wait3A_206] : memref<632x16xf32, #tpu.memory_space<vmem>> -> memref<80x16xf32, #tpu.memory_space<vmem>>
    %dma_wait3A_208 = arith.constant 0 : i32
    %dma_wait3A_209 = tpu.memref_slice %arg11[%add3A_203, %dma_wait3A_208] : memref<10112x16xf32, #tpu.memory_space<vmem_shared>> -> memref<80x16xf32, #tpu.memory_space<vmem_shared>>
    %dma_wait3A_210 = tpu.memref_slice %arg13[%dma_wait3A_204] : memref<8x!tpu.dma_semaphore, #tpu.memory_space<semaphore_mem>> -> memref<1x!tpu.dma_semaphore, #tpu.memory_space<semaphore_mem>>
    %dma_wait3A_211 = tpu.memref_squeeze %dma_wait3A_210 : memref<1x!tpu.dma_semaphore, #tpu.memory_space<semaphore_mem>> -> memref<!tpu.dma_semaphore, #tpu.memory_space<semaphore_mem>>
    %dma_wait3A_212 = arith.constant 0 : i32
    %dma_wait3A_213 = tpu.memref_slice %arg11[%add3A_203, %dma_wait3A_212] : memref<10112x16xf32, #tpu.memory_space<vmem_shared>> -> memref<80x16xf32, #tpu.memory_space<vmem_shared>>
    %dma_wait3A_214 = arith.constant 0 : i32
    %dma_wait3A_215 = arith.constant 0 : i32
    %dma_wait3A_216 = tpu.memref_slice %arg9[%dma_wait3A_214, %dma_wait3A_215] : memref<632x16xf32, #tpu.memory_space<vmem>> -> memref<80x16xf32, #tpu.memory_space<vmem>>
    tpu.wait_dma2 semaphore(%dma_wait3A_211 : memref<!tpu.dma_semaphore, #tpu.memory_space<semaphore_mem>>) src(%dma_wait3A_216 : memref<80x16xf32, #tpu.memory_space<vmem>>) dst(%dma_wait3A_213 : memref<80x16xf32, #tpu.memory_space<vmem_shared>>)
    %mul3A_217 = arith.constant 632 : i32
    %mul3A_218 = arith.muli %arg1, %mul3A_217 : i32
    %add3A_219 = arith.constant 240 : i32
    %add3A_220 = arith.addi %mul3A_218, %add3A_219 : i32
    %dma_wait3A_221 = arith.constant 3 : i32
    %dma_wait3A_222 = arith.constant 0 : i32
    %dma_wait3A_223 = arith.constant 0 : i32
    %dma_wait3A_224 = tpu.memref_slice %arg9[%dma_wait3A_222, %dma_wait3A_223] : memref<632x16xf32, #tpu.memory_space<vmem>> -> memref<80x16xf32, #tpu.memory_space<vmem>>
    %dma_wait3A_225 = arith.constant 0 : i32
    %dma_wait3A_226 = tpu.memref_slice %arg11[%add3A_220, %dma_wait3A_225] : memref<10112x16xf32, #tpu.memory_space<vmem_shared>> -> memref<80x16xf32, #tpu.memory_space<vmem_shared>>
    %dma_wait3A_227 = tpu.memref_slice %arg13[%dma_wait3A_221] : memref<8x!tpu.dma_semaphore, #tpu.memory_space<semaphore_mem>> -> memref<1x!tpu.dma_semaphore, #tpu.memory_space<semaphore_mem>>
    %dma_wait3A_228 = tpu.memref_squeeze %dma_wait3A_227 : memref<1x!tpu.dma_semaphore, #tpu.memory_space<semaphore_mem>> -> memref<!tpu.dma_semaphore, #tpu.memory_space<semaphore_mem>>
    %dma_wait3A_229 = arith.constant 0 : i32
    %dma_wait3A_230 = tpu.memref_slice %arg11[%add3A_220, %dma_wait3A_229] : memref<10112x16xf32, #tpu.memory_space<vmem_shared>> -> memref<80x16xf32, #tpu.memory_space<vmem_shared>>
    %dma_wait3A_231 = arith.constant 0 : i32
    %dma_wait3A_232 = arith.constant 0 : i32
    %dma_wait3A_233 = tpu.memref_slice %arg9[%dma_wait3A_231, %dma_wait3A_232] : memref<632x16xf32, #tpu.memory_space<vmem>> -> memref<80x16xf32, #tpu.memory_space<vmem>>
    tpu.wait_dma2 semaphore(%dma_wait3A_228 : memref<!tpu.dma_semaphore, #tpu.memory_space<semaphore_mem>>) src(%dma_wait3A_233 : memref<80x16xf32, #tpu.memory_space<vmem>>) dst(%dma_wait3A_230 : memref<80x16xf32, #tpu.memory_space<vmem_shared>>)
    %mul3A_234 = arith.constant 632 : i32
    %mul3A_235 = arith.muli %arg1, %mul3A_234 : i32
    %add3A_236 = arith.constant 320 : i32
    %add3A_237 = arith.addi %mul3A_235, %add3A_236 : i32
    %dma_wait3A_238 = arith.constant 4 : i32
    %dma_wait3A_239 = arith.constant 0 : i32
    %dma_wait3A_240 = arith.constant 0 : i32
    %dma_wait3A_241 = tpu.memref_slice %arg9[%dma_wait3A_239, %dma_wait3A_240] : memref<632x16xf32, #tpu.memory_space<vmem>> -> memref<80x16xf32, #tpu.memory_space<vmem>>
    %dma_wait3A_242 = arith.constant 0 : i32
    %dma_wait3A_243 = tpu.memref_slice %arg11[%add3A_237, %dma_wait3A_242] : memref<10112x16xf32, #tpu.memory_space<vmem_shared>> -> memref<80x16xf32, #tpu.memory_space<vmem_shared>>
    %dma_wait3A_244 = tpu.memref_slice %arg13[%dma_wait3A_238] : memref<8x!tpu.dma_semaphore, #tpu.memory_space<semaphore_mem>> -> memref<1x!tpu.dma_semaphore, #tpu.memory_space<semaphore_mem>>
    %dma_wait3A_245 = tpu.memref_squeeze %dma_wait3A_244 : memref<1x!tpu.dma_semaphore, #tpu.memory_space<semaphore_mem>> -> memref<!tpu.dma_semaphore, #tpu.memory_space<semaphore_mem>>
    %dma_wait3A_246 = arith.constant 0 : i32
    %dma_wait3A_247 = tpu.memref_slice %arg11[%add3A_237, %dma_wait3A_246] : memref<10112x16xf32, #tpu.memory_space<vmem_shared>> -> memref<80x16xf32, #tpu.memory_space<vmem_shared>>
    %dma_wait3A_248 = arith.constant 0 : i32
    %dma_wait3A_249 = arith.constant 0 : i32
    %dma_wait3A_250 = tpu.memref_slice %arg9[%dma_wait3A_248, %dma_wait3A_249] : memref<632x16xf32, #tpu.memory_space<vmem>> -> memref<80x16xf32, #tpu.memory_space<vmem>>
    tpu.wait_dma2 semaphore(%dma_wait3A_245 : memref<!tpu.dma_semaphore, #tpu.memory_space<semaphore_mem>>) src(%dma_wait3A_250 : memref<80x16xf32, #tpu.memory_space<vmem>>) dst(%dma_wait3A_247 : memref<80x16xf32, #tpu.memory_space<vmem_shared>>)
    %mul3A_251 = arith.constant 632 : i32
    %mul3A_252 = arith.muli %arg1, %mul3A_251 : i32
    %add3A_253 = arith.constant 400 : i32
    %add3A_254 = arith.addi %mul3A_252, %add3A_253 : i32
    %dma_wait3A_255 = arith.constant 5 : i32
    %dma_wait3A_256 = arith.constant 0 : i32
    %dma_wait3A_257 = arith.constant 0 : i32
    %dma_wait3A_258 = tpu.memref_slice %arg9[%dma_wait3A_256, %dma_wait3A_257] : memref<632x16xf32, #tpu.memory_space<vmem>> -> memref<80x16xf32, #tpu.memory_space<vmem>>
    %dma_wait3A_259 = arith.constant 0 : i32
    %dma_wait3A_260 = tpu.memref_slice %arg11[%add3A_254, %dma_wait3A_259] : memref<10112x16xf32, #tpu.memory_space<vmem_shared>> -> memref<80x16xf32, #tpu.memory_space<vmem_shared>>
    %dma_wait3A_261 = tpu.memref_slice %arg13[%dma_wait3A_255] : memref<8x!tpu.dma_semaphore, #tpu.memory_space<semaphore_mem>> -> memref<1x!tpu.dma_semaphore, #tpu.memory_space<semaphore_mem>>
    %dma_wait3A_262 = tpu.memref_squeeze %dma_wait3A_261 : memref<1x!tpu.dma_semaphore, #tpu.memory_space<semaphore_mem>> -> memref<!tpu.dma_semaphore, #tpu.memory_space<semaphore_mem>>
    %dma_wait3A_263 = arith.constant 0 : i32
    %dma_wait3A_264 = tpu.memref_slice %arg11[%add3A_254, %dma_wait3A_263] : memref<10112x16xf32, #tpu.memory_space<vmem_shared>> -> memref<80x16xf32, #tpu.memory_space<vmem_shared>>
    %dma_wait3A_265 = arith.constant 0 : i32
    %dma_wait3A_266 = arith.constant 0 : i32
    %dma_wait3A_267 = tpu.memref_slice %arg9[%dma_wait3A_265, %dma_wait3A_266] : memref<632x16xf32, #tpu.memory_space<vmem>> -> memref<80x16xf32, #tpu.memory_space<vmem>>
    tpu.wait_dma2 semaphore(%dma_wait3A_262 : memref<!tpu.dma_semaphore, #tpu.memory_space<semaphore_mem>>) src(%dma_wait3A_267 : memref<80x16xf32, #tpu.memory_space<vmem>>) dst(%dma_wait3A_264 : memref<80x16xf32, #tpu.memory_space<vmem_shared>>)
    %mul3A_268 = arith.constant 632 : i32
    %mul3A_269 = arith.muli %arg1, %mul3A_268 : i32
    %add3A_270 = arith.constant 480 : i32
    %add3A_271 = arith.addi %mul3A_269, %add3A_270 : i32
    %dma_wait3A_272 = arith.constant 6 : i32
    %dma_wait3A_273 = arith.constant 0 : i32
    %dma_wait3A_274 = arith.constant 0 : i32
    %dma_wait3A_275 = tpu.memref_slice %arg9[%dma_wait3A_273, %dma_wait3A_274] : memref<632x16xf32, #tpu.memory_space<vmem>> -> memref<80x16xf32, #tpu.memory_space<vmem>>
    %dma_wait3A_276 = arith.constant 0 : i32
    %dma_wait3A_277 = tpu.memref_slice %arg11[%add3A_271, %dma_wait3A_276] : memref<10112x16xf32, #tpu.memory_space<vmem_shared>> -> memref<80x16xf32, #tpu.memory_space<vmem_shared>>
    %dma_wait3A_278 = tpu.memref_slice %arg13[%dma_wait3A_272] : memref<8x!tpu.dma_semaphore, #tpu.memory_space<semaphore_mem>> -> memref<1x!tpu.dma_semaphore, #tpu.memory_space<semaphore_mem>>
    %dma_wait3A_279 = tpu.memref_squeeze %dma_wait3A_278 : memref<1x!tpu.dma_semaphore, #tpu.memory_space<semaphore_mem>> -> memref<!tpu.dma_semaphore, #tpu.memory_space<semaphore_mem>>
    %dma_wait3A_280 = arith.constant 0 : i32
    %dma_wait3A_281 = tpu.memref_slice %arg11[%add3A_271, %dma_wait3A_280] : memref<10112x16xf32, #tpu.memory_space<vmem_shared>> -> memref<80x16xf32, #tpu.memory_space<vmem_shared>>
    %dma_wait3A_282 = arith.constant 0 : i32
    %dma_wait3A_283 = arith.constant 0 : i32
    %dma_wait3A_284 = tpu.memref_slice %arg9[%dma_wait3A_282, %dma_wait3A_283] : memref<632x16xf32, #tpu.memory_space<vmem>> -> memref<80x16xf32, #tpu.memory_space<vmem>>
    tpu.wait_dma2 semaphore(%dma_wait3A_279 : memref<!tpu.dma_semaphore, #tpu.memory_space<semaphore_mem>>) src(%dma_wait3A_284 : memref<80x16xf32, #tpu.memory_space<vmem>>) dst(%dma_wait3A_281 : memref<80x16xf32, #tpu.memory_space<vmem_shared>>)
    %mul3A_285 = arith.constant 632 : i32
    %mul3A_286 = arith.muli %arg1, %mul3A_285 : i32
    %add3A_287 = arith.constant 560 : i32
    %add3A_288 = arith.addi %mul3A_286, %add3A_287 : i32
    %dma_wait3A_289 = arith.constant 7 : i32
    %dma_wait3A_290 = arith.constant 0 : i32
    %dma_wait3A_291 = arith.constant 0 : i32
    %dma_wait3A_292 = tpu.memref_slice %arg9[%dma_wait3A_290, %dma_wait3A_291] : memref<632x16xf32, #tpu.memory_space<vmem>> -> memref<72x16xf32, #tpu.memory_space<vmem>>
    %dma_wait3A_293 = arith.constant 0 : i32
    %dma_wait3A_294 = tpu.memref_slice %arg11[%add3A_288, %dma_wait3A_293] : memref<10112x16xf32, #tpu.memory_space<vmem_shared>> -> memref<72x16xf32, #tpu.memory_space<vmem_shared>>
    %dma_wait3A_295 = tpu.memref_slice %arg13[%dma_wait3A_289] : memref<8x!tpu.dma_semaphore, #tpu.memory_space<semaphore_mem>> -> memref<1x!tpu.dma_semaphore, #tpu.memory_space<semaphore_mem>>
    %dma_wait3A_296 = tpu.memref_squeeze %dma_wait3A_295 : memref<1x!tpu.dma_semaphore, #tpu.memory_space<semaphore_mem>> -> memref<!tpu.dma_semaphore, #tpu.memory_space<semaphore_mem>>
    %dma_wait3A_297 = arith.constant 0 : i32
    %dma_wait3A_298 = tpu.memref_slice %arg11[%add3A_288, %dma_wait3A_297] : memref<10112x16xf32, #tpu.memory_space<vmem_shared>> -> memref<72x16xf32, #tpu.memory_space<vmem_shared>>
    %dma_wait3A_299 = arith.constant 0 : i32
    %dma_wait3A_300 = arith.constant 0 : i32
    %dma_wait3A_301 = tpu.memref_slice %arg9[%dma_wait3A_299, %dma_wait3A_300] : memref<632x16xf32, #tpu.memory_space<vmem>> -> memref<72x16xf32, #tpu.memory_space<vmem>>
    tpu.wait_dma2 semaphore(%dma_wait3A_296 : memref<!tpu.dma_semaphore, #tpu.memory_space<semaphore_mem>>) src(%dma_wait3A_301 : memref<72x16xf32, #tpu.memory_space<vmem>>) dst(%dma_wait3A_298 : memref<72x16xf32, #tpu.memory_space<vmem_shared>>)
    %barrier3A = arith.constant 0 : index
    tpu.barrier barrier_id(%barrier3A)
    %dma_wait3A_302 = arith.constant 0 : i32
    %dma_wait3A_303 = arith.constant 0 : i32
    %dma_wait3A_304 = arith.constant 0 : i32
    %dma_wait3A_305 = tpu.memref_slice %arg2[%add3A, %dma_wait3A_303, %dma_wait3A_304] : memref<32x40x256xi32, #tpu.memory_space<hbm>> -> memref<1x40x256xi32, #tpu.memory_space<hbm>>
    %dma_wait3A_306 = tpu.memref_squeeze %dma_wait3A_305 : memref<1x40x256xi32, #tpu.memory_space<hbm>> -> memref<40x256xi32, #tpu.memory_space<hbm>>
    %dma_wait3A_307 = tpu.memref_slice %arg14[%dma_wait3A_302] : memref<2x!tpu.dma_semaphore, #tpu.memory_space<semaphore_mem>> -> memref<1x!tpu.dma_semaphore, #tpu.memory_space<semaphore_mem>>
    %dma_wait3A_308 = tpu.memref_squeeze %dma_wait3A_307 : memref<1x!tpu.dma_semaphore, #tpu.memory_space<semaphore_mem>> -> memref<!tpu.dma_semaphore, #tpu.memory_space<semaphore_mem>>
    %dma_wait3A_309 = arith.constant 0 : i32
    %dma_wait3A_310 = arith.constant 0 : i32
    %dma_wait3A_311 = tpu.memref_slice %arg2[%add3A, %dma_wait3A_309, %dma_wait3A_310] : memref<32x40x256xi32, #tpu.memory_space<hbm>> -> memref<1x40x256xi32, #tpu.memory_space<hbm>>
    %dma_wait3A_312 = tpu.memref_squeeze %dma_wait3A_311 : memref<1x40x256xi32, #tpu.memory_space<hbm>> -> memref<40x256xi32, #tpu.memory_space<hbm>>
    tpu.wait_dma2 semaphore(%dma_wait3A_308 : memref<!tpu.dma_semaphore, #tpu.memory_space<semaphore_mem>>) src(%dma_wait3A_312 : memref<40x256xi32, #tpu.memory_space<hbm>>) dst(%arg6 : memref<40x256xi32, #tpu.memory_space<vmem>>)
    %dma_start3A_313 = arith.constant 0 : i32
    %dma_start3A_314 = arith.constant 0 : i32
    %dma_start3A_315 = arith.constant 0 : i32
    %dma_start3A_316 = arith.constant 0 : i32
    %dma_start3A_317 = arith.constant 0 : i32
    %dma_start3A_318 = tpu.memref_slice %arg8[%dma_start3A_314, %dma_start3A_316, %dma_start3A_317] : memref<8x256x16xf32, #tpu.memory_space<vmem>> -> memref<1x256x16xf32, #tpu.memory_space<vmem>>
    %dma_start3A_319 = tpu.memref_squeeze %dma_start3A_318 : memref<1x256x16xf32, #tpu.memory_space<vmem>> -> memref<256x16xf32, #tpu.memory_space<vmem>>
    %dma_start3A_320 = arith.constant 0 : i32
    %dma_start3A_321 = tpu.memref_slice %arg6[%dma_start3A_313, %dma_start3A_320] : memref<40x256xi32, #tpu.memory_space<vmem>> -> memref<1x256xi32, #tpu.memory_space<vmem>>
    %dma_start3A_322 = tpu.memref_squeeze %dma_start3A_321 : memref<1x256xi32, #tpu.memory_space<vmem>> -> memref<256xi32, #tpu.memory_space<vmem>>
    %dma_start3A_323 = arith.constant 0 : i32
    %dma_start3A_324 = arith.constant 0 : i32
    %dma_start3A_325 = tpu.memref_slice %arg10[%dma_start3A_323, %dma_start3A_324] : memref<10112x16xf32, #tpu.memory_space<vmem_shared>> -> memref<10112x16xf32, #tpu.memory_space<vmem_shared>>
    %dma_start3A_326 = tpu.memref_slice %arg12[%dma_start3A_315] : memref<8x!tpu.dma_semaphore, #tpu.memory_space<semaphore_mem>> -> memref<1x!tpu.dma_semaphore, #tpu.memory_space<semaphore_mem>>
    %dma_start3A_327 = tpu.memref_squeeze %dma_start3A_326 : memref<1x!tpu.dma_semaphore, #tpu.memory_space<semaphore_mem>> -> memref<!tpu.dma_semaphore, #tpu.memory_space<semaphore_mem>>
    tpu.enqueue_indirect_dma source(%dma_start3A_325 : memref<10112x16xf32, #tpu.memory_space<vmem_shared>>) target(%dma_start3A_319 : memref<256x16xf32, #tpu.memory_space<vmem>>) offsets(%dma_start3A_322 : memref<256xi32, #tpu.memory_space<vmem>>) semaphore(%dma_start3A_327 : memref<!tpu.dma_semaphore, #tpu.memory_space<semaphore_mem>>)
    %dma_start3A_328 = arith.constant 1 : i32
    %dma_start3A_329 = arith.constant 1 : i32
    %dma_start3A_330 = arith.constant 1 : i32
    %dma_start3A_331 = arith.constant 0 : i32
    %dma_start3A_332 = arith.constant 0 : i32
    %dma_start3A_333 = tpu.memref_slice %arg8[%dma_start3A_329, %dma_start3A_331, %dma_start3A_332] : memref<8x256x16xf32, #tpu.memory_space<vmem>> -> memref<1x256x16xf32, #tpu.memory_space<vmem>>
    %dma_start3A_334 = tpu.memref_squeeze %dma_start3A_333 : memref<1x256x16xf32, #tpu.memory_space<vmem>> -> memref<256x16xf32, #tpu.memory_space<vmem>>
    %dma_start3A_335 = arith.constant 0 : i32
    %dma_start3A_336 = tpu.memref_slice %arg6[%dma_start3A_328, %dma_start3A_335] : memref<40x256xi32, #tpu.memory_space<vmem>> -> memref<1x256xi32, #tpu.memory_space<vmem>>
    %dma_start3A_337 = tpu.memref_squeeze %dma_start3A_336 : memref<1x256xi32, #tpu.memory_space<vmem>> -> memref<256xi32, #tpu.memory_space<vmem>>
    %dma_start3A_338 = arith.constant 0 : i32
    %dma_start3A_339 = arith.constant 0 : i32
    %dma_start3A_340 = tpu.memref_slice %arg10[%dma_start3A_338, %dma_start3A_339] : memref<10112x16xf32, #tpu.memory_space<vmem_shared>> -> memref<10112x16xf32, #tpu.memory_space<vmem_shared>>
    %dma_start3A_341 = tpu.memref_slice %arg12[%dma_start3A_330] : memref<8x!tpu.dma_semaphore, #tpu.memory_space<semaphore_mem>> -> memref<1x!tpu.dma_semaphore, #tpu.memory_space<semaphore_mem>>
    %dma_start3A_342 = tpu.memref_squeeze %dma_start3A_341 : memref<1x!tpu.dma_semaphore, #tpu.memory_space<semaphore_mem>> -> memref<!tpu.dma_semaphore, #tpu.memory_space<semaphore_mem>>
    tpu.enqueue_indirect_dma source(%dma_start3A_340 : memref<10112x16xf32, #tpu.memory_space<vmem_shared>>) target(%dma_start3A_334 : memref<256x16xf32, #tpu.memory_space<vmem>>) offsets(%dma_start3A_337 : memref<256xi32, #tpu.memory_space<vmem>>) semaphore(%dma_start3A_342 : memref<!tpu.dma_semaphore, #tpu.memory_space<semaphore_mem>>)
    %dma_start3A_343 = arith.constant 2 : i32
    %dma_start3A_344 = arith.constant 2 : i32
    %dma_start3A_345 = arith.constant 2 : i32
    %dma_start3A_346 = arith.constant 0 : i32
    %dma_start3A_347 = arith.constant 0 : i32
    %dma_start3A_348 = tpu.memref_slice %arg8[%dma_start3A_344, %dma_start3A_346, %dma_start3A_347] : memref<8x256x16xf32, #tpu.memory_space<vmem>> -> memref<1x256x16xf32, #tpu.memory_space<vmem>>
    %dma_start3A_349 = tpu.memref_squeeze %dma_start3A_348 : memref<1x256x16xf32, #tpu.memory_space<vmem>> -> memref<256x16xf32, #tpu.memory_space<vmem>>
    %dma_start3A_350 = arith.constant 0 : i32
    %dma_start3A_351 = tpu.memref_slice %arg6[%dma_start3A_343, %dma_start3A_350] : memref<40x256xi32, #tpu.memory_space<vmem>> -> memref<1x256xi32, #tpu.memory_space<vmem>>
    %dma_start3A_352 = tpu.memref_squeeze %dma_start3A_351 : memref<1x256xi32, #tpu.memory_space<vmem>> -> memref<256xi32, #tpu.memory_space<vmem>>
    %dma_start3A_353 = arith.constant 0 : i32
    %dma_start3A_354 = arith.constant 0 : i32
    %dma_start3A_355 = tpu.memref_slice %arg10[%dma_start3A_353, %dma_start3A_354] : memref<10112x16xf32, #tpu.memory_space<vmem_shared>> -> memref<10112x16xf32, #tpu.memory_space<vmem_shared>>
    %dma_start3A_356 = tpu.memref_slice %arg12[%dma_start3A_345] : memref<8x!tpu.dma_semaphore, #tpu.memory_space<semaphore_mem>> -> memref<1x!tpu.dma_semaphore, #tpu.memory_space<semaphore_mem>>
    %dma_start3A_357 = tpu.memref_squeeze %dma_start3A_356 : memref<1x!tpu.dma_semaphore, #tpu.memory_space<semaphore_mem>> -> memref<!tpu.dma_semaphore, #tpu.memory_space<semaphore_mem>>
    tpu.enqueue_indirect_dma source(%dma_start3A_355 : memref<10112x16xf32, #tpu.memory_space<vmem_shared>>) target(%dma_start3A_349 : memref<256x16xf32, #tpu.memory_space<vmem>>) offsets(%dma_start3A_352 : memref<256xi32, #tpu.memory_space<vmem>>) semaphore(%dma_start3A_357 : memref<!tpu.dma_semaphore, #tpu.memory_space<semaphore_mem>>)
    %dma_start3A_358 = arith.constant 3 : i32
    %dma_start3A_359 = arith.constant 3 : i32
    %dma_start3A_360 = arith.constant 3 : i32
    %dma_start3A_361 = arith.constant 0 : i32
    %dma_start3A_362 = arith.constant 0 : i32
    %dma_start3A_363 = tpu.memref_slice %arg8[%dma_start3A_359, %dma_start3A_361, %dma_start3A_362] : memref<8x256x16xf32, #tpu.memory_space<vmem>> -> memref<1x256x16xf32, #tpu.memory_space<vmem>>
    %dma_start3A_364 = tpu.memref_squeeze %dma_start3A_363 : memref<1x256x16xf32, #tpu.memory_space<vmem>> -> memref<256x16xf32, #tpu.memory_space<vmem>>
    %dma_start3A_365 = arith.constant 0 : i32
    %dma_start3A_366 = tpu.memref_slice %arg6[%dma_start3A_358, %dma_start3A_365] : memref<40x256xi32, #tpu.memory_space<vmem>> -> memref<1x256xi32, #tpu.memory_space<vmem>>
    %dma_start3A_367 = tpu.memref_squeeze %dma_start3A_366 : memref<1x256xi32, #tpu.memory_space<vmem>> -> memref<256xi32, #tpu.memory_space<vmem>>
    %dma_start3A_368 = arith.constant 0 : i32
    %dma_start3A_369 = arith.constant 0 : i32
    %dma_start3A_370 = tpu.memref_slice %arg10[%dma_start3A_368, %dma_start3A_369] : memref<10112x16xf32, #tpu.memory_space<vmem_shared>> -> memref<10112x16xf32, #tpu.memory_space<vmem_shared>>
    %dma_start3A_371 = tpu.memref_slice %arg12[%dma_start3A_360] : memref<8x!tpu.dma_semaphore, #tpu.memory_space<semaphore_mem>> -> memref<1x!tpu.dma_semaphore, #tpu.memory_space<semaphore_mem>>
    %dma_start3A_372 = tpu.memref_squeeze %dma_start3A_371 : memref<1x!tpu.dma_semaphore, #tpu.memory_space<semaphore_mem>> -> memref<!tpu.dma_semaphore, #tpu.memory_space<semaphore_mem>>
    tpu.enqueue_indirect_dma source(%dma_start3A_370 : memref<10112x16xf32, #tpu.memory_space<vmem_shared>>) target(%dma_start3A_364 : memref<256x16xf32, #tpu.memory_space<vmem>>) offsets(%dma_start3A_367 : memref<256xi32, #tpu.memory_space<vmem>>) semaphore(%dma_start3A_372 : memref<!tpu.dma_semaphore, #tpu.memory_space<semaphore_mem>>)
    %dma_start3A_373 = arith.constant 4 : i32
    %dma_start3A_374 = arith.constant 4 : i32
    %dma_start3A_375 = arith.constant 4 : i32
    %dma_start3A_376 = arith.constant 0 : i32
    %dma_start3A_377 = arith.constant 0 : i32
    %dma_start3A_378 = tpu.memref_slice %arg8[%dma_start3A_374, %dma_start3A_376, %dma_start3A_377] : memref<8x256x16xf32, #tpu.memory_space<vmem>> -> memref<1x256x16xf32, #tpu.memory_space<vmem>>
    %dma_start3A_379 = tpu.memref_squeeze %dma_start3A_378 : memref<1x256x16xf32, #tpu.memory_space<vmem>> -> memref<256x16xf32, #tpu.memory_space<vmem>>
    %dma_start3A_380 = arith.constant 0 : i32
    %dma_start3A_381 = tpu.memref_slice %arg6[%dma_start3A_373, %dma_start3A_380] : memref<40x256xi32, #tpu.memory_space<vmem>> -> memref<1x256xi32, #tpu.memory_space<vmem>>
    %dma_start3A_382 = tpu.memref_squeeze %dma_start3A_381 : memref<1x256xi32, #tpu.memory_space<vmem>> -> memref<256xi32, #tpu.memory_space<vmem>>
    %dma_start3A_383 = arith.constant 0 : i32
    %dma_start3A_384 = arith.constant 0 : i32
    %dma_start3A_385 = tpu.memref_slice %arg10[%dma_start3A_383, %dma_start3A_384] : memref<10112x16xf32, #tpu.memory_space<vmem_shared>> -> memref<10112x16xf32, #tpu.memory_space<vmem_shared>>
    %dma_start3A_386 = tpu.memref_slice %arg12[%dma_start3A_375] : memref<8x!tpu.dma_semaphore, #tpu.memory_space<semaphore_mem>> -> memref<1x!tpu.dma_semaphore, #tpu.memory_space<semaphore_mem>>
    %dma_start3A_387 = tpu.memref_squeeze %dma_start3A_386 : memref<1x!tpu.dma_semaphore, #tpu.memory_space<semaphore_mem>> -> memref<!tpu.dma_semaphore, #tpu.memory_space<semaphore_mem>>
    tpu.enqueue_indirect_dma source(%dma_start3A_385 : memref<10112x16xf32, #tpu.memory_space<vmem_shared>>) target(%dma_start3A_379 : memref<256x16xf32, #tpu.memory_space<vmem>>) offsets(%dma_start3A_382 : memref<256xi32, #tpu.memory_space<vmem>>) semaphore(%dma_start3A_387 : memref<!tpu.dma_semaphore, #tpu.memory_space<semaphore_mem>>)
    %dma_start3A_388 = arith.constant 5 : i32
    %dma_start3A_389 = arith.constant 5 : i32
    %dma_start3A_390 = arith.constant 5 : i32
    %dma_start3A_391 = arith.constant 0 : i32
    %dma_start3A_392 = arith.constant 0 : i32
    %dma_start3A_393 = tpu.memref_slice %arg8[%dma_start3A_389, %dma_start3A_391, %dma_start3A_392] : memref<8x256x16xf32, #tpu.memory_space<vmem>> -> memref<1x256x16xf32, #tpu.memory_space<vmem>>
    %dma_start3A_394 = tpu.memref_squeeze %dma_start3A_393 : memref<1x256x16xf32, #tpu.memory_space<vmem>> -> memref<256x16xf32, #tpu.memory_space<vmem>>
    %dma_start3A_395 = arith.constant 0 : i32
    %dma_start3A_396 = tpu.memref_slice %arg6[%dma_start3A_388, %dma_start3A_395] : memref<40x256xi32, #tpu.memory_space<vmem>> -> memref<1x256xi32, #tpu.memory_space<vmem>>
    %dma_start3A_397 = tpu.memref_squeeze %dma_start3A_396 : memref<1x256xi32, #tpu.memory_space<vmem>> -> memref<256xi32, #tpu.memory_space<vmem>>
    %dma_start3A_398 = arith.constant 0 : i32
    %dma_start3A_399 = arith.constant 0 : i32
    %dma_start3A_400 = tpu.memref_slice %arg10[%dma_start3A_398, %dma_start3A_399] : memref<10112x16xf32, #tpu.memory_space<vmem_shared>> -> memref<10112x16xf32, #tpu.memory_space<vmem_shared>>
    %dma_start3A_401 = tpu.memref_slice %arg12[%dma_start3A_390] : memref<8x!tpu.dma_semaphore, #tpu.memory_space<semaphore_mem>> -> memref<1x!tpu.dma_semaphore, #tpu.memory_space<semaphore_mem>>
    %dma_start3A_402 = tpu.memref_squeeze %dma_start3A_401 : memref<1x!tpu.dma_semaphore, #tpu.memory_space<semaphore_mem>> -> memref<!tpu.dma_semaphore, #tpu.memory_space<semaphore_mem>>
    tpu.enqueue_indirect_dma source(%dma_start3A_400 : memref<10112x16xf32, #tpu.memory_space<vmem_shared>>) target(%dma_start3A_394 : memref<256x16xf32, #tpu.memory_space<vmem>>) offsets(%dma_start3A_397 : memref<256xi32, #tpu.memory_space<vmem>>) semaphore(%dma_start3A_402 : memref<!tpu.dma_semaphore, #tpu.memory_space<semaphore_mem>>)
    %dma_start3A_403 = arith.constant 6 : i32
    %dma_start3A_404 = arith.constant 6 : i32
    %dma_start3A_405 = arith.constant 6 : i32
    %dma_start3A_406 = arith.constant 0 : i32
    %dma_start3A_407 = arith.constant 0 : i32
    %dma_start3A_408 = tpu.memref_slice %arg8[%dma_start3A_404, %dma_start3A_406, %dma_start3A_407] : memref<8x256x16xf32, #tpu.memory_space<vmem>> -> memref<1x256x16xf32, #tpu.memory_space<vmem>>
    %dma_start3A_409 = tpu.memref_squeeze %dma_start3A_408 : memref<1x256x16xf32, #tpu.memory_space<vmem>> -> memref<256x16xf32, #tpu.memory_space<vmem>>
    %dma_start3A_410 = arith.constant 0 : i32
    %dma_start3A_411 = tpu.memref_slice %arg6[%dma_start3A_403, %dma_start3A_410] : memref<40x256xi32, #tpu.memory_space<vmem>> -> memref<1x256xi32, #tpu.memory_space<vmem>>
    %dma_start3A_412 = tpu.memref_squeeze %dma_start3A_411 : memref<1x256xi32, #tpu.memory_space<vmem>> -> memref<256xi32, #tpu.memory_space<vmem>>
    %dma_start3A_413 = arith.constant 0 : i32
    %dma_start3A_414 = arith.constant 0 : i32
    %dma_start3A_415 = tpu.memref_slice %arg10[%dma_start3A_413, %dma_start3A_414] : memref<10112x16xf32, #tpu.memory_space<vmem_shared>> -> memref<10112x16xf32, #tpu.memory_space<vmem_shared>>
    %dma_start3A_416 = tpu.memref_slice %arg12[%dma_start3A_405] : memref<8x!tpu.dma_semaphore, #tpu.memory_space<semaphore_mem>> -> memref<1x!tpu.dma_semaphore, #tpu.memory_space<semaphore_mem>>
    %dma_start3A_417 = tpu.memref_squeeze %dma_start3A_416 : memref<1x!tpu.dma_semaphore, #tpu.memory_space<semaphore_mem>> -> memref<!tpu.dma_semaphore, #tpu.memory_space<semaphore_mem>>
    tpu.enqueue_indirect_dma source(%dma_start3A_415 : memref<10112x16xf32, #tpu.memory_space<vmem_shared>>) target(%dma_start3A_409 : memref<256x16xf32, #tpu.memory_space<vmem>>) offsets(%dma_start3A_412 : memref<256xi32, #tpu.memory_space<vmem>>) semaphore(%dma_start3A_417 : memref<!tpu.dma_semaphore, #tpu.memory_space<semaphore_mem>>)
    %dma_start3A_418 = arith.constant 7 : i32
    %dma_start3A_419 = arith.constant 7 : i32
    %dma_start3A_420 = arith.constant 7 : i32
    %dma_start3A_421 = arith.constant 0 : i32
    %dma_start3A_422 = arith.constant 0 : i32
    %dma_start3A_423 = tpu.memref_slice %arg8[%dma_start3A_419, %dma_start3A_421, %dma_start3A_422] : memref<8x256x16xf32, #tpu.memory_space<vmem>> -> memref<1x256x16xf32, #tpu.memory_space<vmem>>
    %dma_start3A_424 = tpu.memref_squeeze %dma_start3A_423 : memref<1x256x16xf32, #tpu.memory_space<vmem>> -> memref<256x16xf32, #tpu.memory_space<vmem>>
    %dma_start3A_425 = arith.constant 0 : i32
    %dma_start3A_426 = tpu.memref_slice %arg6[%dma_start3A_418, %dma_start3A_425] : memref<40x256xi32, #tpu.memory_space<vmem>> -> memref<1x256xi32, #tpu.memory_space<vmem>>
    %dma_start3A_427 = tpu.memref_squeeze %dma_start3A_426 : memref<1x256xi32, #tpu.memory_space<vmem>> -> memref<256xi32, #tpu.memory_space<vmem>>
    %dma_start3A_428 = arith.constant 0 : i32
    %dma_start3A_429 = arith.constant 0 : i32
    %dma_start3A_430 = tpu.memref_slice %arg10[%dma_start3A_428, %dma_start3A_429] : memref<10112x16xf32, #tpu.memory_space<vmem_shared>> -> memref<10112x16xf32, #tpu.memory_space<vmem_shared>>
    %dma_start3A_431 = tpu.memref_slice %arg12[%dma_start3A_420] : memref<8x!tpu.dma_semaphore, #tpu.memory_space<semaphore_mem>> -> memref<1x!tpu.dma_semaphore, #tpu.memory_space<semaphore_mem>>
    %dma_start3A_432 = tpu.memref_squeeze %dma_start3A_431 : memref<1x!tpu.dma_semaphore, #tpu.memory_space<semaphore_mem>> -> memref<!tpu.dma_semaphore, #tpu.memory_space<semaphore_mem>>
    tpu.enqueue_indirect_dma source(%dma_start3A_430 : memref<10112x16xf32, #tpu.memory_space<vmem_shared>>) target(%dma_start3A_424 : memref<256x16xf32, #tpu.memory_space<vmem>>) offsets(%dma_start3A_427 : memref<256xi32, #tpu.memory_space<vmem>>) semaphore(%dma_start3A_432 : memref<!tpu.dma_semaphore, #tpu.memory_space<semaphore_mem>>)
    %dma_wait3A_433 = arith.constant 1 : i32
    %dma_wait3A_434 = arith.constant 0 : i32
    %dma_wait3A_435 = arith.constant 0 : i32
    %dma_wait3A_436 = tpu.memref_slice %arg3[%add3A, %dma_wait3A_434, %dma_wait3A_435] : memref<32x40x256xi32, #tpu.memory_space<hbm>> -> memref<1x40x256xi32, #tpu.memory_space<hbm>>
    %dma_wait3A_437 = tpu.memref_squeeze %dma_wait3A_436 : memref<1x40x256xi32, #tpu.memory_space<hbm>> -> memref<40x256xi32, #tpu.memory_space<hbm>>
    %dma_wait3A_438 = tpu.memref_slice %arg14[%dma_wait3A_433] : memref<2x!tpu.dma_semaphore, #tpu.memory_space<semaphore_mem>> -> memref<1x!tpu.dma_semaphore, #tpu.memory_space<semaphore_mem>>
    %dma_wait3A_439 = tpu.memref_squeeze %dma_wait3A_438 : memref<1x!tpu.dma_semaphore, #tpu.memory_space<semaphore_mem>> -> memref<!tpu.dma_semaphore, #tpu.memory_space<semaphore_mem>>
    %dma_wait3A_440 = arith.constant 0 : i32
    %dma_wait3A_441 = arith.constant 0 : i32
    %dma_wait3A_442 = tpu.memref_slice %arg3[%add3A, %dma_wait3A_440, %dma_wait3A_441] : memref<32x40x256xi32, #tpu.memory_space<hbm>> -> memref<1x40x256xi32, #tpu.memory_space<hbm>>
    %dma_wait3A_443 = tpu.memref_squeeze %dma_wait3A_442 : memref<1x40x256xi32, #tpu.memory_space<hbm>> -> memref<40x256xi32, #tpu.memory_space<hbm>>
    tpu.wait_dma2 semaphore(%dma_wait3A_439 : memref<!tpu.dma_semaphore, #tpu.memory_space<semaphore_mem>>) src(%dma_wait3A_443 : memref<40x256xi32, #tpu.memory_space<hbm>>) dst(%arg7 : memref<40x256xi32, #tpu.memory_space<vmem>>)
    %scan3A_444 = arith.constant 0 : i32
    %scan3A_445 = arith.constant 0 : i32
    %scan3A_446 = arith.constant 5 : i32
    %scan3A_447 = arith.addi %scan3A_445, %scan3A_446 : i32
    %scan3A_448 = arith.constant 1 : i32
    scf.for %scan3A_1123 = %scan3A_445 to %scan3A_447 step %scan3A_448  : i32 {
      %mul3A_1124 = arith.constant 8 : i32
      %mul3A_1125 = arith.muli %scan3A_1123, %mul3A_1124 : i32
      %add3A_1126 = arith.constant 0 : i32
      %add3A_1127 = arith.addi %mul3A_1125, %add3A_1126 : i32
      %dma_wait3A_1128 = arith.constant 0 : i32
      %dma_wait3A_1129 = arith.constant 0 : i32
      %dma_wait3A_1130 = arith.constant 0 : i32
      %dma_wait3A_1131 = arith.constant 0 : i32
      %dma_wait3A_1132 = tpu.memref_slice %arg8[%dma_wait3A_1128, %dma_wait3A_1130, %dma_wait3A_1131] : memref<8x256x16xf32, #tpu.memory_space<vmem>> -> memref<1x256x16xf32, #tpu.memory_space<vmem>>
      %dma_wait3A_1133 = tpu.memref_squeeze %dma_wait3A_1132 : memref<1x256x16xf32, #tpu.memory_space<vmem>> -> memref<256x16xf32, #tpu.memory_space<vmem>>
      %dma_wait3A_1134 = arith.constant 0 : i32
      %dma_wait3A_1135 = tpu.memref_slice %arg6[%add3A_1127, %dma_wait3A_1134] : memref<40x256xi32, #tpu.memory_space<vmem>> -> memref<1x256xi32, #tpu.memory_space<vmem>>
      %dma_wait3A_1136 = tpu.memref_squeeze %dma_wait3A_1135 : memref<1x256xi32, #tpu.memory_space<vmem>> -> memref<256xi32, #tpu.memory_space<vmem>>
      %dma_wait3A_1137 = arith.constant 0 : i32
      %dma_wait3A_1138 = arith.constant 0 : i32
      %dma_wait3A_1139 = tpu.memref_slice %arg10[%dma_wait3A_1137, %dma_wait3A_1138] : memref<10112x16xf32, #tpu.memory_space<vmem_shared>> -> memref<10112x16xf32, #tpu.memory_space<vmem_shared>>
      %dma_wait3A_1140 = tpu.memref_slice %arg12[%dma_wait3A_1129] : memref<8x!tpu.dma_semaphore, #tpu.memory_space<semaphore_mem>> -> memref<1x!tpu.dma_semaphore, #tpu.memory_space<semaphore_mem>>
      %dma_wait3A_1141 = tpu.memref_squeeze %dma_wait3A_1140 : memref<1x!tpu.dma_semaphore, #tpu.memory_space<semaphore_mem>> -> memref<!tpu.dma_semaphore, #tpu.memory_space<semaphore_mem>>
      tpu.wait_indirect_dma semaphore(%dma_wait3A_1141 : memref<!tpu.dma_semaphore, #tpu.memory_space<semaphore_mem>>) src(%dma_wait3A_1139 : memref<10112x16xf32, #tpu.memory_space<vmem_shared>>) dst(%dma_wait3A_1133 : memref<256x16xf32, #tpu.memory_space<vmem>>)
      %add3A_1142 = arith.constant 0 : i32
      %add3A_1143 = arith.addi %mul3A_1125, %add3A_1142 : i32
      %dma_start3A_1144 = arith.constant 0 : i32
      %dma_start3A_1145 = arith.constant 0 : i32
      %dma_start3A_1146 = arith.constant 0 : i32
      %dma_start3A_1147 = arith.constant 0 : i32
      %dma_start3A_1148 = tpu.memref_slice %arg8[%dma_start3A_1144, %dma_start3A_1146, %dma_start3A_1147] : memref<8x256x16xf32, #tpu.memory_space<vmem>> -> memref<1x256x16xf32, #tpu.memory_space<vmem>>
      %dma_start3A_1149 = tpu.memref_squeeze %dma_start3A_1148 : memref<1x256x16xf32, #tpu.memory_space<vmem>> -> memref<256x16xf32, #tpu.memory_space<vmem>>
      %dma_start3A_1150 = arith.constant 0 : i32
      %dma_start3A_1151 = tpu.memref_slice %arg7[%add3A_1143, %dma_start3A_1150] : memref<40x256xi32, #tpu.memory_space<vmem>> -> memref<1x256xi32, #tpu.memory_space<vmem>>
      %dma_start3A_1152 = tpu.memref_squeeze %dma_start3A_1151 : memref<1x256xi32, #tpu.memory_space<vmem>> -> memref<256xi32, #tpu.memory_space<vmem>>
      %dma_start3A_1153 = arith.constant 0 : i32
      %dma_start3A_1154 = arith.constant 0 : i32
      %dma_start3A_1155 = tpu.memref_slice %arg11[%dma_start3A_1153, %dma_start3A_1154] : memref<10112x16xf32, #tpu.memory_space<vmem_shared>> -> memref<10112x16xf32, #tpu.memory_space<vmem_shared>>
      %dma_start3A_1156 = tpu.memref_slice %arg13[%dma_start3A_1145] : memref<8x!tpu.dma_semaphore, #tpu.memory_space<semaphore_mem>> -> memref<1x!tpu.dma_semaphore, #tpu.memory_space<semaphore_mem>>
      %dma_start3A_1157 = tpu.memref_squeeze %dma_start3A_1156 : memref<1x!tpu.dma_semaphore, #tpu.memory_space<semaphore_mem>> -> memref<!tpu.dma_semaphore, #tpu.memory_space<semaphore_mem>>
      tpu.enqueue_indirect_dma source(%dma_start3A_1149 : memref<256x16xf32, #tpu.memory_space<vmem>>) target(%dma_start3A_1155 : memref<10112x16xf32, #tpu.memory_space<vmem_shared>>) offsets(%dma_start3A_1152 : memref<256xi32, #tpu.memory_space<vmem>>) semaphore(%dma_start3A_1157 : memref<!tpu.dma_semaphore, #tpu.memory_space<semaphore_mem>>) {add = true}
      %add3A_1158 = arith.constant 1 : i32
      %add3A_1159 = arith.addi %mul3A_1125, %add3A_1158 : i32
      %dma_wait3A_1160 = arith.constant 1 : i32
      %dma_wait3A_1161 = arith.constant 1 : i32
      %dma_wait3A_1162 = arith.constant 0 : i32
      %dma_wait3A_1163 = arith.constant 0 : i32
      %dma_wait3A_1164 = tpu.memref_slice %arg8[%dma_wait3A_1160, %dma_wait3A_1162, %dma_wait3A_1163] : memref<8x256x16xf32, #tpu.memory_space<vmem>> -> memref<1x256x16xf32, #tpu.memory_space<vmem>>
      %dma_wait3A_1165 = tpu.memref_squeeze %dma_wait3A_1164 : memref<1x256x16xf32, #tpu.memory_space<vmem>> -> memref<256x16xf32, #tpu.memory_space<vmem>>
      %dma_wait3A_1166 = arith.constant 0 : i32
      %dma_wait3A_1167 = tpu.memref_slice %arg6[%add3A_1159, %dma_wait3A_1166] : memref<40x256xi32, #tpu.memory_space<vmem>> -> memref<1x256xi32, #tpu.memory_space<vmem>>
      %dma_wait3A_1168 = tpu.memref_squeeze %dma_wait3A_1167 : memref<1x256xi32, #tpu.memory_space<vmem>> -> memref<256xi32, #tpu.memory_space<vmem>>
      %dma_wait3A_1169 = arith.constant 0 : i32
      %dma_wait3A_1170 = arith.constant 0 : i32
      %dma_wait3A_1171 = tpu.memref_slice %arg10[%dma_wait3A_1169, %dma_wait3A_1170] : memref<10112x16xf32, #tpu.memory_space<vmem_shared>> -> memref<10112x16xf32, #tpu.memory_space<vmem_shared>>
      %dma_wait3A_1172 = tpu.memref_slice %arg12[%dma_wait3A_1161] : memref<8x!tpu.dma_semaphore, #tpu.memory_space<semaphore_mem>> -> memref<1x!tpu.dma_semaphore, #tpu.memory_space<semaphore_mem>>
      %dma_wait3A_1173 = tpu.memref_squeeze %dma_wait3A_1172 : memref<1x!tpu.dma_semaphore, #tpu.memory_space<semaphore_mem>> -> memref<!tpu.dma_semaphore, #tpu.memory_space<semaphore_mem>>
      tpu.wait_indirect_dma semaphore(%dma_wait3A_1173 : memref<!tpu.dma_semaphore, #tpu.memory_space<semaphore_mem>>) src(%dma_wait3A_1171 : memref<10112x16xf32, #tpu.memory_space<vmem_shared>>) dst(%dma_wait3A_1165 : memref<256x16xf32, #tpu.memory_space<vmem>>)
      %add3A_1174 = arith.constant 1 : i32
      %add3A_1175 = arith.addi %mul3A_1125, %add3A_1174 : i32
      %dma_start3A_1176 = arith.constant 1 : i32
      %dma_start3A_1177 = arith.constant 1 : i32
      %dma_start3A_1178 = arith.constant 0 : i32
      %dma_start3A_1179 = arith.constant 0 : i32
      %dma_start3A_1180 = tpu.memref_slice %arg8[%dma_start3A_1176, %dma_start3A_1178, %dma_start3A_1179] : memref<8x256x16xf32, #tpu.memory_space<vmem>> -> memref<1x256x16xf32, #tpu.memory_space<vmem>>
      %dma_start3A_1181 = tpu.memref_squeeze %dma_start3A_1180 : memref<1x256x16xf32, #tpu.memory_space<vmem>> -> memref<256x16xf32, #tpu.memory_space<vmem>>
      %dma_start3A_1182 = arith.constant 0 : i32
      %dma_start3A_1183 = tpu.memref_slice %arg7[%add3A_1175, %dma_start3A_1182] : memref<40x256xi32, #tpu.memory_space<vmem>> -> memref<1x256xi32, #tpu.memory_space<vmem>>
      %dma_start3A_1184 = tpu.memref_squeeze %dma_start3A_1183 : memref<1x256xi32, #tpu.memory_space<vmem>> -> memref<256xi32, #tpu.memory_space<vmem>>
      %dma_start3A_1185 = arith.constant 0 : i32
      %dma_start3A_1186 = arith.constant 0 : i32
      %dma_start3A_1187 = tpu.memref_slice %arg11[%dma_start3A_1185, %dma_start3A_1186] : memref<10112x16xf32, #tpu.memory_space<vmem_shared>> -> memref<10112x16xf32, #tpu.memory_space<vmem_shared>>
      %dma_start3A_1188 = tpu.memref_slice %arg13[%dma_start3A_1177] : memref<8x!tpu.dma_semaphore, #tpu.memory_space<semaphore_mem>> -> memref<1x!tpu.dma_semaphore, #tpu.memory_space<semaphore_mem>>
      %dma_start3A_1189 = tpu.memref_squeeze %dma_start3A_1188 : memref<1x!tpu.dma_semaphore, #tpu.memory_space<semaphore_mem>> -> memref<!tpu.dma_semaphore, #tpu.memory_space<semaphore_mem>>
      tpu.enqueue_indirect_dma source(%dma_start3A_1181 : memref<256x16xf32, #tpu.memory_space<vmem>>) target(%dma_start3A_1187 : memref<10112x16xf32, #tpu.memory_space<vmem_shared>>) offsets(%dma_start3A_1184 : memref<256xi32, #tpu.memory_space<vmem>>) semaphore(%dma_start3A_1189 : memref<!tpu.dma_semaphore, #tpu.memory_space<semaphore_mem>>) {add = true}
      %add3A_1190 = arith.constant 2 : i32
      %add3A_1191 = arith.addi %mul3A_1125, %add3A_1190 : i32
      %dma_wait3A_1192 = arith.constant 2 : i32
      %dma_wait3A_1193 = arith.constant 2 : i32
      %dma_wait3A_1194 = arith.constant 0 : i32
      %dma_wait3A_1195 = arith.constant 0 : i32
      %dma_wait3A_1196 = tpu.memref_slice %arg8[%dma_wait3A_1192, %dma_wait3A_1194, %dma_wait3A_1195] : memref<8x256x16xf32, #tpu.memory_space<vmem>> -> memref<1x256x16xf32, #tpu.memory_space<vmem>>
      %dma_wait3A_1197 = tpu.memref_squeeze %dma_wait3A_1196 : memref<1x256x16xf32, #tpu.memory_space<vmem>> -> memref<256x16xf32, #tpu.memory_space<vmem>>
      %dma_wait3A_1198 = arith.constant 0 : i32
      %dma_wait3A_1199 = tpu.memref_slice %arg6[%add3A_1191, %dma_wait3A_1198] : memref<40x256xi32, #tpu.memory_space<vmem>> -> memref<1x256xi32, #tpu.memory_space<vmem>>
      %dma_wait3A_1200 = tpu.memref_squeeze %dma_wait3A_1199 : memref<1x256xi32, #tpu.memory_space<vmem>> -> memref<256xi32, #tpu.memory_space<vmem>>
      %dma_wait3A_1201 = arith.constant 0 : i32
      %dma_wait3A_1202 = arith.constant 0 : i32
      %dma_wait3A_1203 = tpu.memref_slice %arg10[%dma_wait3A_1201, %dma_wait3A_1202] : memref<10112x16xf32, #tpu.memory_space<vmem_shared>> -> memref<10112x16xf32, #tpu.memory_space<vmem_shared>>
      %dma_wait3A_1204 = tpu.memref_slice %arg12[%dma_wait3A_1193] : memref<8x!tpu.dma_semaphore, #tpu.memory_space<semaphore_mem>> -> memref<1x!tpu.dma_semaphore, #tpu.memory_space<semaphore_mem>>
      %dma_wait3A_1205 = tpu.memref_squeeze %dma_wait3A_1204 : memref<1x!tpu.dma_semaphore, #tpu.memory_space<semaphore_mem>> -> memref<!tpu.dma_semaphore, #tpu.memory_space<semaphore_mem>>
      tpu.wait_indirect_dma semaphore(%dma_wait3A_1205 : memref<!tpu.dma_semaphore, #tpu.memory_space<semaphore_mem>>) src(%dma_wait3A_1203 : memref<10112x16xf32, #tpu.memory_space<vmem_shared>>) dst(%dma_wait3A_1197 : memref<256x16xf32, #tpu.memory_space<vmem>>)
      %add3A_1206 = arith.constant 2 : i32
      %add3A_1207 = arith.addi %mul3A_1125, %add3A_1206 : i32
      %dma_start3A_1208 = arith.constant 2 : i32
      %dma_start3A_1209 = arith.constant 2 : i32
      %dma_start3A_1210 = arith.constant 0 : i32
      %dma_start3A_1211 = arith.constant 0 : i32
      %dma_start3A_1212 = tpu.memref_slice %arg8[%dma_start3A_1208, %dma_start3A_1210, %dma_start3A_1211] : memref<8x256x16xf32, #tpu.memory_space<vmem>> -> memref<1x256x16xf32, #tpu.memory_space<vmem>>
      %dma_start3A_1213 = tpu.memref_squeeze %dma_start3A_1212 : memref<1x256x16xf32, #tpu.memory_space<vmem>> -> memref<256x16xf32, #tpu.memory_space<vmem>>
      %dma_start3A_1214 = arith.constant 0 : i32
      %dma_start3A_1215 = tpu.memref_slice %arg7[%add3A_1207, %dma_start3A_1214] : memref<40x256xi32, #tpu.memory_space<vmem>> -> memref<1x256xi32, #tpu.memory_space<vmem>>
      %dma_start3A_1216 = tpu.memref_squeeze %dma_start3A_1215 : memref<1x256xi32, #tpu.memory_space<vmem>> -> memref<256xi32, #tpu.memory_space<vmem>>
      %dma_start3A_1217 = arith.constant 0 : i32
      %dma_start3A_1218 = arith.constant 0 : i32
      %dma_start3A_1219 = tpu.memref_slice %arg11[%dma_start3A_1217, %dma_start3A_1218] : memref<10112x16xf32, #tpu.memory_space<vmem_shared>> -> memref<10112x16xf32, #tpu.memory_space<vmem_shared>>
      %dma_start3A_1220 = tpu.memref_slice %arg13[%dma_start3A_1209] : memref<8x!tpu.dma_semaphore, #tpu.memory_space<semaphore_mem>> -> memref<1x!tpu.dma_semaphore, #tpu.memory_space<semaphore_mem>>
      %dma_start3A_1221 = tpu.memref_squeeze %dma_start3A_1220 : memref<1x!tpu.dma_semaphore, #tpu.memory_space<semaphore_mem>> -> memref<!tpu.dma_semaphore, #tpu.memory_space<semaphore_mem>>
      tpu.enqueue_indirect_dma source(%dma_start3A_1213 : memref<256x16xf32, #tpu.memory_space<vmem>>) target(%dma_start3A_1219 : memref<10112x16xf32, #tpu.memory_space<vmem_shared>>) offsets(%dma_start3A_1216 : memref<256xi32, #tpu.memory_space<vmem>>) semaphore(%dma_start3A_1221 : memref<!tpu.dma_semaphore, #tpu.memory_space<semaphore_mem>>) {add = true}
      %add3A_1222 = arith.constant 3 : i32
      %add3A_1223 = arith.addi %mul3A_1125, %add3A_1222 : i32
      %dma_wait3A_1224 = arith.constant 3 : i32
      %dma_wait3A_1225 = arith.constant 3 : i32
      %dma_wait3A_1226 = arith.constant 0 : i32
      %dma_wait3A_1227 = arith.constant 0 : i32
      %dma_wait3A_1228 = tpu.memref_slice %arg8[%dma_wait3A_1224, %dma_wait3A_1226, %dma_wait3A_1227] : memref<8x256x16xf32, #tpu.memory_space<vmem>> -> memref<1x256x16xf32, #tpu.memory_space<vmem>>
      %dma_wait3A_1229 = tpu.memref_squeeze %dma_wait3A_1228 : memref<1x256x16xf32, #tpu.memory_space<vmem>> -> memref<256x16xf32, #tpu.memory_space<vmem>>
      %dma_wait3A_1230 = arith.constant 0 : i32
      %dma_wait3A_1231 = tpu.memref_slice %arg6[%add3A_1223, %dma_wait3A_1230] : memref<40x256xi32, #tpu.memory_space<vmem>> -> memref<1x256xi32, #tpu.memory_space<vmem>>
      %dma_wait3A_1232 = tpu.memref_squeeze %dma_wait3A_1231 : memref<1x256xi32, #tpu.memory_space<vmem>> -> memref<256xi32, #tpu.memory_space<vmem>>
      %dma_wait3A_1233 = arith.constant 0 : i32
      %dma_wait3A_1234 = arith.constant 0 : i32
      %dma_wait3A_1235 = tpu.memref_slice %arg10[%dma_wait3A_1233, %dma_wait3A_1234] : memref<10112x16xf32, #tpu.memory_space<vmem_shared>> -> memref<10112x16xf32, #tpu.memory_space<vmem_shared>>
      %dma_wait3A_1236 = tpu.memref_slice %arg12[%dma_wait3A_1225] : memref<8x!tpu.dma_semaphore, #tpu.memory_space<semaphore_mem>> -> memref<1x!tpu.dma_semaphore, #tpu.memory_space<semaphore_mem>>
      %dma_wait3A_1237 = tpu.memref_squeeze %dma_wait3A_1236 : memref<1x!tpu.dma_semaphore, #tpu.memory_space<semaphore_mem>> -> memref<!tpu.dma_semaphore, #tpu.memory_space<semaphore_mem>>
      tpu.wait_indirect_dma semaphore(%dma_wait3A_1237 : memref<!tpu.dma_semaphore, #tpu.memory_space<semaphore_mem>>) src(%dma_wait3A_1235 : memref<10112x16xf32, #tpu.memory_space<vmem_shared>>) dst(%dma_wait3A_1229 : memref<256x16xf32, #tpu.memory_space<vmem>>)
      %add3A_1238 = arith.constant 3 : i32
      %add3A_1239 = arith.addi %mul3A_1125, %add3A_1238 : i32
      %dma_start3A_1240 = arith.constant 3 : i32
      %dma_start3A_1241 = arith.constant 3 : i32
      %dma_start3A_1242 = arith.constant 0 : i32
      %dma_start3A_1243 = arith.constant 0 : i32
      %dma_start3A_1244 = tpu.memref_slice %arg8[%dma_start3A_1240, %dma_start3A_1242, %dma_start3A_1243] : memref<8x256x16xf32, #tpu.memory_space<vmem>> -> memref<1x256x16xf32, #tpu.memory_space<vmem>>
      %dma_start3A_1245 = tpu.memref_squeeze %dma_start3A_1244 : memref<1x256x16xf32, #tpu.memory_space<vmem>> -> memref<256x16xf32, #tpu.memory_space<vmem>>
      %dma_start3A_1246 = arith.constant 0 : i32
      %dma_start3A_1247 = tpu.memref_slice %arg7[%add3A_1239, %dma_start3A_1246] : memref<40x256xi32, #tpu.memory_space<vmem>> -> memref<1x256xi32, #tpu.memory_space<vmem>>
      %dma_start3A_1248 = tpu.memref_squeeze %dma_start3A_1247 : memref<1x256xi32, #tpu.memory_space<vmem>> -> memref<256xi32, #tpu.memory_space<vmem>>
      %dma_start3A_1249 = arith.constant 0 : i32
      %dma_start3A_1250 = arith.constant 0 : i32
      %dma_start3A_1251 = tpu.memref_slice %arg11[%dma_start3A_1249, %dma_start3A_1250] : memref<10112x16xf32, #tpu.memory_space<vmem_shared>> -> memref<10112x16xf32, #tpu.memory_space<vmem_shared>>
      %dma_start3A_1252 = tpu.memref_slice %arg13[%dma_start3A_1241] : memref<8x!tpu.dma_semaphore, #tpu.memory_space<semaphore_mem>> -> memref<1x!tpu.dma_semaphore, #tpu.memory_space<semaphore_mem>>
      %dma_start3A_1253 = tpu.memref_squeeze %dma_start3A_1252 : memref<1x!tpu.dma_semaphore, #tpu.memory_space<semaphore_mem>> -> memref<!tpu.dma_semaphore, #tpu.memory_space<semaphore_mem>>
      tpu.enqueue_indirect_dma source(%dma_start3A_1245 : memref<256x16xf32, #tpu.memory_space<vmem>>) target(%dma_start3A_1251 : memref<10112x16xf32, #tpu.memory_space<vmem_shared>>) offsets(%dma_start3A_1248 : memref<256xi32, #tpu.memory_space<vmem>>) semaphore(%dma_start3A_1253 : memref<!tpu.dma_semaphore, #tpu.memory_space<semaphore_mem>>) {add = true}
      %add3A_1254 = arith.constant 4 : i32
      %add3A_1255 = arith.addi %mul3A_1125, %add3A_1254 : i32
      %dma_wait3A_1256 = arith.constant 4 : i32
      %dma_wait3A_1257 = arith.constant 4 : i32
      %dma_wait3A_1258 = arith.constant 0 : i32
      %dma_wait3A_1259 = arith.constant 0 : i32
      %dma_wait3A_1260 = tpu.memref_slice %arg8[%dma_wait3A_1256, %dma_wait3A_1258, %dma_wait3A_1259] : memref<8x256x16xf32, #tpu.memory_space<vmem>> -> memref<1x256x16xf32, #tpu.memory_space<vmem>>
      %dma_wait3A_1261 = tpu.memref_squeeze %dma_wait3A_1260 : memref<1x256x16xf32, #tpu.memory_space<vmem>> -> memref<256x16xf32, #tpu.memory_space<vmem>>
      %dma_wait3A_1262 = arith.constant 0 : i32
      %dma_wait3A_1263 = tpu.memref_slice %arg6[%add3A_1255, %dma_wait3A_1262] : memref<40x256xi32, #tpu.memory_space<vmem>> -> memref<1x256xi32, #tpu.memory_space<vmem>>
      %dma_wait3A_1264 = tpu.memref_squeeze %dma_wait3A_1263 : memref<1x256xi32, #tpu.memory_space<vmem>> -> memref<256xi32, #tpu.memory_space<vmem>>
      %dma_wait3A_1265 = arith.constant 0 : i32
      %dma_wait3A_1266 = arith.constant 0 : i32
      %dma_wait3A_1267 = tpu.memref_slice %arg10[%dma_wait3A_1265, %dma_wait3A_1266] : memref<10112x16xf32, #tpu.memory_space<vmem_shared>> -> memref<10112x16xf32, #tpu.memory_space<vmem_shared>>
      %dma_wait3A_1268 = tpu.memref_slice %arg12[%dma_wait3A_1257] : memref<8x!tpu.dma_semaphore, #tpu.memory_space<semaphore_mem>> -> memref<1x!tpu.dma_semaphore, #tpu.memory_space<semaphore_mem>>
      %dma_wait3A_1269 = tpu.memref_squeeze %dma_wait3A_1268 : memref<1x!tpu.dma_semaphore, #tpu.memory_space<semaphore_mem>> -> memref<!tpu.dma_semaphore, #tpu.memory_space<semaphore_mem>>
      tpu.wait_indirect_dma semaphore(%dma_wait3A_1269 : memref<!tpu.dma_semaphore, #tpu.memory_space<semaphore_mem>>) src(%dma_wait3A_1267 : memref<10112x16xf32, #tpu.memory_space<vmem_shared>>) dst(%dma_wait3A_1261 : memref<256x16xf32, #tpu.memory_space<vmem>>)
      %add3A_1270 = arith.constant 4 : i32
      %add3A_1271 = arith.addi %mul3A_1125, %add3A_1270 : i32
      %dma_start3A_1272 = arith.constant 4 : i32
      %dma_start3A_1273 = arith.constant 4 : i32
      %dma_start3A_1274 = arith.constant 0 : i32
      %dma_start3A_1275 = arith.constant 0 : i32
      %dma_start3A_1276 = tpu.memref_slice %arg8[%dma_start3A_1272, %dma_start3A_1274, %dma_start3A_1275] : memref<8x256x16xf32, #tpu.memory_space<vmem>> -> memref<1x256x16xf32, #tpu.memory_space<vmem>>
      %dma_start3A_1277 = tpu.memref_squeeze %dma_start3A_1276 : memref<1x256x16xf32, #tpu.memory_space<vmem>> -> memref<256x16xf32, #tpu.memory_space<vmem>>
      %dma_start3A_1278 = arith.constant 0 : i32
      %dma_start3A_1279 = tpu.memref_slice %arg7[%add3A_1271, %dma_start3A_1278] : memref<40x256xi32, #tpu.memory_space<vmem>> -> memref<1x256xi32, #tpu.memory_space<vmem>>
      %dma_start3A_1280 = tpu.memref_squeeze %dma_start3A_1279 : memref<1x256xi32, #tpu.memory_space<vmem>> -> memref<256xi32, #tpu.memory_space<vmem>>
      %dma_start3A_1281 = arith.constant 0 : i32
      %dma_start3A_1282 = arith.constant 0 : i32
      %dma_start3A_1283 = tpu.memref_slice %arg11[%dma_start3A_1281, %dma_start3A_1282] : memref<10112x16xf32, #tpu.memory_space<vmem_shared>> -> memref<10112x16xf32, #tpu.memory_space<vmem_shared>>
      %dma_start3A_1284 = tpu.memref_slice %arg13[%dma_start3A_1273] : memref<8x!tpu.dma_semaphore, #tpu.memory_space<semaphore_mem>> -> memref<1x!tpu.dma_semaphore, #tpu.memory_space<semaphore_mem>>
      %dma_start3A_1285 = tpu.memref_squeeze %dma_start3A_1284 : memref<1x!tpu.dma_semaphore, #tpu.memory_space<semaphore_mem>> -> memref<!tpu.dma_semaphore, #tpu.memory_space<semaphore_mem>>
      tpu.enqueue_indirect_dma source(%dma_start3A_1277 : memref<256x16xf32, #tpu.memory_space<vmem>>) target(%dma_start3A_1283 : memref<10112x16xf32, #tpu.memory_space<vmem_shared>>) offsets(%dma_start3A_1280 : memref<256xi32, #tpu.memory_space<vmem>>) semaphore(%dma_start3A_1285 : memref<!tpu.dma_semaphore, #tpu.memory_space<semaphore_mem>>) {add = true}
      %add3A_1286 = arith.constant 5 : i32
      %add3A_1287 = arith.addi %mul3A_1125, %add3A_1286 : i32
      %dma_wait3A_1288 = arith.constant 5 : i32
      %dma_wait3A_1289 = arith.constant 5 : i32
      %dma_wait3A_1290 = arith.constant 0 : i32
      %dma_wait3A_1291 = arith.constant 0 : i32
      %dma_wait3A_1292 = tpu.memref_slice %arg8[%dma_wait3A_1288, %dma_wait3A_1290, %dma_wait3A_1291] : memref<8x256x16xf32, #tpu.memory_space<vmem>> -> memref<1x256x16xf32, #tpu.memory_space<vmem>>
      %dma_wait3A_1293 = tpu.memref_squeeze %dma_wait3A_1292 : memref<1x256x16xf32, #tpu.memory_space<vmem>> -> memref<256x16xf32, #tpu.memory_space<vmem>>
      %dma_wait3A_1294 = arith.constant 0 : i32
      %dma_wait3A_1295 = tpu.memref_slice %arg6[%add3A_1287, %dma_wait3A_1294] : memref<40x256xi32, #tpu.memory_space<vmem>> -> memref<1x256xi32, #tpu.memory_space<vmem>>
      %dma_wait3A_1296 = tpu.memref_squeeze %dma_wait3A_1295 : memref<1x256xi32, #tpu.memory_space<vmem>> -> memref<256xi32, #tpu.memory_space<vmem>>
      %dma_wait3A_1297 = arith.constant 0 : i32
      %dma_wait3A_1298 = arith.constant 0 : i32
      %dma_wait3A_1299 = tpu.memref_slice %arg10[%dma_wait3A_1297, %dma_wait3A_1298] : memref<10112x16xf32, #tpu.memory_space<vmem_shared>> -> memref<10112x16xf32, #tpu.memory_space<vmem_shared>>
      %dma_wait3A_1300 = tpu.memref_slice %arg12[%dma_wait3A_1289] : memref<8x!tpu.dma_semaphore, #tpu.memory_space<semaphore_mem>> -> memref<1x!tpu.dma_semaphore, #tpu.memory_space<semaphore_mem>>
      %dma_wait3A_1301 = tpu.memref_squeeze %dma_wait3A_1300 : memref<1x!tpu.dma_semaphore, #tpu.memory_space<semaphore_mem>> -> memref<!tpu.dma_semaphore, #tpu.memory_space<semaphore_mem>>
      tpu.wait_indirect_dma semaphore(%dma_wait3A_1301 : memref<!tpu.dma_semaphore, #tpu.memory_space<semaphore_mem>>) src(%dma_wait3A_1299 : memref<10112x16xf32, #tpu.memory_space<vmem_shared>>) dst(%dma_wait3A_1293 : memref<256x16xf32, #tpu.memory_space<vmem>>)
      %add3A_1302 = arith.constant 5 : i32
      %add3A_1303 = arith.addi %mul3A_1125, %add3A_1302 : i32
      %dma_start3A_1304 = arith.constant 5 : i32
      %dma_start3A_1305 = arith.constant 5 : i32
      %dma_start3A_1306 = arith.constant 0 : i32
      %dma_start3A_1307 = arith.constant 0 : i32
      %dma_start3A_1308 = tpu.memref_slice %arg8[%dma_start3A_1304, %dma_start3A_1306, %dma_start3A_1307] : memref<8x256x16xf32, #tpu.memory_space<vmem>> -> memref<1x256x16xf32, #tpu.memory_space<vmem>>
      %dma_start3A_1309 = tpu.memref_squeeze %dma_start3A_1308 : memref<1x256x16xf32, #tpu.memory_space<vmem>> -> memref<256x16xf32, #tpu.memory_space<vmem>>
      %dma_start3A_1310 = arith.constant 0 : i32
      %dma_start3A_1311 = tpu.memref_slice %arg7[%add3A_1303, %dma_start3A_1310] : memref<40x256xi32, #tpu.memory_space<vmem>> -> memref<1x256xi32, #tpu.memory_space<vmem>>
      %dma_start3A_1312 = tpu.memref_squeeze %dma_start3A_1311 : memref<1x256xi32, #tpu.memory_space<vmem>> -> memref<256xi32, #tpu.memory_space<vmem>>
      %dma_start3A_1313 = arith.constant 0 : i32
      %dma_start3A_1314 = arith.constant 0 : i32
      %dma_start3A_1315 = tpu.memref_slice %arg11[%dma_start3A_1313, %dma_start3A_1314] : memref<10112x16xf32, #tpu.memory_space<vmem_shared>> -> memref<10112x16xf32, #tpu.memory_space<vmem_shared>>
      %dma_start3A_1316 = tpu.memref_slice %arg13[%dma_start3A_1305] : memref<8x!tpu.dma_semaphore, #tpu.memory_space<semaphore_mem>> -> memref<1x!tpu.dma_semaphore, #tpu.memory_space<semaphore_mem>>
      %dma_start3A_1317 = tpu.memref_squeeze %dma_start3A_1316 : memref<1x!tpu.dma_semaphore, #tpu.memory_space<semaphore_mem>> -> memref<!tpu.dma_semaphore, #tpu.memory_space<semaphore_mem>>
      tpu.enqueue_indirect_dma source(%dma_start3A_1309 : memref<256x16xf32, #tpu.memory_space<vmem>>) target(%dma_start3A_1315 : memref<10112x16xf32, #tpu.memory_space<vmem_shared>>) offsets(%dma_start3A_1312 : memref<256xi32, #tpu.memory_space<vmem>>) semaphore(%dma_start3A_1317 : memref<!tpu.dma_semaphore, #tpu.memory_space<semaphore_mem>>) {add = true}
      %add3A_1318 = arith.constant 6 : i32
      %add3A_1319 = arith.addi %mul3A_1125, %add3A_1318 : i32
      %dma_wait3A_1320 = arith.constant 6 : i32
      %dma_wait3A_1321 = arith.constant 6 : i32
      %dma_wait3A_1322 = arith.constant 0 : i32
      %dma_wait3A_1323 = arith.constant 0 : i32
      %dma_wait3A_1324 = tpu.memref_slice %arg8[%dma_wait3A_1320, %dma_wait3A_1322, %dma_wait3A_1323] : memref<8x256x16xf32, #tpu.memory_space<vmem>> -> memref<1x256x16xf32, #tpu.memory_space<vmem>>
      %dma_wait3A_1325 = tpu.memref_squeeze %dma_wait3A_1324 : memref<1x256x16xf32, #tpu.memory_space<vmem>> -> memref<256x16xf32, #tpu.memory_space<vmem>>
      %dma_wait3A_1326 = arith.constant 0 : i32
      %dma_wait3A_1327 = tpu.memref_slice %arg6[%add3A_1319, %dma_wait3A_1326] : memref<40x256xi32, #tpu.memory_space<vmem>> -> memref<1x256xi32, #tpu.memory_space<vmem>>
      %dma_wait3A_1328 = tpu.memref_squeeze %dma_wait3A_1327 : memref<1x256xi32, #tpu.memory_space<vmem>> -> memref<256xi32, #tpu.memory_space<vmem>>
      %dma_wait3A_1329 = arith.constant 0 : i32
      %dma_wait3A_1330 = arith.constant 0 : i32
      %dma_wait3A_1331 = tpu.memref_slice %arg10[%dma_wait3A_1329, %dma_wait3A_1330] : memref<10112x16xf32, #tpu.memory_space<vmem_shared>> -> memref<10112x16xf32, #tpu.memory_space<vmem_shared>>
      %dma_wait3A_1332 = tpu.memref_slice %arg12[%dma_wait3A_1321] : memref<8x!tpu.dma_semaphore, #tpu.memory_space<semaphore_mem>> -> memref<1x!tpu.dma_semaphore, #tpu.memory_space<semaphore_mem>>
      %dma_wait3A_1333 = tpu.memref_squeeze %dma_wait3A_1332 : memref<1x!tpu.dma_semaphore, #tpu.memory_space<semaphore_mem>> -> memref<!tpu.dma_semaphore, #tpu.memory_space<semaphore_mem>>
      tpu.wait_indirect_dma semaphore(%dma_wait3A_1333 : memref<!tpu.dma_semaphore, #tpu.memory_space<semaphore_mem>>) src(%dma_wait3A_1331 : memref<10112x16xf32, #tpu.memory_space<vmem_shared>>) dst(%dma_wait3A_1325 : memref<256x16xf32, #tpu.memory_space<vmem>>)
      %add3A_1334 = arith.constant 6 : i32
      %add3A_1335 = arith.addi %mul3A_1125, %add3A_1334 : i32
      %dma_start3A_1336 = arith.constant 6 : i32
      %dma_start3A_1337 = arith.constant 6 : i32
      %dma_start3A_1338 = arith.constant 0 : i32
      %dma_start3A_1339 = arith.constant 0 : i32
      %dma_start3A_1340 = tpu.memref_slice %arg8[%dma_start3A_1336, %dma_start3A_1338, %dma_start3A_1339] : memref<8x256x16xf32, #tpu.memory_space<vmem>> -> memref<1x256x16xf32, #tpu.memory_space<vmem>>
      %dma_start3A_1341 = tpu.memref_squeeze %dma_start3A_1340 : memref<1x256x16xf32, #tpu.memory_space<vmem>> -> memref<256x16xf32, #tpu.memory_space<vmem>>
      %dma_start3A_1342 = arith.constant 0 : i32
      %dma_start3A_1343 = tpu.memref_slice %arg7[%add3A_1335, %dma_start3A_1342] : memref<40x256xi32, #tpu.memory_space<vmem>> -> memref<1x256xi32, #tpu.memory_space<vmem>>
      %dma_start3A_1344 = tpu.memref_squeeze %dma_start3A_1343 : memref<1x256xi32, #tpu.memory_space<vmem>> -> memref<256xi32, #tpu.memory_space<vmem>>
      %dma_start3A_1345 = arith.constant 0 : i32
      %dma_start3A_1346 = arith.constant 0 : i32
      %dma_start3A_1347 = tpu.memref_slice %arg11[%dma_start3A_1345, %dma_start3A_1346] : memref<10112x16xf32, #tpu.memory_space<vmem_shared>> -> memref<10112x16xf32, #tpu.memory_space<vmem_shared>>
      %dma_start3A_1348 = tpu.memref_slice %arg13[%dma_start3A_1337] : memref<8x!tpu.dma_semaphore, #tpu.memory_space<semaphore_mem>> -> memref<1x!tpu.dma_semaphore, #tpu.memory_space<semaphore_mem>>
      %dma_start3A_1349 = tpu.memref_squeeze %dma_start3A_1348 : memref<1x!tpu.dma_semaphore, #tpu.memory_space<semaphore_mem>> -> memref<!tpu.dma_semaphore, #tpu.memory_space<semaphore_mem>>
      tpu.enqueue_indirect_dma source(%dma_start3A_1341 : memref<256x16xf32, #tpu.memory_space<vmem>>) target(%dma_start3A_1347 : memref<10112x16xf32, #tpu.memory_space<vmem_shared>>) offsets(%dma_start3A_1344 : memref<256xi32, #tpu.memory_space<vmem>>) semaphore(%dma_start3A_1349 : memref<!tpu.dma_semaphore, #tpu.memory_space<semaphore_mem>>) {add = true}
      %add3A_1350 = arith.constant 7 : i32
      %add3A_1351 = arith.addi %mul3A_1125, %add3A_1350 : i32
      %dma_wait3A_1352 = arith.constant 7 : i32
      %dma_wait3A_1353 = arith.constant 7 : i32
      %dma_wait3A_1354 = arith.constant 0 : i32
      %dma_wait3A_1355 = arith.constant 0 : i32
      %dma_wait3A_1356 = tpu.memref_slice %arg8[%dma_wait3A_1352, %dma_wait3A_1354, %dma_wait3A_1355] : memref<8x256x16xf32, #tpu.memory_space<vmem>> -> memref<1x256x16xf32, #tpu.memory_space<vmem>>
      %dma_wait3A_1357 = tpu.memref_squeeze %dma_wait3A_1356 : memref<1x256x16xf32, #tpu.memory_space<vmem>> -> memref<256x16xf32, #tpu.memory_space<vmem>>
      %dma_wait3A_1358 = arith.constant 0 : i32
      %dma_wait3A_1359 = tpu.memref_slice %arg6[%add3A_1351, %dma_wait3A_1358] : memref<40x256xi32, #tpu.memory_space<vmem>> -> memref<1x256xi32, #tpu.memory_space<vmem>>
      %dma_wait3A_1360 = tpu.memref_squeeze %dma_wait3A_1359 : memref<1x256xi32, #tpu.memory_space<vmem>> -> memref<256xi32, #tpu.memory_space<vmem>>
      %dma_wait3A_1361 = arith.constant 0 : i32
      %dma_wait3A_1362 = arith.constant 0 : i32
      %dma_wait3A_1363 = tpu.memref_slice %arg10[%dma_wait3A_1361, %dma_wait3A_1362] : memref<10112x16xf32, #tpu.memory_space<vmem_shared>> -> memref<10112x16xf32, #tpu.memory_space<vmem_shared>>
      %dma_wait3A_1364 = tpu.memref_slice %arg12[%dma_wait3A_1353] : memref<8x!tpu.dma_semaphore, #tpu.memory_space<semaphore_mem>> -> memref<1x!tpu.dma_semaphore, #tpu.memory_space<semaphore_mem>>
      %dma_wait3A_1365 = tpu.memref_squeeze %dma_wait3A_1364 : memref<1x!tpu.dma_semaphore, #tpu.memory_space<semaphore_mem>> -> memref<!tpu.dma_semaphore, #tpu.memory_space<semaphore_mem>>
      tpu.wait_indirect_dma semaphore(%dma_wait3A_1365 : memref<!tpu.dma_semaphore, #tpu.memory_space<semaphore_mem>>) src(%dma_wait3A_1363 : memref<10112x16xf32, #tpu.memory_space<vmem_shared>>) dst(%dma_wait3A_1357 : memref<256x16xf32, #tpu.memory_space<vmem>>)
      %add3A_1366 = arith.constant 7 : i32
      %add3A_1367 = arith.addi %mul3A_1125, %add3A_1366 : i32
      %dma_start3A_1368 = arith.constant 7 : i32
      %dma_start3A_1369 = arith.constant 7 : i32
      %dma_start3A_1370 = arith.constant 0 : i32
      %dma_start3A_1371 = arith.constant 0 : i32
      %dma_start3A_1372 = tpu.memref_slice %arg8[%dma_start3A_1368, %dma_start3A_1370, %dma_start3A_1371] : memref<8x256x16xf32, #tpu.memory_space<vmem>> -> memref<1x256x16xf32, #tpu.memory_space<vmem>>
      %dma_start3A_1373 = tpu.memref_squeeze %dma_start3A_1372 : memref<1x256x16xf32, #tpu.memory_space<vmem>> -> memref<256x16xf32, #tpu.memory_space<vmem>>
      %dma_start3A_1374 = arith.constant 0 : i32
      %dma_start3A_1375 = tpu.memref_slice %arg7[%add3A_1367, %dma_start3A_1374] : memref<40x256xi32, #tpu.memory_space<vmem>> -> memref<1x256xi32, #tpu.memory_space<vmem>>
      %dma_start3A_1376 = tpu.memref_squeeze %dma_start3A_1375 : memref<1x256xi32, #tpu.memory_space<vmem>> -> memref<256xi32, #tpu.memory_space<vmem>>
      %dma_start3A_1377 = arith.constant 0 : i32
      %dma_start3A_1378 = arith.constant 0 : i32
      %dma_start3A_1379 = tpu.memref_slice %arg11[%dma_start3A_1377, %dma_start3A_1378] : memref<10112x16xf32, #tpu.memory_space<vmem_shared>> -> memref<10112x16xf32, #tpu.memory_space<vmem_shared>>
      %dma_start3A_1380 = tpu.memref_slice %arg13[%dma_start3A_1369] : memref<8x!tpu.dma_semaphore, #tpu.memory_space<semaphore_mem>> -> memref<1x!tpu.dma_semaphore, #tpu.memory_space<semaphore_mem>>
      %dma_start3A_1381 = tpu.memref_squeeze %dma_start3A_1380 : memref<1x!tpu.dma_semaphore, #tpu.memory_space<semaphore_mem>> -> memref<!tpu.dma_semaphore, #tpu.memory_space<semaphore_mem>>
      tpu.enqueue_indirect_dma source(%dma_start3A_1373 : memref<256x16xf32, #tpu.memory_space<vmem>>) target(%dma_start3A_1379 : memref<10112x16xf32, #tpu.memory_space<vmem_shared>>) offsets(%dma_start3A_1376 : memref<256xi32, #tpu.memory_space<vmem>>) semaphore(%dma_start3A_1381 : memref<!tpu.dma_semaphore, #tpu.memory_space<semaphore_mem>>) {add = true}
      %add3A_1382 = arith.constant 0 : i32
      %add3A_1383 = arith.addi %mul3A_1125, %add3A_1382 : i32
      %dma_wait3A_1384 = arith.constant 0 : i32
      %dma_wait3A_1385 = arith.constant 0 : i32
      %dma_wait3A_1386 = arith.constant 0 : i32
      %dma_wait3A_1387 = arith.constant 0 : i32
      %dma_wait3A_1388 = tpu.memref_slice %arg8[%dma_wait3A_1384, %dma_wait3A_1386, %dma_wait3A_1387] : memref<8x256x16xf32, #tpu.memory_space<vmem>> -> memref<1x256x16xf32, #tpu.memory_space<vmem>>
      %dma_wait3A_1389 = tpu.memref_squeeze %dma_wait3A_1388 : memref<1x256x16xf32, #tpu.memory_space<vmem>> -> memref<256x16xf32, #tpu.memory_space<vmem>>
      %dma_wait3A_1390 = arith.constant 0 : i32
      %dma_wait3A_1391 = tpu.memref_slice %arg7[%add3A_1383, %dma_wait3A_1390] : memref<40x256xi32, #tpu.memory_space<vmem>> -> memref<1x256xi32, #tpu.memory_space<vmem>>
      %dma_wait3A_1392 = tpu.memref_squeeze %dma_wait3A_1391 : memref<1x256xi32, #tpu.memory_space<vmem>> -> memref<256xi32, #tpu.memory_space<vmem>>
      %dma_wait3A_1393 = arith.constant 0 : i32
      %dma_wait3A_1394 = arith.constant 0 : i32
      %dma_wait3A_1395 = tpu.memref_slice %arg11[%dma_wait3A_1393, %dma_wait3A_1394] : memref<10112x16xf32, #tpu.memory_space<vmem_shared>> -> memref<10112x16xf32, #tpu.memory_space<vmem_shared>>
      %dma_wait3A_1396 = tpu.memref_slice %arg13[%dma_wait3A_1385] : memref<8x!tpu.dma_semaphore, #tpu.memory_space<semaphore_mem>> -> memref<1x!tpu.dma_semaphore, #tpu.memory_space<semaphore_mem>>
      %dma_wait3A_1397 = tpu.memref_squeeze %dma_wait3A_1396 : memref<1x!tpu.dma_semaphore, #tpu.memory_space<semaphore_mem>> -> memref<!tpu.dma_semaphore, #tpu.memory_space<semaphore_mem>>
      tpu.wait_indirect_dma semaphore(%dma_wait3A_1397 : memref<!tpu.dma_semaphore, #tpu.memory_space<semaphore_mem>>) src(%dma_wait3A_1389 : memref<256x16xf32, #tpu.memory_space<vmem>>) dst(%dma_wait3A_1395 : memref<10112x16xf32, #tpu.memory_space<vmem_shared>>)
      %add3A_1398 = arith.constant 1 : i32
      %add3A_1399 = arith.addi %scan3A_1123, %add3A_1398 : i32
      %lt3A = arith.constant 5 : i32
      %lt3A_1400 = arith.cmpi slt, %add3A_1399, %lt3A : i32
      %convert_element_type3A = arith.extui %lt3A_1400 : i1 to i32
      %cond3A = arith.constant 0 : i32
      %cond3A_1401 = arith.cmpi ne, %convert_element_type3A, %cond3A : i32
      scf.if %cond3A_1401 {
        %add3A_1563 = arith.constant 8 : i32
        %add3A_1564 = arith.addi %mul3A_1125, %add3A_1563 : i32
        %add3A_1565 = arith.constant 0 : i32
        %add3A_1566 = arith.addi %add3A_1564, %add3A_1565 : i32
        %dma_start3A_1567 = arith.constant 0 : i32
        %dma_start3A_1568 = arith.constant 0 : i32
        %dma_start3A_1569 = arith.constant 0 : i32
        %dma_start3A_1570 = arith.constant 0 : i32
        %dma_start3A_1571 = tpu.memref_slice %arg8[%dma_start3A_1567, %dma_start3A_1569, %dma_start3A_1570] : memref<8x256x16xf32, #tpu.memory_space<vmem>> -> memref<1x256x16xf32, #tpu.memory_space<vmem>>
        %dma_start3A_1572 = tpu.memref_squeeze %dma_start3A_1571 : memref<1x256x16xf32, #tpu.memory_space<vmem>> -> memref<256x16xf32, #tpu.memory_space<vmem>>
        %dma_start3A_1573 = arith.constant 0 : i32
        %dma_start3A_1574 = tpu.memref_slice %arg6[%add3A_1566, %dma_start3A_1573] : memref<40x256xi32, #tpu.memory_space<vmem>> -> memref<1x256xi32, #tpu.memory_space<vmem>>
        %dma_start3A_1575 = tpu.memref_squeeze %dma_start3A_1574 : memref<1x256xi32, #tpu.memory_space<vmem>> -> memref<256xi32, #tpu.memory_space<vmem>>
        %dma_start3A_1576 = arith.constant 0 : i32
        %dma_start3A_1577 = arith.constant 0 : i32
        %dma_start3A_1578 = tpu.memref_slice %arg10[%dma_start3A_1576, %dma_start3A_1577] : memref<10112x16xf32, #tpu.memory_space<vmem_shared>> -> memref<10112x16xf32, #tpu.memory_space<vmem_shared>>
        %dma_start3A_1579 = tpu.memref_slice %arg12[%dma_start3A_1568] : memref<8x!tpu.dma_semaphore, #tpu.memory_space<semaphore_mem>> -> memref<1x!tpu.dma_semaphore, #tpu.memory_space<semaphore_mem>>
        %dma_start3A_1580 = tpu.memref_squeeze %dma_start3A_1579 : memref<1x!tpu.dma_semaphore, #tpu.memory_space<semaphore_mem>> -> memref<!tpu.dma_semaphore, #tpu.memory_space<semaphore_mem>>
        tpu.enqueue_indirect_dma source(%dma_start3A_1578 : memref<10112x16xf32, #tpu.memory_space<vmem_shared>>) target(%dma_start3A_1572 : memref<256x16xf32, #tpu.memory_space<vmem>>) offsets(%dma_start3A_1575 : memref<256xi32, #tpu.memory_space<vmem>>) semaphore(%dma_start3A_1580 : memref<!tpu.dma_semaphore, #tpu.memory_space<semaphore_mem>>)
      } else {
      }
      %add3A_1402 = arith.constant 1 : i32
      %add3A_1403 = arith.addi %mul3A_1125, %add3A_1402 : i32
      %dma_wait3A_1404 = arith.constant 1 : i32
      %dma_wait3A_1405 = arith.constant 1 : i32
      %dma_wait3A_1406 = arith.constant 0 : i32
      %dma_wait3A_1407 = arith.constant 0 : i32
      %dma_wait3A_1408 = tpu.memref_slice %arg8[%dma_wait3A_1404, %dma_wait3A_1406, %dma_wait3A_1407] : memref<8x256x16xf32, #tpu.memory_space<vmem>> -> memref<1x256x16xf32, #tpu.memory_space<vmem>>
      %dma_wait3A_1409 = tpu.memref_squeeze %dma_wait3A_1408 : memref<1x256x16xf32, #tpu.memory_space<vmem>> -> memref<256x16xf32, #tpu.memory_space<vmem>>
      %dma_wait3A_1410 = arith.constant 0 : i32
      %dma_wait3A_1411 = tpu.memref_slice %arg7[%add3A_1403, %dma_wait3A_1410] : memref<40x256xi32, #tpu.memory_space<vmem>> -> memref<1x256xi32, #tpu.memory_space<vmem>>
      %dma_wait3A_1412 = tpu.memref_squeeze %dma_wait3A_1411 : memref<1x256xi32, #tpu.memory_space<vmem>> -> memref<256xi32, #tpu.memory_space<vmem>>
      %dma_wait3A_1413 = arith.constant 0 : i32
      %dma_wait3A_1414 = arith.constant 0 : i32
      %dma_wait3A_1415 = tpu.memref_slice %arg11[%dma_wait3A_1413, %dma_wait3A_1414] : memref<10112x16xf32, #tpu.memory_space<vmem_shared>> -> memref<10112x16xf32, #tpu.memory_space<vmem_shared>>
      %dma_wait3A_1416 = tpu.memref_slice %arg13[%dma_wait3A_1405] : memref<8x!tpu.dma_semaphore, #tpu.memory_space<semaphore_mem>> -> memref<1x!tpu.dma_semaphore, #tpu.memory_space<semaphore_mem>>
      %dma_wait3A_1417 = tpu.memref_squeeze %dma_wait3A_1416 : memref<1x!tpu.dma_semaphore, #tpu.memory_space<semaphore_mem>> -> memref<!tpu.dma_semaphore, #tpu.memory_space<semaphore_mem>>
      tpu.wait_indirect_dma semaphore(%dma_wait3A_1417 : memref<!tpu.dma_semaphore, #tpu.memory_space<semaphore_mem>>) src(%dma_wait3A_1409 : memref<256x16xf32, #tpu.memory_space<vmem>>) dst(%dma_wait3A_1415 : memref<10112x16xf32, #tpu.memory_space<vmem_shared>>)
      %add3A_1418 = arith.constant 1 : i32
      %add3A_1419 = arith.addi %scan3A_1123, %add3A_1418 : i32
      %lt3A_1420 = arith.constant 5 : i32
      %lt3A_1421 = arith.cmpi slt, %add3A_1419, %lt3A_1420 : i32
      %convert_element_type3A_1422 = arith.extui %lt3A_1421 : i1 to i32
      %cond3A_1423 = arith.constant 0 : i32
      %cond3A_1424 = arith.cmpi ne, %convert_element_type3A_1422, %cond3A_1423 : i32
      scf.if %cond3A_1424 {
        %add3A_1563 = arith.constant 8 : i32
        %add3A_1564 = arith.addi %mul3A_1125, %add3A_1563 : i32
        %add3A_1565 = arith.constant 1 : i32
        %add3A_1566 = arith.addi %add3A_1564, %add3A_1565 : i32
        %dma_start3A_1567 = arith.constant 1 : i32
        %dma_start3A_1568 = arith.constant 1 : i32
        %dma_start3A_1569 = arith.constant 0 : i32
        %dma_start3A_1570 = arith.constant 0 : i32
        %dma_start3A_1571 = tpu.memref_slice %arg8[%dma_start3A_1567, %dma_start3A_1569, %dma_start3A_1570] : memref<8x256x16xf32, #tpu.memory_space<vmem>> -> memref<1x256x16xf32, #tpu.memory_space<vmem>>
        %dma_start3A_1572 = tpu.memref_squeeze %dma_start3A_1571 : memref<1x256x16xf32, #tpu.memory_space<vmem>> -> memref<256x16xf32, #tpu.memory_space<vmem>>
        %dma_start3A_1573 = arith.constant 0 : i32
        %dma_start3A_1574 = tpu.memref_slice %arg6[%add3A_1566, %dma_start3A_1573] : memref<40x256xi32, #tpu.memory_space<vmem>> -> memref<1x256xi32, #tpu.memory_space<vmem>>
        %dma_start3A_1575 = tpu.memref_squeeze %dma_start3A_1574 : memref<1x256xi32, #tpu.memory_space<vmem>> -> memref<256xi32, #tpu.memory_space<vmem>>
        %dma_start3A_1576 = arith.constant 0 : i32
        %dma_start3A_1577 = arith.constant 0 : i32
        %dma_start3A_1578 = tpu.memref_slice %arg10[%dma_start3A_1576, %dma_start3A_1577] : memref<10112x16xf32, #tpu.memory_space<vmem_shared>> -> memref<10112x16xf32, #tpu.memory_space<vmem_shared>>
        %dma_start3A_1579 = tpu.memref_slice %arg12[%dma_start3A_1568] : memref<8x!tpu.dma_semaphore, #tpu.memory_space<semaphore_mem>> -> memref<1x!tpu.dma_semaphore, #tpu.memory_space<semaphore_mem>>
        %dma_start3A_1580 = tpu.memref_squeeze %dma_start3A_1579 : memref<1x!tpu.dma_semaphore, #tpu.memory_space<semaphore_mem>> -> memref<!tpu.dma_semaphore, #tpu.memory_space<semaphore_mem>>
        tpu.enqueue_indirect_dma source(%dma_start3A_1578 : memref<10112x16xf32, #tpu.memory_space<vmem_shared>>) target(%dma_start3A_1572 : memref<256x16xf32, #tpu.memory_space<vmem>>) offsets(%dma_start3A_1575 : memref<256xi32, #tpu.memory_space<vmem>>) semaphore(%dma_start3A_1580 : memref<!tpu.dma_semaphore, #tpu.memory_space<semaphore_mem>>)
      } else {
      }
      %add3A_1425 = arith.constant 2 : i32
      %add3A_1426 = arith.addi %mul3A_1125, %add3A_1425 : i32
      %dma_wait3A_1427 = arith.constant 2 : i32
      %dma_wait3A_1428 = arith.constant 2 : i32
      %dma_wait3A_1429 = arith.constant 0 : i32
      %dma_wait3A_1430 = arith.constant 0 : i32
      %dma_wait3A_1431 = tpu.memref_slice %arg8[%dma_wait3A_1427, %dma_wait3A_1429, %dma_wait3A_1430] : memref<8x256x16xf32, #tpu.memory_space<vmem>> -> memref<1x256x16xf32, #tpu.memory_space<vmem>>
      %dma_wait3A_1432 = tpu.memref_squeeze %dma_wait3A_1431 : memref<1x256x16xf32, #tpu.memory_space<vmem>> -> memref<256x16xf32, #tpu.memory_space<vmem>>
      %dma_wait3A_1433 = arith.constant 0 : i32
      %dma_wait3A_1434 = tpu.memref_slice %arg7[%add3A_1426, %dma_wait3A_1433] : memref<40x256xi32, #tpu.memory_space<vmem>> -> memref<1x256xi32, #tpu.memory_space<vmem>>
      %dma_wait3A_1435 = tpu.memref_squeeze %dma_wait3A_1434 : memref<1x256xi32, #tpu.memory_space<vmem>> -> memref<256xi32, #tpu.memory_space<vmem>>
      %dma_wait3A_1436 = arith.constant 0 : i32
      %dma_wait3A_1437 = arith.constant 0 : i32
      %dma_wait3A_1438 = tpu.memref_slice %arg11[%dma_wait3A_1436, %dma_wait3A_1437] : memref<10112x16xf32, #tpu.memory_space<vmem_shared>> -> memref<10112x16xf32, #tpu.memory_space<vmem_shared>>
      %dma_wait3A_1439 = tpu.memref_slice %arg13[%dma_wait3A_1428] : memref<8x!tpu.dma_semaphore, #tpu.memory_space<semaphore_mem>> -> memref<1x!tpu.dma_semaphore, #tpu.memory_space<semaphore_mem>>
      %dma_wait3A_1440 = tpu.memref_squeeze %dma_wait3A_1439 : memref<1x!tpu.dma_semaphore, #tpu.memory_space<semaphore_mem>> -> memref<!tpu.dma_semaphore, #tpu.memory_space<semaphore_mem>>
      tpu.wait_indirect_dma semaphore(%dma_wait3A_1440 : memref<!tpu.dma_semaphore, #tpu.memory_space<semaphore_mem>>) src(%dma_wait3A_1432 : memref<256x16xf32, #tpu.memory_space<vmem>>) dst(%dma_wait3A_1438 : memref<10112x16xf32, #tpu.memory_space<vmem_shared>>)
      %add3A_1441 = arith.constant 1 : i32
      %add3A_1442 = arith.addi %scan3A_1123, %add3A_1441 : i32
      %lt3A_1443 = arith.constant 5 : i32
      %lt3A_1444 = arith.cmpi slt, %add3A_1442, %lt3A_1443 : i32
      %convert_element_type3A_1445 = arith.extui %lt3A_1444 : i1 to i32
      %cond3A_1446 = arith.constant 0 : i32
      %cond3A_1447 = arith.cmpi ne, %convert_element_type3A_1445, %cond3A_1446 : i32
      scf.if %cond3A_1447 {
        %add3A_1563 = arith.constant 8 : i32
        %add3A_1564 = arith.addi %mul3A_1125, %add3A_1563 : i32
        %add3A_1565 = arith.constant 2 : i32
        %add3A_1566 = arith.addi %add3A_1564, %add3A_1565 : i32
        %dma_start3A_1567 = arith.constant 2 : i32
        %dma_start3A_1568 = arith.constant 2 : i32
        %dma_start3A_1569 = arith.constant 0 : i32
        %dma_start3A_1570 = arith.constant 0 : i32
        %dma_start3A_1571 = tpu.memref_slice %arg8[%dma_start3A_1567, %dma_start3A_1569, %dma_start3A_1570] : memref<8x256x16xf32, #tpu.memory_space<vmem>> -> memref<1x256x16xf32, #tpu.memory_space<vmem>>
        %dma_start3A_1572 = tpu.memref_squeeze %dma_start3A_1571 : memref<1x256x16xf32, #tpu.memory_space<vmem>> -> memref<256x16xf32, #tpu.memory_space<vmem>>
        %dma_start3A_1573 = arith.constant 0 : i32
        %dma_start3A_1574 = tpu.memref_slice %arg6[%add3A_1566, %dma_start3A_1573] : memref<40x256xi32, #tpu.memory_space<vmem>> -> memref<1x256xi32, #tpu.memory_space<vmem>>
        %dma_start3A_1575 = tpu.memref_squeeze %dma_start3A_1574 : memref<1x256xi32, #tpu.memory_space<vmem>> -> memref<256xi32, #tpu.memory_space<vmem>>
        %dma_start3A_1576 = arith.constant 0 : i32
        %dma_start3A_1577 = arith.constant 0 : i32
        %dma_start3A_1578 = tpu.memref_slice %arg10[%dma_start3A_1576, %dma_start3A_1577] : memref<10112x16xf32, #tpu.memory_space<vmem_shared>> -> memref<10112x16xf32, #tpu.memory_space<vmem_shared>>
        %dma_start3A_1579 = tpu.memref_slice %arg12[%dma_start3A_1568] : memref<8x!tpu.dma_semaphore, #tpu.memory_space<semaphore_mem>> -> memref<1x!tpu.dma_semaphore, #tpu.memory_space<semaphore_mem>>
        %dma_start3A_1580 = tpu.memref_squeeze %dma_start3A_1579 : memref<1x!tpu.dma_semaphore, #tpu.memory_space<semaphore_mem>> -> memref<!tpu.dma_semaphore, #tpu.memory_space<semaphore_mem>>
        tpu.enqueue_indirect_dma source(%dma_start3A_1578 : memref<10112x16xf32, #tpu.memory_space<vmem_shared>>) target(%dma_start3A_1572 : memref<256x16xf32, #tpu.memory_space<vmem>>) offsets(%dma_start3A_1575 : memref<256xi32, #tpu.memory_space<vmem>>) semaphore(%dma_start3A_1580 : memref<!tpu.dma_semaphore, #tpu.memory_space<semaphore_mem>>)
      } else {
      }
      %add3A_1448 = arith.constant 3 : i32
      %add3A_1449 = arith.addi %mul3A_1125, %add3A_1448 : i32
      %dma_wait3A_1450 = arith.constant 3 : i32
      %dma_wait3A_1451 = arith.constant 3 : i32
      %dma_wait3A_1452 = arith.constant 0 : i32
      %dma_wait3A_1453 = arith.constant 0 : i32
      %dma_wait3A_1454 = tpu.memref_slice %arg8[%dma_wait3A_1450, %dma_wait3A_1452, %dma_wait3A_1453] : memref<8x256x16xf32, #tpu.memory_space<vmem>> -> memref<1x256x16xf32, #tpu.memory_space<vmem>>
      %dma_wait3A_1455 = tpu.memref_squeeze %dma_wait3A_1454 : memref<1x256x16xf32, #tpu.memory_space<vmem>> -> memref<256x16xf32, #tpu.memory_space<vmem>>
      %dma_wait3A_1456 = arith.constant 0 : i32
      %dma_wait3A_1457 = tpu.memref_slice %arg7[%add3A_1449, %dma_wait3A_1456] : memref<40x256xi32, #tpu.memory_space<vmem>> -> memref<1x256xi32, #tpu.memory_space<vmem>>
      %dma_wait3A_1458 = tpu.memref_squeeze %dma_wait3A_1457 : memref<1x256xi32, #tpu.memory_space<vmem>> -> memref<256xi32, #tpu.memory_space<vmem>>
      %dma_wait3A_1459 = arith.constant 0 : i32
      %dma_wait3A_1460 = arith.constant 0 : i32
      %dma_wait3A_1461 = tpu.memref_slice %arg11[%dma_wait3A_1459, %dma_wait3A_1460] : memref<10112x16xf32, #tpu.memory_space<vmem_shared>> -> memref<10112x16xf32, #tpu.memory_space<vmem_shared>>
      %dma_wait3A_1462 = tpu.memref_slice %arg13[%dma_wait3A_1451] : memref<8x!tpu.dma_semaphore, #tpu.memory_space<semaphore_mem>> -> memref<1x!tpu.dma_semaphore, #tpu.memory_space<semaphore_mem>>
      %dma_wait3A_1463 = tpu.memref_squeeze %dma_wait3A_1462 : memref<1x!tpu.dma_semaphore, #tpu.memory_space<semaphore_mem>> -> memref<!tpu.dma_semaphore, #tpu.memory_space<semaphore_mem>>
      tpu.wait_indirect_dma semaphore(%dma_wait3A_1463 : memref<!tpu.dma_semaphore, #tpu.memory_space<semaphore_mem>>) src(%dma_wait3A_1455 : memref<256x16xf32, #tpu.memory_space<vmem>>) dst(%dma_wait3A_1461 : memref<10112x16xf32, #tpu.memory_space<vmem_shared>>)
      %add3A_1464 = arith.constant 1 : i32
      %add3A_1465 = arith.addi %scan3A_1123, %add3A_1464 : i32
      %lt3A_1466 = arith.constant 5 : i32
      %lt3A_1467 = arith.cmpi slt, %add3A_1465, %lt3A_1466 : i32
      %convert_element_type3A_1468 = arith.extui %lt3A_1467 : i1 to i32
      %cond3A_1469 = arith.constant 0 : i32
      %cond3A_1470 = arith.cmpi ne, %convert_element_type3A_1468, %cond3A_1469 : i32
      scf.if %cond3A_1470 {
        %add3A_1563 = arith.constant 8 : i32
        %add3A_1564 = arith.addi %mul3A_1125, %add3A_1563 : i32
        %add3A_1565 = arith.constant 3 : i32
        %add3A_1566 = arith.addi %add3A_1564, %add3A_1565 : i32
        %dma_start3A_1567 = arith.constant 3 : i32
        %dma_start3A_1568 = arith.constant 3 : i32
        %dma_start3A_1569 = arith.constant 0 : i32
        %dma_start3A_1570 = arith.constant 0 : i32
        %dma_start3A_1571 = tpu.memref_slice %arg8[%dma_start3A_1567, %dma_start3A_1569, %dma_start3A_1570] : memref<8x256x16xf32, #tpu.memory_space<vmem>> -> memref<1x256x16xf32, #tpu.memory_space<vmem>>
        %dma_start3A_1572 = tpu.memref_squeeze %dma_start3A_1571 : memref<1x256x16xf32, #tpu.memory_space<vmem>> -> memref<256x16xf32, #tpu.memory_space<vmem>>
        %dma_start3A_1573 = arith.constant 0 : i32
        %dma_start3A_1574 = tpu.memref_slice %arg6[%add3A_1566, %dma_start3A_1573] : memref<40x256xi32, #tpu.memory_space<vmem>> -> memref<1x256xi32, #tpu.memory_space<vmem>>
        %dma_start3A_1575 = tpu.memref_squeeze %dma_start3A_1574 : memref<1x256xi32, #tpu.memory_space<vmem>> -> memref<256xi32, #tpu.memory_space<vmem>>
        %dma_start3A_1576 = arith.constant 0 : i32
        %dma_start3A_1577 = arith.constant 0 : i32
        %dma_start3A_1578 = tpu.memref_slice %arg10[%dma_start3A_1576, %dma_start3A_1577] : memref<10112x16xf32, #tpu.memory_space<vmem_shared>> -> memref<10112x16xf32, #tpu.memory_space<vmem_shared>>
        %dma_start3A_1579 = tpu.memref_slice %arg12[%dma_start3A_1568] : memref<8x!tpu.dma_semaphore, #tpu.memory_space<semaphore_mem>> -> memref<1x!tpu.dma_semaphore, #tpu.memory_space<semaphore_mem>>
        %dma_start3A_1580 = tpu.memref_squeeze %dma_start3A_1579 : memref<1x!tpu.dma_semaphore, #tpu.memory_space<semaphore_mem>> -> memref<!tpu.dma_semaphore, #tpu.memory_space<semaphore_mem>>
        tpu.enqueue_indirect_dma source(%dma_start3A_1578 : memref<10112x16xf32, #tpu.memory_space<vmem_shared>>) target(%dma_start3A_1572 : memref<256x16xf32, #tpu.memory_space<vmem>>) offsets(%dma_start3A_1575 : memref<256xi32, #tpu.memory_space<vmem>>) semaphore(%dma_start3A_1580 : memref<!tpu.dma_semaphore, #tpu.memory_space<semaphore_mem>>)
      } else {
      }
      %add3A_1471 = arith.constant 4 : i32
      %add3A_1472 = arith.addi %mul3A_1125, %add3A_1471 : i32
      %dma_wait3A_1473 = arith.constant 4 : i32
      %dma_wait3A_1474 = arith.constant 4 : i32
      %dma_wait3A_1475 = arith.constant 0 : i32
      %dma_wait3A_1476 = arith.constant 0 : i32
      %dma_wait3A_1477 = tpu.memref_slice %arg8[%dma_wait3A_1473, %dma_wait3A_1475, %dma_wait3A_1476] : memref<8x256x16xf32, #tpu.memory_space<vmem>> -> memref<1x256x16xf32, #tpu.memory_space<vmem>>
      %dma_wait3A_1478 = tpu.memref_squeeze %dma_wait3A_1477 : memref<1x256x16xf32, #tpu.memory_space<vmem>> -> memref<256x16xf32, #tpu.memory_space<vmem>>
      %dma_wait3A_1479 = arith.constant 0 : i32
      %dma_wait3A_1480 = tpu.memref_slice %arg7[%add3A_1472, %dma_wait3A_1479] : memref<40x256xi32, #tpu.memory_space<vmem>> -> memref<1x256xi32, #tpu.memory_space<vmem>>
      %dma_wait3A_1481 = tpu.memref_squeeze %dma_wait3A_1480 : memref<1x256xi32, #tpu.memory_space<vmem>> -> memref<256xi32, #tpu.memory_space<vmem>>
      %dma_wait3A_1482 = arith.constant 0 : i32
      %dma_wait3A_1483 = arith.constant 0 : i32
      %dma_wait3A_1484 = tpu.memref_slice %arg11[%dma_wait3A_1482, %dma_wait3A_1483] : memref<10112x16xf32, #tpu.memory_space<vmem_shared>> -> memref<10112x16xf32, #tpu.memory_space<vmem_shared>>
      %dma_wait3A_1485 = tpu.memref_slice %arg13[%dma_wait3A_1474] : memref<8x!tpu.dma_semaphore, #tpu.memory_space<semaphore_mem>> -> memref<1x!tpu.dma_semaphore, #tpu.memory_space<semaphore_mem>>
      %dma_wait3A_1486 = tpu.memref_squeeze %dma_wait3A_1485 : memref<1x!tpu.dma_semaphore, #tpu.memory_space<semaphore_mem>> -> memref<!tpu.dma_semaphore, #tpu.memory_space<semaphore_mem>>
      tpu.wait_indirect_dma semaphore(%dma_wait3A_1486 : memref<!tpu.dma_semaphore, #tpu.memory_space<semaphore_mem>>) src(%dma_wait3A_1478 : memref<256x16xf32, #tpu.memory_space<vmem>>) dst(%dma_wait3A_1484 : memref<10112x16xf32, #tpu.memory_space<vmem_shared>>)
      %add3A_1487 = arith.constant 1 : i32
      %add3A_1488 = arith.addi %scan3A_1123, %add3A_1487 : i32
      %lt3A_1489 = arith.constant 5 : i32
      %lt3A_1490 = arith.cmpi slt, %add3A_1488, %lt3A_1489 : i32
      %convert_element_type3A_1491 = arith.extui %lt3A_1490 : i1 to i32
      %cond3A_1492 = arith.constant 0 : i32
      %cond3A_1493 = arith.cmpi ne, %convert_element_type3A_1491, %cond3A_1492 : i32
      scf.if %cond3A_1493 {
        %add3A_1563 = arith.constant 8 : i32
        %add3A_1564 = arith.addi %mul3A_1125, %add3A_1563 : i32
        %add3A_1565 = arith.constant 4 : i32
        %add3A_1566 = arith.addi %add3A_1564, %add3A_1565 : i32
        %dma_start3A_1567 = arith.constant 4 : i32
        %dma_start3A_1568 = arith.constant 4 : i32
        %dma_start3A_1569 = arith.constant 0 : i32
        %dma_start3A_1570 = arith.constant 0 : i32
        %dma_start3A_1571 = tpu.memref_slice %arg8[%dma_start3A_1567, %dma_start3A_1569, %dma_start3A_1570] : memref<8x256x16xf32, #tpu.memory_space<vmem>> -> memref<1x256x16xf32, #tpu.memory_space<vmem>>
        %dma_start3A_1572 = tpu.memref_squeeze %dma_start3A_1571 : memref<1x256x16xf32, #tpu.memory_space<vmem>> -> memref<256x16xf32, #tpu.memory_space<vmem>>
        %dma_start3A_1573 = arith.constant 0 : i32
        %dma_start3A_1574 = tpu.memref_slice %arg6[%add3A_1566, %dma_start3A_1573] : memref<40x256xi32, #tpu.memory_space<vmem>> -> memref<1x256xi32, #tpu.memory_space<vmem>>
        %dma_start3A_1575 = tpu.memref_squeeze %dma_start3A_1574 : memref<1x256xi32, #tpu.memory_space<vmem>> -> memref<256xi32, #tpu.memory_space<vmem>>
        %dma_start3A_1576 = arith.constant 0 : i32
        %dma_start3A_1577 = arith.constant 0 : i32
        %dma_start3A_1578 = tpu.memref_slice %arg10[%dma_start3A_1576, %dma_start3A_1577] : memref<10112x16xf32, #tpu.memory_space<vmem_shared>> -> memref<10112x16xf32, #tpu.memory_space<vmem_shared>>
        %dma_start3A_1579 = tpu.memref_slice %arg12[%dma_start3A_1568] : memref<8x!tpu.dma_semaphore, #tpu.memory_space<semaphore_mem>> -> memref<1x!tpu.dma_semaphore, #tpu.memory_space<semaphore_mem>>
        %dma_start3A_1580 = tpu.memref_squeeze %dma_start3A_1579 : memref<1x!tpu.dma_semaphore, #tpu.memory_space<semaphore_mem>> -> memref<!tpu.dma_semaphore, #tpu.memory_space<semaphore_mem>>
        tpu.enqueue_indirect_dma source(%dma_start3A_1578 : memref<10112x16xf32, #tpu.memory_space<vmem_shared>>) target(%dma_start3A_1572 : memref<256x16xf32, #tpu.memory_space<vmem>>) offsets(%dma_start3A_1575 : memref<256xi32, #tpu.memory_space<vmem>>) semaphore(%dma_start3A_1580 : memref<!tpu.dma_semaphore, #tpu.memory_space<semaphore_mem>>)
      } else {
      }
      %add3A_1494 = arith.constant 5 : i32
      %add3A_1495 = arith.addi %mul3A_1125, %add3A_1494 : i32
      %dma_wait3A_1496 = arith.constant 5 : i32
      %dma_wait3A_1497 = arith.constant 5 : i32
      %dma_wait3A_1498 = arith.constant 0 : i32
      %dma_wait3A_1499 = arith.constant 0 : i32
      %dma_wait3A_1500 = tpu.memref_slice %arg8[%dma_wait3A_1496, %dma_wait3A_1498, %dma_wait3A_1499] : memref<8x256x16xf32, #tpu.memory_space<vmem>> -> memref<1x256x16xf32, #tpu.memory_space<vmem>>
      %dma_wait3A_1501 = tpu.memref_squeeze %dma_wait3A_1500 : memref<1x256x16xf32, #tpu.memory_space<vmem>> -> memref<256x16xf32, #tpu.memory_space<vmem>>
      %dma_wait3A_1502 = arith.constant 0 : i32
      %dma_wait3A_1503 = tpu.memref_slice %arg7[%add3A_1495, %dma_wait3A_1502] : memref<40x256xi32, #tpu.memory_space<vmem>> -> memref<1x256xi32, #tpu.memory_space<vmem>>
      %dma_wait3A_1504 = tpu.memref_squeeze %dma_wait3A_1503 : memref<1x256xi32, #tpu.memory_space<vmem>> -> memref<256xi32, #tpu.memory_space<vmem>>
      %dma_wait3A_1505 = arith.constant 0 : i32
      %dma_wait3A_1506 = arith.constant 0 : i32
      %dma_wait3A_1507 = tpu.memref_slice %arg11[%dma_wait3A_1505, %dma_wait3A_1506] : memref<10112x16xf32, #tpu.memory_space<vmem_shared>> -> memref<10112x16xf32, #tpu.memory_space<vmem_shared>>
      %dma_wait3A_1508 = tpu.memref_slice %arg13[%dma_wait3A_1497] : memref<8x!tpu.dma_semaphore, #tpu.memory_space<semaphore_mem>> -> memref<1x!tpu.dma_semaphore, #tpu.memory_space<semaphore_mem>>
      %dma_wait3A_1509 = tpu.memref_squeeze %dma_wait3A_1508 : memref<1x!tpu.dma_semaphore, #tpu.memory_space<semaphore_mem>> -> memref<!tpu.dma_semaphore, #tpu.memory_space<semaphore_mem>>
      tpu.wait_indirect_dma semaphore(%dma_wait3A_1509 : memref<!tpu.dma_semaphore, #tpu.memory_space<semaphore_mem>>) src(%dma_wait3A_1501 : memref<256x16xf32, #tpu.memory_space<vmem>>) dst(%dma_wait3A_1507 : memref<10112x16xf32, #tpu.memory_space<vmem_shared>>)
      %add3A_1510 = arith.constant 1 : i32
      %add3A_1511 = arith.addi %scan3A_1123, %add3A_1510 : i32
      %lt3A_1512 = arith.constant 5 : i32
      %lt3A_1513 = arith.cmpi slt, %add3A_1511, %lt3A_1512 : i32
      %convert_element_type3A_1514 = arith.extui %lt3A_1513 : i1 to i32
      %cond3A_1515 = arith.constant 0 : i32
      %cond3A_1516 = arith.cmpi ne, %convert_element_type3A_1514, %cond3A_1515 : i32
      scf.if %cond3A_1516 {
        %add3A_1563 = arith.constant 8 : i32
        %add3A_1564 = arith.addi %mul3A_1125, %add3A_1563 : i32
        %add3A_1565 = arith.constant 5 : i32
        %add3A_1566 = arith.addi %add3A_1564, %add3A_1565 : i32
        %dma_start3A_1567 = arith.constant 5 : i32
        %dma_start3A_1568 = arith.constant 5 : i32
        %dma_start3A_1569 = arith.constant 0 : i32
        %dma_start3A_1570 = arith.constant 0 : i32
        %dma_start3A_1571 = tpu.memref_slice %arg8[%dma_start3A_1567, %dma_start3A_1569, %dma_start3A_1570] : memref<8x256x16xf32, #tpu.memory_space<vmem>> -> memref<1x256x16xf32, #tpu.memory_space<vmem>>
        %dma_start3A_1572 = tpu.memref_squeeze %dma_start3A_1571 : memref<1x256x16xf32, #tpu.memory_space<vmem>> -> memref<256x16xf32, #tpu.memory_space<vmem>>
        %dma_start3A_1573 = arith.constant 0 : i32
        %dma_start3A_1574 = tpu.memref_slice %arg6[%add3A_1566, %dma_start3A_1573] : memref<40x256xi32, #tpu.memory_space<vmem>> -> memref<1x256xi32, #tpu.memory_space<vmem>>
        %dma_start3A_1575 = tpu.memref_squeeze %dma_start3A_1574 : memref<1x256xi32, #tpu.memory_space<vmem>> -> memref<256xi32, #tpu.memory_space<vmem>>
        %dma_start3A_1576 = arith.constant 0 : i32
        %dma_start3A_1577 = arith.constant 0 : i32
        %dma_start3A_1578 = tpu.memref_slice %arg10[%dma_start3A_1576, %dma_start3A_1577] : memref<10112x16xf32, #tpu.memory_space<vmem_shared>> -> memref<10112x16xf32, #tpu.memory_space<vmem_shared>>
        %dma_start3A_1579 = tpu.memref_slice %arg12[%dma_start3A_1568] : memref<8x!tpu.dma_semaphore, #tpu.memory_space<semaphore_mem>> -> memref<1x!tpu.dma_semaphore, #tpu.memory_space<semaphore_mem>>
        %dma_start3A_1580 = tpu.memref_squeeze %dma_start3A_1579 : memref<1x!tpu.dma_semaphore, #tpu.memory_space<semaphore_mem>> -> memref<!tpu.dma_semaphore, #tpu.memory_space<semaphore_mem>>
        tpu.enqueue_indirect_dma source(%dma_start3A_1578 : memref<10112x16xf32, #tpu.memory_space<vmem_shared>>) target(%dma_start3A_1572 : memref<256x16xf32, #tpu.memory_space<vmem>>) offsets(%dma_start3A_1575 : memref<256xi32, #tpu.memory_space<vmem>>) semaphore(%dma_start3A_1580 : memref<!tpu.dma_semaphore, #tpu.memory_space<semaphore_mem>>)
      } else {
      }
      %add3A_1517 = arith.constant 6 : i32
      %add3A_1518 = arith.addi %mul3A_1125, %add3A_1517 : i32
      %dma_wait3A_1519 = arith.constant 6 : i32
      %dma_wait3A_1520 = arith.constant 6 : i32
      %dma_wait3A_1521 = arith.constant 0 : i32
      %dma_wait3A_1522 = arith.constant 0 : i32
      %dma_wait3A_1523 = tpu.memref_slice %arg8[%dma_wait3A_1519, %dma_wait3A_1521, %dma_wait3A_1522] : memref<8x256x16xf32, #tpu.memory_space<vmem>> -> memref<1x256x16xf32, #tpu.memory_space<vmem>>
      %dma_wait3A_1524 = tpu.memref_squeeze %dma_wait3A_1523 : memref<1x256x16xf32, #tpu.memory_space<vmem>> -> memref<256x16xf32, #tpu.memory_space<vmem>>
      %dma_wait3A_1525 = arith.constant 0 : i32
      %dma_wait3A_1526 = tpu.memref_slice %arg7[%add3A_1518, %dma_wait3A_1525] : memref<40x256xi32, #tpu.memory_space<vmem>> -> memref<1x256xi32, #tpu.memory_space<vmem>>
      %dma_wait3A_1527 = tpu.memref_squeeze %dma_wait3A_1526 : memref<1x256xi32, #tpu.memory_space<vmem>> -> memref<256xi32, #tpu.memory_space<vmem>>
      %dma_wait3A_1528 = arith.constant 0 : i32
      %dma_wait3A_1529 = arith.constant 0 : i32
      %dma_wait3A_1530 = tpu.memref_slice %arg11[%dma_wait3A_1528, %dma_wait3A_1529] : memref<10112x16xf32, #tpu.memory_space<vmem_shared>> -> memref<10112x16xf32, #tpu.memory_space<vmem_shared>>
      %dma_wait3A_1531 = tpu.memref_slice %arg13[%dma_wait3A_1520] : memref<8x!tpu.dma_semaphore, #tpu.memory_space<semaphore_mem>> -> memref<1x!tpu.dma_semaphore, #tpu.memory_space<semaphore_mem>>
      %dma_wait3A_1532 = tpu.memref_squeeze %dma_wait3A_1531 : memref<1x!tpu.dma_semaphore, #tpu.memory_space<semaphore_mem>> -> memref<!tpu.dma_semaphore, #tpu.memory_space<semaphore_mem>>
      tpu.wait_indirect_dma semaphore(%dma_wait3A_1532 : memref<!tpu.dma_semaphore, #tpu.memory_space<semaphore_mem>>) src(%dma_wait3A_1524 : memref<256x16xf32, #tpu.memory_space<vmem>>) dst(%dma_wait3A_1530 : memref<10112x16xf32, #tpu.memory_space<vmem_shared>>)
      %add3A_1533 = arith.constant 1 : i32
      %add3A_1534 = arith.addi %scan3A_1123, %add3A_1533 : i32
      %lt3A_1535 = arith.constant 5 : i32
      %lt3A_1536 = arith.cmpi slt, %add3A_1534, %lt3A_1535 : i32
      %convert_element_type3A_1537 = arith.extui %lt3A_1536 : i1 to i32
      %cond3A_1538 = arith.constant 0 : i32
      %cond3A_1539 = arith.cmpi ne, %convert_element_type3A_1537, %cond3A_1538 : i32
      scf.if %cond3A_1539 {
        %add3A_1563 = arith.constant 8 : i32
        %add3A_1564 = arith.addi %mul3A_1125, %add3A_1563 : i32
        %add3A_1565 = arith.constant 6 : i32
        %add3A_1566 = arith.addi %add3A_1564, %add3A_1565 : i32
        %dma_start3A_1567 = arith.constant 6 : i32
        %dma_start3A_1568 = arith.constant 6 : i32
        %dma_start3A_1569 = arith.constant 0 : i32
        %dma_start3A_1570 = arith.constant 0 : i32
        %dma_start3A_1571 = tpu.memref_slice %arg8[%dma_start3A_1567, %dma_start3A_1569, %dma_start3A_1570] : memref<8x256x16xf32, #tpu.memory_space<vmem>> -> memref<1x256x16xf32, #tpu.memory_space<vmem>>
        %dma_start3A_1572 = tpu.memref_squeeze %dma_start3A_1571 : memref<1x256x16xf32, #tpu.memory_space<vmem>> -> memref<256x16xf32, #tpu.memory_space<vmem>>
        %dma_start3A_1573 = arith.constant 0 : i32
        %dma_start3A_1574 = tpu.memref_slice %arg6[%add3A_1566, %dma_start3A_1573] : memref<40x256xi32, #tpu.memory_space<vmem>> -> memref<1x256xi32, #tpu.memory_space<vmem>>
        %dma_start3A_1575 = tpu.memref_squeeze %dma_start3A_1574 : memref<1x256xi32, #tpu.memory_space<vmem>> -> memref<256xi32, #tpu.memory_space<vmem>>
        %dma_start3A_1576 = arith.constant 0 : i32
        %dma_start3A_1577 = arith.constant 0 : i32
        %dma_start3A_1578 = tpu.memref_slice %arg10[%dma_start3A_1576, %dma_start3A_1577] : memref<10112x16xf32, #tpu.memory_space<vmem_shared>> -> memref<10112x16xf32, #tpu.memory_space<vmem_shared>>
        %dma_start3A_1579 = tpu.memref_slice %arg12[%dma_start3A_1568] : memref<8x!tpu.dma_semaphore, #tpu.memory_space<semaphore_mem>> -> memref<1x!tpu.dma_semaphore, #tpu.memory_space<semaphore_mem>>
        %dma_start3A_1580 = tpu.memref_squeeze %dma_start3A_1579 : memref<1x!tpu.dma_semaphore, #tpu.memory_space<semaphore_mem>> -> memref<!tpu.dma_semaphore, #tpu.memory_space<semaphore_mem>>
        tpu.enqueue_indirect_dma source(%dma_start3A_1578 : memref<10112x16xf32, #tpu.memory_space<vmem_shared>>) target(%dma_start3A_1572 : memref<256x16xf32, #tpu.memory_space<vmem>>) offsets(%dma_start3A_1575 : memref<256xi32, #tpu.memory_space<vmem>>) semaphore(%dma_start3A_1580 : memref<!tpu.dma_semaphore, #tpu.memory_space<semaphore_mem>>)
      } else {
      }
      %add3A_1540 = arith.constant 7 : i32
      %add3A_1541 = arith.addi %mul3A_1125, %add3A_1540 : i32
      %dma_wait3A_1542 = arith.constant 7 : i32
      %dma_wait3A_1543 = arith.constant 7 : i32
      %dma_wait3A_1544 = arith.constant 0 : i32
      %dma_wait3A_1545 = arith.constant 0 : i32
      %dma_wait3A_1546 = tpu.memref_slice %arg8[%dma_wait3A_1542, %dma_wait3A_1544, %dma_wait3A_1545] : memref<8x256x16xf32, #tpu.memory_space<vmem>> -> memref<1x256x16xf32, #tpu.memory_space<vmem>>
      %dma_wait3A_1547 = tpu.memref_squeeze %dma_wait3A_1546 : memref<1x256x16xf32, #tpu.memory_space<vmem>> -> memref<256x16xf32, #tpu.memory_space<vmem>>
      %dma_wait3A_1548 = arith.constant 0 : i32
      %dma_wait3A_1549 = tpu.memref_slice %arg7[%add3A_1541, %dma_wait3A_1548] : memref<40x256xi32, #tpu.memory_space<vmem>> -> memref<1x256xi32, #tpu.memory_space<vmem>>
      %dma_wait3A_1550 = tpu.memref_squeeze %dma_wait3A_1549 : memref<1x256xi32, #tpu.memory_space<vmem>> -> memref<256xi32, #tpu.memory_space<vmem>>
      %dma_wait3A_1551 = arith.constant 0 : i32
      %dma_wait3A_1552 = arith.constant 0 : i32
      %dma_wait3A_1553 = tpu.memref_slice %arg11[%dma_wait3A_1551, %dma_wait3A_1552] : memref<10112x16xf32, #tpu.memory_space<vmem_shared>> -> memref<10112x16xf32, #tpu.memory_space<vmem_shared>>
      %dma_wait3A_1554 = tpu.memref_slice %arg13[%dma_wait3A_1543] : memref<8x!tpu.dma_semaphore, #tpu.memory_space<semaphore_mem>> -> memref<1x!tpu.dma_semaphore, #tpu.memory_space<semaphore_mem>>
      %dma_wait3A_1555 = tpu.memref_squeeze %dma_wait3A_1554 : memref<1x!tpu.dma_semaphore, #tpu.memory_space<semaphore_mem>> -> memref<!tpu.dma_semaphore, #tpu.memory_space<semaphore_mem>>
      tpu.wait_indirect_dma semaphore(%dma_wait3A_1555 : memref<!tpu.dma_semaphore, #tpu.memory_space<semaphore_mem>>) src(%dma_wait3A_1547 : memref<256x16xf32, #tpu.memory_space<vmem>>) dst(%dma_wait3A_1553 : memref<10112x16xf32, #tpu.memory_space<vmem_shared>>)
      %add3A_1556 = arith.constant 1 : i32
      %add3A_1557 = arith.addi %scan3A_1123, %add3A_1556 : i32
      %lt3A_1558 = arith.constant 5 : i32
      %lt3A_1559 = arith.cmpi slt, %add3A_1557, %lt3A_1558 : i32
      %convert_element_type3A_1560 = arith.extui %lt3A_1559 : i1 to i32
      %cond3A_1561 = arith.constant 0 : i32
      %cond3A_1562 = arith.cmpi ne, %convert_element_type3A_1560, %cond3A_1561 : i32
      scf.if %cond3A_1562 {
        %add3A_1563 = arith.constant 8 : i32
        %add3A_1564 = arith.addi %mul3A_1125, %add3A_1563 : i32
        %add3A_1565 = arith.constant 7 : i32
        %add3A_1566 = arith.addi %add3A_1564, %add3A_1565 : i32
        %dma_start3A_1567 = arith.constant 7 : i32
        %dma_start3A_1568 = arith.constant 7 : i32
        %dma_start3A_1569 = arith.constant 0 : i32
        %dma_start3A_1570 = arith.constant 0 : i32
        %dma_start3A_1571 = tpu.memref_slice %arg8[%dma_start3A_1567, %dma_start3A_1569, %dma_start3A_1570] : memref<8x256x16xf32, #tpu.memory_space<vmem>> -> memref<1x256x16xf32, #tpu.memory_space<vmem>>
        %dma_start3A_1572 = tpu.memref_squeeze %dma_start3A_1571 : memref<1x256x16xf32, #tpu.memory_space<vmem>> -> memref<256x16xf32, #tpu.memory_space<vmem>>
        %dma_start3A_1573 = arith.constant 0 : i32
        %dma_start3A_1574 = tpu.memref_slice %arg6[%add3A_1566, %dma_start3A_1573] : memref<40x256xi32, #tpu.memory_space<vmem>> -> memref<1x256xi32, #tpu.memory_space<vmem>>
        %dma_start3A_1575 = tpu.memref_squeeze %dma_start3A_1574 : memref<1x256xi32, #tpu.memory_space<vmem>> -> memref<256xi32, #tpu.memory_space<vmem>>
        %dma_start3A_1576 = arith.constant 0 : i32
        %dma_start3A_1577 = arith.constant 0 : i32
        %dma_start3A_1578 = tpu.memref_slice %arg10[%dma_start3A_1576, %dma_start3A_1577] : memref<10112x16xf32, #tpu.memory_space<vmem_shared>> -> memref<10112x16xf32, #tpu.memory_space<vmem_shared>>
        %dma_start3A_1579 = tpu.memref_slice %arg12[%dma_start3A_1568] : memref<8x!tpu.dma_semaphore, #tpu.memory_space<semaphore_mem>> -> memref<1x!tpu.dma_semaphore, #tpu.memory_space<semaphore_mem>>
        %dma_start3A_1580 = tpu.memref_squeeze %dma_start3A_1579 : memref<1x!tpu.dma_semaphore, #tpu.memory_space<semaphore_mem>> -> memref<!tpu.dma_semaphore, #tpu.memory_space<semaphore_mem>>
        tpu.enqueue_indirect_dma source(%dma_start3A_1578 : memref<10112x16xf32, #tpu.memory_space<vmem_shared>>) target(%dma_start3A_1572 : memref<256x16xf32, #tpu.memory_space<vmem>>) offsets(%dma_start3A_1575 : memref<256xi32, #tpu.memory_space<vmem>>) semaphore(%dma_start3A_1580 : memref<!tpu.dma_semaphore, #tpu.memory_space<semaphore_mem>>)
      } else {
      }
    }
    %scan3A_449 = arith.constant 5 : i32
    %barrier3A_450 = arith.constant 0 : index
    tpu.barrier barrier_id(%barrier3A_450)
    %mul3A_451 = arith.constant 632 : i32
    %mul3A_452 = arith.muli %arg1, %mul3A_451 : i32
    %add3A_453 = arith.constant 0 : i32
    %add3A_454 = arith.addi %mul3A_452, %add3A_453 : i32
    %dma_start3A_455 = arith.constant 0 : i32
    %dma_start3A_456 = arith.constant 0 : i32
    %dma_start3A_457 = arith.constant 0 : i32
    %dma_start3A_458 = tpu.memref_slice %arg9[%dma_start3A_456, %dma_start3A_457] : memref<632x16xf32, #tpu.memory_space<vmem>> -> memref<80x16xf32, #tpu.memory_space<vmem>>
    %dma_start3A_459 = arith.constant 0 : i32
    %dma_start3A_460 = tpu.memref_slice %arg11[%add3A_454, %dma_start3A_459] : memref<10112x16xf32, #tpu.memory_space<vmem_shared>> -> memref<80x16xf32, #tpu.memory_space<vmem_shared>>
    %dma_start3A_461 = tpu.memref_slice %arg12[%dma_start3A_455] : memref<8x!tpu.dma_semaphore, #tpu.memory_space<semaphore_mem>> -> memref<1x!tpu.dma_semaphore, #tpu.memory_space<semaphore_mem>>
    %dma_start3A_462 = tpu.memref_squeeze %dma_start3A_461 : memref<1x!tpu.dma_semaphore, #tpu.memory_space<semaphore_mem>> -> memref<!tpu.dma_semaphore, #tpu.memory_space<semaphore_mem>>
    %dma_start3A_463 = arith.constant 0 : i32
    %dma_start3A_464 = arith.constant 0 : i32
    %dma_start3A_465 = tpu.memref_slice %arg9[%dma_start3A_463, %dma_start3A_464] : memref<632x16xf32, #tpu.memory_space<vmem>> -> memref<80x16xf32, #tpu.memory_space<vmem>>
    %dma_start3A_466 = arith.constant 0 : i32
    %dma_start3A_467 = tpu.memref_slice %arg11[%add3A_454, %dma_start3A_466] : memref<10112x16xf32, #tpu.memory_space<vmem_shared>> -> memref<80x16xf32, #tpu.memory_space<vmem_shared>>
    tpu.enqueue_dma source(%dma_start3A_467 : memref<80x16xf32, #tpu.memory_space<vmem_shared>>) target(%dma_start3A_465 : memref<80x16xf32, #tpu.memory_space<vmem>>) target_semaphore(%dma_start3A_462 : memref<!tpu.dma_semaphore, #tpu.memory_space<semaphore_mem>>)
    %mul3A_468 = arith.constant 632 : i32
    %mul3A_469 = arith.muli %arg1, %mul3A_468 : i32
    %add3A_470 = arith.constant 80 : i32
    %add3A_471 = arith.addi %mul3A_469, %add3A_470 : i32
    %dma_start3A_472 = arith.constant 1 : i32
    %dma_start3A_473 = arith.constant 80 : i32
    %dma_start3A_474 = arith.constant 0 : i32
    %dma_start3A_475 = tpu.memref_slice %arg9[%dma_start3A_473, %dma_start3A_474] : memref<632x16xf32, #tpu.memory_space<vmem>> -> memref<80x16xf32, #tpu.memory_space<vmem>>
    %dma_start3A_476 = arith.constant 0 : i32
    %dma_start3A_477 = tpu.memref_slice %arg11[%add3A_471, %dma_start3A_476] : memref<10112x16xf32, #tpu.memory_space<vmem_shared>> -> memref<80x16xf32, #tpu.memory_space<vmem_shared>>
    %dma_start3A_478 = tpu.memref_slice %arg12[%dma_start3A_472] : memref<8x!tpu.dma_semaphore, #tpu.memory_space<semaphore_mem>> -> memref<1x!tpu.dma_semaphore, #tpu.memory_space<semaphore_mem>>
    %dma_start3A_479 = tpu.memref_squeeze %dma_start3A_478 : memref<1x!tpu.dma_semaphore, #tpu.memory_space<semaphore_mem>> -> memref<!tpu.dma_semaphore, #tpu.memory_space<semaphore_mem>>
    %dma_start3A_480 = arith.constant 80 : i32
    %dma_start3A_481 = arith.constant 0 : i32
    %dma_start3A_482 = tpu.memref_slice %arg9[%dma_start3A_480, %dma_start3A_481] : memref<632x16xf32, #tpu.memory_space<vmem>> -> memref<80x16xf32, #tpu.memory_space<vmem>>
    %dma_start3A_483 = arith.constant 0 : i32
    %dma_start3A_484 = tpu.memref_slice %arg11[%add3A_471, %dma_start3A_483] : memref<10112x16xf32, #tpu.memory_space<vmem_shared>> -> memref<80x16xf32, #tpu.memory_space<vmem_shared>>
    tpu.enqueue_dma source(%dma_start3A_484 : memref<80x16xf32, #tpu.memory_space<vmem_shared>>) target(%dma_start3A_482 : memref<80x16xf32, #tpu.memory_space<vmem>>) target_semaphore(%dma_start3A_479 : memref<!tpu.dma_semaphore, #tpu.memory_space<semaphore_mem>>)
    %mul3A_485 = arith.constant 632 : i32
    %mul3A_486 = arith.muli %arg1, %mul3A_485 : i32
    %add3A_487 = arith.constant 160 : i32
    %add3A_488 = arith.addi %mul3A_486, %add3A_487 : i32
    %dma_start3A_489 = arith.constant 2 : i32
    %dma_start3A_490 = arith.constant 160 : i32
    %dma_start3A_491 = arith.constant 0 : i32
    %dma_start3A_492 = tpu.memref_slice %arg9[%dma_start3A_490, %dma_start3A_491] : memref<632x16xf32, #tpu.memory_space<vmem>> -> memref<80x16xf32, #tpu.memory_space<vmem>>
    %dma_start3A_493 = arith.constant 0 : i32
    %dma_start3A_494 = tpu.memref_slice %arg11[%add3A_488, %dma_start3A_493] : memref<10112x16xf32, #tpu.memory_space<vmem_shared>> -> memref<80x16xf32, #tpu.memory_space<vmem_shared>>
    %dma_start3A_495 = tpu.memref_slice %arg12[%dma_start3A_489] : memref<8x!tpu.dma_semaphore, #tpu.memory_space<semaphore_mem>> -> memref<1x!tpu.dma_semaphore, #tpu.memory_space<semaphore_mem>>
    %dma_start3A_496 = tpu.memref_squeeze %dma_start3A_495 : memref<1x!tpu.dma_semaphore, #tpu.memory_space<semaphore_mem>> -> memref<!tpu.dma_semaphore, #tpu.memory_space<semaphore_mem>>
    %dma_start3A_497 = arith.constant 160 : i32
    %dma_start3A_498 = arith.constant 0 : i32
    %dma_start3A_499 = tpu.memref_slice %arg9[%dma_start3A_497, %dma_start3A_498] : memref<632x16xf32, #tpu.memory_space<vmem>> -> memref<80x16xf32, #tpu.memory_space<vmem>>
    %dma_start3A_500 = arith.constant 0 : i32
    %dma_start3A_501 = tpu.memref_slice %arg11[%add3A_488, %dma_start3A_500] : memref<10112x16xf32, #tpu.memory_space<vmem_shared>> -> memref<80x16xf32, #tpu.memory_space<vmem_shared>>
    tpu.enqueue_dma source(%dma_start3A_501 : memref<80x16xf32, #tpu.memory_space<vmem_shared>>) target(%dma_start3A_499 : memref<80x16xf32, #tpu.memory_space<vmem>>) target_semaphore(%dma_start3A_496 : memref<!tpu.dma_semaphore, #tpu.memory_space<semaphore_mem>>)
    %mul3A_502 = arith.constant 632 : i32
    %mul3A_503 = arith.muli %arg1, %mul3A_502 : i32
    %add3A_504 = arith.constant 240 : i32
    %add3A_505 = arith.addi %mul3A_503, %add3A_504 : i32
    %dma_start3A_506 = arith.constant 3 : i32
    %dma_start3A_507 = arith.constant 240 : i32
    %dma_start3A_508 = arith.constant 0 : i32
    %dma_start3A_509 = tpu.memref_slice %arg9[%dma_start3A_507, %dma_start3A_508] : memref<632x16xf32, #tpu.memory_space<vmem>> -> memref<80x16xf32, #tpu.memory_space<vmem>>
    %dma_start3A_510 = arith.constant 0 : i32
    %dma_start3A_511 = tpu.memref_slice %arg11[%add3A_505, %dma_start3A_510] : memref<10112x16xf32, #tpu.memory_space<vmem_shared>> -> memref<80x16xf32, #tpu.memory_space<vmem_shared>>
    %dma_start3A_512 = tpu.memref_slice %arg12[%dma_start3A_506] : memref<8x!tpu.dma_semaphore, #tpu.memory_space<semaphore_mem>> -> memref<1x!tpu.dma_semaphore, #tpu.memory_space<semaphore_mem>>
    %dma_start3A_513 = tpu.memref_squeeze %dma_start3A_512 : memref<1x!tpu.dma_semaphore, #tpu.memory_space<semaphore_mem>> -> memref<!tpu.dma_semaphore, #tpu.memory_space<semaphore_mem>>
    %dma_start3A_514 = arith.constant 240 : i32
    %dma_start3A_515 = arith.constant 0 : i32
    %dma_start3A_516 = tpu.memref_slice %arg9[%dma_start3A_514, %dma_start3A_515] : memref<632x16xf32, #tpu.memory_space<vmem>> -> memref<80x16xf32, #tpu.memory_space<vmem>>
    %dma_start3A_517 = arith.constant 0 : i32
    %dma_start3A_518 = tpu.memref_slice %arg11[%add3A_505, %dma_start3A_517] : memref<10112x16xf32, #tpu.memory_space<vmem_shared>> -> memref<80x16xf32, #tpu.memory_space<vmem_shared>>
    tpu.enqueue_dma source(%dma_start3A_518 : memref<80x16xf32, #tpu.memory_space<vmem_shared>>) target(%dma_start3A_516 : memref<80x16xf32, #tpu.memory_space<vmem>>) target_semaphore(%dma_start3A_513 : memref<!tpu.dma_semaphore, #tpu.memory_space<semaphore_mem>>)
    %mul3A_519 = arith.constant 632 : i32
    %mul3A_520 = arith.muli %arg1, %mul3A_519 : i32
    %add3A_521 = arith.constant 320 : i32
    %add3A_522 = arith.addi %mul3A_520, %add3A_521 : i32
    %dma_start3A_523 = arith.constant 4 : i32
    %dma_start3A_524 = arith.constant 320 : i32
    %dma_start3A_525 = arith.constant 0 : i32
    %dma_start3A_526 = tpu.memref_slice %arg9[%dma_start3A_524, %dma_start3A_525] : memref<632x16xf32, #tpu.memory_space<vmem>> -> memref<80x16xf32, #tpu.memory_space<vmem>>
    %dma_start3A_527 = arith.constant 0 : i32
    %dma_start3A_528 = tpu.memref_slice %arg11[%add3A_522, %dma_start3A_527] : memref<10112x16xf32, #tpu.memory_space<vmem_shared>> -> memref<80x16xf32, #tpu.memory_space<vmem_shared>>
    %dma_start3A_529 = tpu.memref_slice %arg12[%dma_start3A_523] : memref<8x!tpu.dma_semaphore, #tpu.memory_space<semaphore_mem>> -> memref<1x!tpu.dma_semaphore, #tpu.memory_space<semaphore_mem>>
    %dma_start3A_530 = tpu.memref_squeeze %dma_start3A_529 : memref<1x!tpu.dma_semaphore, #tpu.memory_space<semaphore_mem>> -> memref<!tpu.dma_semaphore, #tpu.memory_space<semaphore_mem>>
    %dma_start3A_531 = arith.constant 320 : i32
    %dma_start3A_532 = arith.constant 0 : i32
    %dma_start3A_533 = tpu.memref_slice %arg9[%dma_start3A_531, %dma_start3A_532] : memref<632x16xf32, #tpu.memory_space<vmem>> -> memref<80x16xf32, #tpu.memory_space<vmem>>
    %dma_start3A_534 = arith.constant 0 : i32
    %dma_start3A_535 = tpu.memref_slice %arg11[%add3A_522, %dma_start3A_534] : memref<10112x16xf32, #tpu.memory_space<vmem_shared>> -> memref<80x16xf32, #tpu.memory_space<vmem_shared>>
    tpu.enqueue_dma source(%dma_start3A_535 : memref<80x16xf32, #tpu.memory_space<vmem_shared>>) target(%dma_start3A_533 : memref<80x16xf32, #tpu.memory_space<vmem>>) target_semaphore(%dma_start3A_530 : memref<!tpu.dma_semaphore, #tpu.memory_space<semaphore_mem>>)
    %mul3A_536 = arith.constant 632 : i32
    %mul3A_537 = arith.muli %arg1, %mul3A_536 : i32
    %add3A_538 = arith.constant 400 : i32
    %add3A_539 = arith.addi %mul3A_537, %add3A_538 : i32
    %dma_start3A_540 = arith.constant 5 : i32
    %dma_start3A_541 = arith.constant 400 : i32
    %dma_start3A_542 = arith.constant 0 : i32
    %dma_start3A_543 = tpu.memref_slice %arg9[%dma_start3A_541, %dma_start3A_542] : memref<632x16xf32, #tpu.memory_space<vmem>> -> memref<80x16xf32, #tpu.memory_space<vmem>>
    %dma_start3A_544 = arith.constant 0 : i32
    %dma_start3A_545 = tpu.memref_slice %arg11[%add3A_539, %dma_start3A_544] : memref<10112x16xf32, #tpu.memory_space<vmem_shared>> -> memref<80x16xf32, #tpu.memory_space<vmem_shared>>
    %dma_start3A_546 = tpu.memref_slice %arg12[%dma_start3A_540] : memref<8x!tpu.dma_semaphore, #tpu.memory_space<semaphore_mem>> -> memref<1x!tpu.dma_semaphore, #tpu.memory_space<semaphore_mem>>
    %dma_start3A_547 = tpu.memref_squeeze %dma_start3A_546 : memref<1x!tpu.dma_semaphore, #tpu.memory_space<semaphore_mem>> -> memref<!tpu.dma_semaphore, #tpu.memory_space<semaphore_mem>>
    %dma_start3A_548 = arith.constant 400 : i32
    %dma_start3A_549 = arith.constant 0 : i32
    %dma_start3A_550 = tpu.memref_slice %arg9[%dma_start3A_548, %dma_start3A_549] : memref<632x16xf32, #tpu.memory_space<vmem>> -> memref<80x16xf32, #tpu.memory_space<vmem>>
    %dma_start3A_551 = arith.constant 0 : i32
    %dma_start3A_552 = tpu.memref_slice %arg11[%add3A_539, %dma_start3A_551] : memref<10112x16xf32, #tpu.memory_space<vmem_shared>> -> memref<80x16xf32, #tpu.memory_space<vmem_shared>>
    tpu.enqueue_dma source(%dma_start3A_552 : memref<80x16xf32, #tpu.memory_space<vmem_shared>>) target(%dma_start3A_550 : memref<80x16xf32, #tpu.memory_space<vmem>>) target_semaphore(%dma_start3A_547 : memref<!tpu.dma_semaphore, #tpu.memory_space<semaphore_mem>>)
    %mul3A_553 = arith.constant 632 : i32
    %mul3A_554 = arith.muli %arg1, %mul3A_553 : i32
    %add3A_555 = arith.constant 480 : i32
    %add3A_556 = arith.addi %mul3A_554, %add3A_555 : i32
    %dma_start3A_557 = arith.constant 6 : i32
    %dma_start3A_558 = arith.constant 480 : i32
    %dma_start3A_559 = arith.constant 0 : i32
    %dma_start3A_560 = tpu.memref_slice %arg9[%dma_start3A_558, %dma_start3A_559] : memref<632x16xf32, #tpu.memory_space<vmem>> -> memref<80x16xf32, #tpu.memory_space<vmem>>
    %dma_start3A_561 = arith.constant 0 : i32
    %dma_start3A_562 = tpu.memref_slice %arg11[%add3A_556, %dma_start3A_561] : memref<10112x16xf32, #tpu.memory_space<vmem_shared>> -> memref<80x16xf32, #tpu.memory_space<vmem_shared>>
    %dma_start3A_563 = tpu.memref_slice %arg12[%dma_start3A_557] : memref<8x!tpu.dma_semaphore, #tpu.memory_space<semaphore_mem>> -> memref<1x!tpu.dma_semaphore, #tpu.memory_space<semaphore_mem>>
    %dma_start3A_564 = tpu.memref_squeeze %dma_start3A_563 : memref<1x!tpu.dma_semaphore, #tpu.memory_space<semaphore_mem>> -> memref<!tpu.dma_semaphore, #tpu.memory_space<semaphore_mem>>
    %dma_start3A_565 = arith.constant 480 : i32
    %dma_start3A_566 = arith.constant 0 : i32
    %dma_start3A_567 = tpu.memref_slice %arg9[%dma_start3A_565, %dma_start3A_566] : memref<632x16xf32, #tpu.memory_space<vmem>> -> memref<80x16xf32, #tpu.memory_space<vmem>>
    %dma_start3A_568 = arith.constant 0 : i32
    %dma_start3A_569 = tpu.memref_slice %arg11[%add3A_556, %dma_start3A_568] : memref<10112x16xf32, #tpu.memory_space<vmem_shared>> -> memref<80x16xf32, #tpu.memory_space<vmem_shared>>
    tpu.enqueue_dma source(%dma_start3A_569 : memref<80x16xf32, #tpu.memory_space<vmem_shared>>) target(%dma_start3A_567 : memref<80x16xf32, #tpu.memory_space<vmem>>) target_semaphore(%dma_start3A_564 : memref<!tpu.dma_semaphore, #tpu.memory_space<semaphore_mem>>)
    %mul3A_570 = arith.constant 632 : i32
    %mul3A_571 = arith.muli %arg1, %mul3A_570 : i32
    %add3A_572 = arith.constant 560 : i32
    %add3A_573 = arith.addi %mul3A_571, %add3A_572 : i32
    %dma_start3A_574 = arith.constant 7 : i32
    %dma_start3A_575 = arith.constant 560 : i32
    %dma_start3A_576 = arith.constant 0 : i32
    %dma_start3A_577 = tpu.memref_slice %arg9[%dma_start3A_575, %dma_start3A_576] : memref<632x16xf32, #tpu.memory_space<vmem>> -> memref<72x16xf32, #tpu.memory_space<vmem>>
    %dma_start3A_578 = arith.constant 0 : i32
    %dma_start3A_579 = tpu.memref_slice %arg11[%add3A_573, %dma_start3A_578] : memref<10112x16xf32, #tpu.memory_space<vmem_shared>> -> memref<72x16xf32, #tpu.memory_space<vmem_shared>>
    %dma_start3A_580 = tpu.memref_slice %arg12[%dma_start3A_574] : memref<8x!tpu.dma_semaphore, #tpu.memory_space<semaphore_mem>> -> memref<1x!tpu.dma_semaphore, #tpu.memory_space<semaphore_mem>>
    %dma_start3A_581 = tpu.memref_squeeze %dma_start3A_580 : memref<1x!tpu.dma_semaphore, #tpu.memory_space<semaphore_mem>> -> memref<!tpu.dma_semaphore, #tpu.memory_space<semaphore_mem>>
    %dma_start3A_582 = arith.constant 560 : i32
    %dma_start3A_583 = arith.constant 0 : i32
    %dma_start3A_584 = tpu.memref_slice %arg9[%dma_start3A_582, %dma_start3A_583] : memref<632x16xf32, #tpu.memory_space<vmem>> -> memref<72x16xf32, #tpu.memory_space<vmem>>
    %dma_start3A_585 = arith.constant 0 : i32
    %dma_start3A_586 = tpu.memref_slice %arg11[%add3A_573, %dma_start3A_585] : memref<10112x16xf32, #tpu.memory_space<vmem_shared>> -> memref<72x16xf32, #tpu.memory_space<vmem_shared>>
    tpu.enqueue_dma source(%dma_start3A_586 : memref<72x16xf32, #tpu.memory_space<vmem_shared>>) target(%dma_start3A_584 : memref<72x16xf32, #tpu.memory_space<vmem>>) target_semaphore(%dma_start3A_581 : memref<!tpu.dma_semaphore, #tpu.memory_space<semaphore_mem>>)
    %mul3A_587 = arith.constant 632 : i32
    %mul3A_588 = arith.muli %arg1, %mul3A_587 : i32
    %add3A_589 = arith.constant 0 : i32
    %add3A_590 = arith.addi %mul3A_588, %add3A_589 : i32
    %dma_wait3A_591 = arith.constant 0 : i32
    %dma_wait3A_592 = arith.constant 0 : i32
    %dma_wait3A_593 = arith.constant 0 : i32
    %dma_wait3A_594 = tpu.memref_slice %arg9[%dma_wait3A_592, %dma_wait3A_593] : memref<632x16xf32, #tpu.memory_space<vmem>> -> memref<80x16xf32, #tpu.memory_space<vmem>>
    %dma_wait3A_595 = arith.constant 0 : i32
    %dma_wait3A_596 = tpu.memref_slice %arg11[%add3A_590, %dma_wait3A_595] : memref<10112x16xf32, #tpu.memory_space<vmem_shared>> -> memref<80x16xf32, #tpu.memory_space<vmem_shared>>
    %dma_wait3A_597 = tpu.memref_slice %arg12[%dma_wait3A_591] : memref<8x!tpu.dma_semaphore, #tpu.memory_space<semaphore_mem>> -> memref<1x!tpu.dma_semaphore, #tpu.memory_space<semaphore_mem>>
    %dma_wait3A_598 = tpu.memref_squeeze %dma_wait3A_597 : memref<1x!tpu.dma_semaphore, #tpu.memory_space<semaphore_mem>> -> memref<!tpu.dma_semaphore, #tpu.memory_space<semaphore_mem>>
    %dma_wait3A_599 = arith.constant 0 : i32
    %dma_wait3A_600 = arith.constant 0 : i32
    %dma_wait3A_601 = tpu.memref_slice %arg9[%dma_wait3A_599, %dma_wait3A_600] : memref<632x16xf32, #tpu.memory_space<vmem>> -> memref<80x16xf32, #tpu.memory_space<vmem>>
    %dma_wait3A_602 = arith.constant 0 : i32
    %dma_wait3A_603 = tpu.memref_slice %arg11[%add3A_590, %dma_wait3A_602] : memref<10112x16xf32, #tpu.memory_space<vmem_shared>> -> memref<80x16xf32, #tpu.memory_space<vmem_shared>>
    tpu.wait_dma2 semaphore(%dma_wait3A_598 : memref<!tpu.dma_semaphore, #tpu.memory_space<semaphore_mem>>) src(%dma_wait3A_603 : memref<80x16xf32, #tpu.memory_space<vmem_shared>>) dst(%dma_wait3A_601 : memref<80x16xf32, #tpu.memory_space<vmem>>)
    %mul3A_604 = arith.constant 632 : i32
    %mul3A_605 = arith.muli %arg1, %mul3A_604 : i32
    %add3A_606 = arith.constant 0 : i32
    %add3A_607 = arith.addi %mul3A_605, %add3A_606 : i32
    %dma_start3A_608 = arith.constant 0 : i32
    %dma_start3A_609 = arith.constant 0 : i32
    %dma_start3A_610 = arith.constant 0 : i32
    %dma_start3A_611 = tpu.memref_slice %arg9[%dma_start3A_609, %dma_start3A_610] : memref<632x16xf32, #tpu.memory_space<vmem>> -> memref<80x16xf32, #tpu.memory_space<vmem>>
    %dma_start3A_612 = arith.constant 0 : i32
    %dma_start3A_613 = arith.constant 0 : i32
    %dma_start3A_614 = tpu.memref_slice %arg5[%arg0, %dma_start3A_612, %dma_start3A_613] : memref<2x10112x16xf32, #tpu.memory_space<hbm>> -> memref<1x10112x16xf32, #tpu.memory_space<hbm>>
    %dma_start3A_615 = tpu.memref_squeeze %dma_start3A_614 : memref<1x10112x16xf32, #tpu.memory_space<hbm>> -> memref<10112x16xf32, #tpu.memory_space<hbm>>
    %dma_start3A_616 = arith.constant 0 : i32
    %dma_start3A_617 = tpu.memref_slice %dma_start3A_615[%add3A_607, %dma_start3A_616] : memref<10112x16xf32, #tpu.memory_space<hbm>> -> memref<80x16xf32, #tpu.memory_space<hbm>>
    %dma_start3A_618 = tpu.memref_slice %arg13[%dma_start3A_608] : memref<8x!tpu.dma_semaphore, #tpu.memory_space<semaphore_mem>> -> memref<1x!tpu.dma_semaphore, #tpu.memory_space<semaphore_mem>>
    %dma_start3A_619 = tpu.memref_squeeze %dma_start3A_618 : memref<1x!tpu.dma_semaphore, #tpu.memory_space<semaphore_mem>> -> memref<!tpu.dma_semaphore, #tpu.memory_space<semaphore_mem>>
    %dma_start3A_620 = arith.constant 0 : i32
    %dma_start3A_621 = arith.constant 0 : i32
    %dma_start3A_622 = tpu.memref_slice %arg5[%arg0, %dma_start3A_620, %dma_start3A_621] : memref<2x10112x16xf32, #tpu.memory_space<hbm>> -> memref<1x10112x16xf32, #tpu.memory_space<hbm>>
    %dma_start3A_623 = tpu.memref_squeeze %dma_start3A_622 : memref<1x10112x16xf32, #tpu.memory_space<hbm>> -> memref<10112x16xf32, #tpu.memory_space<hbm>>
    %dma_start3A_624 = arith.constant 0 : i32
    %dma_start3A_625 = tpu.memref_slice %dma_start3A_623[%add3A_607, %dma_start3A_624] : memref<10112x16xf32, #tpu.memory_space<hbm>> -> memref<80x16xf32, #tpu.memory_space<hbm>>
    %dma_start3A_626 = arith.constant 0 : i32
    %dma_start3A_627 = arith.constant 0 : i32
    %dma_start3A_628 = tpu.memref_slice %arg9[%dma_start3A_626, %dma_start3A_627] : memref<632x16xf32, #tpu.memory_space<vmem>> -> memref<80x16xf32, #tpu.memory_space<vmem>>
    tpu.enqueue_dma source(%dma_start3A_628 : memref<80x16xf32, #tpu.memory_space<vmem>>) target(%dma_start3A_625 : memref<80x16xf32, #tpu.memory_space<hbm>>) target_semaphore(%dma_start3A_619 : memref<!tpu.dma_semaphore, #tpu.memory_space<semaphore_mem>>)
    %mul3A_629 = arith.constant 632 : i32
    %mul3A_630 = arith.muli %arg1, %mul3A_629 : i32
    %add3A_631 = arith.constant 80 : i32
    %add3A_632 = arith.addi %mul3A_630, %add3A_631 : i32
    %dma_wait3A_633 = arith.constant 1 : i32
    %dma_wait3A_634 = arith.constant 80 : i32
    %dma_wait3A_635 = arith.constant 0 : i32
    %dma_wait3A_636 = tpu.memref_slice %arg9[%dma_wait3A_634, %dma_wait3A_635] : memref<632x16xf32, #tpu.memory_space<vmem>> -> memref<80x16xf32, #tpu.memory_space<vmem>>
    %dma_wait3A_637 = arith.constant 0 : i32
    %dma_wait3A_638 = tpu.memref_slice %arg11[%add3A_632, %dma_wait3A_637] : memref<10112x16xf32, #tpu.memory_space<vmem_shared>> -> memref<80x16xf32, #tpu.memory_space<vmem_shared>>
    %dma_wait3A_639 = tpu.memref_slice %arg12[%dma_wait3A_633] : memref<8x!tpu.dma_semaphore, #tpu.memory_space<semaphore_mem>> -> memref<1x!tpu.dma_semaphore, #tpu.memory_space<semaphore_mem>>
    %dma_wait3A_640 = tpu.memref_squeeze %dma_wait3A_639 : memref<1x!tpu.dma_semaphore, #tpu.memory_space<semaphore_mem>> -> memref<!tpu.dma_semaphore, #tpu.memory_space<semaphore_mem>>
    %dma_wait3A_641 = arith.constant 80 : i32
    %dma_wait3A_642 = arith.constant 0 : i32
    %dma_wait3A_643 = tpu.memref_slice %arg9[%dma_wait3A_641, %dma_wait3A_642] : memref<632x16xf32, #tpu.memory_space<vmem>> -> memref<80x16xf32, #tpu.memory_space<vmem>>
    %dma_wait3A_644 = arith.constant 0 : i32
    %dma_wait3A_645 = tpu.memref_slice %arg11[%add3A_632, %dma_wait3A_644] : memref<10112x16xf32, #tpu.memory_space<vmem_shared>> -> memref<80x16xf32, #tpu.memory_space<vmem_shared>>
    tpu.wait_dma2 semaphore(%dma_wait3A_640 : memref<!tpu.dma_semaphore, #tpu.memory_space<semaphore_mem>>) src(%dma_wait3A_645 : memref<80x16xf32, #tpu.memory_space<vmem_shared>>) dst(%dma_wait3A_643 : memref<80x16xf32, #tpu.memory_space<vmem>>)
    %mul3A_646 = arith.constant 632 : i32
    %mul3A_647 = arith.muli %arg1, %mul3A_646 : i32
    %add3A_648 = arith.constant 80 : i32
    %add3A_649 = arith.addi %mul3A_647, %add3A_648 : i32
    %dma_start3A_650 = arith.constant 1 : i32
    %dma_start3A_651 = arith.constant 80 : i32
    %dma_start3A_652 = arith.constant 0 : i32
    %dma_start3A_653 = tpu.memref_slice %arg9[%dma_start3A_651, %dma_start3A_652] : memref<632x16xf32, #tpu.memory_space<vmem>> -> memref<80x16xf32, #tpu.memory_space<vmem>>
    %dma_start3A_654 = arith.constant 0 : i32
    %dma_start3A_655 = arith.constant 0 : i32
    %dma_start3A_656 = tpu.memref_slice %arg5[%arg0, %dma_start3A_654, %dma_start3A_655] : memref<2x10112x16xf32, #tpu.memory_space<hbm>> -> memref<1x10112x16xf32, #tpu.memory_space<hbm>>
    %dma_start3A_657 = tpu.memref_squeeze %dma_start3A_656 : memref<1x10112x16xf32, #tpu.memory_space<hbm>> -> memref<10112x16xf32, #tpu.memory_space<hbm>>
    %dma_start3A_658 = arith.constant 0 : i32
    %dma_start3A_659 = tpu.memref_slice %dma_start3A_657[%add3A_649, %dma_start3A_658] : memref<10112x16xf32, #tpu.memory_space<hbm>> -> memref<80x16xf32, #tpu.memory_space<hbm>>
    %dma_start3A_660 = tpu.memref_slice %arg13[%dma_start3A_650] : memref<8x!tpu.dma_semaphore, #tpu.memory_space<semaphore_mem>> -> memref<1x!tpu.dma_semaphore, #tpu.memory_space<semaphore_mem>>
    %dma_start3A_661 = tpu.memref_squeeze %dma_start3A_660 : memref<1x!tpu.dma_semaphore, #tpu.memory_space<semaphore_mem>> -> memref<!tpu.dma_semaphore, #tpu.memory_space<semaphore_mem>>
    %dma_start3A_662 = arith.constant 0 : i32
    %dma_start3A_663 = arith.constant 0 : i32
    %dma_start3A_664 = tpu.memref_slice %arg5[%arg0, %dma_start3A_662, %dma_start3A_663] : memref<2x10112x16xf32, #tpu.memory_space<hbm>> -> memref<1x10112x16xf32, #tpu.memory_space<hbm>>
    %dma_start3A_665 = tpu.memref_squeeze %dma_start3A_664 : memref<1x10112x16xf32, #tpu.memory_space<hbm>> -> memref<10112x16xf32, #tpu.memory_space<hbm>>
    %dma_start3A_666 = arith.constant 0 : i32
    %dma_start3A_667 = tpu.memref_slice %dma_start3A_665[%add3A_649, %dma_start3A_666] : memref<10112x16xf32, #tpu.memory_space<hbm>> -> memref<80x16xf32, #tpu.memory_space<hbm>>
    %dma_start3A_668 = arith.constant 80 : i32
    %dma_start3A_669 = arith.constant 0 : i32
    %dma_start3A_670 = tpu.memref_slice %arg9[%dma_start3A_668, %dma_start3A_669] : memref<632x16xf32, #tpu.memory_space<vmem>> -> memref<80x16xf32, #tpu.memory_space<vmem>>
    tpu.enqueue_dma source(%dma_start3A_670 : memref<80x16xf32, #tpu.memory_space<vmem>>) target(%dma_start3A_667 : memref<80x16xf32, #tpu.memory_space<hbm>>) target_semaphore(%dma_start3A_661 : memref<!tpu.dma_semaphore, #tpu.memory_space<semaphore_mem>>)
    %mul3A_671 = arith.constant 632 : i32
    %mul3A_672 = arith.muli %arg1, %mul3A_671 : i32
    %add3A_673 = arith.constant 160 : i32
    %add3A_674 = arith.addi %mul3A_672, %add3A_673 : i32
    %dma_wait3A_675 = arith.constant 2 : i32
    %dma_wait3A_676 = arith.constant 160 : i32
    %dma_wait3A_677 = arith.constant 0 : i32
    %dma_wait3A_678 = tpu.memref_slice %arg9[%dma_wait3A_676, %dma_wait3A_677] : memref<632x16xf32, #tpu.memory_space<vmem>> -> memref<80x16xf32, #tpu.memory_space<vmem>>
    %dma_wait3A_679 = arith.constant 0 : i32
    %dma_wait3A_680 = tpu.memref_slice %arg11[%add3A_674, %dma_wait3A_679] : memref<10112x16xf32, #tpu.memory_space<vmem_shared>> -> memref<80x16xf32, #tpu.memory_space<vmem_shared>>
    %dma_wait3A_681 = tpu.memref_slice %arg12[%dma_wait3A_675] : memref<8x!tpu.dma_semaphore, #tpu.memory_space<semaphore_mem>> -> memref<1x!tpu.dma_semaphore, #tpu.memory_space<semaphore_mem>>
    %dma_wait3A_682 = tpu.memref_squeeze %dma_wait3A_681 : memref<1x!tpu.dma_semaphore, #tpu.memory_space<semaphore_mem>> -> memref<!tpu.dma_semaphore, #tpu.memory_space<semaphore_mem>>
    %dma_wait3A_683 = arith.constant 160 : i32
    %dma_wait3A_684 = arith.constant 0 : i32
    %dma_wait3A_685 = tpu.memref_slice %arg9[%dma_wait3A_683, %dma_wait3A_684] : memref<632x16xf32, #tpu.memory_space<vmem>> -> memref<80x16xf32, #tpu.memory_space<vmem>>
    %dma_wait3A_686 = arith.constant 0 : i32
    %dma_wait3A_687 = tpu.memref_slice %arg11[%add3A_674, %dma_wait3A_686] : memref<10112x16xf32, #tpu.memory_space<vmem_shared>> -> memref<80x16xf32, #tpu.memory_space<vmem_shared>>
    tpu.wait_dma2 semaphore(%dma_wait3A_682 : memref<!tpu.dma_semaphore, #tpu.memory_space<semaphore_mem>>) src(%dma_wait3A_687 : memref<80x16xf32, #tpu.memory_space<vmem_shared>>) dst(%dma_wait3A_685 : memref<80x16xf32, #tpu.memory_space<vmem>>)
    %mul3A_688 = arith.constant 632 : i32
    %mul3A_689 = arith.muli %arg1, %mul3A_688 : i32
    %add3A_690 = arith.constant 160 : i32
    %add3A_691 = arith.addi %mul3A_689, %add3A_690 : i32
    %dma_start3A_692 = arith.constant 2 : i32
    %dma_start3A_693 = arith.constant 160 : i32
    %dma_start3A_694 = arith.constant 0 : i32
    %dma_start3A_695 = tpu.memref_slice %arg9[%dma_start3A_693, %dma_start3A_694] : memref<632x16xf32, #tpu.memory_space<vmem>> -> memref<80x16xf32, #tpu.memory_space<vmem>>
    %dma_start3A_696 = arith.constant 0 : i32
    %dma_start3A_697 = arith.constant 0 : i32
    %dma_start3A_698 = tpu.memref_slice %arg5[%arg0, %dma_start3A_696, %dma_start3A_697] : memref<2x10112x16xf32, #tpu.memory_space<hbm>> -> memref<1x10112x16xf32, #tpu.memory_space<hbm>>
    %dma_start3A_699 = tpu.memref_squeeze %dma_start3A_698 : memref<1x10112x16xf32, #tpu.memory_space<hbm>> -> memref<10112x16xf32, #tpu.memory_space<hbm>>
    %dma_start3A_700 = arith.constant 0 : i32
    %dma_start3A_701 = tpu.memref_slice %dma_start3A_699[%add3A_691, %dma_start3A_700] : memref<10112x16xf32, #tpu.memory_space<hbm>> -> memref<80x16xf32, #tpu.memory_space<hbm>>
    %dma_start3A_702 = tpu.memref_slice %arg13[%dma_start3A_692] : memref<8x!tpu.dma_semaphore, #tpu.memory_space<semaphore_mem>> -> memref<1x!tpu.dma_semaphore, #tpu.memory_space<semaphore_mem>>
    %dma_start3A_703 = tpu.memref_squeeze %dma_start3A_702 : memref<1x!tpu.dma_semaphore, #tpu.memory_space<semaphore_mem>> -> memref<!tpu.dma_semaphore, #tpu.memory_space<semaphore_mem>>
    %dma_start3A_704 = arith.constant 0 : i32
    %dma_start3A_705 = arith.constant 0 : i32
    %dma_start3A_706 = tpu.memref_slice %arg5[%arg0, %dma_start3A_704, %dma_start3A_705] : memref<2x10112x16xf32, #tpu.memory_space<hbm>> -> memref<1x10112x16xf32, #tpu.memory_space<hbm>>
    %dma_start3A_707 = tpu.memref_squeeze %dma_start3A_706 : memref<1x10112x16xf32, #tpu.memory_space<hbm>> -> memref<10112x16xf32, #tpu.memory_space<hbm>>
    %dma_start3A_708 = arith.constant 0 : i32
    %dma_start3A_709 = tpu.memref_slice %dma_start3A_707[%add3A_691, %dma_start3A_708] : memref<10112x16xf32, #tpu.memory_space<hbm>> -> memref<80x16xf32, #tpu.memory_space<hbm>>
    %dma_start3A_710 = arith.constant 160 : i32
    %dma_start3A_711 = arith.constant 0 : i32
    %dma_start3A_712 = tpu.memref_slice %arg9[%dma_start3A_710, %dma_start3A_711] : memref<632x16xf32, #tpu.memory_space<vmem>> -> memref<80x16xf32, #tpu.memory_space<vmem>>
    tpu.enqueue_dma source(%dma_start3A_712 : memref<80x16xf32, #tpu.memory_space<vmem>>) target(%dma_start3A_709 : memref<80x16xf32, #tpu.memory_space<hbm>>) target_semaphore(%dma_start3A_703 : memref<!tpu.dma_semaphore, #tpu.memory_space<semaphore_mem>>)
    %mul3A_713 = arith.constant 632 : i32
    %mul3A_714 = arith.muli %arg1, %mul3A_713 : i32
    %add3A_715 = arith.constant 240 : i32
    %add3A_716 = arith.addi %mul3A_714, %add3A_715 : i32
    %dma_wait3A_717 = arith.constant 3 : i32
    %dma_wait3A_718 = arith.constant 240 : i32
    %dma_wait3A_719 = arith.constant 0 : i32
    %dma_wait3A_720 = tpu.memref_slice %arg9[%dma_wait3A_718, %dma_wait3A_719] : memref<632x16xf32, #tpu.memory_space<vmem>> -> memref<80x16xf32, #tpu.memory_space<vmem>>
    %dma_wait3A_721 = arith.constant 0 : i32
    %dma_wait3A_722 = tpu.memref_slice %arg11[%add3A_716, %dma_wait3A_721] : memref<10112x16xf32, #tpu.memory_space<vmem_shared>> -> memref<80x16xf32, #tpu.memory_space<vmem_shared>>
    %dma_wait3A_723 = tpu.memref_slice %arg12[%dma_wait3A_717] : memref<8x!tpu.dma_semaphore, #tpu.memory_space<semaphore_mem>> -> memref<1x!tpu.dma_semaphore, #tpu.memory_space<semaphore_mem>>
    %dma_wait3A_724 = tpu.memref_squeeze %dma_wait3A_723 : memref<1x!tpu.dma_semaphore, #tpu.memory_space<semaphore_mem>> -> memref<!tpu.dma_semaphore, #tpu.memory_space<semaphore_mem>>
    %dma_wait3A_725 = arith.constant 240 : i32
    %dma_wait3A_726 = arith.constant 0 : i32
    %dma_wait3A_727 = tpu.memref_slice %arg9[%dma_wait3A_725, %dma_wait3A_726] : memref<632x16xf32, #tpu.memory_space<vmem>> -> memref<80x16xf32, #tpu.memory_space<vmem>>
    %dma_wait3A_728 = arith.constant 0 : i32
    %dma_wait3A_729 = tpu.memref_slice %arg11[%add3A_716, %dma_wait3A_728] : memref<10112x16xf32, #tpu.memory_space<vmem_shared>> -> memref<80x16xf32, #tpu.memory_space<vmem_shared>>
    tpu.wait_dma2 semaphore(%dma_wait3A_724 : memref<!tpu.dma_semaphore, #tpu.memory_space<semaphore_mem>>) src(%dma_wait3A_729 : memref<80x16xf32, #tpu.memory_space<vmem_shared>>) dst(%dma_wait3A_727 : memref<80x16xf32, #tpu.memory_space<vmem>>)
    %mul3A_730 = arith.constant 632 : i32
    %mul3A_731 = arith.muli %arg1, %mul3A_730 : i32
    %add3A_732 = arith.constant 240 : i32
    %add3A_733 = arith.addi %mul3A_731, %add3A_732 : i32
    %dma_start3A_734 = arith.constant 3 : i32
    %dma_start3A_735 = arith.constant 240 : i32
    %dma_start3A_736 = arith.constant 0 : i32
    %dma_start3A_737 = tpu.memref_slice %arg9[%dma_start3A_735, %dma_start3A_736] : memref<632x16xf32, #tpu.memory_space<vmem>> -> memref<80x16xf32, #tpu.memory_space<vmem>>
    %dma_start3A_738 = arith.constant 0 : i32
    %dma_start3A_739 = arith.constant 0 : i32
    %dma_start3A_740 = tpu.memref_slice %arg5[%arg0, %dma_start3A_738, %dma_start3A_739] : memref<2x10112x16xf32, #tpu.memory_space<hbm>> -> memref<1x10112x16xf32, #tpu.memory_space<hbm>>
    %dma_start3A_741 = tpu.memref_squeeze %dma_start3A_740 : memref<1x10112x16xf32, #tpu.memory_space<hbm>> -> memref<10112x16xf32, #tpu.memory_space<hbm>>
    %dma_start3A_742 = arith.constant 0 : i32
    %dma_start3A_743 = tpu.memref_slice %dma_start3A_741[%add3A_733, %dma_start3A_742] : memref<10112x16xf32, #tpu.memory_space<hbm>> -> memref<80x16xf32, #tpu.memory_space<hbm>>
    %dma_start3A_744 = tpu.memref_slice %arg13[%dma_start3A_734] : memref<8x!tpu.dma_semaphore, #tpu.memory_space<semaphore_mem>> -> memref<1x!tpu.dma_semaphore, #tpu.memory_space<semaphore_mem>>
    %dma_start3A_745 = tpu.memref_squeeze %dma_start3A_744 : memref<1x!tpu.dma_semaphore, #tpu.memory_space<semaphore_mem>> -> memref<!tpu.dma_semaphore, #tpu.memory_space<semaphore_mem>>
    %dma_start3A_746 = arith.constant 0 : i32
    %dma_start3A_747 = arith.constant 0 : i32
    %dma_start3A_748 = tpu.memref_slice %arg5[%arg0, %dma_start3A_746, %dma_start3A_747] : memref<2x10112x16xf32, #tpu.memory_space<hbm>> -> memref<1x10112x16xf32, #tpu.memory_space<hbm>>
    %dma_start3A_749 = tpu.memref_squeeze %dma_start3A_748 : memref<1x10112x16xf32, #tpu.memory_space<hbm>> -> memref<10112x16xf32, #tpu.memory_space<hbm>>
    %dma_start3A_750 = arith.constant 0 : i32
    %dma_start3A_751 = tpu.memref_slice %dma_start3A_749[%add3A_733, %dma_start3A_750] : memref<10112x16xf32, #tpu.memory_space<hbm>> -> memref<80x16xf32, #tpu.memory_space<hbm>>
    %dma_start3A_752 = arith.constant 240 : i32
    %dma_start3A_753 = arith.constant 0 : i32
    %dma_start3A_754 = tpu.memref_slice %arg9[%dma_start3A_752, %dma_start3A_753] : memref<632x16xf32, #tpu.memory_space<vmem>> -> memref<80x16xf32, #tpu.memory_space<vmem>>
    tpu.enqueue_dma source(%dma_start3A_754 : memref<80x16xf32, #tpu.memory_space<vmem>>) target(%dma_start3A_751 : memref<80x16xf32, #tpu.memory_space<hbm>>) target_semaphore(%dma_start3A_745 : memref<!tpu.dma_semaphore, #tpu.memory_space<semaphore_mem>>)
    %mul3A_755 = arith.constant 632 : i32
    %mul3A_756 = arith.muli %arg1, %mul3A_755 : i32
    %add3A_757 = arith.constant 320 : i32
    %add3A_758 = arith.addi %mul3A_756, %add3A_757 : i32
    %dma_wait3A_759 = arith.constant 4 : i32
    %dma_wait3A_760 = arith.constant 320 : i32
    %dma_wait3A_761 = arith.constant 0 : i32
    %dma_wait3A_762 = tpu.memref_slice %arg9[%dma_wait3A_760, %dma_wait3A_761] : memref<632x16xf32, #tpu.memory_space<vmem>> -> memref<80x16xf32, #tpu.memory_space<vmem>>
    %dma_wait3A_763 = arith.constant 0 : i32
    %dma_wait3A_764 = tpu.memref_slice %arg11[%add3A_758, %dma_wait3A_763] : memref<10112x16xf32, #tpu.memory_space<vmem_shared>> -> memref<80x16xf32, #tpu.memory_space<vmem_shared>>
    %dma_wait3A_765 = tpu.memref_slice %arg12[%dma_wait3A_759] : memref<8x!tpu.dma_semaphore, #tpu.memory_space<semaphore_mem>> -> memref<1x!tpu.dma_semaphore, #tpu.memory_space<semaphore_mem>>
    %dma_wait3A_766 = tpu.memref_squeeze %dma_wait3A_765 : memref<1x!tpu.dma_semaphore, #tpu.memory_space<semaphore_mem>> -> memref<!tpu.dma_semaphore, #tpu.memory_space<semaphore_mem>>
    %dma_wait3A_767 = arith.constant 320 : i32
    %dma_wait3A_768 = arith.constant 0 : i32
    %dma_wait3A_769 = tpu.memref_slice %arg9[%dma_wait3A_767, %dma_wait3A_768] : memref<632x16xf32, #tpu.memory_space<vmem>> -> memref<80x16xf32, #tpu.memory_space<vmem>>
    %dma_wait3A_770 = arith.constant 0 : i32
    %dma_wait3A_771 = tpu.memref_slice %arg11[%add3A_758, %dma_wait3A_770] : memref<10112x16xf32, #tpu.memory_space<vmem_shared>> -> memref<80x16xf32, #tpu.memory_space<vmem_shared>>
    tpu.wait_dma2 semaphore(%dma_wait3A_766 : memref<!tpu.dma_semaphore, #tpu.memory_space<semaphore_mem>>) src(%dma_wait3A_771 : memref<80x16xf32, #tpu.memory_space<vmem_shared>>) dst(%dma_wait3A_769 : memref<80x16xf32, #tpu.memory_space<vmem>>)
    %mul3A_772 = arith.constant 632 : i32
    %mul3A_773 = arith.muli %arg1, %mul3A_772 : i32
    %add3A_774 = arith.constant 320 : i32
    %add3A_775 = arith.addi %mul3A_773, %add3A_774 : i32
    %dma_start3A_776 = arith.constant 4 : i32
    %dma_start3A_777 = arith.constant 320 : i32
    %dma_start3A_778 = arith.constant 0 : i32
    %dma_start3A_779 = tpu.memref_slice %arg9[%dma_start3A_777, %dma_start3A_778] : memref<632x16xf32, #tpu.memory_space<vmem>> -> memref<80x16xf32, #tpu.memory_space<vmem>>
    %dma_start3A_780 = arith.constant 0 : i32
    %dma_start3A_781 = arith.constant 0 : i32
    %dma_start3A_782 = tpu.memref_slice %arg5[%arg0, %dma_start3A_780, %dma_start3A_781] : memref<2x10112x16xf32, #tpu.memory_space<hbm>> -> memref<1x10112x16xf32, #tpu.memory_space<hbm>>
    %dma_start3A_783 = tpu.memref_squeeze %dma_start3A_782 : memref<1x10112x16xf32, #tpu.memory_space<hbm>> -> memref<10112x16xf32, #tpu.memory_space<hbm>>
    %dma_start3A_784 = arith.constant 0 : i32
    %dma_start3A_785 = tpu.memref_slice %dma_start3A_783[%add3A_775, %dma_start3A_784] : memref<10112x16xf32, #tpu.memory_space<hbm>> -> memref<80x16xf32, #tpu.memory_space<hbm>>
    %dma_start3A_786 = tpu.memref_slice %arg13[%dma_start3A_776] : memref<8x!tpu.dma_semaphore, #tpu.memory_space<semaphore_mem>> -> memref<1x!tpu.dma_semaphore, #tpu.memory_space<semaphore_mem>>
    %dma_start3A_787 = tpu.memref_squeeze %dma_start3A_786 : memref<1x!tpu.dma_semaphore, #tpu.memory_space<semaphore_mem>> -> memref<!tpu.dma_semaphore, #tpu.memory_space<semaphore_mem>>
    %dma_start3A_788 = arith.constant 0 : i32
    %dma_start3A_789 = arith.constant 0 : i32
    %dma_start3A_790 = tpu.memref_slice %arg5[%arg0, %dma_start3A_788, %dma_start3A_789] : memref<2x10112x16xf32, #tpu.memory_space<hbm>> -> memref<1x10112x16xf32, #tpu.memory_space<hbm>>
    %dma_start3A_791 = tpu.memref_squeeze %dma_start3A_790 : memref<1x10112x16xf32, #tpu.memory_space<hbm>> -> memref<10112x16xf32, #tpu.memory_space<hbm>>
    %dma_start3A_792 = arith.constant 0 : i32
    %dma_start3A_793 = tpu.memref_slice %dma_start3A_791[%add3A_775, %dma_start3A_792] : memref<10112x16xf32, #tpu.memory_space<hbm>> -> memref<80x16xf32, #tpu.memory_space<hbm>>
    %dma_start3A_794 = arith.constant 320 : i32
    %dma_start3A_795 = arith.constant 0 : i32
    %dma_start3A_796 = tpu.memref_slice %arg9[%dma_start3A_794, %dma_start3A_795] : memref<632x16xf32, #tpu.memory_space<vmem>> -> memref<80x16xf32, #tpu.memory_space<vmem>>
    tpu.enqueue_dma source(%dma_start3A_796 : memref<80x16xf32, #tpu.memory_space<vmem>>) target(%dma_start3A_793 : memref<80x16xf32, #tpu.memory_space<hbm>>) target_semaphore(%dma_start3A_787 : memref<!tpu.dma_semaphore, #tpu.memory_space<semaphore_mem>>)
    %mul3A_797 = arith.constant 632 : i32
    %mul3A_798 = arith.muli %arg1, %mul3A_797 : i32
    %add3A_799 = arith.constant 400 : i32
    %add3A_800 = arith.addi %mul3A_798, %add3A_799 : i32
    %dma_wait3A_801 = arith.constant 5 : i32
    %dma_wait3A_802 = arith.constant 400 : i32
    %dma_wait3A_803 = arith.constant 0 : i32
    %dma_wait3A_804 = tpu.memref_slice %arg9[%dma_wait3A_802, %dma_wait3A_803] : memref<632x16xf32, #tpu.memory_space<vmem>> -> memref<80x16xf32, #tpu.memory_space<vmem>>
    %dma_wait3A_805 = arith.constant 0 : i32
    %dma_wait3A_806 = tpu.memref_slice %arg11[%add3A_800, %dma_wait3A_805] : memref<10112x16xf32, #tpu.memory_space<vmem_shared>> -> memref<80x16xf32, #tpu.memory_space<vmem_shared>>
    %dma_wait3A_807 = tpu.memref_slice %arg12[%dma_wait3A_801] : memref<8x!tpu.dma_semaphore, #tpu.memory_space<semaphore_mem>> -> memref<1x!tpu.dma_semaphore, #tpu.memory_space<semaphore_mem>>
    %dma_wait3A_808 = tpu.memref_squeeze %dma_wait3A_807 : memref<1x!tpu.dma_semaphore, #tpu.memory_space<semaphore_mem>> -> memref<!tpu.dma_semaphore, #tpu.memory_space<semaphore_mem>>
    %dma_wait3A_809 = arith.constant 400 : i32
    %dma_wait3A_810 = arith.constant 0 : i32
    %dma_wait3A_811 = tpu.memref_slice %arg9[%dma_wait3A_809, %dma_wait3A_810] : memref<632x16xf32, #tpu.memory_space<vmem>> -> memref<80x16xf32, #tpu.memory_space<vmem>>
    %dma_wait3A_812 = arith.constant 0 : i32
    %dma_wait3A_813 = tpu.memref_slice %arg11[%add3A_800, %dma_wait3A_812] : memref<10112x16xf32, #tpu.memory_space<vmem_shared>> -> memref<80x16xf32, #tpu.memory_space<vmem_shared>>
    tpu.wait_dma2 semaphore(%dma_wait3A_808 : memref<!tpu.dma_semaphore, #tpu.memory_space<semaphore_mem>>) src(%dma_wait3A_813 : memref<80x16xf32, #tpu.memory_space<vmem_shared>>) dst(%dma_wait3A_811 : memref<80x16xf32, #tpu.memory_space<vmem>>)
    %mul3A_814 = arith.constant 632 : i32
    %mul3A_815 = arith.muli %arg1, %mul3A_814 : i32
    %add3A_816 = arith.constant 400 : i32
    %add3A_817 = arith.addi %mul3A_815, %add3A_816 : i32
    %dma_start3A_818 = arith.constant 5 : i32
    %dma_start3A_819 = arith.constant 400 : i32
    %dma_start3A_820 = arith.constant 0 : i32
    %dma_start3A_821 = tpu.memref_slice %arg9[%dma_start3A_819, %dma_start3A_820] : memref<632x16xf32, #tpu.memory_space<vmem>> -> memref<80x16xf32, #tpu.memory_space<vmem>>
    %dma_start3A_822 = arith.constant 0 : i32
    %dma_start3A_823 = arith.constant 0 : i32
    %dma_start3A_824 = tpu.memref_slice %arg5[%arg0, %dma_start3A_822, %dma_start3A_823] : memref<2x10112x16xf32, #tpu.memory_space<hbm>> -> memref<1x10112x16xf32, #tpu.memory_space<hbm>>
    %dma_start3A_825 = tpu.memref_squeeze %dma_start3A_824 : memref<1x10112x16xf32, #tpu.memory_space<hbm>> -> memref<10112x16xf32, #tpu.memory_space<hbm>>
    %dma_start3A_826 = arith.constant 0 : i32
    %dma_start3A_827 = tpu.memref_slice %dma_start3A_825[%add3A_817, %dma_start3A_826] : memref<10112x16xf32, #tpu.memory_space<hbm>> -> memref<80x16xf32, #tpu.memory_space<hbm>>
    %dma_start3A_828 = tpu.memref_slice %arg13[%dma_start3A_818] : memref<8x!tpu.dma_semaphore, #tpu.memory_space<semaphore_mem>> -> memref<1x!tpu.dma_semaphore, #tpu.memory_space<semaphore_mem>>
    %dma_start3A_829 = tpu.memref_squeeze %dma_start3A_828 : memref<1x!tpu.dma_semaphore, #tpu.memory_space<semaphore_mem>> -> memref<!tpu.dma_semaphore, #tpu.memory_space<semaphore_mem>>
    %dma_start3A_830 = arith.constant 0 : i32
    %dma_start3A_831 = arith.constant 0 : i32
    %dma_start3A_832 = tpu.memref_slice %arg5[%arg0, %dma_start3A_830, %dma_start3A_831] : memref<2x10112x16xf32, #tpu.memory_space<hbm>> -> memref<1x10112x16xf32, #tpu.memory_space<hbm>>
    %dma_start3A_833 = tpu.memref_squeeze %dma_start3A_832 : memref<1x10112x16xf32, #tpu.memory_space<hbm>> -> memref<10112x16xf32, #tpu.memory_space<hbm>>
    %dma_start3A_834 = arith.constant 0 : i32
    %dma_start3A_835 = tpu.memref_slice %dma_start3A_833[%add3A_817, %dma_start3A_834] : memref<10112x16xf32, #tpu.memory_space<hbm>> -> memref<80x16xf32, #tpu.memory_space<hbm>>
    %dma_start3A_836 = arith.constant 400 : i32
    %dma_start3A_837 = arith.constant 0 : i32
    %dma_start3A_838 = tpu.memref_slice %arg9[%dma_start3A_836, %dma_start3A_837] : memref<632x16xf32, #tpu.memory_space<vmem>> -> memref<80x16xf32, #tpu.memory_space<vmem>>
    tpu.enqueue_dma source(%dma_start3A_838 : memref<80x16xf32, #tpu.memory_space<vmem>>) target(%dma_start3A_835 : memref<80x16xf32, #tpu.memory_space<hbm>>) target_semaphore(%dma_start3A_829 : memref<!tpu.dma_semaphore, #tpu.memory_space<semaphore_mem>>)
    %mul3A_839 = arith.constant 632 : i32
    %mul3A_840 = arith.muli %arg1, %mul3A_839 : i32
    %add3A_841 = arith.constant 480 : i32
    %add3A_842 = arith.addi %mul3A_840, %add3A_841 : i32
    %dma_wait3A_843 = arith.constant 6 : i32
    %dma_wait3A_844 = arith.constant 480 : i32
    %dma_wait3A_845 = arith.constant 0 : i32
    %dma_wait3A_846 = tpu.memref_slice %arg9[%dma_wait3A_844, %dma_wait3A_845] : memref<632x16xf32, #tpu.memory_space<vmem>> -> memref<80x16xf32, #tpu.memory_space<vmem>>
    %dma_wait3A_847 = arith.constant 0 : i32
    %dma_wait3A_848 = tpu.memref_slice %arg11[%add3A_842, %dma_wait3A_847] : memref<10112x16xf32, #tpu.memory_space<vmem_shared>> -> memref<80x16xf32, #tpu.memory_space<vmem_shared>>
    %dma_wait3A_849 = tpu.memref_slice %arg12[%dma_wait3A_843] : memref<8x!tpu.dma_semaphore, #tpu.memory_space<semaphore_mem>> -> memref<1x!tpu.dma_semaphore, #tpu.memory_space<semaphore_mem>>
    %dma_wait3A_850 = tpu.memref_squeeze %dma_wait3A_849 : memref<1x!tpu.dma_semaphore, #tpu.memory_space<semaphore_mem>> -> memref<!tpu.dma_semaphore, #tpu.memory_space<semaphore_mem>>
    %dma_wait3A_851 = arith.constant 480 : i32
    %dma_wait3A_852 = arith.constant 0 : i32
    %dma_wait3A_853 = tpu.memref_slice %arg9[%dma_wait3A_851, %dma_wait3A_852] : memref<632x16xf32, #tpu.memory_space<vmem>> -> memref<80x16xf32, #tpu.memory_space<vmem>>
    %dma_wait3A_854 = arith.constant 0 : i32
    %dma_wait3A_855 = tpu.memref_slice %arg11[%add3A_842, %dma_wait3A_854] : memref<10112x16xf32, #tpu.memory_space<vmem_shared>> -> memref<80x16xf32, #tpu.memory_space<vmem_shared>>
    tpu.wait_dma2 semaphore(%dma_wait3A_850 : memref<!tpu.dma_semaphore, #tpu.memory_space<semaphore_mem>>) src(%dma_wait3A_855 : memref<80x16xf32, #tpu.memory_space<vmem_shared>>) dst(%dma_wait3A_853 : memref<80x16xf32, #tpu.memory_space<vmem>>)
    %mul3A_856 = arith.constant 632 : i32
    %mul3A_857 = arith.muli %arg1, %mul3A_856 : i32
    %add3A_858 = arith.constant 480 : i32
    %add3A_859 = arith.addi %mul3A_857, %add3A_858 : i32
    %dma_start3A_860 = arith.constant 6 : i32
    %dma_start3A_861 = arith.constant 480 : i32
    %dma_start3A_862 = arith.constant 0 : i32
    %dma_start3A_863 = tpu.memref_slice %arg9[%dma_start3A_861, %dma_start3A_862] : memref<632x16xf32, #tpu.memory_space<vmem>> -> memref<80x16xf32, #tpu.memory_space<vmem>>
    %dma_start3A_864 = arith.constant 0 : i32
    %dma_start3A_865 = arith.constant 0 : i32
    %dma_start3A_866 = tpu.memref_slice %arg5[%arg0, %dma_start3A_864, %dma_start3A_865] : memref<2x10112x16xf32, #tpu.memory_space<hbm>> -> memref<1x10112x16xf32, #tpu.memory_space<hbm>>
    %dma_start3A_867 = tpu.memref_squeeze %dma_start3A_866 : memref<1x10112x16xf32, #tpu.memory_space<hbm>> -> memref<10112x16xf32, #tpu.memory_space<hbm>>
    %dma_start3A_868 = arith.constant 0 : i32
    %dma_start3A_869 = tpu.memref_slice %dma_start3A_867[%add3A_859, %dma_start3A_868] : memref<10112x16xf32, #tpu.memory_space<hbm>> -> memref<80x16xf32, #tpu.memory_space<hbm>>
    %dma_start3A_870 = tpu.memref_slice %arg13[%dma_start3A_860] : memref<8x!tpu.dma_semaphore, #tpu.memory_space<semaphore_mem>> -> memref<1x!tpu.dma_semaphore, #tpu.memory_space<semaphore_mem>>
    %dma_start3A_871 = tpu.memref_squeeze %dma_start3A_870 : memref<1x!tpu.dma_semaphore, #tpu.memory_space<semaphore_mem>> -> memref<!tpu.dma_semaphore, #tpu.memory_space<semaphore_mem>>
    %dma_start3A_872 = arith.constant 0 : i32
    %dma_start3A_873 = arith.constant 0 : i32
    %dma_start3A_874 = tpu.memref_slice %arg5[%arg0, %dma_start3A_872, %dma_start3A_873] : memref<2x10112x16xf32, #tpu.memory_space<hbm>> -> memref<1x10112x16xf32, #tpu.memory_space<hbm>>
    %dma_start3A_875 = tpu.memref_squeeze %dma_start3A_874 : memref<1x10112x16xf32, #tpu.memory_space<hbm>> -> memref<10112x16xf32, #tpu.memory_space<hbm>>
    %dma_start3A_876 = arith.constant 0 : i32
    %dma_start3A_877 = tpu.memref_slice %dma_start3A_875[%add3A_859, %dma_start3A_876] : memref<10112x16xf32, #tpu.memory_space<hbm>> -> memref<80x16xf32, #tpu.memory_space<hbm>>
    %dma_start3A_878 = arith.constant 480 : i32
    %dma_start3A_879 = arith.constant 0 : i32
    %dma_start3A_880 = tpu.memref_slice %arg9[%dma_start3A_878, %dma_start3A_879] : memref<632x16xf32, #tpu.memory_space<vmem>> -> memref<80x16xf32, #tpu.memory_space<vmem>>
    tpu.enqueue_dma source(%dma_start3A_880 : memref<80x16xf32, #tpu.memory_space<vmem>>) target(%dma_start3A_877 : memref<80x16xf32, #tpu.memory_space<hbm>>) target_semaphore(%dma_start3A_871 : memref<!tpu.dma_semaphore, #tpu.memory_space<semaphore_mem>>)
    %mul3A_881 = arith.constant 632 : i32
    %mul3A_882 = arith.muli %arg1, %mul3A_881 : i32
    %add3A_883 = arith.constant 560 : i32
    %add3A_884 = arith.addi %mul3A_882, %add3A_883 : i32
    %dma_wait3A_885 = arith.constant 7 : i32
    %dma_wait3A_886 = arith.constant 560 : i32
    %dma_wait3A_887 = arith.constant 0 : i32
    %dma_wait3A_888 = tpu.memref_slice %arg9[%dma_wait3A_886, %dma_wait3A_887] : memref<632x16xf32, #tpu.memory_space<vmem>> -> memref<72x16xf32, #tpu.memory_space<vmem>>
    %dma_wait3A_889 = arith.constant 0 : i32
    %dma_wait3A_890 = tpu.memref_slice %arg11[%add3A_884, %dma_wait3A_889] : memref<10112x16xf32, #tpu.memory_space<vmem_shared>> -> memref<72x16xf32, #tpu.memory_space<vmem_shared>>
    %dma_wait3A_891 = tpu.memref_slice %arg12[%dma_wait3A_885] : memref<8x!tpu.dma_semaphore, #tpu.memory_space<semaphore_mem>> -> memref<1x!tpu.dma_semaphore, #tpu.memory_space<semaphore_mem>>
    %dma_wait3A_892 = tpu.memref_squeeze %dma_wait3A_891 : memref<1x!tpu.dma_semaphore, #tpu.memory_space<semaphore_mem>> -> memref<!tpu.dma_semaphore, #tpu.memory_space<semaphore_mem>>
    %dma_wait3A_893 = arith.constant 560 : i32
    %dma_wait3A_894 = arith.constant 0 : i32
    %dma_wait3A_895 = tpu.memref_slice %arg9[%dma_wait3A_893, %dma_wait3A_894] : memref<632x16xf32, #tpu.memory_space<vmem>> -> memref<72x16xf32, #tpu.memory_space<vmem>>
    %dma_wait3A_896 = arith.constant 0 : i32
    %dma_wait3A_897 = tpu.memref_slice %arg11[%add3A_884, %dma_wait3A_896] : memref<10112x16xf32, #tpu.memory_space<vmem_shared>> -> memref<72x16xf32, #tpu.memory_space<vmem_shared>>
    tpu.wait_dma2 semaphore(%dma_wait3A_892 : memref<!tpu.dma_semaphore, #tpu.memory_space<semaphore_mem>>) src(%dma_wait3A_897 : memref<72x16xf32, #tpu.memory_space<vmem_shared>>) dst(%dma_wait3A_895 : memref<72x16xf32, #tpu.memory_space<vmem>>)
    %mul3A_898 = arith.constant 632 : i32
    %mul3A_899 = arith.muli %arg1, %mul3A_898 : i32
    %add3A_900 = arith.constant 560 : i32
    %add3A_901 = arith.addi %mul3A_899, %add3A_900 : i32
    %dma_start3A_902 = arith.constant 7 : i32
    %dma_start3A_903 = arith.constant 560 : i32
    %dma_start3A_904 = arith.constant 0 : i32
    %dma_start3A_905 = tpu.memref_slice %arg9[%dma_start3A_903, %dma_start3A_904] : memref<632x16xf32, #tpu.memory_space<vmem>> -> memref<72x16xf32, #tpu.memory_space<vmem>>
    %dma_start3A_906 = arith.constant 0 : i32
    %dma_start3A_907 = arith.constant 0 : i32
    %dma_start3A_908 = tpu.memref_slice %arg5[%arg0, %dma_start3A_906, %dma_start3A_907] : memref<2x10112x16xf32, #tpu.memory_space<hbm>> -> memref<1x10112x16xf32, #tpu.memory_space<hbm>>
    %dma_start3A_909 = tpu.memref_squeeze %dma_start3A_908 : memref<1x10112x16xf32, #tpu.memory_space<hbm>> -> memref<10112x16xf32, #tpu.memory_space<hbm>>
    %dma_start3A_910 = arith.constant 0 : i32
    %dma_start3A_911 = tpu.memref_slice %dma_start3A_909[%add3A_901, %dma_start3A_910] : memref<10112x16xf32, #tpu.memory_space<hbm>> -> memref<72x16xf32, #tpu.memory_space<hbm>>
    %dma_start3A_912 = tpu.memref_slice %arg13[%dma_start3A_902] : memref<8x!tpu.dma_semaphore, #tpu.memory_space<semaphore_mem>> -> memref<1x!tpu.dma_semaphore, #tpu.memory_space<semaphore_mem>>
    %dma_start3A_913 = tpu.memref_squeeze %dma_start3A_912 : memref<1x!tpu.dma_semaphore, #tpu.memory_space<semaphore_mem>> -> memref<!tpu.dma_semaphore, #tpu.memory_space<semaphore_mem>>
    %dma_start3A_914 = arith.constant 0 : i32
    %dma_start3A_915 = arith.constant 0 : i32
    %dma_start3A_916 = tpu.memref_slice %arg5[%arg0, %dma_start3A_914, %dma_start3A_915] : memref<2x10112x16xf32, #tpu.memory_space<hbm>> -> memref<1x10112x16xf32, #tpu.memory_space<hbm>>
    %dma_start3A_917 = tpu.memref_squeeze %dma_start3A_916 : memref<1x10112x16xf32, #tpu.memory_space<hbm>> -> memref<10112x16xf32, #tpu.memory_space<hbm>>
    %dma_start3A_918 = arith.constant 0 : i32
    %dma_start3A_919 = tpu.memref_slice %dma_start3A_917[%add3A_901, %dma_start3A_918] : memref<10112x16xf32, #tpu.memory_space<hbm>> -> memref<72x16xf32, #tpu.memory_space<hbm>>
    %dma_start3A_920 = arith.constant 560 : i32
    %dma_start3A_921 = arith.constant 0 : i32
    %dma_start3A_922 = tpu.memref_slice %arg9[%dma_start3A_920, %dma_start3A_921] : memref<632x16xf32, #tpu.memory_space<vmem>> -> memref<72x16xf32, #tpu.memory_space<vmem>>
    tpu.enqueue_dma source(%dma_start3A_922 : memref<72x16xf32, #tpu.memory_space<vmem>>) target(%dma_start3A_919 : memref<72x16xf32, #tpu.memory_space<hbm>>) target_semaphore(%dma_start3A_913 : memref<!tpu.dma_semaphore, #tpu.memory_space<semaphore_mem>>)
    %mul3A_923 = arith.constant 632 : i32
    %mul3A_924 = arith.muli %arg1, %mul3A_923 : i32
    %add3A_925 = arith.constant 0 : i32
    %add3A_926 = arith.addi %mul3A_924, %add3A_925 : i32
    %dma_wait3A_927 = arith.constant 0 : i32
    %dma_wait3A_928 = arith.constant 0 : i32
    %dma_wait3A_929 = arith.constant 0 : i32
    %dma_wait3A_930 = tpu.memref_slice %arg9[%dma_wait3A_928, %dma_wait3A_929] : memref<632x16xf32, #tpu.memory_space<vmem>> -> memref<80x16xf32, #tpu.memory_space<vmem>>
    %dma_wait3A_931 = arith.constant 0 : i32
    %dma_wait3A_932 = arith.constant 0 : i32
    %dma_wait3A_933 = tpu.memref_slice %arg5[%arg0, %dma_wait3A_931, %dma_wait3A_932] : memref<2x10112x16xf32, #tpu.memory_space<hbm>> -> memref<1x10112x16xf32, #tpu.memory_space<hbm>>
    %dma_wait3A_934 = tpu.memref_squeeze %dma_wait3A_933 : memref<1x10112x16xf32, #tpu.memory_space<hbm>> -> memref<10112x16xf32, #tpu.memory_space<hbm>>
    %dma_wait3A_935 = arith.constant 0 : i32
    %dma_wait3A_936 = tpu.memref_slice %dma_wait3A_934[%add3A_926, %dma_wait3A_935] : memref<10112x16xf32, #tpu.memory_space<hbm>> -> memref<80x16xf32, #tpu.memory_space<hbm>>
    %dma_wait3A_937 = tpu.memref_slice %arg13[%dma_wait3A_927] : memref<8x!tpu.dma_semaphore, #tpu.memory_space<semaphore_mem>> -> memref<1x!tpu.dma_semaphore, #tpu.memory_space<semaphore_mem>>
    %dma_wait3A_938 = tpu.memref_squeeze %dma_wait3A_937 : memref<1x!tpu.dma_semaphore, #tpu.memory_space<semaphore_mem>> -> memref<!tpu.dma_semaphore, #tpu.memory_space<semaphore_mem>>
    %dma_wait3A_939 = arith.constant 0 : i32
    %dma_wait3A_940 = arith.constant 0 : i32
    %dma_wait3A_941 = tpu.memref_slice %arg5[%arg0, %dma_wait3A_939, %dma_wait3A_940] : memref<2x10112x16xf32, #tpu.memory_space<hbm>> -> memref<1x10112x16xf32, #tpu.memory_space<hbm>>
    %dma_wait3A_942 = tpu.memref_squeeze %dma_wait3A_941 : memref<1x10112x16xf32, #tpu.memory_space<hbm>> -> memref<10112x16xf32, #tpu.memory_space<hbm>>
    %dma_wait3A_943 = arith.constant 0 : i32
    %dma_wait3A_944 = tpu.memref_slice %dma_wait3A_942[%add3A_926, %dma_wait3A_943] : memref<10112x16xf32, #tpu.memory_space<hbm>> -> memref<80x16xf32, #tpu.memory_space<hbm>>
    %dma_wait3A_945 = arith.constant 0 : i32
    %dma_wait3A_946 = arith.constant 0 : i32
    %dma_wait3A_947 = tpu.memref_slice %arg9[%dma_wait3A_945, %dma_wait3A_946] : memref<632x16xf32, #tpu.memory_space<vmem>> -> memref<80x16xf32, #tpu.memory_space<vmem>>
    tpu.wait_dma2 semaphore(%dma_wait3A_938 : memref<!tpu.dma_semaphore, #tpu.memory_space<semaphore_mem>>) src(%dma_wait3A_947 : memref<80x16xf32, #tpu.memory_space<vmem>>) dst(%dma_wait3A_944 : memref<80x16xf32, #tpu.memory_space<hbm>>)
    %mul3A_948 = arith.constant 632 : i32
    %mul3A_949 = arith.muli %arg1, %mul3A_948 : i32
    %add3A_950 = arith.constant 80 : i32
    %add3A_951 = arith.addi %mul3A_949, %add3A_950 : i32
    %dma_wait3A_952 = arith.constant 1 : i32
    %dma_wait3A_953 = arith.constant 80 : i32
    %dma_wait3A_954 = arith.constant 0 : i32
    %dma_wait3A_955 = tpu.memref_slice %arg9[%dma_wait3A_953, %dma_wait3A_954] : memref<632x16xf32, #tpu.memory_space<vmem>> -> memref<80x16xf32, #tpu.memory_space<vmem>>
    %dma_wait3A_956 = arith.constant 0 : i32
    %dma_wait3A_957 = arith.constant 0 : i32
    %dma_wait3A_958 = tpu.memref_slice %arg5[%arg0, %dma_wait3A_956, %dma_wait3A_957] : memref<2x10112x16xf32, #tpu.memory_space<hbm>> -> memref<1x10112x16xf32, #tpu.memory_space<hbm>>
    %dma_wait3A_959 = tpu.memref_squeeze %dma_wait3A_958 : memref<1x10112x16xf32, #tpu.memory_space<hbm>> -> memref<10112x16xf32, #tpu.memory_space<hbm>>
    %dma_wait3A_960 = arith.constant 0 : i32
    %dma_wait3A_961 = tpu.memref_slice %dma_wait3A_959[%add3A_951, %dma_wait3A_960] : memref<10112x16xf32, #tpu.memory_space<hbm>> -> memref<80x16xf32, #tpu.memory_space<hbm>>
    %dma_wait3A_962 = tpu.memref_slice %arg13[%dma_wait3A_952] : memref<8x!tpu.dma_semaphore, #tpu.memory_space<semaphore_mem>> -> memref<1x!tpu.dma_semaphore, #tpu.memory_space<semaphore_mem>>
    %dma_wait3A_963 = tpu.memref_squeeze %dma_wait3A_962 : memref<1x!tpu.dma_semaphore, #tpu.memory_space<semaphore_mem>> -> memref<!tpu.dma_semaphore, #tpu.memory_space<semaphore_mem>>
    %dma_wait3A_964 = arith.constant 0 : i32
    %dma_wait3A_965 = arith.constant 0 : i32
    %dma_wait3A_966 = tpu.memref_slice %arg5[%arg0, %dma_wait3A_964, %dma_wait3A_965] : memref<2x10112x16xf32, #tpu.memory_space<hbm>> -> memref<1x10112x16xf32, #tpu.memory_space<hbm>>
    %dma_wait3A_967 = tpu.memref_squeeze %dma_wait3A_966 : memref<1x10112x16xf32, #tpu.memory_space<hbm>> -> memref<10112x16xf32, #tpu.memory_space<hbm>>
    %dma_wait3A_968 = arith.constant 0 : i32
    %dma_wait3A_969 = tpu.memref_slice %dma_wait3A_967[%add3A_951, %dma_wait3A_968] : memref<10112x16xf32, #tpu.memory_space<hbm>> -> memref<80x16xf32, #tpu.memory_space<hbm>>
    %dma_wait3A_970 = arith.constant 80 : i32
    %dma_wait3A_971 = arith.constant 0 : i32
    %dma_wait3A_972 = tpu.memref_slice %arg9[%dma_wait3A_970, %dma_wait3A_971] : memref<632x16xf32, #tpu.memory_space<vmem>> -> memref<80x16xf32, #tpu.memory_space<vmem>>
    tpu.wait_dma2 semaphore(%dma_wait3A_963 : memref<!tpu.dma_semaphore, #tpu.memory_space<semaphore_mem>>) src(%dma_wait3A_972 : memref<80x16xf32, #tpu.memory_space<vmem>>) dst(%dma_wait3A_969 : memref<80x16xf32, #tpu.memory_space<hbm>>)
    %mul3A_973 = arith.constant 632 : i32
    %mul3A_974 = arith.muli %arg1, %mul3A_973 : i32
    %add3A_975 = arith.constant 160 : i32
    %add3A_976 = arith.addi %mul3A_974, %add3A_975 : i32
    %dma_wait3A_977 = arith.constant 2 : i32
    %dma_wait3A_978 = arith.constant 160 : i32
    %dma_wait3A_979 = arith.constant 0 : i32
    %dma_wait3A_980 = tpu.memref_slice %arg9[%dma_wait3A_978, %dma_wait3A_979] : memref<632x16xf32, #tpu.memory_space<vmem>> -> memref<80x16xf32, #tpu.memory_space<vmem>>
    %dma_wait3A_981 = arith.constant 0 : i32
    %dma_wait3A_982 = arith.constant 0 : i32
    %dma_wait3A_983 = tpu.memref_slice %arg5[%arg0, %dma_wait3A_981, %dma_wait3A_982] : memref<2x10112x16xf32, #tpu.memory_space<hbm>> -> memref<1x10112x16xf32, #tpu.memory_space<hbm>>
    %dma_wait3A_984 = tpu.memref_squeeze %dma_wait3A_983 : memref<1x10112x16xf32, #tpu.memory_space<hbm>> -> memref<10112x16xf32, #tpu.memory_space<hbm>>
    %dma_wait3A_985 = arith.constant 0 : i32
    %dma_wait3A_986 = tpu.memref_slice %dma_wait3A_984[%add3A_976, %dma_wait3A_985] : memref<10112x16xf32, #tpu.memory_space<hbm>> -> memref<80x16xf32, #tpu.memory_space<hbm>>
    %dma_wait3A_987 = tpu.memref_slice %arg13[%dma_wait3A_977] : memref<8x!tpu.dma_semaphore, #tpu.memory_space<semaphore_mem>> -> memref<1x!tpu.dma_semaphore, #tpu.memory_space<semaphore_mem>>
    %dma_wait3A_988 = tpu.memref_squeeze %dma_wait3A_987 : memref<1x!tpu.dma_semaphore, #tpu.memory_space<semaphore_mem>> -> memref<!tpu.dma_semaphore, #tpu.memory_space<semaphore_mem>>
    %dma_wait3A_989 = arith.constant 0 : i32
    %dma_wait3A_990 = arith.constant 0 : i32
    %dma_wait3A_991 = tpu.memref_slice %arg5[%arg0, %dma_wait3A_989, %dma_wait3A_990] : memref<2x10112x16xf32, #tpu.memory_space<hbm>> -> memref<1x10112x16xf32, #tpu.memory_space<hbm>>
    %dma_wait3A_992 = tpu.memref_squeeze %dma_wait3A_991 : memref<1x10112x16xf32, #tpu.memory_space<hbm>> -> memref<10112x16xf32, #tpu.memory_space<hbm>>
    %dma_wait3A_993 = arith.constant 0 : i32
    %dma_wait3A_994 = tpu.memref_slice %dma_wait3A_992[%add3A_976, %dma_wait3A_993] : memref<10112x16xf32, #tpu.memory_space<hbm>> -> memref<80x16xf32, #tpu.memory_space<hbm>>
    %dma_wait3A_995 = arith.constant 160 : i32
    %dma_wait3A_996 = arith.constant 0 : i32
    %dma_wait3A_997 = tpu.memref_slice %arg9[%dma_wait3A_995, %dma_wait3A_996] : memref<632x16xf32, #tpu.memory_space<vmem>> -> memref<80x16xf32, #tpu.memory_space<vmem>>
    tpu.wait_dma2 semaphore(%dma_wait3A_988 : memref<!tpu.dma_semaphore, #tpu.memory_space<semaphore_mem>>) src(%dma_wait3A_997 : memref<80x16xf32, #tpu.memory_space<vmem>>) dst(%dma_wait3A_994 : memref<80x16xf32, #tpu.memory_space<hbm>>)
    %mul3A_998 = arith.constant 632 : i32
    %mul3A_999 = arith.muli %arg1, %mul3A_998 : i32
    %add3A_1000 = arith.constant 240 : i32
    %add3A_1001 = arith.addi %mul3A_999, %add3A_1000 : i32
    %dma_wait3A_1002 = arith.constant 3 : i32
    %dma_wait3A_1003 = arith.constant 240 : i32
    %dma_wait3A_1004 = arith.constant 0 : i32
    %dma_wait3A_1005 = tpu.memref_slice %arg9[%dma_wait3A_1003, %dma_wait3A_1004] : memref<632x16xf32, #tpu.memory_space<vmem>> -> memref<80x16xf32, #tpu.memory_space<vmem>>
    %dma_wait3A_1006 = arith.constant 0 : i32
    %dma_wait3A_1007 = arith.constant 0 : i32
    %dma_wait3A_1008 = tpu.memref_slice %arg5[%arg0, %dma_wait3A_1006, %dma_wait3A_1007] : memref<2x10112x16xf32, #tpu.memory_space<hbm>> -> memref<1x10112x16xf32, #tpu.memory_space<hbm>>
    %dma_wait3A_1009 = tpu.memref_squeeze %dma_wait3A_1008 : memref<1x10112x16xf32, #tpu.memory_space<hbm>> -> memref<10112x16xf32, #tpu.memory_space<hbm>>
    %dma_wait3A_1010 = arith.constant 0 : i32
    %dma_wait3A_1011 = tpu.memref_slice %dma_wait3A_1009[%add3A_1001, %dma_wait3A_1010] : memref<10112x16xf32, #tpu.memory_space<hbm>> -> memref<80x16xf32, #tpu.memory_space<hbm>>
    %dma_wait3A_1012 = tpu.memref_slice %arg13[%dma_wait3A_1002] : memref<8x!tpu.dma_semaphore, #tpu.memory_space<semaphore_mem>> -> memref<1x!tpu.dma_semaphore, #tpu.memory_space<semaphore_mem>>
    %dma_wait3A_1013 = tpu.memref_squeeze %dma_wait3A_1012 : memref<1x!tpu.dma_semaphore, #tpu.memory_space<semaphore_mem>> -> memref<!tpu.dma_semaphore, #tpu.memory_space<semaphore_mem>>
    %dma_wait3A_1014 = arith.constant 0 : i32
    %dma_wait3A_1015 = arith.constant 0 : i32
    %dma_wait3A_1016 = tpu.memref_slice %arg5[%arg0, %dma_wait3A_1014, %dma_wait3A_1015] : memref<2x10112x16xf32, #tpu.memory_space<hbm>> -> memref<1x10112x16xf32, #tpu.memory_space<hbm>>
    %dma_wait3A_1017 = tpu.memref_squeeze %dma_wait3A_1016 : memref<1x10112x16xf32, #tpu.memory_space<hbm>> -> memref<10112x16xf32, #tpu.memory_space<hbm>>
    %dma_wait3A_1018 = arith.constant 0 : i32
    %dma_wait3A_1019 = tpu.memref_slice %dma_wait3A_1017[%add3A_1001, %dma_wait3A_1018] : memref<10112x16xf32, #tpu.memory_space<hbm>> -> memref<80x16xf32, #tpu.memory_space<hbm>>
    %dma_wait3A_1020 = arith.constant 240 : i32
    %dma_wait3A_1021 = arith.constant 0 : i32
    %dma_wait3A_1022 = tpu.memref_slice %arg9[%dma_wait3A_1020, %dma_wait3A_1021] : memref<632x16xf32, #tpu.memory_space<vmem>> -> memref<80x16xf32, #tpu.memory_space<vmem>>
    tpu.wait_dma2 semaphore(%dma_wait3A_1013 : memref<!tpu.dma_semaphore, #tpu.memory_space<semaphore_mem>>) src(%dma_wait3A_1022 : memref<80x16xf32, #tpu.memory_space<vmem>>) dst(%dma_wait3A_1019 : memref<80x16xf32, #tpu.memory_space<hbm>>)
    %mul3A_1023 = arith.constant 632 : i32
    %mul3A_1024 = arith.muli %arg1, %mul3A_1023 : i32
    %add3A_1025 = arith.constant 320 : i32
    %add3A_1026 = arith.addi %mul3A_1024, %add3A_1025 : i32
    %dma_wait3A_1027 = arith.constant 4 : i32
    %dma_wait3A_1028 = arith.constant 320 : i32
    %dma_wait3A_1029 = arith.constant 0 : i32
    %dma_wait3A_1030 = tpu.memref_slice %arg9[%dma_wait3A_1028, %dma_wait3A_1029] : memref<632x16xf32, #tpu.memory_space<vmem>> -> memref<80x16xf32, #tpu.memory_space<vmem>>
    %dma_wait3A_1031 = arith.constant 0 : i32
    %dma_wait3A_1032 = arith.constant 0 : i32
    %dma_wait3A_1033 = tpu.memref_slice %arg5[%arg0, %dma_wait3A_1031, %dma_wait3A_1032] : memref<2x10112x16xf32, #tpu.memory_space<hbm>> -> memref<1x10112x16xf32, #tpu.memory_space<hbm>>
    %dma_wait3A_1034 = tpu.memref_squeeze %dma_wait3A_1033 : memref<1x10112x16xf32, #tpu.memory_space<hbm>> -> memref<10112x16xf32, #tpu.memory_space<hbm>>
    %dma_wait3A_1035 = arith.constant 0 : i32
    %dma_wait3A_1036 = tpu.memref_slice %dma_wait3A_1034[%add3A_1026, %dma_wait3A_1035] : memref<10112x16xf32, #tpu.memory_space<hbm>> -> memref<80x16xf32, #tpu.memory_space<hbm>>
    %dma_wait3A_1037 = tpu.memref_slice %arg13[%dma_wait3A_1027] : memref<8x!tpu.dma_semaphore, #tpu.memory_space<semaphore_mem>> -> memref<1x!tpu.dma_semaphore, #tpu.memory_space<semaphore_mem>>
    %dma_wait3A_1038 = tpu.memref_squeeze %dma_wait3A_1037 : memref<1x!tpu.dma_semaphore, #tpu.memory_space<semaphore_mem>> -> memref<!tpu.dma_semaphore, #tpu.memory_space<semaphore_mem>>
    %dma_wait3A_1039 = arith.constant 0 : i32
    %dma_wait3A_1040 = arith.constant 0 : i32
    %dma_wait3A_1041 = tpu.memref_slice %arg5[%arg0, %dma_wait3A_1039, %dma_wait3A_1040] : memref<2x10112x16xf32, #tpu.memory_space<hbm>> -> memref<1x10112x16xf32, #tpu.memory_space<hbm>>
    %dma_wait3A_1042 = tpu.memref_squeeze %dma_wait3A_1041 : memref<1x10112x16xf32, #tpu.memory_space<hbm>> -> memref<10112x16xf32, #tpu.memory_space<hbm>>
    %dma_wait3A_1043 = arith.constant 0 : i32
    %dma_wait3A_1044 = tpu.memref_slice %dma_wait3A_1042[%add3A_1026, %dma_wait3A_1043] : memref<10112x16xf32, #tpu.memory_space<hbm>> -> memref<80x16xf32, #tpu.memory_space<hbm>>
    %dma_wait3A_1045 = arith.constant 320 : i32
    %dma_wait3A_1046 = arith.constant 0 : i32
    %dma_wait3A_1047 = tpu.memref_slice %arg9[%dma_wait3A_1045, %dma_wait3A_1046] : memref<632x16xf32, #tpu.memory_space<vmem>> -> memref<80x16xf32, #tpu.memory_space<vmem>>
    tpu.wait_dma2 semaphore(%dma_wait3A_1038 : memref<!tpu.dma_semaphore, #tpu.memory_space<semaphore_mem>>) src(%dma_wait3A_1047 : memref<80x16xf32, #tpu.memory_space<vmem>>) dst(%dma_wait3A_1044 : memref<80x16xf32, #tpu.memory_space<hbm>>)
    %mul3A_1048 = arith.constant 632 : i32
    %mul3A_1049 = arith.muli %arg1, %mul3A_1048 : i32
    %add3A_1050 = arith.constant 400 : i32
    %add3A_1051 = arith.addi %mul3A_1049, %add3A_1050 : i32
    %dma_wait3A_1052 = arith.constant 5 : i32
    %dma_wait3A_1053 = arith.constant 400 : i32
    %dma_wait3A_1054 = arith.constant 0 : i32
    %dma_wait3A_1055 = tpu.memref_slice %arg9[%dma_wait3A_1053, %dma_wait3A_1054] : memref<632x16xf32, #tpu.memory_space<vmem>> -> memref<80x16xf32, #tpu.memory_space<vmem>>
    %dma_wait3A_1056 = arith.constant 0 : i32
    %dma_wait3A_1057 = arith.constant 0 : i32
    %dma_wait3A_1058 = tpu.memref_slice %arg5[%arg0, %dma_wait3A_1056, %dma_wait3A_1057] : memref<2x10112x16xf32, #tpu.memory_space<hbm>> -> memref<1x10112x16xf32, #tpu.memory_space<hbm>>
    %dma_wait3A_1059 = tpu.memref_squeeze %dma_wait3A_1058 : memref<1x10112x16xf32, #tpu.memory_space<hbm>> -> memref<10112x16xf32, #tpu.memory_space<hbm>>
    %dma_wait3A_1060 = arith.constant 0 : i32
    %dma_wait3A_1061 = tpu.memref_slice %dma_wait3A_1059[%add3A_1051, %dma_wait3A_1060] : memref<10112x16xf32, #tpu.memory_space<hbm>> -> memref<80x16xf32, #tpu.memory_space<hbm>>
    %dma_wait3A_1062 = tpu.memref_slice %arg13[%dma_wait3A_1052] : memref<8x!tpu.dma_semaphore, #tpu.memory_space<semaphore_mem>> -> memref<1x!tpu.dma_semaphore, #tpu.memory_space<semaphore_mem>>
    %dma_wait3A_1063 = tpu.memref_squeeze %dma_wait3A_1062 : memref<1x!tpu.dma_semaphore, #tpu.memory_space<semaphore_mem>> -> memref<!tpu.dma_semaphore, #tpu.memory_space<semaphore_mem>>
    %dma_wait3A_1064 = arith.constant 0 : i32
    %dma_wait3A_1065 = arith.constant 0 : i32
    %dma_wait3A_1066 = tpu.memref_slice %arg5[%arg0, %dma_wait3A_1064, %dma_wait3A_1065] : memref<2x10112x16xf32, #tpu.memory_space<hbm>> -> memref<1x10112x16xf32, #tpu.memory_space<hbm>>
    %dma_wait3A_1067 = tpu.memref_squeeze %dma_wait3A_1066 : memref<1x10112x16xf32, #tpu.memory_space<hbm>> -> memref<10112x16xf32, #tpu.memory_space<hbm>>
    %dma_wait3A_1068 = arith.constant 0 : i32
    %dma_wait3A_1069 = tpu.memref_slice %dma_wait3A_1067[%add3A_1051, %dma_wait3A_1068] : memref<10112x16xf32, #tpu.memory_space<hbm>> -> memref<80x16xf32, #tpu.memory_space<hbm>>
    %dma_wait3A_1070 = arith.constant 400 : i32
    %dma_wait3A_1071 = arith.constant 0 : i32
    %dma_wait3A_1072 = tpu.memref_slice %arg9[%dma_wait3A_1070, %dma_wait3A_1071] : memref<632x16xf32, #tpu.memory_space<vmem>> -> memref<80x16xf32, #tpu.memory_space<vmem>>
    tpu.wait_dma2 semaphore(%dma_wait3A_1063 : memref<!tpu.dma_semaphore, #tpu.memory_space<semaphore_mem>>) src(%dma_wait3A_1072 : memref<80x16xf32, #tpu.memory_space<vmem>>) dst(%dma_wait3A_1069 : memref<80x16xf32, #tpu.memory_space<hbm>>)
    %mul3A_1073 = arith.constant 632 : i32
    %mul3A_1074 = arith.muli %arg1, %mul3A_1073 : i32
    %add3A_1075 = arith.constant 480 : i32
    %add3A_1076 = arith.addi %mul3A_1074, %add3A_1075 : i32
    %dma_wait3A_1077 = arith.constant 6 : i32
    %dma_wait3A_1078 = arith.constant 480 : i32
    %dma_wait3A_1079 = arith.constant 0 : i32
    %dma_wait3A_1080 = tpu.memref_slice %arg9[%dma_wait3A_1078, %dma_wait3A_1079] : memref<632x16xf32, #tpu.memory_space<vmem>> -> memref<80x16xf32, #tpu.memory_space<vmem>>
    %dma_wait3A_1081 = arith.constant 0 : i32
    %dma_wait3A_1082 = arith.constant 0 : i32
    %dma_wait3A_1083 = tpu.memref_slice %arg5[%arg0, %dma_wait3A_1081, %dma_wait3A_1082] : memref<2x10112x16xf32, #tpu.memory_space<hbm>> -> memref<1x10112x16xf32, #tpu.memory_space<hbm>>
    %dma_wait3A_1084 = tpu.memref_squeeze %dma_wait3A_1083 : memref<1x10112x16xf32, #tpu.memory_space<hbm>> -> memref<10112x16xf32, #tpu.memory_space<hbm>>
    %dma_wait3A_1085 = arith.constant 0 : i32
    %dma_wait3A_1086 = tpu.memref_slice %dma_wait3A_1084[%add3A_1076, %dma_wait3A_1085] : memref<10112x16xf32, #tpu.memory_space<hbm>> -> memref<80x16xf32, #tpu.memory_space<hbm>>
    %dma_wait3A_1087 = tpu.memref_slice %arg13[%dma_wait3A_1077] : memref<8x!tpu.dma_semaphore, #tpu.memory_space<semaphore_mem>> -> memref<1x!tpu.dma_semaphore, #tpu.memory_space<semaphore_mem>>
    %dma_wait3A_1088 = tpu.memref_squeeze %dma_wait3A_1087 : memref<1x!tpu.dma_semaphore, #tpu.memory_space<semaphore_mem>> -> memref<!tpu.dma_semaphore, #tpu.memory_space<semaphore_mem>>
    %dma_wait3A_1089 = arith.constant 0 : i32
    %dma_wait3A_1090 = arith.constant 0 : i32
    %dma_wait3A_1091 = tpu.memref_slice %arg5[%arg0, %dma_wait3A_1089, %dma_wait3A_1090] : memref<2x10112x16xf32, #tpu.memory_space<hbm>> -> memref<1x10112x16xf32, #tpu.memory_space<hbm>>
    %dma_wait3A_1092 = tpu.memref_squeeze %dma_wait3A_1091 : memref<1x10112x16xf32, #tpu.memory_space<hbm>> -> memref<10112x16xf32, #tpu.memory_space<hbm>>
    %dma_wait3A_1093 = arith.constant 0 : i32
    %dma_wait3A_1094 = tpu.memref_slice %dma_wait3A_1092[%add3A_1076, %dma_wait3A_1093] : memref<10112x16xf32, #tpu.memory_space<hbm>> -> memref<80x16xf32, #tpu.memory_space<hbm>>
    %dma_wait3A_1095 = arith.constant 480 : i32
    %dma_wait3A_1096 = arith.constant 0 : i32
    %dma_wait3A_1097 = tpu.memref_slice %arg9[%dma_wait3A_1095, %dma_wait3A_1096] : memref<632x16xf32, #tpu.memory_space<vmem>> -> memref<80x16xf32, #tpu.memory_space<vmem>>
    tpu.wait_dma2 semaphore(%dma_wait3A_1088 : memref<!tpu.dma_semaphore, #tpu.memory_space<semaphore_mem>>) src(%dma_wait3A_1097 : memref<80x16xf32, #tpu.memory_space<vmem>>) dst(%dma_wait3A_1094 : memref<80x16xf32, #tpu.memory_space<hbm>>)
    %mul3A_1098 = arith.constant 632 : i32
    %mul3A_1099 = arith.muli %arg1, %mul3A_1098 : i32
    %add3A_1100 = arith.constant 560 : i32
    %add3A_1101 = arith.addi %mul3A_1099, %add3A_1100 : i32
    %dma_wait3A_1102 = arith.constant 7 : i32
    %dma_wait3A_1103 = arith.constant 560 : i32
    %dma_wait3A_1104 = arith.constant 0 : i32
    %dma_wait3A_1105 = tpu.memref_slice %arg9[%dma_wait3A_1103, %dma_wait3A_1104] : memref<632x16xf32, #tpu.memory_space<vmem>> -> memref<72x16xf32, #tpu.memory_space<vmem>>
    %dma_wait3A_1106 = arith.constant 0 : i32
    %dma_wait3A_1107 = arith.constant 0 : i32
    %dma_wait3A_1108 = tpu.memref_slice %arg5[%arg0, %dma_wait3A_1106, %dma_wait3A_1107] : memref<2x10112x16xf32, #tpu.memory_space<hbm>> -> memref<1x10112x16xf32, #tpu.memory_space<hbm>>
    %dma_wait3A_1109 = tpu.memref_squeeze %dma_wait3A_1108 : memref<1x10112x16xf32, #tpu.memory_space<hbm>> -> memref<10112x16xf32, #tpu.memory_space<hbm>>
    %dma_wait3A_1110 = arith.constant 0 : i32
    %dma_wait3A_1111 = tpu.memref_slice %dma_wait3A_1109[%add3A_1101, %dma_wait3A_1110] : memref<10112x16xf32, #tpu.memory_space<hbm>> -> memref<72x16xf32, #tpu.memory_space<hbm>>
    %dma_wait3A_1112 = tpu.memref_slice %arg13[%dma_wait3A_1102] : memref<8x!tpu.dma_semaphore, #tpu.memory_space<semaphore_mem>> -> memref<1x!tpu.dma_semaphore, #tpu.memory_space<semaphore_mem>>
    %dma_wait3A_1113 = tpu.memref_squeeze %dma_wait3A_1112 : memref<1x!tpu.dma_semaphore, #tpu.memory_space<semaphore_mem>> -> memref<!tpu.dma_semaphore, #tpu.memory_space<semaphore_mem>>
    %dma_wait3A_1114 = arith.constant 0 : i32
    %dma_wait3A_1115 = arith.constant 0 : i32
    %dma_wait3A_1116 = tpu.memref_slice %arg5[%arg0, %dma_wait3A_1114, %dma_wait3A_1115] : memref<2x10112x16xf32, #tpu.memory_space<hbm>> -> memref<1x10112x16xf32, #tpu.memory_space<hbm>>
    %dma_wait3A_1117 = tpu.memref_squeeze %dma_wait3A_1116 : memref<1x10112x16xf32, #tpu.memory_space<hbm>> -> memref<10112x16xf32, #tpu.memory_space<hbm>>
    %dma_wait3A_1118 = arith.constant 0 : i32
    %dma_wait3A_1119 = tpu.memref_slice %dma_wait3A_1117[%add3A_1101, %dma_wait3A_1118] : memref<10112x16xf32, #tpu.memory_space<hbm>> -> memref<72x16xf32, #tpu.memory_space<hbm>>
    %dma_wait3A_1120 = arith.constant 560 : i32
    %dma_wait3A_1121 = arith.constant 0 : i32
    %dma_wait3A_1122 = tpu.memref_slice %arg9[%dma_wait3A_1120, %dma_wait3A_1121] : memref<632x16xf32, #tpu.memory_space<vmem>> -> memref<72x16xf32, #tpu.memory_space<vmem>>
    tpu.wait_dma2 semaphore(%dma_wait3A_1113 : memref<!tpu.dma_semaphore, #tpu.memory_space<semaphore_mem>>) src(%dma_wait3A_1122 : memref<72x16xf32, #tpu.memory_space<vmem>>) dst(%dma_wait3A_1119 : memref<72x16xf32, #tpu.memory_space<hbm>>)
    return
  }
}

module attributes {stable_mosaic.version = 14 : i64} {
  func.func @_tc1_body(%arg0: memref<10000x128xf32, #tpu.memory_space<vmem>>, %arg1: memref<8x128xf32, #tpu.memory_space<vmem>>, %arg2: memref<8x128xf32, #tpu.memory_space<vmem>>, %arg3: memref<10112x16xf32, #tpu.memory_space<vmem>>, %arg4: memref<10000x8xf32, #tpu.memory_space<vmem>>) attributes {dimension_semantics = [], scalar_prefetch = 0 : i64, scratch_operands = 0 : i64, tpu.core_type = #tpu.core_type<tc>} {
    %get3A = arith.constant 0 : index
    %get3A_0 = arith.constant 0 : index
    %get3A_1 = vector.load %arg0[%get3A, %get3A_0] : memref<10000x128xf32, #tpu.memory_space<vmem>>, vector<10000x128xf32>
    %get3A_2 = arith.constant 0 : index
    %get3A_3 = arith.constant 0 : index
    %get3A_4 = vector.load %arg1[%get3A_2, %get3A_3] : memref<8x128xf32, #tpu.memory_space<vmem>>, vector<8x128xf32>
    %dot_general3A = arith.constant dense<0.000000e+00> : vector<10000x8xf32>
    %dot_general3A_5 = tpu.matmul %get3A_1, %get3A_4, %dot_general3A {dimension_numbers = #tpu.dot_dimension_numbers<[1], [1], [0], [0], [0, 0, 1, 0], [], []>, transpose_lhs_hint = false} : vector<10000x128xf32>, vector<8x128xf32>, vector<10000x8xf32> -> vector<10000x8xf32>
    %get3A_6 = arith.constant 0 : index
    %get3A_7 = arith.constant 0 : index
    %get3A_8 = vector.load %arg2[%get3A_6, %get3A_7] : memref<8x128xf32, #tpu.memory_space<vmem>>, vector<8x128xf32>
    %dot_general3A_9 = arith.constant dense<0.000000e+00> : vector<10000x8xf32>
    %dot_general3A_10 = tpu.matmul %get3A_1, %get3A_8, %dot_general3A_9 {dimension_numbers = #tpu.dot_dimension_numbers<[1], [1], [0], [0], [0, 0, 1, 0], [], []>, transpose_lhs_hint = false} : vector<10000x128xf32>, vector<8x128xf32>, vector<10000x8xf32> -> vector<10000x8xf32>
    %broadcast_in_dim3A = arith.constant 1.000000e+00 : f32
    %broadcast_in_dim3A_11 = vector.broadcast %broadcast_in_dim3A : f32 to vector<10000x1xf32>
    %broadcast_in_dim3A_12 = arith.constant 0.000000e+00 : f32
    %broadcast_in_dim3A_13 = vector.broadcast %broadcast_in_dim3A_12 : f32 to vector<10000x7xf32>
    %concatenate3A = tpu.concatenate %dot_general3A_5, %broadcast_in_dim3A_11, %broadcast_in_dim3A_13 in 1 : vector<10000x8xf32>, vector<10000x1xf32>, vector<10000x7xf32> -> vector<10000x16xf32>
    %swap3A = arith.constant 0 : index
    %swap3A_14 = arith.constant 0 : index
    %swap3A_15 = vector.load %arg3[%swap3A, %swap3A_14] : memref<10112x16xf32, #tpu.memory_space<vmem>>, vector<10000x16xf32>
    tpu.vector_store %arg3[%swap3A, %swap3A_14], %concatenate3A {strides = array<i32>} : memref<10112x16xf32, #tpu.memory_space<vmem>>, vector<10000x16xf32>,
    %broadcast_in_dim3A_16 = arith.constant 0.000000e+00 : f32
    %broadcast_in_dim3A_17 = vector.broadcast %broadcast_in_dim3A_16 : f32 to vector<112x16xf32>
    %swap3A_18 = arith.constant 10000 : index
    %swap3A_19 = arith.constant 0 : index
    %swap3A_20 = vector.load %arg3[%swap3A_18, %swap3A_19] : memref<10112x16xf32, #tpu.memory_space<vmem>>, vector<112x16xf32>
    tpu.vector_store %arg3[%swap3A_18, %swap3A_19], %broadcast_in_dim3A_17 {strides = array<i32>} : memref<10112x16xf32, #tpu.memory_space<vmem>>, vector<112x16xf32>,
    %swap3A_21 = arith.constant 0 : index
    %swap3A_22 = arith.constant 0 : index
    %swap3A_23 = vector.load %arg4[%swap3A_21, %swap3A_22] : memref<10000x8xf32, #tpu.memory_space<vmem>>, vector<10000x8xf32>
    tpu.vector_store %arg4[%swap3A_21, %swap3A_22], %dot_general3A_10 {strides = array<i32>} : memref<10000x8xf32, #tpu.memory_space<vmem>>, vector<10000x8xf32>,
    return
  }
}

module attributes {stable_mosaic.version = 14 : i64} {
  func.func @_tc2_body(%arg0: memref<2x10112x16xf32, #tpu.memory_space<vmem>>, %arg1: memref<10000x8xf32, #tpu.memory_space<vmem>>, %arg2: memref<1x8xf32, #tpu.memory_space<vmem>>, %arg3: memref<16x8xf32, #tpu.memory_space<vmem>>, %arg4: memref<16x8xf32, #tpu.memory_space<vmem>>, %arg5: memref<10112x16xf32, #tpu.memory_space<vmem>>, %arg6: memref<10000x16xf32, #tpu.memory_space<vmem>>) attributes {dimension_semantics = [], scalar_prefetch = 0 : i64, scratch_operands = 0 : i64, tpu.core_type = #tpu.core_type<tc>} {
    %get3A = arith.constant 0 : index
    %get3A_0 = arith.constant 0 : index
    %get3A_1 = arith.constant 0 : index
    %get3A_2 = vector.load %arg0[%get3A, %get3A_0, %get3A_1] : memref<2x10112x16xf32, #tpu.memory_space<vmem>>, vector<1x10000x16xf32>
    %get3A_3 = vector.shape_cast %get3A_2 : vector<1x10000x16xf32> to vector<10000x16xf32>
    %get3A_4 = arith.constant 1 : index
    %get3A_5 = arith.constant 0 : index
    %get3A_6 = arith.constant 0 : index
    %get3A_7 = vector.load %arg0[%get3A_4, %get3A_5, %get3A_6] : memref<2x10112x16xf32, #tpu.memory_space<vmem>>, vector<1x10000x16xf32>
    %get3A_8 = vector.shape_cast %get3A_7 : vector<1x10000x16xf32> to vector<10000x16xf32>
    %add3A = arith.addf %get3A_3, %get3A_8 : vector<10000x16xf32>
    %slice3A = vector.extract_strided_slice %add3A {offsets = [0, 0], sizes = [10000, 8], strides = [1, 1]} : vector<10000x16xf32> to vector<10000x8xf32>
    %slice3A_9 = vector.extract_strided_slice %add3A {offsets = [0, 8], sizes = [10000, 1], strides = [1, 1]} : vector<10000x16xf32> to vector<10000x1xf32>
    %max3A = arith.constant 1.000000e+00 : f32
    %max3A_10 = vector.broadcast %max3A : f32 to vector<10000x1xf32>
    %max3A_11 = arith.maximumf %slice3A_9, %max3A_10 : vector<10000x1xf32>
    %div3A = arith.constant 1.000000e+00 : f32
    %div3A_12 = vector.broadcast %div3A : f32 to vector<10000x1xf32>
    %div3A_13 = arith.divf %div3A_12, %max3A_11 : vector<10000x1xf32>
    %mul3A = vector.broadcast %div3A_13 : vector<10000x1xf32> to vector<10000x8xf32>
    %mul3A_14 = arith.mulf %slice3A, %mul3A : vector<10000x8xf32>
    %get3A_15 = arith.constant 0 : index
    %get3A_16 = arith.constant 0 : index
    %get3A_17 = vector.load %arg2[%get3A_15, %get3A_16] : memref<1x8xf32, #tpu.memory_space<vmem>>, vector<1x8xf32>
    %add3A_18 = vector.broadcast %get3A_17 : vector<1x8xf32> to vector<10000x8xf32>
    %add3A_19 = arith.addf %mul3A_14, %add3A_18 : vector<10000x8xf32>
    %get3A_20 = arith.constant 0 : index
    %get3A_21 = arith.constant 0 : index
    %get3A_22 = vector.load %arg1[%get3A_20, %get3A_21] : memref<10000x8xf32, #tpu.memory_space<vmem>>, vector<10000x8xf32>
    %add3A_23 = arith.addf %add3A_19, %get3A_22 : vector<10000x8xf32>
    %max3A_24 = arith.constant 0.000000e+00 : f32
    %max3A_25 = vector.broadcast %max3A_24 : f32 to vector<10000x8xf32>
    %max3A_26 = arith.maximumf %add3A_23, %max3A_25 : vector<10000x8xf32>
    %get3A_27 = arith.constant 0 : index
    %get3A_28 = arith.constant 0 : index
    %get3A_29 = vector.load %arg3[%get3A_27, %get3A_28] : memref<16x8xf32, #tpu.memory_space<vmem>>, vector<16x8xf32>
    %dot_general3A = arith.constant dense<0.000000e+00> : vector<10000x16xf32>
    %dot_general3A_30 = tpu.matmul %max3A_26, %get3A_29, %dot_general3A {dimension_numbers = #tpu.dot_dimension_numbers<[1], [1], [0], [0], [0, 0, 1, 0], [], []>, transpose_lhs_hint = false} : vector<10000x8xf32>, vector<16x8xf32>, vector<10000x16xf32> -> vector<10000x16xf32>
    %swap3A = arith.constant 0 : index
    %swap3A_31 = arith.constant 0 : index
    %swap3A_32 = vector.load %arg5[%swap3A, %swap3A_31] : memref<10112x16xf32, #tpu.memory_space<vmem>>, vector<10000x16xf32>
    tpu.vector_store %arg5[%swap3A, %swap3A_31], %dot_general3A_30 {strides = array<i32>} : memref<10112x16xf32, #tpu.memory_space<vmem>>, vector<10000x16xf32>,
    %broadcast_in_dim3A = arith.constant 0.000000e+00 : f32
    %broadcast_in_dim3A_33 = vector.broadcast %broadcast_in_dim3A : f32 to vector<112x16xf32>
    %swap3A_34 = arith.constant 10000 : index
    %swap3A_35 = arith.constant 0 : index
    %swap3A_36 = vector.load %arg5[%swap3A_34, %swap3A_35] : memref<10112x16xf32, #tpu.memory_space<vmem>>, vector<112x16xf32>
    tpu.vector_store %arg5[%swap3A_34, %swap3A_35], %broadcast_in_dim3A_33 {strides = array<i32>} : memref<10112x16xf32, #tpu.memory_space<vmem>>, vector<112x16xf32>,
    %get3A_37 = arith.constant 0 : index
    %get3A_38 = arith.constant 0 : index
    %get3A_39 = vector.load %arg4[%get3A_37, %get3A_38] : memref<16x8xf32, #tpu.memory_space<vmem>>, vector<16x8xf32>
    %dot_general3A_40 = arith.constant dense<0.000000e+00> : vector<10000x16xf32>
    %dot_general3A_41 = tpu.matmul %max3A_26, %get3A_39, %dot_general3A_40 {dimension_numbers = #tpu.dot_dimension_numbers<[1], [1], [0], [0], [0, 0, 1, 0], [], []>, transpose_lhs_hint = false} : vector<10000x8xf32>, vector<16x8xf32>, vector<10000x16xf32> -> vector<10000x16xf32>
    %swap3A_42 = arith.constant 0 : index
    %swap3A_43 = arith.constant 0 : index
    %swap3A_44 = vector.load %arg6[%swap3A_42, %swap3A_43] : memref<10000x16xf32, #tpu.memory_space<vmem>>, vector<10000x16xf32>
    tpu.vector_store %arg6[%swap3A_42, %swap3A_43], %dot_general3A_41 {strides = array<i32>} : memref<10000x16xf32, #tpu.memory_space<vmem>>, vector<10000x16xf32>,
    return
  }
}

module attributes {stable_mosaic.version = 14 : i64} {
  func.func @_tc3_body(%arg0: memref<2x10112x16xf32, #tpu.memory_space<vmem>>, %arg1: memref<2x10112x16xf32, #tpu.memory_space<vmem>>, %arg2: memref<10000x16xf32, #tpu.memory_space<vmem>>, %arg3: memref<1x16xf32, #tpu.memory_space<vmem>>, %arg4: memref<10000x16xf32, #tpu.memory_space<vmem>>) attributes {dimension_semantics = [], scalar_prefetch = 0 : i64, scratch_operands = 0 : i64, tpu.core_type = #tpu.core_type<tc>} {
    %get3A = arith.constant 0 : index
    %get3A_0 = arith.constant 0 : index
    %get3A_1 = arith.constant 0 : index
    %get3A_2 = vector.load %arg0[%get3A, %get3A_0, %get3A_1] : memref<2x10112x16xf32, #tpu.memory_space<vmem>>, vector<1x10000x16xf32>
    %get3A_3 = vector.shape_cast %get3A_2 : vector<1x10000x16xf32> to vector<10000x16xf32>
    %get3A_4 = arith.constant 1 : index
    %get3A_5 = arith.constant 0 : index
    %get3A_6 = arith.constant 0 : index
    %get3A_7 = vector.load %arg0[%get3A_4, %get3A_5, %get3A_6] : memref<2x10112x16xf32, #tpu.memory_space<vmem>>, vector<1x10000x16xf32>
    %get3A_8 = vector.shape_cast %get3A_7 : vector<1x10000x16xf32> to vector<10000x16xf32>
    %add3A = arith.addf %get3A_3, %get3A_8 : vector<10000x16xf32>
    %get3A_9 = arith.constant 0 : index
    %get3A_10 = arith.constant 0 : index
    %get3A_11 = arith.constant 8 : index
    %get3A_12 = vector.load %arg1[%get3A_9, %get3A_10, %get3A_11] : memref<2x10112x16xf32, #tpu.memory_space<vmem>>, vector<1x10000x1xf32>
    %get3A_13 = vector.shape_cast %get3A_12 : vector<1x10000x1xf32> to vector<10000x1xf32>
    %get3A_14 = arith.constant 1 : index
    %get3A_15 = arith.constant 0 : index
    %get3A_16 = arith.constant 8 : index
    %get3A_17 = vector.load %arg1[%get3A_14, %get3A_15, %get3A_16] : memref<2x10112x16xf32, #tpu.memory_space<vmem>>, vector<1x10000x1xf32>
    %get3A_18 = vector.shape_cast %get3A_17 : vector<1x10000x1xf32> to vector<10000x1xf32>
    %add3A_19 = arith.addf %get3A_13, %get3A_18 : vector<10000x1xf32>
    %max3A = arith.constant 1.000000e+00 : f32
    %max3A_20 = vector.broadcast %max3A : f32 to vector<10000x1xf32>
    %max3A_21 = arith.maximumf %add3A_19, %max3A_20 : vector<10000x1xf32>
    %div3A = arith.constant 1.000000e+00 : f32
    %div3A_22 = vector.broadcast %div3A : f32 to vector<10000x1xf32>
    %div3A_23 = arith.divf %div3A_22, %max3A_21 : vector<10000x1xf32>
    %mul3A = vector.broadcast %div3A_23 : vector<10000x1xf32> to vector<10000x16xf32>
    %mul3A_24 = arith.mulf %add3A, %mul3A : vector<10000x16xf32>
    %get3A_25 = arith.constant 0 : index
    %get3A_26 = arith.constant 0 : index
    %get3A_27 = vector.load %arg3[%get3A_25, %get3A_26] : memref<1x16xf32, #tpu.memory_space<vmem>>, vector<1x16xf32>
    %add3A_28 = vector.broadcast %get3A_27 : vector<1x16xf32> to vector<10000x16xf32>
    %add3A_29 = arith.addf %mul3A_24, %add3A_28 : vector<10000x16xf32>
    %get3A_30 = arith.constant 0 : index
    %get3A_31 = arith.constant 0 : index
    %get3A_32 = vector.load %arg2[%get3A_30, %get3A_31] : memref<10000x16xf32, #tpu.memory_space<vmem>>, vector<10000x16xf32>
    %add3A_33 = arith.addf %add3A_29, %get3A_32 : vector<10000x16xf32>
    %swap3A = arith.constant 0 : index
    %swap3A_34 = arith.constant 0 : index
    %swap3A_35 = vector.load %arg4[%swap3A, %swap3A_34] : memref<10000x16xf32, #tpu.memory_space<vmem>>, vector<10000x16xf32>
    tpu.vector_store %arg4[%swap3A, %swap3A_34], %add3A_33 {strides = array<i32>} : memref<10000x16xf32, #tpu.memory_space<vmem>>, vector<10000x16xf32>,
    return
  }
}

</mosaic_0001>

<sc_bundles>
// kernel: kernel.10.cloned.1.call-start
scs
__scs_entry_jumppad:
0x0: {  	(pc) =	sbr.rel $0x88, $3  }
0x1: {  	(tag) =	ssettag $0x0;
	lr =	simm.s32 $0x1  }
0x2: {  	[smem:$0x3F99] =	sst lr;
	_ =	strace $0xD0000000  }
0x3: {  	_ = 	snop  }
0x4: {  	_ = 	snop  }
0x5: {  	_ = 	snop  }
0x6: {  	_ = 	snop  }
0x7: {  	_ = 	snop  }
__scs_overlays_trampoline_lowered:
0x8: {  	[smem:$0x3FA8] =	sst s0  }
0x9: {  	[smem:$0x3FA9] =	sst s1  }
0xa: {  	[smem:$0x3FAA] =	sst s2  }
0xb: {  	[smem:$0x3FAB] =	sst s3  }
0xc: {  	[smem:$0x3FAC] =	sst s4  }
0xd: {  	[smem:$0x3FAD] =	sst s5  }
0xe: {  	[smem:$0x3FAE] =	sst s6  }
0xf: {  	[smem:$0x3FAF] =	sst s7  }
0x10: {  	[smem:$0x3FB0] =	sst s8  }
0x11: {  	[smem:$0x3FB1] =	sst s9;
	s0 =	simm.s32 @!p0 $0x0  }
0x12: {  	s1 =	sld [smem:$0x3F97];
	s0 =	simm.s32 @p0 $0x1  }
0x13: {  	[smem:$0x3FB2] =	sst s0;
	s0 =	simm.s32 @!p1 $0x0  }
0x14: {  	s2 =	sld [smem:$0x3F96];
	s0 =	simm.s32 @p1 $0x1  }
0x15: {  	[smem:$0x3FB3] =	sst s0;
	s0 =	simm.s32 @!p2 $0x0  }
0x16: {  	s3 =	sld [smem:$0x3FDB];
	s0 =	simm.s32 @p2 $0x1  }
0x17: {  	s4 =	simm.s32 $0x1BF5;
	[smem:$0x3FB5] =	sst s0  }
0x18: {  	s0 =	sld [smem:$0x3F98];
	_ =	swait.ge [sflag:s4], $0x0  }
0x19: {  	s7 =	sld [smem:$0x3F99]  }
0x1a: {  	s8 =	sadd.s32 $0xFFFFE003, lr  }
0x1b: {  	s9 =	sadd.s32 $0xFFFFFEF7, lr;
	s5 =	simm.s32 $0xFFFFFFFF;
	p2 =	slt.u32 s8, $0xFFFFF086  }
0x1c: {  	p1 =	slt.u32 s9, $0xF7A;
	s5 =	simm.s32 @!p2 $0x0  }
0x1d: {  	s5 =	simm.s32 @p1 $0x1;
	p0 =	seq.s32 s7, s2  }
0x1e: {  	s7 =	smul.u32 @!p0 $0xF7A, s2;
	p2 =	seq.s32 @!p0 s5, $0x0  }
0x1f: {  	s9 =	smul.u32 $0xF7A, s1;
	s8 =	simm.s32 @!p0 $0x1BF5;
	p2 =	por !p2, p0  }
0x20: {  	[sflag:s8] =	ssyncset.s32 @!p0 $0xFFFFF086;
	s6 =	sadd.s32 @!p0 s3, s7;
	s7 =	simm.s32 @!p0 $0x108  }
0x21: {  	s3 =	sadd.s32 s3, s9;
	s6 =	sadd.s32 @!p0 $0x88, s6;
	s7 =	simm.s32 @p2 $0x1082  }
0x22: {  	[simem:s7], [sflag:s8] =	dma.local @!p0 [hbm:s6], $0xF7A  }
0x23: {  	s9 =	sor.u32 $0xD0000000, s2;
	s6 =	simm.s32 $0x108;
	_ =	swait.ge @!p0 [sflag:s8], $0x0  }
0x24: {  	s3 =	sadd.s32 $0x88, s3;
	s6 =	simm.s32 @!p1 $0x1082;
	[sflag:s4] =	ssyncset.s32 $0xFFFFF086  }
0x25: {  	[simem:s6], [sflag:s4] =	dma.local [hbm:s3], $0xF7A  }
0x26: {  	[smem:$0x3F99] =	sst s1;
	(tag) =	ssettag s2;
	_ =	strace s9  }
0x27: {  	s1 =	sld [smem:$0x3FA9]  }
0x28: {  	s2 =	sld [smem:$0x3FAA]  }
0x29: {  	s4 =	sld [smem:$0x3FAC]  }
0x2a: {  	p0 =	seq.s32 s5, $0x0;
	s5 =	sld [smem:$0x3FAD]  }
0x2b: {  	s6 =	sld [smem:$0x3FAE]  }
0x2c: {  	s7 =	sld [smem:$0x3FAF]  }
0x2d: {  	s3 =	simm.s32 $0x108;
	s8 =	sld [smem:$0x3FB0]  }
0x2e: {  	s3 =	simm.s32 @!p0 $0x1082;
	s9 =	sld [smem:$0x3FB1]  }
0x2f: {  	lr =	sadd.s32 s0, s3;
	s0 =	sld [smem:$0x3FA8]  }
0x30: {  	s3 =	sld [smem:$0x3FAB]  }
0x31: {  	[smem:$0x3FB4] =	sst s10  }
0x32: {  	s10 =	sld [smem:$0x3FB2];
	_ =	sdelay $0x3  }
0x33: {  	p0 =	seq.s32 s10, $0x1;
	s10 =	sld [smem:$0x3FB4];
	_ =	sdelay $0x3  }
0x34: {  	[smem:$0x3FB4] =	sst s10  }
0x35: {  	s10 =	sld [smem:$0x3FB3];
	_ =	sdelay $0x3  }
0x36: {  	p1 =	seq.s32 s10, $0x1;
	s10 =	sld [smem:$0x3FB4];
	_ =	sdelay $0x3  }
0x37: {  	[smem:$0x3FB4] =	sst s10  }
0x38: {  	s10 =	sld [smem:$0x3FB5]  }
0x39: {  	_ = 	snop;
	(pc) =	sbr.ind lr, $3  }
0x3a: {  	_ = 	snop  }
0x3b: {  	_ = 	snop  }
0x3c: {  	p2 =	seq.s32 s10, $0x1;
	s10 =	sld [smem:$0x3FB4]  }
0x3d: {  	_ =	shalt  }
0x3e: {  	_ =	shalt  }
0x3f: {  	_ =	shalt  }
0x40: {  	_ =	shalt  }
0x41: {  	_ =	shalt  }
0x42: {  	_ =	shalt  }
0x43: {  	_ =	shalt  }
0x44: {  	_ =	shalt  }
0x45: {  	_ =	shalt  }
0x46: {  	_ =	shalt  }
0x47: {  	_ =	shalt  }
0x48: {  	_ =	shalt  }
0x49: {  	_ =	shalt  }
0x4a: {  	_ =	shalt  }
0x4b: {  	_ =	shalt  }
0x4c: {  	_ =	shalt  }
0x4d: {  	_ =	shalt  }
0x4e: {  	_ =	shalt  }
0x4f: {  	_ =	shalt  }
0x50: {  	_ =	shalt  }
0x51: {  	_ =	shalt  }
0x52: {  	_ =	shalt  }
0x53: {  	_ =	shalt  }
0x54: {  	_ =	shalt  }
0x55: {  	_ =	shalt  }
0x56: {  	_ =	shalt  }
0x57: {  	_ =	shalt  }
0x58: {  	_ =	shalt  }
0x59: {  	_ =	shalt  }
0x5a: {  	_ =	shalt  }
0x5b: {  	_ =	shalt  }
0x5c: {  	_ =	shalt  }
0x5d: {  	_ =	shalt  }
0x5e: {  	_ =	shalt  }
0x5f: {  	_ =	shalt  }
0x60: {  	_ =	shalt  }
0x61: {  	_ =	shalt  }
0x62: {  	_ =	shalt  }
0x63: {  	_ =	shalt  }
0x64: {  	_ =	shalt  }
0x65: {  	_ =	shalt  }
0x66: {  	_ =	shalt  }
0x67: {  	_ =	shalt  }
0x68: {  	_ =	shalt  }
0x69: {  	_ =	shalt  }
0x6a: {  	_ =	shalt  }
0x6b: {  	_ =	shalt  }
0x6c: {  	_ =	shalt  }
0x6d: {  	_ =	shalt  }
0x6e: {  	_ =	shalt  }
0x6f: {  	_ =	shalt  }
0x70: {  	_ =	shalt  }
0x71: {  	_ =	shalt  }
0x72: {  	_ =	shalt  }
0x73: {  	_ =	shalt  }
0x74: {  	_ =	shalt  }
0x75: {  	_ =	shalt  }
0x76: {  	_ =	shalt  }
0x77: {  	_ =	shalt  }
0x78: {  	_ =	shalt  }
0x79: {  	_ =	shalt  }
0x7a: {  	_ =	shalt  }
0x7b: {  	_ =	shalt  }
0x7c: {  	_ =	shalt  }
0x7d: {  	_ =	shalt  }
0x7e: {  	_ =	shalt  }
0x7f: {  	_ =	shalt  }
0x80: {  	_ =	shalt  }
0x81: {  	_ =	shalt  }
0x82: {  	_ =	shalt  }
0x83: {  	_ =	shalt  }
0x84: {  	_ =	shalt  }
0x85: {  	_ =	shalt  }
0x86: {  	_ =	shalt  }
0x87: {  	_ =	shalt  }
.Lfunc_end0:
.L_simem_size_0:
called_computation.1_lowered:
.L_overlay_start_0:
0x88: {  	s2 =	sld [smem:$0x3FD9]  }
0x89: {  	s3 =	sld [smem:$0x3FFE];
	_ =	sdelay $0x1  }
0x8a: {  	s1 =	srdreg.scid  }
0x8b: {  	s0 =	sand.u32 $0x1, s1  }
0x8c: {  	s17 =	sshll.u32 s0, $0xA;
	s2 =	sadd.s32 s3, s2  }
0x8d: {  	s2 =	sadd.s32 s2, s17  }
0x8e: {  	[smem:$0x3FC0] =	sst s2  }
0x8f: {  	_ = 	snop  }
0x90: {  	s2 =	sld [smem:$0x3FD0];
	(tm) =	ssettm $0x1  }
0x91: {  	s18 =	sld [smem:$0x3FFB];
	_ =	sdelay $0x3  }
0x92: {  	_ =	strace s18  }
0x93: {  	s3 =	sld [smem:$0x3FFC];
	_ =	sdelay $0x3  }
0x94: {  	_ =	strace s3  }
0x95: {  	s3 =	sld [smem:$0x3FFD];
	_ =	sdelay $0x3  }
0x96: {  	_ =	strace s3  }
0x97: {  	_ =	strace $0x8FFFFFFF  }
0x98: {  	s19 =	sld [smem:$0x3FDB];
	_ =	sdelay $0x1  }
0x99: {  	s4 =	simm.s32 $_scs_section_size  }
0x9a: {  	s5 =	simm.s32 $_size__tile_overlayer_lowered;
	s6 =	simm.s32 $_tile_overlayer_lowered  }
0x9b: {  	s22 =	simm.s32 $0x1BFF;
	s21 =	sshll.u32 s6, $0x1;
	s3 =	sadd.s32 s4, s19  }
0x9c: {  	s7 =	simm.s32 $0x0;
	s20 =	sshll.u32 s5, $0x1;
	s5 =	sadd.s32 s21, s3  }
0x9d: {  	[timem:s7], [sflag:s22] =	dma.local [hbm:s5], s20  }
0x9e: {  	_ =	swait.ge [sflag:s22], s20  }
0x9f: {  	s4 =	ssub.s32 $0x0, s20;
	[sflag:s22] =	ssyncset.done $0x0  }
0xa0: {  	[sflag:s22] =	ssyncadd.s32 s4;
	_ =	sdelay $0x1  }
0xa1: {  	s23 =	simm.s32 $0x1B8B  }
0xa2: {  	_ =	swait.ge [sflag:s23], $0x1  }
0xa3: {  	[sflag:s23] =	ssyncset.done $0x0  }
0xa4: {  	s25 =	simm.s32 $0x1B8E;
	s24 =	sld [smem:$0x3FFE];
	[sflag:s23] =	ssyncadd.s32 $0xFFFFFFFF  }
0xa5: {  	s26 =	simm.s32 $execute0_lowered;
	[smem:$0x3FD2] =	sst s25  }
0xa6: {  	s5 =	sshll.u32 s26, $0x1;
	_ =	strace $0x80000049;
	[dreg:$0x1] =	wrdreg $0xFFFFFFFF  }
0xa7: {  	s28 =	simm.s32 $_size_execute0_lowered;
	s3 =	sadd.s32 s3, s5;
	[dreg:$0x0] =	wrdreg $0x0  }
0xa8: {  	s5 =	sshll.u32 s28, $0x1;
	[dreg:$0x2] =	wrdreg s3  }
0xa9: {  	[dreg:$0x3] =	wrdreg s5  }
0xaa: {  	[dreg:$0x4] =	wrdreg $0xC0  }
0xab: {  	_ =	task [dreg:s7], $0x5FFFF  }
0xac: {  	[dreg:$0x1] =	wrdreg $0xFFFFFFFF  }
0xad: {  	[dreg:$0x0] =	wrdreg $0x60  }
0xae: {  	[dreg:$0x2] =	wrdreg s24  }
0xaf: {  	[dreg:$0x3] =	wrdreg s2  }
0xb0: {  	[dreg:$0x4] =	wrdreg $0xF7800  }
0xb1: {  	[dreg:$0x5] =	wrdreg $0x11F000  }
0xb2: {  	[dreg:$0x6] =	wrdreg $0x9  }
0xb3: {  	_ =	task.clear_ibuf [dreg:s7], $0x7FFFF;
	_ =	strace $0x90000049  }
0xb4: {  	s29 =	simm.s32 $0x9;
	_ =	strace $0x8000004B  }
0xb5: {  	_ =	swait.ge [sflag:s29], $0x1  }
0xb6: {  	[sflag:s29] =	ssyncadd.s32 $0xFFFFFFFF  }
0xb7: {  	_ =	strace $0x9000004B  }
0xb8: {  	_ =	sfence  }
0xb9: {  	s30 =	sld [smem:$0x0];
	_ =	sdelay $0x2  }
0xba: {  	s31 =	sshll.u32 s1, $0xD;
	s1 =	sshrl.u32 s1, $0x2  }
0xbb: {  	s3 =	sand.u32 $0x4000, s31;
	s1 =	sadd.s32 s1, s30  }
0xbc: {  	s0 =	sor.u32 s3, s0;
	s1 =	sshll.u32 s1, $0x11  }
0xbd: {  	s0 =	sor.u32 s1, s0  }
0xbe: {  	s0 =	sadd.s32 $0x8F2B, s0  }
0xbf: {  	[sflag:s0] =	ssyncadd.remote.s32 $0x1  }
0xc0: {  	_ =	sfence.sel $0xFFFF  }
0xc1: {  	[dreg:$0x0] =	wrdreg $0xFFFFFFFF;
	(pc) =	sbr.abs _section_cstart, $3  }
0xc2: {  	[dreg:$0x1] =	wrdreg $0xFFFFFFFF  }
0xc3: {  	_ =	task.clear_ibuf [dreg:s7], $0x2FFFF;
	_ =	strace $0x9FFFFFFF  }
0xc4: {  	(tm) =	ssettm $0x7FFFFFFF  }
0xc5: {  	_ =	shalt  }
tec
execute0_lowered:
.L_overlay_start_1:
0x0: {  	(tag) =	ssettag $0x1  }
0x1: {  	s0 =	rddreg [dreg:$0x0]  }
0x2: {  	s1 =	rddreg [dreg:$0x1]  }
0x3: {  	s3 =	srdreg.scid;
	s7 =	stileid.u32  }
0x4: {  	s2 =	rddreg [dreg:$0x2];
	s29 =	simm.s32 $0x0;
	s31 =	simm.s32 $0x9  }
0x5: {  	s28 =	simm.s32 $0xC;
	s30 =	simm.s32 $0x0;
	s4 =	sand.u32 $0x1, s3  }
0x6: {  	s5 =	sshll.u32 s7, $0x1;
	s3 =	rddreg [dreg:$0x3];
	s7 =	smul.u32 $0x2780, s7  }
0x7: {  	[smem:$0x7FF] =	sst s29;
	s5 =	sor.u32 s4, s5;
	s6 =	smul.u32 $0x4F00, s4  }
0x8: {  	_ =	strace $0x8000004A;
	s4 =	ssub.s32 $0x2, s4;
	s5 =	smul.u32 $0x500, s5  }
0x9: {  	s16 =	sshrl.u32 s4, $0x1;
	s18 =	sshrl.u32 s7, $0x3;
	s19 =	sadd.s32 s7, s2  }
0xa: {  	s20 =	sadd.s32 s7, s3;
	s21 =	sadd.s32 $0x500, s7;
	s22 =	sadd.s32 $0xA00, s7  }
0xb: {  	s25 =	sadd.s32 $0xF00, s7;
	s26 =	sadd.s32 $0x1400, s7;
	s9 =	sadd.s32 $0x1900, s7  }
0xc: {  	s12 =	sadd.s32 $0x1E00, s7;
	s7 =	sadd.s32 $0x2300, s7;
	[dreg:$0x6] =	wrdreg s18  }
0xd: {  	s4 =	ssub.s32 s4, s16;
	s1 =	sadd.s32 s1, s18;
	[dreg:$0x9] =	wrdreg s19  }
0xe: {  	[dreg:$0xa] =	wrdreg s20;
	s23 =	sadd.s32 s21, s3;
	s24 =	sadd.s32 s22, s3  }
0xf: {  	s8 =	sadd.s32 s25, s3;
	s10 =	sadd.s32 s26, s3;
	[dreg:$0x8] =	wrdreg s1  }
0x10: {  	s11 =	sadd.s32 s9, s3;
	s14 =	sshrl.u32 s21, $0x3;
	[dreg:$0xb] =	wrdreg s23  }
0x11: {  	s15 =	sshrl.u32 s22, $0x3;
	s16 =	sshrl.u32 s25, $0x3;
	[dreg:$0xc] =	wrdreg s24  }
0x12: {  	s18 =	sshrl.u32 s9, $0x3;
	s19 =	sshrl.u32 s12, $0x3;
	[dreg:$0xd] =	wrdreg s8  }
0x13: {  	s20 =	sadd.s32 s7, s3;
	s7 =	sshrl.u32 s7, $0x3;
	[dreg:$0xe] =	wrdreg s10  }
0x14: {  	s9 =	simm.s32 $0x10;
	s5 =	sadd.s32 s5, s0;
	[dreg:$0xf] =	wrdreg s11  }
0x15: {  	s0 =	sadd.s32 s6, s0;
	s11 =	sadd.s32 s12, s3;
	[dreg:$0x12] =	wrdreg s20  }
0x16: {  	s4 =	smax.u32 s4, $0x1;
	s1 =	simm.s32 $0xA;
	s8 =	simm.s32 $0xF  }
0x17: {  	s20 =	simm.s32 $0x5000;
	s6 =	simm.s32 $0x1;
	[dreg:$0x10] =	wrdreg s11  }
0x18: {  	s10 =	simm.s32 $0x2;
	s17 =	sadd.s32 $0xB200, s5;
	[dreg:$0x13] =	wrdreg s4  }
0x19: {  	s12 =	simm.s32 $0x4;
	s5 =	sadd.s32 $0x1200, s5;
	[dreg:$0x5] =	wrdreg s17  }
0x1a: {  	s13 =	sadd.s32 $0x15200, s0;
	s11 =	simm.s32 $0x3;
	[dreg:$0x7] =	wrdreg s5  }
0x1b: {  	s17 =	sshrl.u32 s26, $0x3;
	s0 =	sadd.s32 s14, s13;
	s21 =	sadd.s32 s15, s13  }
0x1c: {  	s22 =	sadd.s32 s16, s13;
	s24 =	sadd.s32 s18, s13;
	[dreg:$0x11] =	wrdreg s13  }
0x1d: {  	s25 =	sadd.s32 s19, s13;
	s26 =	sadd.s32 s7, s13;
	[dreg:$0x14] =	wrdreg s0  }
0x1e: {  	s18 =	simm.s32 $0xD000;
	s5 =	simm.s32 $0xD;
	[dreg:$0x15] =	wrdreg s21  }
0x1f: {  	s7 =	simm.s32 $0xE;
	s19 =	simm.s32 $0x100;
	[dreg:$0x16] =	wrdreg s22  }
0x20: {  	s14 =	simm.s32 $0x6;
	s15 =	simm.s32 $0x7;
	[dreg:$0x18] =	wrdreg s24  }
.Ltmp0:
0x21: {  	s16 =	simm.s32 $0x8;
	[dreg:$0x19] =	wrdreg s25;
	(pc) =	sbr.rel .LBB2_1-.Ltmp0, $4  }
0x22: {  	s23 =	sadd.s32 s17, s13;
	[dreg:$0x1a] =	wrdreg s26;
	s0 =	simm.s32 $0xB  }
0x23: {  	s21 =	simm.s32 $0x6000;
	s22 =	simm.s32 $0x7000;
	s24 =	simm.s32 $0x9000  }
0x24: {  	s25 =	simm.s32 $0xA000;
	s26 =	simm.s32 $0xB000;
	s17 =	simm.s32 $0xC000  }
0x25: {  	v0 =	vimm.f32 $0.0e+00;
	s13 =	simm.s32 $0x5;
	[dreg:$0x17] =	wrdreg s23;
	s23 =	simm.s32 $0x8000  }
.LBB2_5:
0x26: {  	_ =	swait.ge [sflag:s1], $0x1000  }
0x27: {  	[sflag:s1] =	ssyncset.done $0x0  }
0x28: {  	[sflag:s1] =	ssyncadd.s32 $0xFFFFF000  }
0x29: {  	_ =	swait.ge [sflag:s0], $0x1000  }
0x2a: {  	[sflag:s0] =	ssyncset.done $0x0  }
0x2b: {  	[sflag:s0] =	ssyncadd.s32 $0xFFFFF000  }
0x2c: {  	_ =	swait.ge [sflag:s28], $0x1000  }
0x2d: {  	[sflag:s28] =	ssyncset.done $0x0  }
0x2e: {  	[sflag:s28] =	ssyncadd.s32 $0xFFFFF000  }
0x2f: {  	_ =	swait.ge [sflag:s5], $0x1000  }
0x30: {  	[sflag:s5] =	ssyncset.done $0x0  }
0x31: {  	[sflag:s5] =	ssyncadd.s32 $0xFFFFF000  }
0x32: {  	_ =	swait.ge [sflag:s7], $0x1000  }
0x33: {  	[sflag:s7] =	ssyncset.done $0x0  }
0x34: {  	[sflag:s7] =	ssyncadd.s32 $0xFFFFF000  }
0x35: {  	_ =	swait.ge [sflag:s8], $0x1000  }
0x36: {  	[sflag:s8] =	ssyncset.done $0x0  }
0x37: {  	[sflag:s8] =	ssyncadd.s32 $0xFFFFF000  }
0x38: {  	_ =	swait.ge [sflag:s9], $0x1000  }
0x39: {  	[sflag:s9] =	ssyncset.done $0x0  }
0x3a: {  	[sflag:s9] =	ssyncadd.s32 $0xFFFFF000  }
.LBB2_7:
0x3b: {  	[bflag:$0x0] =	sbarrier.arrive $0xFFFF  }
0x3c: {  	s18 =	simm.s32 $0xD000;
	s4 =	rddreg [dreg:$0xa]  }
0x3d: {  	[tilespmem:s18], [sflag:$0x1] =	stream.linear.gather [spmem:s4], $0x500, $0x38;
	[tilespmem:$0x14680] =	vst v63  }
0x3e: {  	s30 =	simm.s32 $0xD500;
	s4 =	rddreg [dreg:$0xb]  }
0x3f: {  	[tilespmem:s30], [sflag:$0x2] =	stream.linear.gather [spmem:s4], $0x500, $0x38;
	[tilespmem:$0x14680] =	vst v63  }
0x40: {  	s29 =	simm.s32 $0xDA00;
	s4 =	rddreg [dreg:$0xc]  }
0x41: {  	[tilespmem:s29], [sflag:$0x3] =	stream.linear.gather [spmem:s4], $0x500, $0x38;
	[tilespmem:$0x14680] =	vst v63  }
0x42: {  	s4 =	rddreg [dreg:$0xd];
	s29 =	simm.s32 $0xDF00  }
0x43: {  	[tilespmem:s29], [sflag:$0x4] =	stream.linear.gather [spmem:s4], $0x500, $0x38;
	[tilespmem:$0x14680] =	vst v63  }
0x44: {  	s4 =	rddreg [dreg:$0xe];
	s29 =	simm.s32 $0xE400  }
0x45: {  	[tilespmem:s29], [sflag:$0x5] =	stream.linear.gather [spmem:s4], $0x500, $0x38;
	[tilespmem:$0x14680] =	vst v63  }
0x46: {  	s4 =	rddreg [dreg:$0xf];
	s29 =	simm.s32 $0xE900  }
0x47: {  	[tilespmem:s29], [sflag:$0x6] =	stream.linear.gather [spmem:s4], $0x500, $0x38;
	[tilespmem:$0x14680] =	vst v63  }
0x48: {  	s4 =	rddreg [dreg:$0x10];
	s29 =	simm.s32 $0xEE00  }
0x49: {  	[tilespmem:s29], [sflag:$0x7] =	stream.linear.gather [spmem:s4], $0x500, $0x38;
	[tilespmem:$0x14680] =	vst v63  }
0x4a: {  	s4 =	rddreg [dreg:$0x12];
	s29 =	simm.s32 $0xF300  }
0x4b: {  	[tilespmem:s29], [sflag:$0x8] =	stream.linear.gather [spmem:s4], $0x480, $0x38;
	[tilespmem:$0x14680] =	vst v63  }
0x4c: {  	_ =	swait.ge [sflag:s6], $0x500  }
0x4d: {  	s4 =	rddreg [dreg:$0x6]  }
0x4e: {  	[sflag:s6] =	ssyncset.done $0x0;
	s29 =	rddreg [dreg:$0x11]  }
0x4f: {  	[sflag:s6] =	ssyncadd.s32 $0xFFFFFB00;
	s4 =	sadd.s32 s4, s29;
	s29 =	simm.s32 $0x0  }
0x50: {  	[hbm4b:s4+s29] =	stream.linear.scatter [tilespmem:s18], [sflag:$0x9], $0x500, $0x38;
	[tilespmem:$0x14680] =	vst v63  }
0x51: {  	_ =	swait.ge [sflag:s10], $0x500  }
0x52: {  	[sflag:s10] =	ssyncset.done $0x0  }
0x53: {  	s4 =	rddreg [dreg:$0x14];
	[sflag:s10] =	ssyncadd.s32 $0xFFFFFB00  }
0x54: {  	[hbm4b:s4+s29] =	stream.linear.scatter [tilespmem:s30], [sflag:$0xA], $0x500, $0x38;
	[tilespmem:$0x14680] =	vst v63  }
0x55: {  	_ =	swait.ge [sflag:s11], $0x500  }
0x56: {  	[sflag:s11] =	ssyncset.done $0x0  }
0x57: {  	s30 =	simm.s32 $0xDA00;
	s4 =	rddreg [dreg:$0x15];
	[sflag:s11] =	ssyncadd.s32 $0xFFFFFB00  }
0x58: {  	[hbm4b:s4+s29] =	stream.linear.scatter [tilespmem:s30], [sflag:$0xB], $0x500, $0x38;
	[tilespmem:$0x14680] =	vst v63  }
0x59: {  	_ =	swait.ge [sflag:s12], $0x500  }
0x5a: {  	[sflag:s12] =	ssyncset.done $0x0  }
0x5b: {  	s30 =	simm.s32 $0xDF00;
	s4 =	rddreg [dreg:$0x16];
	[sflag:s12] =	ssyncadd.s32 $0xFFFFFB00  }
0x5c: {  	[hbm4b:s4+s29] =	stream.linear.scatter [tilespmem:s30], [sflag:$0xC], $0x500, $0x38;
	[tilespmem:$0x14680] =	vst v63  }
0x5d: {  	_ =	swait.ge [sflag:s13], $0x500  }
0x5e: {  	[sflag:s13] =	ssyncset.done $0x0  }
0x5f: {  	s30 =	simm.s32 $0xE400;
	s4 =	rddreg [dreg:$0x17];
	[sflag:s13] =	ssyncadd.s32 $0xFFFFFB00  }
0x60: {  	[hbm4b:s4+s29] =	stream.linear.scatter [tilespmem:s30], [sflag:$0xD], $0x500, $0x38;
	[tilespmem:$0x14680] =	vst v63  }
0x61: {  	_ =	swait.ge [sflag:s14], $0x500  }
0x62: {  	[sflag:s14] =	ssyncset.done $0x0  }
0x63: {  	s30 =	simm.s32 $0xE900;
	s4 =	rddreg [dreg:$0x18];
	[sflag:s14] =	ssyncadd.s32 $0xFFFFFB00  }
0x64: {  	[hbm4b:s4+s29] =	stream.linear.scatter [tilespmem:s30], [sflag:$0xE], $0x500, $0x38;
	[tilespmem:$0x14680] =	vst v63  }
0x65: {  	_ =	swait.ge [sflag:s15], $0x500  }
0x66: {  	[sflag:s15] =	ssyncset.done $0x0  }
0x67: {  	s30 =	simm.s32 $0xEE00;
	s4 =	rddreg [dreg:$0x19];
	[sflag:s15] =	ssyncadd.s32 $0xFFFFFB00  }
0x68: {  	[hbm4b:s4+s29] =	stream.linear.scatter [tilespmem:s30], [sflag:$0xF], $0x500, $0x38;
	[tilespmem:$0x14680] =	vst v63  }
0x69: {  	_ =	swait.ge [sflag:s16], $0x480  }
0x6a: {  	[sflag:s16] =	ssyncset.done $0x0  }
0x6b: {  	s30 =	simm.s32 $0xF300;
	s4 =	rddreg [dreg:$0x1a];
	[sflag:s16] =	ssyncadd.s32 $0xFFFFFB80  }
0x6c: {  	[hbm4b:s4+s29] =	stream.linear.scatter [tilespmem:s30], [sflag:$0x10], $0x480, $0x38;
	[tilespmem:$0x14680] =	vst v63  }
0x6d: {  	_ =	swait.ge [sflag:s31], $0x500  }
0x6e: {  	[sflag:s31] =	ssyncset.done $0x0  }
0x6f: {  	[sflag:s31] =	ssyncadd.s32 $0xFFFFFB00  }
0x70: {  	_ =	swait.ge [sflag:s1], $0x500  }
0x71: {  	[sflag:s1] =	ssyncset.done $0x0  }
0x72: {  	[sflag:s1] =	ssyncadd.s32 $0xFFFFFB00  }
0x73: {  	_ =	swait.ge [sflag:s0], $0x500  }
0x74: {  	[sflag:s0] =	ssyncset.done $0x0  }
0x75: {  	[sflag:s0] =	ssyncadd.s32 $0xFFFFFB00  }
0x76: {  	_ =	swait.ge [sflag:s28], $0x500  }
0x77: {  	[sflag:s28] =	ssyncset.done $0x0  }
0x78: {  	[sflag:s28] =	ssyncadd.s32 $0xFFFFFB00  }
0x79: {  	_ =	swait.ge [sflag:s5], $0x500  }
0x7a: {  	[sflag:s5] =	ssyncset.done $0x0  }
0x7b: {  	[sflag:s5] =	ssyncadd.s32 $0xFFFFFB00  }
0x7c: {  	_ =	swait.ge [sflag:s7], $0x500  }
0x7d: {  	[sflag:s7] =	ssyncset.done $0x0  }
0x7e: {  	[sflag:s7] =	ssyncadd.s32 $0xFFFFFB00  }
0x7f: {  	_ =	swait.ge [sflag:s8], $0x500  }
0x80: {  	[sflag:s8] =	ssyncset.done $0x0  }
0x81: {  	[sflag:s8] =	ssyncadd.s32 $0xFFFFFB00  }
0x82: {  	_ =	swait.ge [sflag:s9], $0x480  }
0x83: {  	s30 =	rddreg [dreg:$0x1b]  }
0x84: {  	s4 =	rddreg [dreg:$0x13];
	s30 =	sadd.s32 $0x1, s30  }
0x85: {  	p0 =	sne.s32 s30, s4  }
.Ltmp1:
0x86: {  	_ = 	snop;
	(pc) =	sbr.rel @!p0 .LBB2_8-.Ltmp1, $3  }
0x87: {  	_ =	sdelay $0x1  }
0x88: {  	[sflag:s9] =	ssyncset.done $0x0  }
0x89: {  	[sflag:s9] =	ssyncadd.s32 $0xFFFFFB80  }
.LBB2_1:
0x8a: {  	[dreg:$0x1b] =	wrdreg s30  }
0x8b: {  	s4 =	rddreg [dreg:$0x5]  }
0x8c: {  	[tilespmem:s29], [sflag:$0x11] =	stream.linear.gather [hbm4b:s4+s29], $0x2800, $0x38;
	[tilespmem:$0x14680] =	vst v63  }
0x8d: {  	s30 =	simm.s32 $0x2800;
	s4 =	rddreg [dreg:$0x7]  }
0x8e: {  	[tilespmem:s30], [sflag:$0x12] =	stream.linear.gather [hbm4b:s4+s29], $0x2800, $0x38;
	[tilespmem:$0x14680] =	vst v63  }
0x8f: {  	s4 =	rddreg [dreg:$0x8]  }
0x90: {  	[tilespmem:s18], [sflag:$0x13] =	stream.linear.gather [hbm4b:s4+s29], $0x2780, $0x38;
	[tilespmem:$0x14680] =	vst v63  }
0x91: {  	s29 =	simm.s32 $0x13  }
0x92: {  	_ =	swait.ge [sflag:s29], $0x2780  }
0x93: {  	[sflag:s29] =	ssyncset.done $0x0  }
0x94: {  	s4 =	rddreg [dreg:$0x9];
	[sflag:s29] =	ssyncadd.s32 $0xFFFFD880  }
0x95: {  	[spmem:s4] =	stream.linear.scatter [tilespmem:s18], [sflag:$0x13], $0x2780, $0x38;
	[tilespmem:$0x14680] =	vst v63  }
0x96: {  	_ =	swait.ge [sflag:s29], $0x2780  }
0x97: {  	s30 =	simm.s32 $0x0;
	[sflag:s29] =	ssyncset.done $0x0  }
0x98: {  	s4 =	simm.s32 $0x40;
	s18 =	simm.s32 $0xD000;
	[sflag:s29] =	ssyncadd.s32 $0xFFFFD880  }
.LBB2_2:
0x99: {  	p0 =	sne.s32 s4, $0x13C0;
	[tilespmem:s30+$0xD000] =	vst v0;
	s30 =	smov.u32 s4;
	s4 =	sadd.s32 $0x40, s4  }
.Ltmp2:
0x9a: {  	(pc) =	sbr.rel @p0 .LBB2_2-.Ltmp2, $2  }
0x9b: {  	_ =	sdelay $0x2  }
0x9c: {  	s30 =	sshra.s32 s30, $0x2  }
0x9d: {  	[tilespmem:s30+$0xD000] =	vst v0;
	s4 =	rddreg [dreg:$0xa]  }
0x9e: {  	[spmem:s4] =	stream.linear.scatter [tilespmem:s18], [sflag:$0x9], $0x500, $0x38;
	[tilespmem:$0x14680] =	vst v63  }
0x9f: {  	s29 =	rddreg [dreg:$0xb]  }
0xa0: {  	[spmem:s29] =	stream.linear.scatter [tilespmem:s18], [sflag:$0xA], $0x500, $0x38;
	[tilespmem:$0x14680] =	vst v63  }
0xa1: {  	s29 =	rddreg [dreg:$0xc]  }
0xa2: {  	[spmem:s29] =	stream.linear.scatter [tilespmem:s18], [sflag:$0xB], $0x500, $0x38;
	[tilespmem:$0x14680] =	vst v63  }
0xa3: {  	s29 =	rddreg [dreg:$0xd]  }
0xa4: {  	[spmem:s29] =	stream.linear.scatter [tilespmem:s18], [sflag:$0xC], $0x500, $0x38;
	[tilespmem:$0x14680] =	vst v63  }
0xa5: {  	s29 =	rddreg [dreg:$0xe]  }
0xa6: {  	[spmem:s29] =	stream.linear.scatter [tilespmem:s18], [sflag:$0xD], $0x500, $0x38;
	[tilespmem:$0x14680] =	vst v63  }
0xa7: {  	s29 =	rddreg [dreg:$0xf]  }
0xa8: {  	[spmem:s29] =	stream.linear.scatter [tilespmem:s18], [sflag:$0xE], $0x500, $0x38;
	[tilespmem:$0x14680] =	vst v63  }
0xa9: {  	s29 =	rddreg [dreg:$0x10]  }
0xaa: {  	[spmem:s29] =	stream.linear.scatter [tilespmem:s18], [sflag:$0xF], $0x500, $0x38;
	[tilespmem:$0x14680] =	vst v63  }
0xab: {  	s29 =	rddreg [dreg:$0x12]  }
0xac: {  	[spmem:s29] =	stream.linear.scatter [tilespmem:s18], [sflag:$0x10], $0x480, $0x38;
	[tilespmem:$0x14680] =	vst v63  }
0xad: {  	_ =	swait.ge [sflag:s31], $0x500  }
0xae: {  	[sflag:s31] =	ssyncset.done $0x0  }
0xaf: {  	[sflag:s31] =	ssyncadd.s32 $0xFFFFFB00  }
0xb0: {  	_ =	swait.ge [sflag:s1], $0x500  }
0xb1: {  	[sflag:s1] =	ssyncset.done $0x0  }
0xb2: {  	[sflag:s1] =	ssyncadd.s32 $0xFFFFFB00  }
0xb3: {  	_ =	swait.ge [sflag:s0], $0x500  }
0xb4: {  	[sflag:s0] =	ssyncset.done $0x0  }
0xb5: {  	[sflag:s0] =	ssyncadd.s32 $0xFFFFFB00  }
0xb6: {  	_ =	swait.ge [sflag:s28], $0x500  }
0xb7: {  	[sflag:s28] =	ssyncset.done $0x0  }
0xb8: {  	[sflag:s28] =	ssyncadd.s32 $0xFFFFFB00  }
0xb9: {  	_ =	swait.ge [sflag:s5], $0x500  }
0xba: {  	[sflag:s5] =	ssyncset.done $0x0  }
0xbb: {  	[sflag:s5] =	ssyncadd.s32 $0xFFFFFB00  }
0xbc: {  	_ =	swait.ge [sflag:s7], $0x500  }
0xbd: {  	[sflag:s7] =	ssyncset.done $0x0  }
0xbe: {  	[sflag:s7] =	ssyncadd.s32 $0xFFFFFB00  }
0xbf: {  	_ =	swait.ge [sflag:s8], $0x500  }
0xc0: {  	[sflag:s8] =	ssyncset.done $0x0  }
0xc1: {  	[sflag:s8] =	ssyncadd.s32 $0xFFFFFB00  }
0xc2: {  	_ =	swait.ge [sflag:s9], $0x480  }
0xc3: {  	[sflag:s9] =	ssyncset.done $0x0  }
0xc4: {  	[sflag:s9] =	ssyncadd.s32 $0xFFFFFB80  }
0xc5: {  	s18 =	simm.s32 $0x11;
	[bflag:$0x0] =	sbarrier.arrive $0xFFFF  }
0xc6: {  	_ =	swait.ge [sflag:s18], $0x2800  }
0xc7: {  	[sflag:s18] =	ssyncset.done $0x0  }
0xc8: {  	s30 =	simm.s32 $0x0;
	[sflag:s18] =	ssyncadd.s32 $0xFFFFD800  }
0xc9: {  	[tilespmem:s20], [sflag:$0x1] =	stream.indirect.gather [spmem:s2], $0x10, s30, s19, $0xb8;
	[tilespmem:$0x14680] =	vst v63  }
0xca: {  	_ = 	snop  }
0xcb: {  	[tilespmem:s21], [sflag:$0x2] =	stream.indirect.gather [spmem:s2], $0x10, s19, s19, $0xb8;
	[tilespmem:$0x14680] =	vst v63  }
0xcc: {  	s29 =	simm.s32 $0x200  }
0xcd: {  	[tilespmem:s22], [sflag:$0x3] =	stream.indirect.gather [spmem:s2], $0x10, s29, s19, $0xb8;
	[tilespmem:$0x14680] =	vst v63  }
0xce: {  	s18 =	simm.s32 $0x300  }
0xcf: {  	[tilespmem:s23], [sflag:$0x4] =	stream.indirect.gather [spmem:s2], $0x10, s18, s19, $0xb8;
	[tilespmem:$0x14680] =	vst v63  }
0xd0: {  	s29 =	simm.s32 $0x400  }
0xd1: {  	[tilespmem:s24], [sflag:$0x5] =	stream.indirect.gather [spmem:s2], $0x10, s29, s19, $0xb8;
	[tilespmem:$0x14680] =	vst v63  }
0xd2: {  	s18 =	simm.s32 $0x500  }
0xd3: {  	[tilespmem:s25], [sflag:$0x6] =	stream.indirect.gather [spmem:s2], $0x10, s18, s19, $0xb8;
	[tilespmem:$0x14680] =	vst v63  }
0xd4: {  	s29 =	simm.s32 $0x600  }
0xd5: {  	[tilespmem:s26], [sflag:$0x7] =	stream.indirect.gather [spmem:s2], $0x10, s29, s19, $0xb8;
	[tilespmem:$0x14680] =	vst v63  }
0xd6: {  	s18 =	simm.s32 $0x700;
	s29 =	simm.s32 $0x12  }
0xd7: {  	[tilespmem:s17], [sflag:$0x8] =	stream.indirect.gather [spmem:s2], $0x10, s18, s19, $0xb8;
	[tilespmem:$0x14680] =	vst v63  }
0xd8: {  	_ =	swait.ge [sflag:s29], $0x2800  }
0xd9: {  	[sflag:s29] =	ssyncset.done $0x0  }
0xda: {  	[sflag:s29] =	ssyncadd.s32 $0xFFFFD800  }
.LBB2_4:
0xdb: {  	_ =	swait.ge [sflag:s6], $0x1000  }
0xdc: {  	s4 =	sshra.s32 s30, $0x2;
	[sflag:s6] =	ssyncset.done $0x0  }
0xdd: {  	s29 =	sadd.s32 $0x2800, s4;
	[sflag:s6] =	ssyncadd.s32 $0xFFFFF000  }
0xde: {  	[spmem:s3] =	stream.indirect.scatter.add.f32 [tilespmem:s20], [sflag:$0x9], $0x10, s29, s19, $0xb8;
	[tilespmem:$0x14680] =	vst v63  }
0xdf: {  	_ =	swait.ge [sflag:s10], $0x1000  }
0xe0: {  	[sflag:s10] =	ssyncset.done $0x0  }
0xe1: {  	s18 =	sadd.s32 $0x2900, s4;
	[sflag:s10] =	ssyncadd.s32 $0xFFFFF000  }
0xe2: {  	[spmem:s3] =	stream.indirect.scatter.add.f32 [tilespmem:s21], [sflag:$0xA], $0x10, s18, s19, $0xb8;
	[tilespmem:$0x14680] =	vst v63  }
0xe3: {  	_ =	swait.ge [sflag:s11], $0x1000  }
0xe4: {  	[sflag:s11] =	ssyncset.done $0x0  }
0xe5: {  	s18 =	sadd.s32 $0x2A00, s4;
	[sflag:s11] =	ssyncadd.s32 $0xFFFFF000  }
0xe6: {  	[spmem:s3] =	stream.indirect.scatter.add.f32 [tilespmem:s22], [sflag:$0xB], $0x10, s18, s19, $0xb8;
	[tilespmem:$0x14680] =	vst v63  }
0xe7: {  	_ =	swait.ge [sflag:s12], $0x1000  }
0xe8: {  	[sflag:s12] =	ssyncset.done $0x0  }
0xe9: {  	s18 =	sadd.s32 $0x2B00, s4;
	[sflag:s12] =	ssyncadd.s32 $0xFFFFF000  }
0xea: {  	[spmem:s3] =	stream.indirect.scatter.add.f32 [tilespmem:s23], [sflag:$0xC], $0x10, s18, s19, $0xb8;
	[tilespmem:$0x14680] =	vst v63  }
0xeb: {  	_ =	swait.ge [sflag:s13], $0x1000  }
0xec: {  	[sflag:s13] =	ssyncset.done $0x0  }
0xed: {  	s18 =	sadd.s32 $0x2C00, s4;
	[sflag:s13] =	ssyncadd.s32 $0xFFFFF000  }
0xee: {  	[spmem:s3] =	stream.indirect.scatter.add.f32 [tilespmem:s24], [sflag:$0xD], $0x10, s18, s19, $0xb8;
	[tilespmem:$0x14680] =	vst v63  }
0xef: {  	_ =	swait.ge [sflag:s14], $0x1000  }
0xf0: {  	[sflag:s14] =	ssyncset.done $0x0  }
0xf1: {  	s18 =	sadd.s32 $0x2D00, s4;
	[sflag:s14] =	ssyncadd.s32 $0xFFFFF000  }
0xf2: {  	[spmem:s3] =	stream.indirect.scatter.add.f32 [tilespmem:s25], [sflag:$0xE], $0x10, s18, s19, $0xb8;
	[tilespmem:$0x14680] =	vst v63  }
0xf3: {  	_ =	swait.ge [sflag:s15], $0x1000  }
0xf4: {  	[sflag:s15] =	ssyncset.done $0x0  }
0xf5: {  	s18 =	sadd.s32 $0x2E00, s4;
	[sflag:s15] =	ssyncadd.s32 $0xFFFFF000  }
0xf6: {  	[spmem:s3] =	stream.indirect.scatter.add.f32 [tilespmem:s26], [sflag:$0xF], $0x10, s18, s19, $0xb8;
	[tilespmem:$0x14680] =	vst v63  }
0xf7: {  	_ =	swait.ge [sflag:s16], $0x1000  }
0xf8: {  	p0 =	sne.s32 s30, $0x8000;
	[sflag:s16] =	ssyncset.done $0x0  }
.Ltmp3:
0xf9: {  	s18 =	sadd.s32 $0x2F00, s4;
	[sflag:s16] =	ssyncadd.s32 $0xFFFFF000;
	(pc) =	sbr.rel @!p0 .LBB2_5-.Ltmp3, $4  }
0xfa: {  	[spmem:s3] =	stream.indirect.scatter.add.f32 [tilespmem:s17], [sflag:$0x10], $0x10, s18, s19, $0xb8;
	[tilespmem:$0x14680] =	vst v63  }
0xfb: {  	_ =	swait.ge [sflag:s31], $0x1000  }
0xfc: {  	[sflag:s31] =	ssyncset.done $0x0  }
0xfd: {  	[sflag:s31] =	ssyncadd.s32 $0xFFFFF000  }
0xfe: {  	s29 =	sadd.s32 $0x800, s4  }
0xff: {  	[tilespmem:s20], [sflag:$0x1] =	stream.indirect.gather [spmem:s2], $0x10, s29, s19, $0xb8;
	[tilespmem:$0x14680] =	vst v63  }
0x100: {  	_ =	swait.ge [sflag:s1], $0x1000  }
0x101: {  	[sflag:s1] =	ssyncset.done $0x0  }
0x102: {  	s18 =	sadd.s32 $0x900, s4;
	[sflag:s1] =	ssyncadd.s32 $0xFFFFF000  }
0x103: {  	[tilespmem:s21], [sflag:$0x2] =	stream.indirect.gather [spmem:s2], $0x10, s18, s19, $0xb8;
	[tilespmem:$0x14680] =	vst v63  }
0x104: {  	_ =	swait.ge [sflag:s0], $0x1000  }
0x105: {  	[sflag:s0] =	ssyncset.done $0x0  }
0x106: {  	s18 =	sadd.s32 $0xA00, s4;
	[sflag:s0] =	ssyncadd.s32 $0xFFFFF000  }
0x107: {  	[tilespmem:s22], [sflag:$0x3] =	stream.indirect.gather [spmem:s2], $0x10, s18, s19, $0xb8;
	[tilespmem:$0x14680] =	vst v63  }
0x108: {  	_ =	swait.ge [sflag:s28], $0x1000  }
0x109: {  	[sflag:s28] =	ssyncset.done $0x0  }
0x10a: {  	s18 =	sadd.s32 $0xB00, s4;
	[sflag:s28] =	ssyncadd.s32 $0xFFFFF000  }
0x10b: {  	[tilespmem:s23], [sflag:$0x4] =	stream.indirect.gather [spmem:s2], $0x10, s18, s19, $0xb8;
	[tilespmem:$0x14680] =	vst v63  }
0x10c: {  	_ =	swait.ge [sflag:s5], $0x1000  }
0x10d: {  	[sflag:s5] =	ssyncset.done $0x0  }
0x10e: {  	s18 =	sadd.s32 $0xC00, s4;
	[sflag:s5] =	ssyncadd.s32 $0xFFFFF000  }
0x10f: {  	[tilespmem:s24], [sflag:$0x5] =	stream.indirect.gather [spmem:s2], $0x10, s18, s19, $0xb8;
	[tilespmem:$0x14680] =	vst v63  }
0x110: {  	_ =	swait.ge [sflag:s7], $0x1000  }
0x111: {  	[sflag:s7] =	ssyncset.done $0x0  }
0x112: {  	s18 =	sadd.s32 $0xD00, s4;
	[sflag:s7] =	ssyncadd.s32 $0xFFFFF000  }
0x113: {  	[tilespmem:s25], [sflag:$0x6] =	stream.indirect.gather [spmem:s2], $0x10, s18, s19, $0xb8;
	[tilespmem:$0x14680] =	vst v63  }
0x114: {  	_ =	swait.ge [sflag:s8], $0x1000  }
0x115: {  	s30 =	sadd.s32 $0x2000, s30;
	[sflag:s8] =	ssyncset.done $0x0  }
0x116: {  	p0 =	sne.s32 s30, $0xA000;
	s18 =	sadd.s32 $0xE00, s4;
	[sflag:s8] =	ssyncadd.s32 $0xFFFFF000  }
0x117: {  	[tilespmem:s26], [sflag:$0x7] =	stream.indirect.gather [spmem:s2], $0x10, s18, s19, $0xb8;
	[tilespmem:$0x14680] =	vst v63  }
.Ltmp4:
0x118: {  	_ = 	snop;
	(pc) =	sbr.rel @p0 .LBB2_4-.Ltmp4, $4  }
.Ltmp5:
0x119: {  	_ =	swait.ge [sflag:s9], $0x1000;
	(pc) =	sbr.rel @!p0 .LBB2_7-.Ltmp5, $4  }
0x11a: {  	[sflag:s9] =	ssyncset.done $0x0  }
0x11b: {  	s29 =	sadd.s32 $0xF00, s4;
	[sflag:s9] =	ssyncadd.s32 $0xFFFFF000  }
0x11c: {  	[tilespmem:s17], [sflag:$0x8] =	stream.indirect.gather [spmem:s2], $0x10, s29, s19, $0xb8;
	[tilespmem:$0x14680] =	vst v63  }
0x11d: {  	_ = 	snop  }
.LBB2_8:
0x11e: {  	_ =	sfence.sel $0x180000  }
0x11f: {  	[bflag:$0x0] =	sbarrier.arrive $0xFFFF  }
0x120: {  	_ =	strace $0x9000004A  }
0x121: {  	s0 =	stileid.u32;
	[bflag:$0x2] =	sbarrier.arrive $0xFFFF  }
0x122: {  	p0 =	sne.s32 s0, $0x0;
	s0 =	rddreg [dreg:$0x4]  }
0x123: {  	s0 =	sadd.s32 @!p0 $0x100000, s0  }
0x124: {  	[sflag:s0] =	ssyncadd.tile.s32 @!p0 $0x1;
	_ =	shalt  }
.Lfunc_end2:
_tile_overlayer_lowered:
.L_overlay_start_2:
0x125: {  	(tag) =	ssettag $0x2  }
0x126: {  	s0 =	rddreg [dreg:$0x0];
	s2 =	stileid.u32  }
0x127: {  	s1 =	rddreg [dreg:$0x1];
	p0 =	sne.s32 s2, $0x0  }
0x128: {  	s3 =	rddreg [dreg:$0x2];
	[bflag:$0x3] =	sbarrier.arrive $0xFFFF;
	s2 =	simm.s32 @!p0 $0x1C13  }
0x129: {  	[timem:s3], [sflag:s2] =	dma.local @!p0 [hbm:s0], s1  }
0x12a: {  	s0 =	simm.s32 @!p0 $0x13  }
0x12b: {  	_ =	swait.ge @!p0 [sflag:s0], s1  }
0x12c: {  	s1 =	ssub.s32 @!p0 $0x0, s1;
	[sflag:s0] =	ssyncset.done @!p0 $0x0  }
0x12d: {  	[sflag:s0] =	ssyncadd.s32 @!p0 s1  }
0x12e: {  	[bflag:$0x3] =	sbarrier.arrive $0xFFFF  }
0x12f: {  	_ =	shalt  }

// kernel: kernel.7.cloned.1.call-start
scs
__scs_entry_jumppad:
0x0: {  	(pc) =	sbr.rel $0x88, $3  }
0x1: {  	(tag) =	ssettag $0x0;
	lr =	simm.s32 $0x1  }
0x2: {  	[smem:$0x3F99] =	sst lr;
	_ =	strace $0xD0000000  }
0x3: {  	_ = 	snop  }
0x4: {  	_ = 	snop  }
0x5: {  	_ = 	snop  }
0x6: {  	_ = 	snop  }
0x7: {  	_ = 	snop  }
__scs_overlays_trampoline_lowered:
0x8: {  	[smem:$0x3FA8] =	sst s0  }
0x9: {  	[smem:$0x3FA9] =	sst s1  }
0xa: {  	[smem:$0x3FAA] =	sst s2  }
0xb: {  	[smem:$0x3FAB] =	sst s3  }
0xc: {  	[smem:$0x3FAC] =	sst s4  }
0xd: {  	[smem:$0x3FAD] =	sst s5  }
0xe: {  	[smem:$0x3FAE] =	sst s6  }
0xf: {  	[smem:$0x3FAF] =	sst s7  }
0x10: {  	[smem:$0x3FB0] =	sst s8  }
0x11: {  	[smem:$0x3FB1] =	sst s9;
	s0 =	simm.s32 @!p0 $0x0  }
0x12: {  	s1 =	sld [smem:$0x3F97];
	s0 =	simm.s32 @p0 $0x1  }
0x13: {  	[smem:$0x3FB2] =	sst s0;
	s0 =	simm.s32 @!p1 $0x0  }
0x14: {  	s2 =	sld [smem:$0x3F96];
	s0 =	simm.s32 @p1 $0x1  }
0x15: {  	[smem:$0x3FB3] =	sst s0;
	s0 =	simm.s32 @!p2 $0x0  }
0x16: {  	s3 =	sld [smem:$0x3FDB];
	s0 =	simm.s32 @p2 $0x1  }
0x17: {  	s4 =	simm.s32 $0x1BF5;
	[smem:$0x3FB5] =	sst s0  }
0x18: {  	s0 =	sld [smem:$0x3F98];
	_ =	swait.ge [sflag:s4], $0x0  }
0x19: {  	s7 =	sld [smem:$0x3F99]  }
0x1a: {  	s8 =	sadd.s32 $0xFFFFE003, lr  }
0x1b: {  	s9 =	sadd.s32 $0xFFFFFEF7, lr;
	s5 =	simm.s32 $0xFFFFFFFF;
	p2 =	slt.u32 s8, $0xFFFFF086  }
0x1c: {  	p1 =	slt.u32 s9, $0xF7A;
	s5 =	simm.s32 @!p2 $0x0  }
0x1d: {  	s5 =	simm.s32 @p1 $0x1;
	p0 =	seq.s32 s7, s2  }
0x1e: {  	s7 =	smul.u32 @!p0 $0xF7A, s2;
	p2 =	seq.s32 @!p0 s5, $0x0  }
0x1f: {  	s9 =	smul.u32 $0xF7A, s1;
	s8 =	simm.s32 @!p0 $0x1BF5;
	p2 =	por !p2, p0  }
0x20: {  	[sflag:s8] =	ssyncset.s32 @!p0 $0xFFFFF086;
	s6 =	sadd.s32 @!p0 s3, s7;
	s7 =	simm.s32 @!p0 $0x108  }
0x21: {  	s3 =	sadd.s32 s3, s9;
	s6 =	sadd.s32 @!p0 $0x88, s6;
	s7 =	simm.s32 @p2 $0x1082  }
0x22: {  	[simem:s7], [sflag:s8] =	dma.local @!p0 [hbm:s6], $0xF7A  }
0x23: {  	s9 =	sor.u32 $0xD0000000, s2;
	s6 =	simm.s32 $0x108;
	_ =	swait.ge @!p0 [sflag:s8], $0x0  }
0x24: {  	s3 =	sadd.s32 $0x88, s3;
	s6 =	simm.s32 @!p1 $0x1082;
	[sflag:s4] =	ssyncset.s32 $0xFFFFF086  }
0x25: {  	[simem:s6], [sflag:s4] =	dma.local [hbm:s3], $0xF7A  }
0x26: {  	[smem:$0x3F99] =	sst s1;
	(tag) =	ssettag s2;
	_ =	strace s9  }
0x27: {  	s1 =	sld [smem:$0x3FA9]  }
0x28: {  	s2 =	sld [smem:$0x3FAA]  }
0x29: {  	s4 =	sld [smem:$0x3FAC]  }
0x2a: {  	p0 =	seq.s32 s5, $0x0;
	s5 =	sld [smem:$0x3FAD]  }
0x2b: {  	s6 =	sld [smem:$0x3FAE]  }
0x2c: {  	s7 =	sld [smem:$0x3FAF]  }
0x2d: {  	s3 =	simm.s32 $0x108;
	s8 =	sld [smem:$0x3FB0]  }
0x2e: {  	s3 =	simm.s32 @!p0 $0x1082;
	s9 =	sld [smem:$0x3FB1]  }
0x2f: {  	lr =	sadd.s32 s0, s3;
	s0 =	sld [smem:$0x3FA8]  }
0x30: {  	s3 =	sld [smem:$0x3FAB]  }
0x31: {  	[smem:$0x3FB4] =	sst s10  }
0x32: {  	s10 =	sld [smem:$0x3FB2];
	_ =	sdelay $0x3  }
0x33: {  	p0 =	seq.s32 s10, $0x1;
	s10 =	sld [smem:$0x3FB4];
	_ =	sdelay $0x3  }
0x34: {  	[smem:$0x3FB4] =	sst s10  }
0x35: {  	s10 =	sld [smem:$0x3FB3];
	_ =	sdelay $0x3  }
0x36: {  	p1 =	seq.s32 s10, $0x1;
	s10 =	sld [smem:$0x3FB4];
	_ =	sdelay $0x3  }
0x37: {  	[smem:$0x3FB4] =	sst s10  }
0x38: {  	s10 =	sld [smem:$0x3FB5]  }
0x39: {  	_ = 	snop;
	(pc) =	sbr.ind lr, $3  }
0x3a: {  	_ = 	snop  }
0x3b: {  	_ = 	snop  }
0x3c: {  	p2 =	seq.s32 s10, $0x1;
	s10 =	sld [smem:$0x3FB4]  }
0x3d: {  	_ =	shalt  }
0x3e: {  	_ =	shalt  }
0x3f: {  	_ =	shalt  }
0x40: {  	_ =	shalt  }
0x41: {  	_ =	shalt  }
0x42: {  	_ =	shalt  }
0x43: {  	_ =	shalt  }
0x44: {  	_ =	shalt  }
0x45: {  	_ =	shalt  }
0x46: {  	_ =	shalt  }
0x47: {  	_ =	shalt  }
0x48: {  	_ =	shalt  }
0x49: {  	_ =	shalt  }
0x4a: {  	_ =	shalt  }
0x4b: {  	_ =	shalt  }
0x4c: {  	_ =	shalt  }
0x4d: {  	_ =	shalt  }
0x4e: {  	_ =	shalt  }
0x4f: {  	_ =	shalt  }
0x50: {  	_ =	shalt  }
0x51: {  	_ =	shalt  }
0x52: {  	_ =	shalt  }
0x53: {  	_ =	shalt  }
0x54: {  	_ =	shalt  }
0x55: {  	_ =	shalt  }
0x56: {  	_ =	shalt  }
0x57: {  	_ =	shalt  }
0x58: {  	_ =	shalt  }
0x59: {  	_ =	shalt  }
0x5a: {  	_ =	shalt  }
0x5b: {  	_ =	shalt  }
0x5c: {  	_ =	shalt  }
0x5d: {  	_ =	shalt  }
0x5e: {  	_ =	shalt  }
0x5f: {  	_ =	shalt  }
0x60: {  	_ =	shalt  }
0x61: {  	_ =	shalt  }
0x62: {  	_ =	shalt  }
0x63: {  	_ =	shalt  }
0x64: {  	_ =	shalt  }
0x65: {  	_ =	shalt  }
0x66: {  	_ =	shalt  }
0x67: {  	_ =	shalt  }
0x68: {  	_ =	shalt  }
0x69: {  	_ =	shalt  }
0x6a: {  	_ =	shalt  }
0x6b: {  	_ =	shalt  }
0x6c: {  	_ =	shalt  }
0x6d: {  	_ =	shalt  }
0x6e: {  	_ =	shalt  }
0x6f: {  	_ =	shalt  }
0x70: {  	_ =	shalt  }
0x71: {  	_ =	shalt  }
0x72: {  	_ =	shalt  }
0x73: {  	_ =	shalt  }
0x74: {  	_ =	shalt  }
0x75: {  	_ =	shalt  }
0x76: {  	_ =	shalt  }
0x77: {  	_ =	shalt  }
0x78: {  	_ =	shalt  }
0x79: {  	_ =	shalt  }
0x7a: {  	_ =	shalt  }
0x7b: {  	_ =	shalt  }
0x7c: {  	_ =	shalt  }
0x7d: {  	_ =	shalt  }
0x7e: {  	_ =	shalt  }
0x7f: {  	_ =	shalt  }
0x80: {  	_ =	shalt  }
0x81: {  	_ =	shalt  }
0x82: {  	_ =	shalt  }
0x83: {  	_ =	shalt  }
0x84: {  	_ =	shalt  }
0x85: {  	_ =	shalt  }
0x86: {  	_ =	shalt  }
0x87: {  	_ =	shalt  }
.Lfunc_end0:
.L_simem_size_0:
called_computation_lowered:
.L_overlay_start_0:
0x88: {  	s2 =	sld [smem:$0x3FD9]  }
0x89: {  	s3 =	sld [smem:$0x3FFE];
	_ =	sdelay $0x1  }
0x8a: {  	s1 =	srdreg.scid  }
0x8b: {  	s0 =	sand.u32 $0x1, s1  }
0x8c: {  	s17 =	sshll.u32 s0, $0xA;
	s2 =	sadd.s32 s3, s2  }
0x8d: {  	s2 =	sadd.s32 s2, s17  }
0x8e: {  	[smem:$0x3FC0] =	sst s2  }
0x8f: {  	_ = 	snop  }
0x90: {  	s2 =	sld [smem:$0x3FD0];
	(tm) =	ssettm $0x1  }
0x91: {  	s18 =	sld [smem:$0x3FFB];
	_ =	sdelay $0x3  }
0x92: {  	_ =	strace s18  }
0x93: {  	s3 =	sld [smem:$0x3FFC];
	_ =	sdelay $0x3  }
0x94: {  	_ =	strace s3  }
0x95: {  	s3 =	sld [smem:$0x3FFD];
	_ =	sdelay $0x3  }
0x96: {  	_ =	strace s3  }
0x97: {  	_ =	strace $0x8FFFFFFF  }
0x98: {  	s19 =	sld [smem:$0x3FDB];
	_ =	sdelay $0x1  }
0x99: {  	s4 =	simm.s32 $_scs_section_size  }
0x9a: {  	s5 =	simm.s32 $_size__tile_overlayer_lowered;
	s6 =	simm.s32 $_tile_overlayer_lowered  }
0x9b: {  	s22 =	simm.s32 $0x1BFF;
	s21 =	sshll.u32 s6, $0x1;
	s3 =	sadd.s32 s4, s19  }
0x9c: {  	s7 =	simm.s32 $0x0;
	s20 =	sshll.u32 s5, $0x1;
	s5 =	sadd.s32 s21, s3  }
0x9d: {  	[timem:s7], [sflag:s22] =	dma.local [hbm:s5], s20  }
0x9e: {  	_ =	swait.ge [sflag:s22], s20  }
0x9f: {  	s4 =	ssub.s32 $0x0, s20;
	[sflag:s22] =	ssyncset.done $0x0  }
0xa0: {  	[sflag:s22] =	ssyncadd.s32 s4;
	_ =	sdelay $0x1  }
0xa1: {  	s23 =	simm.s32 $0x1B8B  }
0xa2: {  	_ =	swait.ge [sflag:s23], $0x1  }
0xa3: {  	[sflag:s23] =	ssyncset.done $0x0  }
0xa4: {  	s25 =	simm.s32 $0x1B8E;
	s24 =	sld [smem:$0x3FFE];
	[sflag:s23] =	ssyncadd.s32 $0xFFFFFFFF  }
0xa5: {  	s26 =	simm.s32 $execute0_lowered;
	[smem:$0x3FD2] =	sst s25  }
0xa6: {  	s5 =	sshll.u32 s26, $0x1;
	_ =	strace $0x80000046;
	[dreg:$0x1] =	wrdreg $0xFFFFFFFF  }
0xa7: {  	s28 =	simm.s32 $_size_execute0_lowered;
	s3 =	sadd.s32 s3, s5;
	[dreg:$0x0] =	wrdreg $0x0  }
0xa8: {  	s5 =	sshll.u32 s28, $0x1;
	[dreg:$0x2] =	wrdreg s3  }
0xa9: {  	[dreg:$0x3] =	wrdreg s5  }
0xaa: {  	[dreg:$0x4] =	wrdreg $0xC0  }
0xab: {  	_ =	task [dreg:s7], $0x5FFFF  }
0xac: {  	[dreg:$0x1] =	wrdreg $0xFFFFFFFF  }
0xad: {  	[dreg:$0x0] =	wrdreg $0x60  }
0xae: {  	[dreg:$0x2] =	wrdreg s24  }
0xaf: {  	[dreg:$0x3] =	wrdreg s2  }
0xb0: {  	[dreg:$0x4] =	wrdreg $0xF7800  }
0xb1: {  	[dreg:$0x5] =	wrdreg $0x11F000  }
0xb2: {  	[dreg:$0x6] =	wrdreg $0x9  }
0xb3: {  	_ =	task.clear_ibuf [dreg:s7], $0x7FFFF;
	_ =	strace $0x90000046  }
0xb4: {  	s29 =	simm.s32 $0x9;
	_ =	strace $0x80000048  }
0xb5: {  	_ =	swait.ge [sflag:s29], $0x1  }
0xb6: {  	[sflag:s29] =	ssyncadd.s32 $0xFFFFFFFF  }
0xb7: {  	_ =	strace $0x90000048  }
0xb8: {  	_ =	sfence  }
0xb9: {  	s30 =	sld [smem:$0x0];
	_ =	sdelay $0x2  }
0xba: {  	s31 =	sshll.u32 s1, $0xD;
	s1 =	sshrl.u32 s1, $0x2  }
0xbb: {  	s3 =	sand.u32 $0x4000, s31;
	s1 =	sadd.s32 s1, s30  }
0xbc: {  	s0 =	sor.u32 s3, s0;
	s1 =	sshll.u32 s1, $0x11  }
0xbd: {  	s0 =	sor.u32 s1, s0  }
0xbe: {  	s0 =	sadd.s32 $0x8F2B, s0  }
0xbf: {  	[sflag:s0] =	ssyncadd.remote.s32 $0x1  }
0xc0: {  	_ =	sfence.sel $0xFFFF  }
0xc1: {  	[dreg:$0x0] =	wrdreg $0xFFFFFFFF;
	(pc) =	sbr.abs _section_cstart, $3  }
0xc2: {  	[dreg:$0x1] =	wrdreg $0xFFFFFFFF  }
0xc3: {  	_ =	task.clear_ibuf [dreg:s7], $0x2FFFF;
	_ =	strace $0x9FFFFFFF  }
0xc4: {  	(tm) =	ssettm $0x7FFFFFFF  }
0xc5: {  	_ =	shalt  }
tec
execute0_lowered:
.L_overlay_start_1:
0x0: {  	(tag) =	ssettag $0x1  }
0x1: {  	s0 =	rddreg [dreg:$0x0]  }
0x2: {  	s1 =	rddreg [dreg:$0x1]  }
0x3: {  	s3 =	srdreg.scid;
	s7 =	stileid.u32  }
0x4: {  	s2 =	rddreg [dreg:$0x2];
	s29 =	simm.s32 $0x0;
	s31 =	simm.s32 $0x9  }
0x5: {  	s28 =	simm.s32 $0xC;
	s30 =	simm.s32 $0x0;
	s4 =	sand.u32 $0x1, s3  }
0x6: {  	s5 =	sshll.u32 s7, $0x1;
	s3 =	rddreg [dreg:$0x3];
	s7 =	smul.u32 $0x2780, s7  }
0x7: {  	[smem:$0x7FF] =	sst s29;
	s5 =	sor.u32 s4, s5;
	s6 =	smul.u32 $0x4F00, s4  }
0x8: {  	_ =	strace $0x80000047;
	s4 =	ssub.s32 $0x2, s4;
	s5 =	smul.u32 $0x500, s5  }
0x9: {  	s16 =	sshrl.u32 s4, $0x1;
	s18 =	sshrl.u32 s7, $0x3;
	s19 =	sadd.s32 s7, s2  }
0xa: {  	s20 =	sadd.s32 s7, s3;
	s21 =	sadd.s32 $0x500, s7;
	s22 =	sadd.s32 $0xA00, s7  }
0xb: {  	s25 =	sadd.s32 $0xF00, s7;
	s26 =	sadd.s32 $0x1400, s7;
	s9 =	sadd.s32 $0x1900, s7  }
0xc: {  	s12 =	sadd.s32 $0x1E00, s7;
	s7 =	sadd.s32 $0x2300, s7;
	[dreg:$0x6] =	wrdreg s18  }
0xd: {  	s4 =	ssub.s32 s4, s16;
	s1 =	sadd.s32 s1, s18;
	[dreg:$0x9] =	wrdreg s19  }
0xe: {  	[dreg:$0xa] =	wrdreg s20;
	s23 =	sadd.s32 s21, s3;
	s24 =	sadd.s32 s22, s3  }
0xf: {  	s8 =	sadd.s32 s25, s3;
	s10 =	sadd.s32 s26, s3;
	[dreg:$0x8] =	wrdreg s1  }
0x10: {  	s11 =	sadd.s32 s9, s3;
	s14 =	sshrl.u32 s21, $0x3;
	[dreg:$0xb] =	wrdreg s23  }
0x11: {  	s15 =	sshrl.u32 s22, $0x3;
	s16 =	sshrl.u32 s25, $0x3;
	[dreg:$0xc] =	wrdreg s24  }
0x12: {  	s18 =	sshrl.u32 s9, $0x3;
	s19 =	sshrl.u32 s12, $0x3;
	[dreg:$0xd] =	wrdreg s8  }
0x13: {  	s20 =	sadd.s32 s7, s3;
	s7 =	sshrl.u32 s7, $0x3;
	[dreg:$0xe] =	wrdreg s10  }
0x14: {  	s9 =	simm.s32 $0x10;
	s5 =	sadd.s32 s5, s0;
	[dreg:$0xf] =	wrdreg s11  }
0x15: {  	s0 =	sadd.s32 s6, s0;
	s11 =	sadd.s32 s12, s3;
	[dreg:$0x12] =	wrdreg s20  }
0x16: {  	s4 =	smax.u32 s4, $0x1;
	s1 =	simm.s32 $0xA;
	s8 =	simm.s32 $0xF  }
0x17: {  	s20 =	simm.s32 $0x5000;
	s6 =	simm.s32 $0x1;
	[dreg:$0x10] =	wrdreg s11  }
0x18: {  	s10 =	simm.s32 $0x2;
	s17 =	sadd.s32 $0xB200, s5;
	[dreg:$0x13] =	wrdreg s4  }
0x19: {  	s12 =	simm.s32 $0x4;
	s5 =	sadd.s32 $0x1200, s5;
	[dreg:$0x5] =	wrdreg s17  }
0x1a: {  	s13 =	sadd.s32 $0x15200, s0;
	s11 =	simm.s32 $0x3;
	[dreg:$0x7] =	wrdreg s5  }
0x1b: {  	s17 =	sshrl.u32 s26, $0x3;
	s0 =	sadd.s32 s14, s13;
	s21 =	sadd.s32 s15, s13  }
0x1c: {  	s22 =	sadd.s32 s16, s13;
	s24 =	sadd.s32 s18, s13;
	[dreg:$0x11] =	wrdreg s13  }
0x1d: {  	s25 =	sadd.s32 s19, s13;
	s26 =	sadd.s32 s7, s13;
	[dreg:$0x14] =	wrdreg s0  }
0x1e: {  	s18 =	simm.s32 $0xD000;
	s5 =	simm.s32 $0xD;
	[dreg:$0x15] =	wrdreg s21  }
0x1f: {  	s7 =	simm.s32 $0xE;
	s19 =	simm.s32 $0x100;
	[dreg:$0x16] =	wrdreg s22  }
0x20: {  	s14 =	simm.s32 $0x6;
	s15 =	simm.s32 $0x7;
	[dreg:$0x18] =	wrdreg s24  }
.Ltmp0:
0x21: {  	s16 =	simm.s32 $0x8;
	[dreg:$0x19] =	wrdreg s25;
	(pc) =	sbr.rel .LBB2_1-.Ltmp0, $4  }
0x22: {  	s23 =	sadd.s32 s17, s13;
	[dreg:$0x1a] =	wrdreg s26;
	s0 =	simm.s32 $0xB  }
0x23: {  	s21 =	simm.s32 $0x6000;
	s22 =	simm.s32 $0x7000;
	s24 =	simm.s32 $0x9000  }
0x24: {  	s25 =	simm.s32 $0xA000;
	s26 =	simm.s32 $0xB000;
	s17 =	simm.s32 $0xC000  }
0x25: {  	v0 =	vimm.f32 $0.0e+00;
	s13 =	simm.s32 $0x5;
	[dreg:$0x17] =	wrdreg s23;
	s23 =	simm.s32 $0x8000  }
.LBB2_5:
0x26: {  	_ =	swait.ge [sflag:s1], $0x1000  }
0x27: {  	[sflag:s1] =	ssyncset.done $0x0  }
0x28: {  	[sflag:s1] =	ssyncadd.s32 $0xFFFFF000  }
0x29: {  	_ =	swait.ge [sflag:s0], $0x1000  }
0x2a: {  	[sflag:s0] =	ssyncset.done $0x0  }
0x2b: {  	[sflag:s0] =	ssyncadd.s32 $0xFFFFF000  }
0x2c: {  	_ =	swait.ge [sflag:s28], $0x1000  }
0x2d: {  	[sflag:s28] =	ssyncset.done $0x0  }
0x2e: {  	[sflag:s28] =	ssyncadd.s32 $0xFFFFF000  }
0x2f: {  	_ =	swait.ge [sflag:s5], $0x1000  }
0x30: {  	[sflag:s5] =	ssyncset.done $0x0  }
0x31: {  	[sflag:s5] =	ssyncadd.s32 $0xFFFFF000  }
0x32: {  	_ =	swait.ge [sflag:s7], $0x1000  }
0x33: {  	[sflag:s7] =	ssyncset.done $0x0  }
0x34: {  	[sflag:s7] =	ssyncadd.s32 $0xFFFFF000  }
0x35: {  	_ =	swait.ge [sflag:s8], $0x1000  }
0x36: {  	[sflag:s8] =	ssyncset.done $0x0  }
0x37: {  	[sflag:s8] =	ssyncadd.s32 $0xFFFFF000  }
0x38: {  	_ =	swait.ge [sflag:s9], $0x1000  }
0x39: {  	[sflag:s9] =	ssyncset.done $0x0  }
0x3a: {  	[sflag:s9] =	ssyncadd.s32 $0xFFFFF000  }
.LBB2_7:
0x3b: {  	[bflag:$0x0] =	sbarrier.arrive $0xFFFF  }
0x3c: {  	s18 =	simm.s32 $0xD000;
	s4 =	rddreg [dreg:$0xa]  }
0x3d: {  	[tilespmem:s18], [sflag:$0x1] =	stream.linear.gather [spmem:s4], $0x500, $0x38;
	[tilespmem:$0x14680] =	vst v63  }
0x3e: {  	s30 =	simm.s32 $0xD500;
	s4 =	rddreg [dreg:$0xb]  }
0x3f: {  	[tilespmem:s30], [sflag:$0x2] =	stream.linear.gather [spmem:s4], $0x500, $0x38;
	[tilespmem:$0x14680] =	vst v63  }
0x40: {  	s29 =	simm.s32 $0xDA00;
	s4 =	rddreg [dreg:$0xc]  }
0x41: {  	[tilespmem:s29], [sflag:$0x3] =	stream.linear.gather [spmem:s4], $0x500, $0x38;
	[tilespmem:$0x14680] =	vst v63  }
0x42: {  	s4 =	rddreg [dreg:$0xd];
	s29 =	simm.s32 $0xDF00  }
0x43: {  	[tilespmem:s29], [sflag:$0x4] =	stream.linear.gather [spmem:s4], $0x500, $0x38;
	[tilespmem:$0x14680] =	vst v63  }
0x44: {  	s4 =	rddreg [dreg:$0xe];
	s29 =	simm.s32 $0xE400  }
0x45: {  	[tilespmem:s29], [sflag:$0x5] =	stream.linear.gather [spmem:s4], $0x500, $0x38;
	[tilespmem:$0x14680] =	vst v63  }
0x46: {  	s4 =	rddreg [dreg:$0xf];
	s29 =	simm.s32 $0xE900  }
0x47: {  	[tilespmem:s29], [sflag:$0x6] =	stream.linear.gather [spmem:s4], $0x500, $0x38;
	[tilespmem:$0x14680] =	vst v63  }
0x48: {  	s4 =	rddreg [dreg:$0x10];
	s29 =	simm.s32 $0xEE00  }
0x49: {  	[tilespmem:s29], [sflag:$0x7] =	stream.linear.gather [spmem:s4], $0x500, $0x38;
	[tilespmem:$0x14680] =	vst v63  }
0x4a: {  	s4 =	rddreg [dreg:$0x12];
	s29 =	simm.s32 $0xF300  }
0x4b: {  	[tilespmem:s29], [sflag:$0x8] =	stream.linear.gather [spmem:s4], $0x480, $0x38;
	[tilespmem:$0x14680] =	vst v63  }
0x4c: {  	_ =	swait.ge [sflag:s6], $0x500  }
0x4d: {  	s4 =	rddreg [dreg:$0x6]  }
0x4e: {  	[sflag:s6] =	ssyncset.done $0x0;
	s29 =	rddreg [dreg:$0x11]  }
0x4f: {  	[sflag:s6] =	ssyncadd.s32 $0xFFFFFB00;
	s4 =	sadd.s32 s4, s29;
	s29 =	simm.s32 $0x0  }
0x50: {  	[hbm4b:s4+s29] =	stream.linear.scatter [tilespmem:s18], [sflag:$0x9], $0x500, $0x38;
	[tilespmem:$0x14680] =	vst v63  }
0x51: {  	_ =	swait.ge [sflag:s10], $0x500  }
0x52: {  	[sflag:s10] =	ssyncset.done $0x0  }
0x53: {  	s4 =	rddreg [dreg:$0x14];
	[sflag:s10] =	ssyncadd.s32 $0xFFFFFB00  }
0x54: {  	[hbm4b:s4+s29] =	stream.linear.scatter [tilespmem:s30], [sflag:$0xA], $0x500, $0x38;
	[tilespmem:$0x14680] =	vst v63  }
0x55: {  	_ =	swait.ge [sflag:s11], $0x500  }
0x56: {  	[sflag:s11] =	ssyncset.done $0x0  }
0x57: {  	s30 =	simm.s32 $0xDA00;
	s4 =	rddreg [dreg:$0x15];
	[sflag:s11] =	ssyncadd.s32 $0xFFFFFB00  }
0x58: {  	[hbm4b:s4+s29] =	stream.linear.scatter [tilespmem:s30], [sflag:$0xB], $0x500, $0x38;
	[tilespmem:$0x14680] =	vst v63  }
0x59: {  	_ =	swait.ge [sflag:s12], $0x500  }
0x5a: {  	[sflag:s12] =	ssyncset.done $0x0  }
0x5b: {  	s30 =	simm.s32 $0xDF00;
	s4 =	rddreg [dreg:$0x16];
	[sflag:s12] =	ssyncadd.s32 $0xFFFFFB00  }
0x5c: {  	[hbm4b:s4+s29] =	stream.linear.scatter [tilespmem:s30], [sflag:$0xC], $0x500, $0x38;
	[tilespmem:$0x14680] =	vst v63  }
0x5d: {  	_ =	swait.ge [sflag:s13], $0x500  }
0x5e: {  	[sflag:s13] =	ssyncset.done $0x0  }
0x5f: {  	s30 =	simm.s32 $0xE400;
	s4 =	rddreg [dreg:$0x17];
	[sflag:s13] =	ssyncadd.s32 $0xFFFFFB00  }
0x60: {  	[hbm4b:s4+s29] =	stream.linear.scatter [tilespmem:s30], [sflag:$0xD], $0x500, $0x38;
	[tilespmem:$0x14680] =	vst v63  }
0x61: {  	_ =	swait.ge [sflag:s14], $0x500  }
0x62: {  	[sflag:s14] =	ssyncset.done $0x0  }
0x63: {  	s30 =	simm.s32 $0xE900;
	s4 =	rddreg [dreg:$0x18];
	[sflag:s14] =	ssyncadd.s32 $0xFFFFFB00  }
0x64: {  	[hbm4b:s4+s29] =	stream.linear.scatter [tilespmem:s30], [sflag:$0xE], $0x500, $0x38;
	[tilespmem:$0x14680] =	vst v63  }
0x65: {  	_ =	swait.ge [sflag:s15], $0x500  }
0x66: {  	[sflag:s15] =	ssyncset.done $0x0  }
0x67: {  	s30 =	simm.s32 $0xEE00;
	s4 =	rddreg [dreg:$0x19];
	[sflag:s15] =	ssyncadd.s32 $0xFFFFFB00  }
0x68: {  	[hbm4b:s4+s29] =	stream.linear.scatter [tilespmem:s30], [sflag:$0xF], $0x500, $0x38;
	[tilespmem:$0x14680] =	vst v63  }
0x69: {  	_ =	swait.ge [sflag:s16], $0x480  }
0x6a: {  	[sflag:s16] =	ssyncset.done $0x0  }
0x6b: {  	s30 =	simm.s32 $0xF300;
	s4 =	rddreg [dreg:$0x1a];
	[sflag:s16] =	ssyncadd.s32 $0xFFFFFB80  }
0x6c: {  	[hbm4b:s4+s29] =	stream.linear.scatter [tilespmem:s30], [sflag:$0x10], $0x480, $0x38;
	[tilespmem:$0x14680] =	vst v63  }
0x6d: {  	_ =	swait.ge [sflag:s31], $0x500  }
0x6e: {  	[sflag:s31] =	ssyncset.done $0x0  }
0x6f: {  	[sflag:s31] =	ssyncadd.s32 $0xFFFFFB00  }
0x70: {  	_ =	swait.ge [sflag:s1], $0x500  }
0x71: {  	[sflag:s1] =	ssyncset.done $0x0  }
0x72: {  	[sflag:s1] =	ssyncadd.s32 $0xFFFFFB00  }
0x73: {  	_ =	swait.ge [sflag:s0], $0x500  }
0x74: {  	[sflag:s0] =	ssyncset.done $0x0  }
0x75: {  	[sflag:s0] =	ssyncadd.s32 $0xFFFFFB00  }
0x76: {  	_ =	swait.ge [sflag:s28], $0x500  }
0x77: {  	[sflag:s28] =	ssyncset.done $0x0  }
0x78: {  	[sflag:s28] =	ssyncadd.s32 $0xFFFFFB00  }
0x79: {  	_ =	swait.ge [sflag:s5], $0x500  }
0x7a: {  	[sflag:s5] =	ssyncset.done $0x0  }
0x7b: {  	[sflag:s5] =	ssyncadd.s32 $0xFFFFFB00  }
0x7c: {  	_ =	swait.ge [sflag:s7], $0x500  }
0x7d: {  	[sflag:s7] =	ssyncset.done $0x0  }
0x7e: {  	[sflag:s7] =	ssyncadd.s32 $0xFFFFFB00  }
0x7f: {  	_ =	swait.ge [sflag:s8], $0x500  }
0x80: {  	[sflag:s8] =	ssyncset.done $0x0  }
0x81: {  	[sflag:s8] =	ssyncadd.s32 $0xFFFFFB00  }
0x82: {  	_ =	swait.ge [sflag:s9], $0x480  }
0x83: {  	s30 =	rddreg [dreg:$0x1b]  }
0x84: {  	s4 =	rddreg [dreg:$0x13];
	s30 =	sadd.s32 $0x1, s30  }
0x85: {  	p0 =	sne.s32 s30, s4  }
.Ltmp1:
0x86: {  	_ = 	snop;
	(pc) =	sbr.rel @!p0 .LBB2_8-.Ltmp1, $3  }
0x87: {  	_ =	sdelay $0x1  }
0x88: {  	[sflag:s9] =	ssyncset.done $0x0  }
0x89: {  	[sflag:s9] =	ssyncadd.s32 $0xFFFFFB80  }
.LBB2_1:
0x8a: {  	[dreg:$0x1b] =	wrdreg s30  }
0x8b: {  	s4 =	rddreg [dreg:$0x5]  }
0x8c: {  	[tilespmem:s29], [sflag:$0x11] =	stream.linear.gather [hbm4b:s4+s29], $0x2800, $0x38;
	[tilespmem:$0x14680] =	vst v63  }
0x8d: {  	s30 =	simm.s32 $0x2800;
	s4 =	rddreg [dreg:$0x7]  }
0x8e: {  	[tilespmem:s30], [sflag:$0x12] =	stream.linear.gather [hbm4b:s4+s29], $0x2800, $0x38;
	[tilespmem:$0x14680] =	vst v63  }
0x8f: {  	s4 =	rddreg [dreg:$0x8]  }
0x90: {  	[tilespmem:s18], [sflag:$0x13] =	stream.linear.gather [hbm4b:s4+s29], $0x2780, $0x38;
	[tilespmem:$0x14680] =	vst v63  }
0x91: {  	s29 =	simm.s32 $0x13  }
0x92: {  	_ =	swait.ge [sflag:s29], $0x2780  }
0x93: {  	[sflag:s29] =	ssyncset.done $0x0  }
0x94: {  	s4 =	rddreg [dreg:$0x9];
	[sflag:s29] =	ssyncadd.s32 $0xFFFFD880  }
0x95: {  	[spmem:s4] =	stream.linear.scatter [tilespmem:s18], [sflag:$0x13], $0x2780, $0x38;
	[tilespmem:$0x14680] =	vst v63  }
0x96: {  	_ =	swait.ge [sflag:s29], $0x2780  }
0x97: {  	s30 =	simm.s32 $0x0;
	[sflag:s29] =	ssyncset.done $0x0  }
0x98: {  	s4 =	simm.s32 $0x40;
	s18 =	simm.s32 $0xD000;
	[sflag:s29] =	ssyncadd.s32 $0xFFFFD880  }
.LBB2_2:
0x99: {  	p0 =	sne.s32 s4, $0x13C0;
	[tilespmem:s30+$0xD000] =	vst v0;
	s30 =	smov.u32 s4;
	s4 =	sadd.s32 $0x40, s4  }
.Ltmp2:
0x9a: {  	(pc) =	sbr.rel @p0 .LBB2_2-.Ltmp2, $2  }
0x9b: {  	_ =	sdelay $0x2  }
0x9c: {  	s30 =	sshra.s32 s30, $0x2  }
0x9d: {  	[tilespmem:s30+$0xD000] =	vst v0;
	s4 =	rddreg [dreg:$0xa]  }
0x9e: {  	[spmem:s4] =	stream.linear.scatter [tilespmem:s18], [sflag:$0x9], $0x500, $0x38;
	[tilespmem:$0x14680] =	vst v63  }
0x9f: {  	s29 =	rddreg [dreg:$0xb]  }
0xa0: {  	[spmem:s29] =	stream.linear.scatter [tilespmem:s18], [sflag:$0xA], $0x500, $0x38;
	[tilespmem:$0x14680] =	vst v63  }
0xa1: {  	s29 =	rddreg [dreg:$0xc]  }
0xa2: {  	[spmem:s29] =	stream.linear.scatter [tilespmem:s18], [sflag:$0xB], $0x500, $0x38;
	[tilespmem:$0x14680] =	vst v63  }
0xa3: {  	s29 =	rddreg [dreg:$0xd]  }
0xa4: {  	[spmem:s29] =	stream.linear.scatter [tilespmem:s18], [sflag:$0xC], $0x500, $0x38;
	[tilespmem:$0x14680] =	vst v63  }
0xa5: {  	s29 =	rddreg [dreg:$0xe]  }
0xa6: {  	[spmem:s29] =	stream.linear.scatter [tilespmem:s18], [sflag:$0xD], $0x500, $0x38;
	[tilespmem:$0x14680] =	vst v63  }
0xa7: {  	s29 =	rddreg [dreg:$0xf]  }
0xa8: {  	[spmem:s29] =	stream.linear.scatter [tilespmem:s18], [sflag:$0xE], $0x500, $0x38;
	[tilespmem:$0x14680] =	vst v63  }
0xa9: {  	s29 =	rddreg [dreg:$0x10]  }
0xaa: {  	[spmem:s29] =	stream.linear.scatter [tilespmem:s18], [sflag:$0xF], $0x500, $0x38;
	[tilespmem:$0x14680] =	vst v63  }
0xab: {  	s29 =	rddreg [dreg:$0x12]  }
0xac: {  	[spmem:s29] =	stream.linear.scatter [tilespmem:s18], [sflag:$0x10], $0x480, $0x38;
	[tilespmem:$0x14680] =	vst v63  }
0xad: {  	_ =	swait.ge [sflag:s31], $0x500  }
0xae: {  	[sflag:s31] =	ssyncset.done $0x0  }
0xaf: {  	[sflag:s31] =	ssyncadd.s32 $0xFFFFFB00  }
0xb0: {  	_ =	swait.ge [sflag:s1], $0x500  }
0xb1: {  	[sflag:s1] =	ssyncset.done $0x0  }
0xb2: {  	[sflag:s1] =	ssyncadd.s32 $0xFFFFFB00  }
0xb3: {  	_ =	swait.ge [sflag:s0], $0x500  }
0xb4: {  	[sflag:s0] =	ssyncset.done $0x0  }
0xb5: {  	[sflag:s0] =	ssyncadd.s32 $0xFFFFFB00  }
0xb6: {  	_ =	swait.ge [sflag:s28], $0x500  }
0xb7: {  	[sflag:s28] =	ssyncset.done $0x0  }
0xb8: {  	[sflag:s28] =	ssyncadd.s32 $0xFFFFFB00  }
0xb9: {  	_ =	swait.ge [sflag:s5], $0x500  }
0xba: {  	[sflag:s5] =	ssyncset.done $0x0  }
0xbb: {  	[sflag:s5] =	ssyncadd.s32 $0xFFFFFB00  }
0xbc: {  	_ =	swait.ge [sflag:s7], $0x500  }
0xbd: {  	[sflag:s7] =	ssyncset.done $0x0  }
0xbe: {  	[sflag:s7] =	ssyncadd.s32 $0xFFFFFB00  }
0xbf: {  	_ =	swait.ge [sflag:s8], $0x500  }
0xc0: {  	[sflag:s8] =	ssyncset.done $0x0  }
0xc1: {  	[sflag:s8] =	ssyncadd.s32 $0xFFFFFB00  }
0xc2: {  	_ =	swait.ge [sflag:s9], $0x480  }
0xc3: {  	[sflag:s9] =	ssyncset.done $0x0  }
0xc4: {  	[sflag:s9] =	ssyncadd.s32 $0xFFFFFB80  }
0xc5: {  	s18 =	simm.s32 $0x11;
	[bflag:$0x0] =	sbarrier.arrive $0xFFFF  }
0xc6: {  	_ =	swait.ge [sflag:s18], $0x2800  }
0xc7: {  	[sflag:s18] =	ssyncset.done $0x0  }
0xc8: {  	s30 =	simm.s32 $0x0;
	[sflag:s18] =	ssyncadd.s32 $0xFFFFD800  }
0xc9: {  	[tilespmem:s20], [sflag:$0x1] =	stream.indirect.gather [spmem:s2], $0x10, s30, s19, $0xb8;
	[tilespmem:$0x14680] =	vst v63  }
0xca: {  	_ = 	snop  }
0xcb: {  	[tilespmem:s21], [sflag:$0x2] =	stream.indirect.gather [spmem:s2], $0x10, s19, s19, $0xb8;
	[tilespmem:$0x14680] =	vst v63  }
0xcc: {  	s29 =	simm.s32 $0x200  }
0xcd: {  	[tilespmem:s22], [sflag:$0x3] =	stream.indirect.gather [spmem:s2], $0x10, s29, s19, $0xb8;
	[tilespmem:$0x14680] =	vst v63  }
0xce: {  	s18 =	simm.s32 $0x300  }
0xcf: {  	[tilespmem:s23], [sflag:$0x4] =	stream.indirect.gather [spmem:s2], $0x10, s18, s19, $0xb8;
	[tilespmem:$0x14680] =	vst v63  }
0xd0: {  	s29 =	simm.s32 $0x400  }
0xd1: {  	[tilespmem:s24], [sflag:$0x5] =	stream.indirect.gather [spmem:s2], $0x10, s29, s19, $0xb8;
	[tilespmem:$0x14680] =	vst v63  }
0xd2: {  	s18 =	simm.s32 $0x500  }
0xd3: {  	[tilespmem:s25], [sflag:$0x6] =	stream.indirect.gather [spmem:s2], $0x10, s18, s19, $0xb8;
	[tilespmem:$0x14680] =	vst v63  }
0xd4: {  	s29 =	simm.s32 $0x600  }
0xd5: {  	[tilespmem:s26], [sflag:$0x7] =	stream.indirect.gather [spmem:s2], $0x10, s29, s19, $0xb8;
	[tilespmem:$0x14680] =	vst v63  }
0xd6: {  	s18 =	simm.s32 $0x700;
	s29 =	simm.s32 $0x12  }
0xd7: {  	[tilespmem:s17], [sflag:$0x8] =	stream.indirect.gather [spmem:s2], $0x10, s18, s19, $0xb8;
	[tilespmem:$0x14680] =	vst v63  }
0xd8: {  	_ =	swait.ge [sflag:s29], $0x2800  }
0xd9: {  	[sflag:s29] =	ssyncset.done $0x0  }
0xda: {  	[sflag:s29] =	ssyncadd.s32 $0xFFFFD800  }
.LBB2_4:
0xdb: {  	_ =	swait.ge [sflag:s6], $0x1000  }
0xdc: {  	s4 =	sshra.s32 s30, $0x2;
	[sflag:s6] =	ssyncset.done $0x0  }
0xdd: {  	s29 =	sadd.s32 $0x2800, s4;
	[sflag:s6] =	ssyncadd.s32 $0xFFFFF000  }
0xde: {  	[spmem:s3] =	stream.indirect.scatter.add.f32 [tilespmem:s20], [sflag:$0x9], $0x10, s29, s19, $0xb8;
	[tilespmem:$0x14680] =	vst v63  }
0xdf: {  	_ =	swait.ge [sflag:s10], $0x1000  }
0xe0: {  	[sflag:s10] =	ssyncset.done $0x0  }
0xe1: {  	s18 =	sadd.s32 $0x2900, s4;
	[sflag:s10] =	ssyncadd.s32 $0xFFFFF000  }
0xe2: {  	[spmem:s3] =	stream.indirect.scatter.add.f32 [tilespmem:s21], [sflag:$0xA], $0x10, s18, s19, $0xb8;
	[tilespmem:$0x14680] =	vst v63  }
0xe3: {  	_ =	swait.ge [sflag:s11], $0x1000  }
0xe4: {  	[sflag:s11] =	ssyncset.done $0x0  }
0xe5: {  	s18 =	sadd.s32 $0x2A00, s4;
	[sflag:s11] =	ssyncadd.s32 $0xFFFFF000  }
0xe6: {  	[spmem:s3] =	stream.indirect.scatter.add.f32 [tilespmem:s22], [sflag:$0xB], $0x10, s18, s19, $0xb8;
	[tilespmem:$0x14680] =	vst v63  }
0xe7: {  	_ =	swait.ge [sflag:s12], $0x1000  }
0xe8: {  	[sflag:s12] =	ssyncset.done $0x0  }
0xe9: {  	s18 =	sadd.s32 $0x2B00, s4;
	[sflag:s12] =	ssyncadd.s32 $0xFFFFF000  }
0xea: {  	[spmem:s3] =	stream.indirect.scatter.add.f32 [tilespmem:s23], [sflag:$0xC], $0x10, s18, s19, $0xb8;
	[tilespmem:$0x14680] =	vst v63  }
0xeb: {  	_ =	swait.ge [sflag:s13], $0x1000  }
0xec: {  	[sflag:s13] =	ssyncset.done $0x0  }
0xed: {  	s18 =	sadd.s32 $0x2C00, s4;
	[sflag:s13] =	ssyncadd.s32 $0xFFFFF000  }
0xee: {  	[spmem:s3] =	stream.indirect.scatter.add.f32 [tilespmem:s24], [sflag:$0xD], $0x10, s18, s19, $0xb8;
	[tilespmem:$0x14680] =	vst v63  }
0xef: {  	_ =	swait.ge [sflag:s14], $0x1000  }
0xf0: {  	[sflag:s14] =	ssyncset.done $0x0  }
0xf1: {  	s18 =	sadd.s32 $0x2D00, s4;
	[sflag:s14] =	ssyncadd.s32 $0xFFFFF000  }
0xf2: {  	[spmem:s3] =	stream.indirect.scatter.add.f32 [tilespmem:s25], [sflag:$0xE], $0x10, s18, s19, $0xb8;
	[tilespmem:$0x14680] =	vst v63  }
0xf3: {  	_ =	swait.ge [sflag:s15], $0x1000  }
0xf4: {  	[sflag:s15] =	ssyncset.done $0x0  }
0xf5: {  	s18 =	sadd.s32 $0x2E00, s4;
	[sflag:s15] =	ssyncadd.s32 $0xFFFFF000  }
0xf6: {  	[spmem:s3] =	stream.indirect.scatter.add.f32 [tilespmem:s26], [sflag:$0xF], $0x10, s18, s19, $0xb8;
	[tilespmem:$0x14680] =	vst v63  }
0xf7: {  	_ =	swait.ge [sflag:s16], $0x1000  }
0xf8: {  	p0 =	sne.s32 s30, $0x8000;
	[sflag:s16] =	ssyncset.done $0x0  }
.Ltmp3:
0xf9: {  	s18 =	sadd.s32 $0x2F00, s4;
	[sflag:s16] =	ssyncadd.s32 $0xFFFFF000;
	(pc) =	sbr.rel @!p0 .LBB2_5-.Ltmp3, $4  }
0xfa: {  	[spmem:s3] =	stream.indirect.scatter.add.f32 [tilespmem:s17], [sflag:$0x10], $0x10, s18, s19, $0xb8;
	[tilespmem:$0x14680] =	vst v63  }
0xfb: {  	_ =	swait.ge [sflag:s31], $0x1000  }
0xfc: {  	[sflag:s31] =	ssyncset.done $0x0  }
0xfd: {  	[sflag:s31] =	ssyncadd.s32 $0xFFFFF000  }
0xfe: {  	s29 =	sadd.s32 $0x800, s4  }
0xff: {  	[tilespmem:s20], [sflag:$0x1] =	stream.indirect.gather [spmem:s2], $0x10, s29, s19, $0xb8;
	[tilespmem:$0x14680] =	vst v63  }
0x100: {  	_ =	swait.ge [sflag:s1], $0x1000  }
0x101: {  	[sflag:s1] =	ssyncset.done $0x0  }
0x102: {  	s18 =	sadd.s32 $0x900, s4;
	[sflag:s1] =	ssyncadd.s32 $0xFFFFF000  }
0x103: {  	[tilespmem:s21], [sflag:$0x2] =	stream.indirect.gather [spmem:s2], $0x10, s18, s19, $0xb8;
	[tilespmem:$0x14680] =	vst v63  }
0x104: {  	_ =	swait.ge [sflag:s0], $0x1000  }
0x105: {  	[sflag:s0] =	ssyncset.done $0x0  }
0x106: {  	s18 =	sadd.s32 $0xA00, s4;
	[sflag:s0] =	ssyncadd.s32 $0xFFFFF000  }
0x107: {  	[tilespmem:s22], [sflag:$0x3] =	stream.indirect.gather [spmem:s2], $0x10, s18, s19, $0xb8;
	[tilespmem:$0x14680] =	vst v63  }
0x108: {  	_ =	swait.ge [sflag:s28], $0x1000  }
0x109: {  	[sflag:s28] =	ssyncset.done $0x0  }
0x10a: {  	s18 =	sadd.s32 $0xB00, s4;
	[sflag:s28] =	ssyncadd.s32 $0xFFFFF000  }
0x10b: {  	[tilespmem:s23], [sflag:$0x4] =	stream.indirect.gather [spmem:s2], $0x10, s18, s19, $0xb8;
	[tilespmem:$0x14680] =	vst v63  }
0x10c: {  	_ =	swait.ge [sflag:s5], $0x1000  }
0x10d: {  	[sflag:s5] =	ssyncset.done $0x0  }
0x10e: {  	s18 =	sadd.s32 $0xC00, s4;
	[sflag:s5] =	ssyncadd.s32 $0xFFFFF000  }
0x10f: {  	[tilespmem:s24], [sflag:$0x5] =	stream.indirect.gather [spmem:s2], $0x10, s18, s19, $0xb8;
	[tilespmem:$0x14680] =	vst v63  }
0x110: {  	_ =	swait.ge [sflag:s7], $0x1000  }
0x111: {  	[sflag:s7] =	ssyncset.done $0x0  }
0x112: {  	s18 =	sadd.s32 $0xD00, s4;
	[sflag:s7] =	ssyncadd.s32 $0xFFFFF000  }
0x113: {  	[tilespmem:s25], [sflag:$0x6] =	stream.indirect.gather [spmem:s2], $0x10, s18, s19, $0xb8;
	[tilespmem:$0x14680] =	vst v63  }
0x114: {  	_ =	swait.ge [sflag:s8], $0x1000  }
0x115: {  	s30 =	sadd.s32 $0x2000, s30;
	[sflag:s8] =	ssyncset.done $0x0  }
0x116: {  	p0 =	sne.s32 s30, $0xA000;
	s18 =	sadd.s32 $0xE00, s4;
	[sflag:s8] =	ssyncadd.s32 $0xFFFFF000  }
0x117: {  	[tilespmem:s26], [sflag:$0x7] =	stream.indirect.gather [spmem:s2], $0x10, s18, s19, $0xb8;
	[tilespmem:$0x14680] =	vst v63  }
.Ltmp4:
0x118: {  	_ = 	snop;
	(pc) =	sbr.rel @p0 .LBB2_4-.Ltmp4, $4  }
.Ltmp5:
0x119: {  	_ =	swait.ge [sflag:s9], $0x1000;
	(pc) =	sbr.rel @!p0 .LBB2_7-.Ltmp5, $4  }
0x11a: {  	[sflag:s9] =	ssyncset.done $0x0  }
0x11b: {  	s29 =	sadd.s32 $0xF00, s4;
	[sflag:s9] =	ssyncadd.s32 $0xFFFFF000  }
0x11c: {  	[tilespmem:s17], [sflag:$0x8] =	stream.indirect.gather [spmem:s2], $0x10, s29, s19, $0xb8;
	[tilespmem:$0x14680] =	vst v63  }
0x11d: {  	_ = 	snop  }
.LBB2_8:
0x11e: {  	_ =	sfence.sel $0x180000  }
0x11f: {  	[bflag:$0x0] =	sbarrier.arrive $0xFFFF  }
0x120: {  	_ =	strace $0x90000047  }
0x121: {  	s0 =	stileid.u32;
	[bflag:$0x2] =	sbarrier.arrive $0xFFFF  }
0x122: {  	p0 =	sne.s32 s0, $0x0;
	s0 =	rddreg [dreg:$0x4]  }
0x123: {  	s0 =	sadd.s32 @!p0 $0x100000, s0  }
0x124: {  	[sflag:s0] =	ssyncadd.tile.s32 @!p0 $0x1;
	_ =	shalt  }
.Lfunc_end2:
_tile_overlayer_lowered:
.L_overlay_start_2:
0x125: {  	(tag) =	ssettag $0x2  }
0x126: {  	s0 =	rddreg [dreg:$0x0];
	s2 =	stileid.u32  }
0x127: {  	s1 =	rddreg [dreg:$0x1];
	p0 =	sne.s32 s2, $0x0  }
0x128: {  	s3 =	rddreg [dreg:$0x2];
	[bflag:$0x3] =	sbarrier.arrive $0xFFFF;
	s2 =	simm.s32 @!p0 $0x1C13  }
0x129: {  	[timem:s3], [sflag:s2] =	dma.local @!p0 [hbm:s0], s1  }
0x12a: {  	s0 =	simm.s32 @!p0 $0x13  }
0x12b: {  	_ =	swait.ge @!p0 [sflag:s0], s1  }
0x12c: {  	s1 =	ssub.s32 @!p0 $0x0, s1;
	[sflag:s0] =	ssyncset.done @!p0 $0x0  }
0x12d: {  	[sflag:s0] =	ssyncadd.s32 @!p0 s1  }
0x12e: {  	[bflag:$0x3] =	sbarrier.arrive $0xFFFF  }
0x12f: {  	_ =	shalt  }

</sc_bundles>
